<compile_context>
chip_gen: v7x
topology: tpu7x:2x2x1
jax: 0.10.2.dev20260603
libtpu: 0.0.44.dev20260713+nightly
codegen_flags: <defaults>
</compile_context>

<pallas_src>
import jax
import jax.numpy as jnp
from jax import lax
from jax.experimental import pallas as pl
from jax.experimental.pallas import tpu as pltpu
from jax.experimental.pallas import tpu_sc as plsc

NC = 2
NS = 16
NW = NC * NS
L = 16
CHUNK = 128
BN = 2000



def _mesh():
    return plsc.VectorSubcoreMesh(core_axis_name="c", subcore_axis_name="s")


def _deg_call(n_acc, c_chunks):
    seg = n_acc // NS

    def body(dstq, out, dst_v, hist_v, tmp_v, acc_v, slab_sh):
        c = lax.axis_index("c")
        s = lax.axis_index("s")
        wid = c * NS + s
        pltpu.sync_copy(dstq.at[pl.ds(wid * c_chunks, c_chunks)], dst_v)
        zero = jnp.zeros((L,), jnp.float32)

        def zbody(i, carry):
            hist_v[pl.ds(i * L, L)] = zero
            return carry

        lax.fori_loop(0, n_acc // L, zbody, 0)
        ones = jnp.ones((L,), jnp.float32)

        def step(j, carry):
            for k in range(CHUNK // L):
                v = dst_v[j, pl.ds(k * L, L)]
                plsc.addupdate_scatter(hist_v, [v], ones)
            return carry

        lax.fori_loop(0, c_chunks, step, 0)
        pltpu.sync_copy(hist_v, slab_sh.at[s])
        plsc.subcore_barrier()
        base = s * seg
        pltpu.sync_copy(slab_sh.at[0, pl.ds(base, seg)], acc_v)

        def red(t, carry):
            pltpu.sync_copy(slab_sh.at[t, pl.ds(base, seg)], tmp_v)

            def add16(i, carry2):
                acc_v[pl.ds(i * L, L)] = (acc_v[pl.ds(i * L, L)]
                                          + tmp_v[pl.ds(i * L, L)])
                return carry2

            lax.fori_loop(0, seg // L, add16, 0)
            return carry

        lax.fori_loop(1, NS, red, 0)
        pltpu.sync_copy(acc_v, out.at[c, pl.ds(base, seg)])

    return pl.kernel(
        body,
        out_type=jax.ShapeDtypeStruct((NC, n_acc), jnp.float32),
        mesh=_mesh(),
        compiler_params=pltpu.CompilerParams(needs_layout_passes=False),
        scratch_types=[
            pltpu.VMEM((c_chunks, CHUNK), jnp.int32),
            pltpu.VMEM((n_acc,), jnp.float32),
            pltpu.VMEM((seg,), jnp.float32),
            pltpu.VMEM((seg,), jnp.float32),
            pltpu.VMEM_SHARED((NS, n_acc), jnp.float32),
        ],
    )


W = 8


def _prop_call(n_acc, d, c_chunks):
    rpt = n_acc // NS
    nblk = rpt // CHUNK
    gtot = c_chunks // W

    def body(table, srcq, dstq3, zrows, out,
             src_v, dw0, dw1, rows0, rows1, acc_sh, gsem0, gsem1, dsem0,
             dsem1):
        c = lax.axis_index("c")
        s = lax.axis_index("s")
        wid = c * NS + s
        pltpu.sync_copy(srcq.at[pl.ds(wid * c_chunks, c_chunks)], src_v)
        base = s * rpt
        pltpu.sync_copy(zrows, rows0)
        for b in range(nblk):
            pltpu.sync_copy(rows0, acc_sh.at[pl.ds(base + b * CHUNK, CHUNK)])
        plsc.subcore_barrier()
        rows = (rows0, rows1)
        gsems = (gsem0, gsem1)
        dw = (dw0, dw1)
        dsems = (dsem0, dsem1)
        gbase = wid * gtot
        pltpu.sync_copy(dstq3.at[gbase], dw0)
        pltpu.async_copy(dstq3.at[gbase + 1], dw1, dsem1)
        pltpu.async_copy(table.at[src_v.at[0]], rows0, gsem0)
        pltpu.async_copy(table.at[src_v.at[1]], rows1, gsem1)

        def pair(gp, carry):
            for wb in range(2):
                g = gp * 2 + wb

                @pl.when(g > 0)
                def _():
                    pltpu.make_async_copy(dstq3.at[gbase + g], dw[wb],
                                          dsems[wb]).wait()

                for k in range(W):
                    j = g * W + k
                    rb = k % 2
                    pltpu.make_async_copy(table.at[src_v.at[j]], rows[rb],
                                          gsems[rb]).wait()
                    pltpu.sync_copy(rows[rb], acc_sh.at[dw[wb].at[k]],
                                    add=True)

                    @pl.when(j + 2 < c_chunks)
                    def _():
                        pltpu.async_copy(table.at[src_v.at[j + 2]], rows[rb],
                                         gsems[rb])

                @pl.when(g + 2 < gtot)
                def _():
                    pltpu.async_copy(dstq3.at[gbase + g + 2], dw[wb],
                                     dsems[wb])
            return carry

        lax.fori_loop(0, gtot // 2, pair, 0)
        plsc.subcore_barrier()
        pltpu.sync_copy(acc_sh.at[pl.ds(base, rpt)],
                        out.at[c, pl.ds(base, rpt)])

    return pl.kernel(
        body,
        out_type=jax.ShapeDtypeStruct((NC, n_acc, d), jnp.float32),
        mesh=_mesh(),
        scratch_types=[
            pltpu.VMEM((c_chunks, CHUNK), jnp.int32),
            pltpu.VMEM((W, CHUNK), jnp.int32),
            pltpu.VMEM((W, CHUNK), jnp.int32),
            pltpu.VMEM((CHUNK, d), jnp.float32),
            pltpu.VMEM((CHUNK, d), jnp.float32),
            pltpu.VMEM_SHARED((n_acc, d), jnp.float32),
            pltpu.SemaphoreType.DMA,
            pltpu.SemaphoreType.DMA,
            pltpu.SemaphoreType.DMA,
            pltpu.SemaphoreType.DMA,
        ],
    )



def _prep_body(d0_ref, d1_ref, x_ref, dinv_ref, xs_ref):
    deg = d0_ref[...] + d1_ref[...] + 1.0
    dinv = lax.rsqrt(deg)
    dinv_ref[...] = dinv
    xs_ref[...] = x_ref[...] * dinv


def _prep(d0, d1, x):
    n, din = x.shape
    col = lambda i: (i, 0)
    return pl.pallas_call(
        _prep_body,
        grid=(n // BN,),
        in_specs=[pl.BlockSpec((BN, 1), col),
                  pl.BlockSpec((BN, 1), col),
                  pl.BlockSpec((BN, din), col)],
        out_specs=[pl.BlockSpec((BN, 1), col),
                   pl.BlockSpec((BN, din), col)],
        out_shape=[jax.ShapeDtypeStruct((n, 1), jnp.float32),
                   jax.ShapeDtypeStruct((n, din), jnp.float32)],
    )(d0, d1, x)


def _mid_body(p0_ref, p1_ref, xs_ref, dinv_ref, w1_ref, b1_ref, hs_ref):
    dinv = dinv_ref[...]
    agg = dinv * (p0_ref[0] + p1_ref[0] + xs_ref[...])
    h = jnp.dot(agg, w1_ref[...], preferred_element_type=jnp.float32)
    h = jnp.maximum(h + b1_ref[...], 0.0)
    hs_ref[...] = dinv * h


def _mid(p, xs, dinv, w1, b1):
    n, din = xs.shape
    dhid = w1.shape[1]
    col = lambda i: (i, 0)
    zero = lambda i: (0, 0)
    return pl.pallas_call(
        _mid_body,
        grid=(n // BN,),
        in_specs=[pl.BlockSpec((1, BN, din), lambda i: (0, i, 0)),
                  pl.BlockSpec((1, BN, din), lambda i: (1, i, 0)),
                  pl.BlockSpec((BN, din), col),
                  pl.BlockSpec((BN, 1), col),
                  pl.BlockSpec((din, dhid), zero),
                  pl.BlockSpec((1, dhid), zero)],
        out_specs=pl.BlockSpec((BN, dhid), col),
        out_shape=jax.ShapeDtypeStruct((n, dhid), jnp.float32),
    )(p, p, xs, dinv, w1, b1)


def _final_body(q0_ref, q1_ref, hs_ref, dinv_ref, w2_ref, b2_ref, out_ref):
    agg = dinv_ref[...] * (q0_ref[0] + q1_ref[0] + hs_ref[...])
    out_ref[...] = (jnp.dot(agg, w2_ref[...],
                            preferred_element_type=jnp.float32) + b2_ref[...])


def _final(q, hs, dinv, w2, b2):
    n, dhid = hs.shape
    dout = w2.shape[1]
    col = lambda i: (i, 0)
    zero = lambda i: (0, 0)
    return pl.pallas_call(
        _final_body,
        grid=(n // BN,),
        in_specs=[pl.BlockSpec((1, BN, dhid), lambda i: (0, i, 0)),
                  pl.BlockSpec((1, BN, dhid), lambda i: (1, i, 0)),
                  pl.BlockSpec((BN, dhid), col),
                  pl.BlockSpec((BN, 1), col),
                  pl.BlockSpec((dhid, dout), zero),
                  pl.BlockSpec((1, dout), zero)],
        out_specs=pl.BlockSpec((BN, dout), col),
        out_shape=jax.ShapeDtypeStruct((n, dout), jnp.float32),
    )(q, q, hs, dinv, w2, b2)



def kernel(x, edge_index, W1, b1, W2, b2):
    x = x.astype(jnp.float32)
    n, din = x.shape
    e = edge_index.shape[1]
    src = edge_index[0].astype(jnp.int32)
    dst = edge_index[1].astype(jnp.int32)

    c_chunks = -(-(-(-e // (NW * CHUNK))) // (2 * W)) * (2 * W)
    e_pad = NW * c_chunks * CHUNK
    n_acc = -(-(n + 1) // (NS * CHUNK)) * NS * CHUNK
    pad = e_pad - e
    pad_src = jnp.arange(pad, dtype=jnp.int32) % n
    pad_dst = n + jnp.arange(pad, dtype=jnp.int32) % (n_acc - n)
    srcp = jnp.concatenate([src, pad_src])
    dstp = jnp.concatenate([dst, pad_dst])

    degp = _deg_call(n_acc, c_chunks)(dstp.reshape(-1, CHUNK))
    d0 = degp[0, :n].reshape(n, 1)
    d1 = degp[1, :n].reshape(n, 1)
    dinv, xs = _prep(d0, d1, x)

    srcq = srcp.reshape(-1, CHUNK)
    dstq3 = dstp.reshape(-1, W, CHUNK)
    z_hid = jnp.zeros((CHUNK, din), jnp.float32)
    prop = _prop_call(n_acc, din, c_chunks)
    p = prop(xs, srcq, dstq3, z_hid)
    hs = _mid(p, xs, dinv, W1, b1.reshape(1, -1))

    q = prop(hs, srcq, dstq3, z_hid)
    return _final(q, hs, dinv, W2, b2.reshape(1, -1))

# --- scband reference (transcript-rebuilt; emitter-appended) ---
"""Pipeline reference for scband-gnnmodel-1460288881070 (READ-ONLY COPY).

The authoritative reference and input builder live on the scoring server;
editing this copy changes nothing except your own understanding.
"""

import jax, jax.numpy as jnp
import numpy as np

N = 10000
E = 320000
D_IN = 128
D_HID = 128
D_OUT = 64


def setup_inputs(seed: int = 0) -> dict:
    key = jax.random.key(seed)
    k1, k2, k3, k4 = jax.random.split(key, 4)
    x = jax.random.normal(k1, (N, D_IN), dtype=jnp.float32)
    edge_index = jax.random.randint(k2, (2, E), 0, N)
    W1 = jax.random.normal(k3, (D_IN, D_HID), dtype=jnp.float32) * (1.0 / np.sqrt(D_IN))
    b1 = jnp.zeros((D_HID,), dtype=jnp.float32)
    W2 = jax.random.normal(k4, (D_HID, D_OUT), dtype=jnp.float32) * (1.0 / np.sqrt(D_HID))
    b2 = jnp.zeros((D_OUT,), dtype=jnp.float32)
    return {"x": x, "edge_index": edge_index, "W1": W1, "b1": b1, "W2": W2, "b2": b2}


def _sgconv(x, edge_index, W, b):
    # SGConv with K=1: symmetric GCN normalization with self-loops, then linear.
    n = x.shape[0]
    loop = jnp.arange(n, dtype=edge_index.dtype)
    src = jnp.concatenate([edge_index[0], loop])
    dst = jnp.concatenate([edge_index[1], loop])
    deg = jnp.zeros((n,), dtype=x.dtype).at[dst].add(1.0)
    dinv = jnp.where(deg > 0, jax.lax.rsqrt(deg), 0.0)
    norm = dinv[src] * dinv[dst]
    msg = x[src] * norm[:, None]
    agg = jnp.zeros((n, x.shape[1]), dtype=x.dtype).at[dst].add(msg)
    return agg @ W + b


def reference(x, edge_index, W1, b1, W2, b2):
    h = jax.nn.relu(_sgconv(x, edge_index, W1, b1))
    out = _sgconv(h, edge_index, W2, b2)
    return out

if __name__ == "__main__":
    import jax
    _d = setup_inputs()
    print(jax.jit(kernel)(*tuple(_d.values())))

</pallas_src>

<mosaic_0001>
#map = affine_map<(d0, d1) -> (0, 0)>
module attributes {stable_mosaic.version = 14 : i64} {
  func.func @body(%arg0: i32, %arg1: i32, %arg2: memref<2560x128xi32, #tpu.memory_space<hbm>>, %arg3: memref<2x10240xf32, #tpu.memory_space<hbm>>, %arg4: memref<80x128xi32, #tpu.memory_space<vmem>>, %arg5: memref<10240xf32, #tpu.memory_space<vmem>>, %arg6: memref<640xf32, #tpu.memory_space<vmem>>, %arg7: memref<640xf32, #tpu.memory_space<vmem>>, %arg8: memref<16x10240xf32, #tpu.memory_space<vmem_shared>>) attributes {dimension_semantics = [#tpu.dimension_semantics<core_parallel>, #tpu.dimension_semantics<subcore_parallel>], iteration_bounds = array<i64: 2, 16>, scalar_prefetch = 0 : i64, scratch_operands = 5 : i64, tpu.core_type = #tpu.core_type<sc_vector_subcore>, window_params = [{transform_indices = #map}, {transform_indices = #map}]} {
    %mul3A = arith.constant 16 : i32
    %mul3A_0 = arith.muli %arg0, %mul3A : i32
    %add3A = arith.addi %mul3A_0, %arg1 : i32
    %mul3A_1 = arith.constant 80 : i32
    %mul3A_2 = arith.muli %add3A, %mul3A_1 : i32
    "tpu.region"() ({
      %run_scoped3A_25 = tpu.sem_alloc : memref<!tpu.dma_semaphore, #tpu.memory_space<semaphore_mem>>
      %dma_start3A = arith.constant 0 : i32
      %dma_start3A_26 = tpu.memref_slice %arg2[%mul3A_2, %dma_start3A] : memref<2560x128xi32, #tpu.memory_space<hbm>> -> memref<80x128xi32, #tpu.memory_space<hbm>>
      %dma_start3A_27 = arith.constant 0 : i32
      %dma_start3A_28 = tpu.memref_slice %arg2[%mul3A_2, %dma_start3A_27] : memref<2560x128xi32, #tpu.memory_space<hbm>> -> memref<80x128xi32, #tpu.memory_space<hbm>>
      tpu.enqueue_dma source(%dma_start3A_28 : memref<80x128xi32, #tpu.memory_space<hbm>>) target(%arg4 : memref<80x128xi32, #tpu.memory_space<vmem>>) target_semaphore(%run_scoped3A_25 : memref<!tpu.dma_semaphore, #tpu.memory_space<semaphore_mem>>)
      %dma_wait3A = arith.constant 0 : i32
      %dma_wait3A_29 = tpu.memref_slice %arg2[%mul3A_2, %dma_wait3A] : memref<2560x128xi32, #tpu.memory_space<hbm>> -> memref<80x128xi32, #tpu.memory_space<hbm>>
      %dma_wait3A_30 = arith.constant 0 : i32
      %dma_wait3A_31 = tpu.memref_slice %arg2[%mul3A_2, %dma_wait3A_30] : memref<2560x128xi32, #tpu.memory_space<hbm>> -> memref<80x128xi32, #tpu.memory_space<hbm>>
      tpu.wait_dma2 semaphore(%run_scoped3A_25 : memref<!tpu.dma_semaphore, #tpu.memory_space<semaphore_mem>>) src(%dma_wait3A_31 : memref<80x128xi32, #tpu.memory_space<hbm>>) dst(%arg4 : memref<80x128xi32, #tpu.memory_space<vmem>>)
      tpu.yield
    }) : () -> ()
    %broadcast_in_dim3A = arith.constant 0.000000e+00 : f32
    %broadcast_in_dim3A_3 = vector.broadcast %broadcast_in_dim3A : f32 to vector<16xf32>
    %scan3A = arith.constant 0 : i32
    %scan3A_4 = arith.constant 0 : i32
    %scan3A_5 = arith.constant 640 : i32
    %scan3A_6 = arith.addi %scan3A_4, %scan3A_5 : i32
    %scan3A_7 = arith.constant 1 : i32
    scf.for %scan3A_25 = %scan3A_4 to %scan3A_6 step %scan3A_7  : i32 {
      %mul3A_26 = arith.constant 16 : i32
      %mul3A_27 = arith.muli %scan3A_25, %mul3A_26 : i32
      %swap3A = arith.index_cast %mul3A_27 : i32 to index
      %swap3A_28 = tpu.vector_load %arg5[%swap3A] {strides = array<i32>} : memref<10240xf32, #tpu.memory_space<vmem>>, vector<16xf32>,
      tpu.vector_store %arg5[%swap3A], %broadcast_in_dim3A_3 {strides = array<i32>} : memref<10240xf32, #tpu.memory_space<vmem>>, vector<16xf32>,
    }
    %scan3A_8 = arith.constant 640 : i32
    %broadcast_in_dim3A_9 = arith.constant 1.000000e+00 : f32
    %broadcast_in_dim3A_10 = vector.broadcast %broadcast_in_dim3A_9 : f32 to vector<16xf32>
    %scan3A_11 = arith.constant 0 : i32
    %scan3A_12 = arith.constant 0 : i32
    %scan3A_13 = arith.constant 80 : i32
    %scan3A_14 = arith.addi %scan3A_12, %scan3A_13 : i32
    %scan3A_15 = arith.constant 1 : i32
    scf.for %scan3A_25 = %scan3A_12 to %scan3A_14 step %scan3A_15  : i32 {
      %get3A = arith.index_cast %scan3A_25 : i32 to index
      %get3A_26 = arith.constant 0 : index
      %get3A_27 = tpu.vector_load %arg4[%get3A, %get3A_26] {strides = array<i32>} : memref<80x128xi32, #tpu.memory_space<vmem>>, vector<16xi32>,
      tpu.vector_store_idx %arg5[%get3A_27], %broadcast_in_dim3A_10 {add = true} : memref<10240xf32, #tpu.memory_space<vmem>>[vector<16xi32>], vector<16xf32>,
      %get3A_28 = arith.index_cast %scan3A_25 : i32 to index
      %get3A_29 = arith.constant 16 : index
      %get3A_30 = tpu.vector_load %arg4[%get3A_28, %get3A_29] {strides = array<i32>} : memref<80x128xi32, #tpu.memory_space<vmem>>, vector<16xi32>,
      tpu.vector_store_idx %arg5[%get3A_30], %broadcast_in_dim3A_10 {add = true} : memref<10240xf32, #tpu.memory_space<vmem>>[vector<16xi32>], vector<16xf32>,
      %get3A_31 = arith.index_cast %scan3A_25 : i32 to index
      %get3A_32 = arith.constant 32 : index
      %get3A_33 = tpu.vector_load %arg4[%get3A_31, %get3A_32] {strides = array<i32>} : memref<80x128xi32, #tpu.memory_space<vmem>>, vector<16xi32>,
      tpu.vector_store_idx %arg5[%get3A_33], %broadcast_in_dim3A_10 {add = true} : memref<10240xf32, #tpu.memory_space<vmem>>[vector<16xi32>], vector<16xf32>,
      %get3A_34 = arith.index_cast %scan3A_25 : i32 to index
      %get3A_35 = arith.constant 48 : index
      %get3A_36 = tpu.vector_load %arg4[%get3A_34, %get3A_35] {strides = array<i32>} : memref<80x128xi32, #tpu.memory_space<vmem>>, vector<16xi32>,
      tpu.vector_store_idx %arg5[%get3A_36], %broadcast_in_dim3A_10 {add = true} : memref<10240xf32, #tpu.memory_space<vmem>>[vector<16xi32>], vector<16xf32>,
      %get3A_37 = arith.index_cast %scan3A_25 : i32 to index
      %get3A_38 = arith.constant 64 : index
      %get3A_39 = tpu.vector_load %arg4[%get3A_37, %get3A_38] {strides = array<i32>} : memref<80x128xi32, #tpu.memory_space<vmem>>, vector<16xi32>,
      tpu.vector_store_idx %arg5[%get3A_39], %broadcast_in_dim3A_10 {add = true} : memref<10240xf32, #tpu.memory_space<vmem>>[vector<16xi32>], vector<16xf32>,
      %get3A_40 = arith.index_cast %scan3A_25 : i32 to index
      %get3A_41 = arith.constant 80 : index
      %get3A_42 = tpu.vector_load %arg4[%get3A_40, %get3A_41] {strides = array<i32>} : memref<80x128xi32, #tpu.memory_space<vmem>>, vector<16xi32>,
      tpu.vector_store_idx %arg5[%get3A_42], %broadcast_in_dim3A_10 {add = true} : memref<10240xf32, #tpu.memory_space<vmem>>[vector<16xi32>], vector<16xf32>,
      %get3A_43 = arith.index_cast %scan3A_25 : i32 to index
      %get3A_44 = arith.constant 96 : index
      %get3A_45 = tpu.vector_load %arg4[%get3A_43, %get3A_44] {strides = array<i32>} : memref<80x128xi32, #tpu.memory_space<vmem>>, vector<16xi32>,
      tpu.vector_store_idx %arg5[%get3A_45], %broadcast_in_dim3A_10 {add = true} : memref<10240xf32, #tpu.memory_space<vmem>>[vector<16xi32>], vector<16xf32>,
      %get3A_46 = arith.index_cast %scan3A_25 : i32 to index
      %get3A_47 = arith.constant 112 : index
      %get3A_48 = tpu.vector_load %arg4[%get3A_46, %get3A_47] {strides = array<i32>} : memref<80x128xi32, #tpu.memory_space<vmem>>, vector<16xi32>,
      tpu.vector_store_idx %arg5[%get3A_48], %broadcast_in_dim3A_10 {add = true} : memref<10240xf32, #tpu.memory_space<vmem>>[vector<16xi32>], vector<16xf32>,
    }
    %scan3A_16 = arith.constant 80 : i32
    "tpu.region"() ({
      %run_scoped3A_25 = tpu.sem_alloc : memref<!tpu.dma_semaphore, #tpu.memory_space<semaphore_mem>>
      %dma_start3A = arith.constant 0 : i32
      %dma_start3A_26 = tpu.memref_slice %arg8[%arg1, %dma_start3A] : memref<16x10240xf32, #tpu.memory_space<vmem_shared>> -> memref<1x10240xf32, #tpu.memory_space<vmem_shared>>
      %dma_start3A_27 = tpu.memref_squeeze %dma_start3A_26 : memref<1x10240xf32, #tpu.memory_space<vmem_shared>> -> memref<10240xf32, #tpu.memory_space<vmem_shared>>
      %dma_start3A_28 = arith.constant 0 : i32
      %dma_start3A_29 = tpu.memref_slice %arg8[%arg1, %dma_start3A_28] : memref<16x10240xf32, #tpu.memory_space<vmem_shared>> -> memref<1x10240xf32, #tpu.memory_space<vmem_shared>>
      %dma_start3A_30 = tpu.memref_squeeze %dma_start3A_29 : memref<1x10240xf32, #tpu.memory_space<vmem_shared>> -> memref<10240xf32, #tpu.memory_space<vmem_shared>>
      tpu.enqueue_dma source(%arg5 : memref<10240xf32, #tpu.memory_space<vmem>>) target(%dma_start3A_30 : memref<10240xf32, #tpu.memory_space<vmem_shared>>) target_semaphore(%run_scoped3A_25 : memref<!tpu.dma_semaphore, #tpu.memory_space<semaphore_mem>>)
      %dma_wait3A = arith.constant 0 : i32
      %dma_wait3A_31 = tpu.memref_slice %arg8[%arg1, %dma_wait3A] : memref<16x10240xf32, #tpu.memory_space<vmem_shared>> -> memref<1x10240xf32, #tpu.memory_space<vmem_shared>>
      %dma_wait3A_32 = tpu.memref_squeeze %dma_wait3A_31 : memref<1x10240xf32, #tpu.memory_space<vmem_shared>> -> memref<10240xf32, #tpu.memory_space<vmem_shared>>
      %dma_wait3A_33 = arith.constant 0 : i32
      %dma_wait3A_34 = tpu.memref_slice %arg8[%arg1, %dma_wait3A_33] : memref<16x10240xf32, #tpu.memory_space<vmem_shared>> -> memref<1x10240xf32, #tpu.memory_space<vmem_shared>>
      %dma_wait3A_35 = tpu.memref_squeeze %dma_wait3A_34 : memref<1x10240xf32, #tpu.memory_space<vmem_shared>> -> memref<10240xf32, #tpu.memory_space<vmem_shared>>
      tpu.wait_dma2 semaphore(%run_scoped3A_25 : memref<!tpu.dma_semaphore, #tpu.memory_space<semaphore_mem>>) src(%arg5 : memref<10240xf32, #tpu.memory_space<vmem>>) dst(%dma_wait3A_35 : memref<10240xf32, #tpu.memory_space<vmem_shared>>)
      tpu.yield
    }) : () -> ()
    %barrier3A = arith.constant 0 : index
    tpu.barrier barrier_id(%barrier3A)
    %mul3A_17 = arith.constant 640 : i32
    %mul3A_18 = arith.muli %arg1, %mul3A_17 : i32
    %run_scoped3A = arith.constant 0 : i32
    "tpu.region"() ({
      %run_scoped3A_25 = tpu.sem_alloc : memref<!tpu.dma_semaphore, #tpu.memory_space<semaphore_mem>>
      %dma_start3A = tpu.memref_slice %arg8[%run_scoped3A, %mul3A_18] : memref<16x10240xf32, #tpu.memory_space<vmem_shared>> -> memref<1x640xf32, #tpu.memory_space<vmem_shared>>
      %dma_start3A_26 = tpu.memref_squeeze %dma_start3A : memref<1x640xf32, #tpu.memory_space<vmem_shared>> -> memref<640xf32, #tpu.memory_space<vmem_shared>>
      %dma_start3A_27 = tpu.memref_slice %arg8[%run_scoped3A, %mul3A_18] : memref<16x10240xf32, #tpu.memory_space<vmem_shared>> -> memref<1x640xf32, #tpu.memory_space<vmem_shared>>
      %dma_start3A_28 = tpu.memref_squeeze %dma_start3A_27 : memref<1x640xf32, #tpu.memory_space<vmem_shared>> -> memref<640xf32, #tpu.memory_space<vmem_shared>>
      tpu.enqueue_dma source(%dma_start3A_28 : memref<640xf32, #tpu.memory_space<vmem_shared>>) target(%arg7 : memref<640xf32, #tpu.memory_space<vmem>>) target_semaphore(%run_scoped3A_25 : memref<!tpu.dma_semaphore, #tpu.memory_space<semaphore_mem>>)
      %dma_wait3A = tpu.memref_slice %arg8[%run_scoped3A, %mul3A_18] : memref<16x10240xf32, #tpu.memory_space<vmem_shared>> -> memref<1x640xf32, #tpu.memory_space<vmem_shared>>
      %dma_wait3A_29 = tpu.memref_squeeze %dma_wait3A : memref<1x640xf32, #tpu.memory_space<vmem_shared>> -> memref<640xf32, #tpu.memory_space<vmem_shared>>
      %dma_wait3A_30 = tpu.memref_slice %arg8[%run_scoped3A, %mul3A_18] : memref<16x10240xf32, #tpu.memory_space<vmem_shared>> -> memref<1x640xf32, #tpu.memory_space<vmem_shared>>
      %dma_wait3A_31 = tpu.memref_squeeze %dma_wait3A_30 : memref<1x640xf32, #tpu.memory_space<vmem_shared>> -> memref<640xf32, #tpu.memory_space<vmem_shared>>
      tpu.wait_dma2 semaphore(%run_scoped3A_25 : memref<!tpu.dma_semaphore, #tpu.memory_space<semaphore_mem>>) src(%dma_wait3A_31 : memref<640xf32, #tpu.memory_space<vmem_shared>>) dst(%arg7 : memref<640xf32, #tpu.memory_space<vmem>>)
      tpu.yield
    }) : () -> ()
    %scan3A_19 = arith.constant 0 : i32
    %scan3A_20 = arith.constant 1 : i32
    %scan3A_21 = arith.constant 15 : i32
    %scan3A_22 = arith.addi %scan3A_20, %scan3A_21 : i32
    %scan3A_23 = arith.constant 1 : i32
    scf.for %scan3A_25 = %scan3A_20 to %scan3A_22 step %scan3A_23  : i32 {
      "tpu.region"() ({
        %run_scoped3A_32 = tpu.sem_alloc : memref<!tpu.dma_semaphore, #tpu.memory_space<semaphore_mem>>
        %dma_start3A = tpu.memref_slice %arg8[%scan3A_25, %mul3A_18] : memref<16x10240xf32, #tpu.memory_space<vmem_shared>> -> memref<1x640xf32, #tpu.memory_space<vmem_shared>>
        %dma_start3A_33 = tpu.memref_squeeze %dma_start3A : memref<1x640xf32, #tpu.memory_space<vmem_shared>> -> memref<640xf32, #tpu.memory_space<vmem_shared>>
        %dma_start3A_34 = tpu.memref_slice %arg8[%scan3A_25, %mul3A_18] : memref<16x10240xf32, #tpu.memory_space<vmem_shared>> -> memref<1x640xf32, #tpu.memory_space<vmem_shared>>
        %dma_start3A_35 = tpu.memref_squeeze %dma_start3A_34 : memref<1x640xf32, #tpu.memory_space<vmem_shared>> -> memref<640xf32, #tpu.memory_space<vmem_shared>>
        tpu.enqueue_dma source(%dma_start3A_35 : memref<640xf32, #tpu.memory_space<vmem_shared>>) target(%arg6 : memref<640xf32, #tpu.memory_space<vmem>>) target_semaphore(%run_scoped3A_32 : memref<!tpu.dma_semaphore, #tpu.memory_space<semaphore_mem>>)
        %dma_wait3A = tpu.memref_slice %arg8[%scan3A_25, %mul3A_18] : memref<16x10240xf32, #tpu.memory_space<vmem_shared>> -> memref<1x640xf32, #tpu.memory_space<vmem_shared>>
        %dma_wait3A_36 = tpu.memref_squeeze %dma_wait3A : memref<1x640xf32, #tpu.memory_space<vmem_shared>> -> memref<640xf32, #tpu.memory_space<vmem_shared>>
        %dma_wait3A_37 = tpu.memref_slice %arg8[%scan3A_25, %mul3A_18] : memref<16x10240xf32, #tpu.memory_space<vmem_shared>> -> memref<1x640xf32, #tpu.memory_space<vmem_shared>>
        %dma_wait3A_38 = tpu.memref_squeeze %dma_wait3A_37 : memref<1x640xf32, #tpu.memory_space<vmem_shared>> -> memref<640xf32, #tpu.memory_space<vmem_shared>>
        tpu.wait_dma2 semaphore(%run_scoped3A_32 : memref<!tpu.dma_semaphore, #tpu.memory_space<semaphore_mem>>) src(%dma_wait3A_38 : memref<640xf32, #tpu.memory_space<vmem_shared>>) dst(%arg6 : memref<640xf32, #tpu.memory_space<vmem>>)
        tpu.yield
      }) : () -> ()
      %scan3A_26 = arith.constant 0 : i32
      %scan3A_27 = arith.constant 0 : i32
      %scan3A_28 = arith.constant 40 : i32
      %scan3A_29 = arith.addi %scan3A_27, %scan3A_28 : i32
      %scan3A_30 = arith.constant 1 : i32
      scf.for %scan3A_32 = %scan3A_27 to %scan3A_29 step %scan3A_30  : i32 {
        %mul3A_33 = arith.constant 16 : i32
        %mul3A_34 = arith.muli %scan3A_32, %mul3A_33 : i32
        %get3A = arith.index_cast %mul3A_34 : i32 to index
        %get3A_35 = tpu.vector_load %arg7[%get3A] {strides = array<i32>} : memref<640xf32, #tpu.memory_space<vmem>>, vector<16xf32>,
        %mul3A_36 = arith.constant 16 : i32
        %mul3A_37 = arith.muli %scan3A_32, %mul3A_36 : i32
        %get3A_38 = arith.index_cast %mul3A_37 : i32 to index
        %get3A_39 = tpu.vector_load %arg6[%get3A_38] {strides = array<i32>} : memref<640xf32, #tpu.memory_space<vmem>>, vector<16xf32>,
        %add3A_40 = arith.addf %get3A_35, %get3A_39 : vector<16xf32>
        %mul3A_41 = arith.constant 16 : i32
        %mul3A_42 = arith.muli %scan3A_32, %mul3A_41 : i32
        %swap3A = arith.index_cast %mul3A_42 : i32 to index
        %swap3A_43 = tpu.vector_load %arg7[%swap3A] {strides = array<i32>} : memref<640xf32, #tpu.memory_space<vmem>>, vector<16xf32>,
        tpu.vector_store %arg7[%swap3A], %add3A_40 {strides = array<i32>} : memref<640xf32, #tpu.memory_space<vmem>>, vector<16xf32>,
      }
      %scan3A_31 = arith.constant 40 : i32
    }
    %scan3A_24 = arith.constant 15 : i32
    "tpu.region"() ({
      %run_scoped3A_25 = tpu.sem_alloc : memref<!tpu.dma_semaphore, #tpu.memory_space<semaphore_mem>>
      %dma_start3A = tpu.memref_slice %arg3[%arg0, %mul3A_18] : memref<2x10240xf32, #tpu.memory_space<hbm>> -> memref<1x640xf32, #tpu.memory_space<hbm>>
      %dma_start3A_26 = tpu.memref_squeeze %dma_start3A : memref<1x640xf32, #tpu.memory_space<hbm>> -> memref<640xf32, #tpu.memory_space<hbm>>
      %dma_start3A_27 = tpu.memref_slice %arg3[%arg0, %mul3A_18] : memref<2x10240xf32, #tpu.memory_space<hbm>> -> memref<1x640xf32, #tpu.memory_space<hbm>>
      %dma_start3A_28 = tpu.memref_squeeze %dma_start3A_27 : memref<1x640xf32, #tpu.memory_space<hbm>> -> memref<640xf32, #tpu.memory_space<hbm>>
      tpu.enqueue_dma source(%arg7 : memref<640xf32, #tpu.memory_space<vmem>>) target(%dma_start3A_28 : memref<640xf32, #tpu.memory_space<hbm>>) target_semaphore(%run_scoped3A_25 : memref<!tpu.dma_semaphore, #tpu.memory_space<semaphore_mem>>)
      %dma_wait3A = tpu.memref_slice %arg3[%arg0, %mul3A_18] : memref<2x10240xf32, #tpu.memory_space<hbm>> -> memref<1x640xf32, #tpu.memory_space<hbm>>
      %dma_wait3A_29 = tpu.memref_squeeze %dma_wait3A : memref<1x640xf32, #tpu.memory_space<hbm>> -> memref<640xf32, #tpu.memory_space<hbm>>
      %dma_wait3A_30 = tpu.memref_slice %arg3[%arg0, %mul3A_18] : memref<2x10240xf32, #tpu.memory_space<hbm>> -> memref<1x640xf32, #tpu.memory_space<hbm>>
      %dma_wait3A_31 = tpu.memref_squeeze %dma_wait3A_30 : memref<1x640xf32, #tpu.memory_space<hbm>> -> memref<640xf32, #tpu.memory_space<hbm>>
      tpu.wait_dma2 semaphore(%run_scoped3A_25 : memref<!tpu.dma_semaphore, #tpu.memory_space<semaphore_mem>>) src(%arg7 : memref<640xf32, #tpu.memory_space<vmem>>) dst(%dma_wait3A_31 : memref<640xf32, #tpu.memory_space<hbm>>)
      tpu.yield
    }) : () -> ()
    return
  }
}

#map = affine_map<(d0, d1) -> (0, 0)>
#map1 = affine_map<(d0, d1) -> (0, 0, 0)>
module attributes {stable_mosaic.version = 14 : i64} {
  func.func @body(%arg0: i32, %arg1: i32, %arg2: memref<10000x128xf32, #tpu.memory_space<hbm>>, %arg3: memref<2560x128xi32, #tpu.memory_space<hbm>>, %arg4: memref<320x8x128xi32, #tpu.memory_space<hbm>>, %arg5: memref<128x128xf32, #tpu.memory_space<hbm>>, %arg6: memref<2x10240x128xf32, #tpu.memory_space<hbm>>, %arg7: memref<80x128xi32, #tpu.memory_space<vmem>>, %arg8: memref<8x128xi32, #tpu.memory_space<vmem>>, %arg9: memref<8x128xi32, #tpu.memory_space<vmem>>, %arg10: memref<128x128xf32, #tpu.memory_space<vmem>>, %arg11: memref<128x128xf32, #tpu.memory_space<vmem>>, %arg12: memref<10240x128xf32, #tpu.memory_space<vmem_shared>>, %arg13: memref<!tpu.dma_semaphore, #tpu.memory_space<semaphore_mem>>, %arg14: memref<!tpu.dma_semaphore, #tpu.memory_space<semaphore_mem>>, %arg15: memref<!tpu.dma_semaphore, #tpu.memory_space<semaphore_mem>>, %arg16: memref<!tpu.dma_semaphore, #tpu.memory_space<semaphore_mem>>) attributes {dimension_semantics = [#tpu.dimension_semantics<core_parallel>, #tpu.dimension_semantics<subcore_parallel>], iteration_bounds = array<i64: 2, 16>, scalar_prefetch = 0 : i64, scratch_operands = 10 : i64, tpu.core_type = #tpu.core_type<sc_vector_subcore>, window_params = [{transform_indices = #map}, {transform_indices = #map}, {transform_indices = #map1}, {transform_indices = #map}, {transform_indices = #map1}]} {
    %mul3A = arith.constant 16 : i32
    %mul3A_0 = arith.muli %arg0, %mul3A : i32
    %add3A = arith.addi %mul3A_0, %arg1 : i32
    %mul3A_1 = arith.constant 80 : i32
    %mul3A_2 = arith.muli %add3A, %mul3A_1 : i32
    "tpu.region"() ({
      %run_scoped3A = tpu.sem_alloc : memref<!tpu.dma_semaphore, #tpu.memory_space<semaphore_mem>>
      %dma_start3A_46 = arith.constant 0 : i32
      %dma_start3A_47 = tpu.memref_slice %arg3[%mul3A_2, %dma_start3A_46] : memref<2560x128xi32, #tpu.memory_space<hbm>> -> memref<80x128xi32, #tpu.memory_space<hbm>>
      %dma_start3A_48 = arith.constant 0 : i32
      %dma_start3A_49 = tpu.memref_slice %arg3[%mul3A_2, %dma_start3A_48] : memref<2560x128xi32, #tpu.memory_space<hbm>> -> memref<80x128xi32, #tpu.memory_space<hbm>>
      tpu.enqueue_dma source(%dma_start3A_49 : memref<80x128xi32, #tpu.memory_space<hbm>>) target(%arg7 : memref<80x128xi32, #tpu.memory_space<vmem>>) target_semaphore(%run_scoped3A : memref<!tpu.dma_semaphore, #tpu.memory_space<semaphore_mem>>)
      %dma_wait3A = arith.constant 0 : i32
      %dma_wait3A_50 = tpu.memref_slice %arg3[%mul3A_2, %dma_wait3A] : memref<2560x128xi32, #tpu.memory_space<hbm>> -> memref<80x128xi32, #tpu.memory_space<hbm>>
      %dma_wait3A_51 = arith.constant 0 : i32
      %dma_wait3A_52 = tpu.memref_slice %arg3[%mul3A_2, %dma_wait3A_51] : memref<2560x128xi32, #tpu.memory_space<hbm>> -> memref<80x128xi32, #tpu.memory_space<hbm>>
      tpu.wait_dma2 semaphore(%run_scoped3A : memref<!tpu.dma_semaphore, #tpu.memory_space<semaphore_mem>>) src(%dma_wait3A_52 : memref<80x128xi32, #tpu.memory_space<hbm>>) dst(%arg7 : memref<80x128xi32, #tpu.memory_space<vmem>>)
      tpu.yield
    }) : () -> ()
    %mul3A_3 = arith.constant 640 : i32
    %mul3A_4 = arith.muli %arg1, %mul3A_3 : i32
    "tpu.region"() ({
      %run_scoped3A = tpu.sem_alloc : memref<!tpu.dma_semaphore, #tpu.memory_space<semaphore_mem>>
      tpu.enqueue_dma source(%arg5 : memref<128x128xf32, #tpu.memory_space<hbm>>) target(%arg10 : memref<128x128xf32, #tpu.memory_space<vmem>>) target_semaphore(%run_scoped3A : memref<!tpu.dma_semaphore, #tpu.memory_space<semaphore_mem>>)
      tpu.wait_dma2 semaphore(%run_scoped3A : memref<!tpu.dma_semaphore, #tpu.memory_space<semaphore_mem>>) src(%arg5 : memref<128x128xf32, #tpu.memory_space<hbm>>) dst(%arg10 : memref<128x128xf32, #tpu.memory_space<vmem>>)
      tpu.yield
    }) : () -> ()
    %add3A_5 = arith.constant 0 : i32
    %add3A_6 = arith.addi %mul3A_4, %add3A_5 : i32
    "tpu.region"() ({
      %run_scoped3A = tpu.sem_alloc : memref<!tpu.dma_semaphore, #tpu.memory_space<semaphore_mem>>
      %dma_start3A_46 = arith.constant 0 : i32
      %dma_start3A_47 = tpu.memref_slice %arg12[%add3A_6, %dma_start3A_46] : memref<10240x128xf32, #tpu.memory_space<vmem_shared>> -> memref<128x128xf32, #tpu.memory_space<vmem_shared>>
      %dma_start3A_48 = arith.constant 0 : i32
      %dma_start3A_49 = tpu.memref_slice %arg12[%add3A_6, %dma_start3A_48] : memref<10240x128xf32, #tpu.memory_space<vmem_shared>> -> memref<128x128xf32, #tpu.memory_space<vmem_shared>>
      tpu.enqueue_dma source(%arg10 : memref<128x128xf32, #tpu.memory_space<vmem>>) target(%dma_start3A_49 : memref<128x128xf32, #tpu.memory_space<vmem_shared>>) target_semaphore(%run_scoped3A : memref<!tpu.dma_semaphore, #tpu.memory_space<semaphore_mem>>)
      %dma_wait3A = arith.constant 0 : i32
      %dma_wait3A_50 = tpu.memref_slice %arg12[%add3A_6, %dma_wait3A] : memref<10240x128xf32, #tpu.memory_space<vmem_shared>> -> memref<128x128xf32, #tpu.memory_space<vmem_shared>>
      %dma_wait3A_51 = arith.constant 0 : i32
      %dma_wait3A_52 = tpu.memref_slice %arg12[%add3A_6, %dma_wait3A_51] : memref<10240x128xf32, #tpu.memory_space<vmem_shared>> -> memref<128x128xf32, #tpu.memory_space<vmem_shared>>
      tpu.wait_dma2 semaphore(%run_scoped3A : memref<!tpu.dma_semaphore, #tpu.memory_space<semaphore_mem>>) src(%arg10 : memref<128x128xf32, #tpu.memory_space<vmem>>) dst(%dma_wait3A_52 : memref<128x128xf32, #tpu.memory_space<vmem_shared>>)
      tpu.yield
    }) : () -> ()
    %add3A_7 = arith.constant 128 : i32
    %add3A_8 = arith.addi %mul3A_4, %add3A_7 : i32
    "tpu.region"() ({
      %run_scoped3A = tpu.sem_alloc : memref<!tpu.dma_semaphore, #tpu.memory_space<semaphore_mem>>
      %dma_start3A_46 = arith.constant 0 : i32
      %dma_start3A_47 = tpu.memref_slice %arg12[%add3A_8, %dma_start3A_46] : memref<10240x128xf32, #tpu.memory_space<vmem_shared>> -> memref<128x128xf32, #tpu.memory_space<vmem_shared>>
      %dma_start3A_48 = arith.constant 0 : i32
      %dma_start3A_49 = tpu.memref_slice %arg12[%add3A_8, %dma_start3A_48] : memref<10240x128xf32, #tpu.memory_space<vmem_shared>> -> memref<128x128xf32, #tpu.memory_space<vmem_shared>>
      tpu.enqueue_dma source(%arg10 : memref<128x128xf32, #tpu.memory_space<vmem>>) target(%dma_start3A_49 : memref<128x128xf32, #tpu.memory_space<vmem_shared>>) target_semaphore(%run_scoped3A : memref<!tpu.dma_semaphore, #tpu.memory_space<semaphore_mem>>)
      %dma_wait3A = arith.constant 0 : i32
      %dma_wait3A_50 = tpu.memref_slice %arg12[%add3A_8, %dma_wait3A] : memref<10240x128xf32, #tpu.memory_space<vmem_shared>> -> memref<128x128xf32, #tpu.memory_space<vmem_shared>>
      %dma_wait3A_51 = arith.constant 0 : i32
      %dma_wait3A_52 = tpu.memref_slice %arg12[%add3A_8, %dma_wait3A_51] : memref<10240x128xf32, #tpu.memory_space<vmem_shared>> -> memref<128x128xf32, #tpu.memory_space<vmem_shared>>
      tpu.wait_dma2 semaphore(%run_scoped3A : memref<!tpu.dma_semaphore, #tpu.memory_space<semaphore_mem>>) src(%arg10 : memref<128x128xf32, #tpu.memory_space<vmem>>) dst(%dma_wait3A_52 : memref<128x128xf32, #tpu.memory_space<vmem_shared>>)
      tpu.yield
    }) : () -> ()
    %add3A_9 = arith.constant 256 : i32
    %add3A_10 = arith.addi %mul3A_4, %add3A_9 : i32
    "tpu.region"() ({
      %run_scoped3A = tpu.sem_alloc : memref<!tpu.dma_semaphore, #tpu.memory_space<semaphore_mem>>
      %dma_start3A_46 = arith.constant 0 : i32
      %dma_start3A_47 = tpu.memref_slice %arg12[%add3A_10, %dma_start3A_46] : memref<10240x128xf32, #tpu.memory_space<vmem_shared>> -> memref<128x128xf32, #tpu.memory_space<vmem_shared>>
      %dma_start3A_48 = arith.constant 0 : i32
      %dma_start3A_49 = tpu.memref_slice %arg12[%add3A_10, %dma_start3A_48] : memref<10240x128xf32, #tpu.memory_space<vmem_shared>> -> memref<128x128xf32, #tpu.memory_space<vmem_shared>>
      tpu.enqueue_dma source(%arg10 : memref<128x128xf32, #tpu.memory_space<vmem>>) target(%dma_start3A_49 : memref<128x128xf32, #tpu.memory_space<vmem_shared>>) target_semaphore(%run_scoped3A : memref<!tpu.dma_semaphore, #tpu.memory_space<semaphore_mem>>)
      %dma_wait3A = arith.constant 0 : i32
      %dma_wait3A_50 = tpu.memref_slice %arg12[%add3A_10, %dma_wait3A] : memref<10240x128xf32, #tpu.memory_space<vmem_shared>> -> memref<128x128xf32, #tpu.memory_space<vmem_shared>>
      %dma_wait3A_51 = arith.constant 0 : i32
      %dma_wait3A_52 = tpu.memref_slice %arg12[%add3A_10, %dma_wait3A_51] : memref<10240x128xf32, #tpu.memory_space<vmem_shared>> -> memref<128x128xf32, #tpu.memory_space<vmem_shared>>
      tpu.wait_dma2 semaphore(%run_scoped3A : memref<!tpu.dma_semaphore, #tpu.memory_space<semaphore_mem>>) src(%arg10 : memref<128x128xf32, #tpu.memory_space<vmem>>) dst(%dma_wait3A_52 : memref<128x128xf32, #tpu.memory_space<vmem_shared>>)
      tpu.yield
    }) : () -> ()
    %add3A_11 = arith.constant 384 : i32
    %add3A_12 = arith.addi %mul3A_4, %add3A_11 : i32
    "tpu.region"() ({
      %run_scoped3A = tpu.sem_alloc : memref<!tpu.dma_semaphore, #tpu.memory_space<semaphore_mem>>
      %dma_start3A_46 = arith.constant 0 : i32
      %dma_start3A_47 = tpu.memref_slice %arg12[%add3A_12, %dma_start3A_46] : memref<10240x128xf32, #tpu.memory_space<vmem_shared>> -> memref<128x128xf32, #tpu.memory_space<vmem_shared>>
      %dma_start3A_48 = arith.constant 0 : i32
      %dma_start3A_49 = tpu.memref_slice %arg12[%add3A_12, %dma_start3A_48] : memref<10240x128xf32, #tpu.memory_space<vmem_shared>> -> memref<128x128xf32, #tpu.memory_space<vmem_shared>>
      tpu.enqueue_dma source(%arg10 : memref<128x128xf32, #tpu.memory_space<vmem>>) target(%dma_start3A_49 : memref<128x128xf32, #tpu.memory_space<vmem_shared>>) target_semaphore(%run_scoped3A : memref<!tpu.dma_semaphore, #tpu.memory_space<semaphore_mem>>)
      %dma_wait3A = arith.constant 0 : i32
      %dma_wait3A_50 = tpu.memref_slice %arg12[%add3A_12, %dma_wait3A] : memref<10240x128xf32, #tpu.memory_space<vmem_shared>> -> memref<128x128xf32, #tpu.memory_space<vmem_shared>>
      %dma_wait3A_51 = arith.constant 0 : i32
      %dma_wait3A_52 = tpu.memref_slice %arg12[%add3A_12, %dma_wait3A_51] : memref<10240x128xf32, #tpu.memory_space<vmem_shared>> -> memref<128x128xf32, #tpu.memory_space<vmem_shared>>
      tpu.wait_dma2 semaphore(%run_scoped3A : memref<!tpu.dma_semaphore, #tpu.memory_space<semaphore_mem>>) src(%arg10 : memref<128x128xf32, #tpu.memory_space<vmem>>) dst(%dma_wait3A_52 : memref<128x128xf32, #tpu.memory_space<vmem_shared>>)
      tpu.yield
    }) : () -> ()
    %add3A_13 = arith.constant 512 : i32
    %add3A_14 = arith.addi %mul3A_4, %add3A_13 : i32
    "tpu.region"() ({
      %run_scoped3A = tpu.sem_alloc : memref<!tpu.dma_semaphore, #tpu.memory_space<semaphore_mem>>
      %dma_start3A_46 = arith.constant 0 : i32
      %dma_start3A_47 = tpu.memref_slice %arg12[%add3A_14, %dma_start3A_46] : memref<10240x128xf32, #tpu.memory_space<vmem_shared>> -> memref<128x128xf32, #tpu.memory_space<vmem_shared>>
      %dma_start3A_48 = arith.constant 0 : i32
      %dma_start3A_49 = tpu.memref_slice %arg12[%add3A_14, %dma_start3A_48] : memref<10240x128xf32, #tpu.memory_space<vmem_shared>> -> memref<128x128xf32, #tpu.memory_space<vmem_shared>>
      tpu.enqueue_dma source(%arg10 : memref<128x128xf32, #tpu.memory_space<vmem>>) target(%dma_start3A_49 : memref<128x128xf32, #tpu.memory_space<vmem_shared>>) target_semaphore(%run_scoped3A : memref<!tpu.dma_semaphore, #tpu.memory_space<semaphore_mem>>)
      %dma_wait3A = arith.constant 0 : i32
      %dma_wait3A_50 = tpu.memref_slice %arg12[%add3A_14, %dma_wait3A] : memref<10240x128xf32, #tpu.memory_space<vmem_shared>> -> memref<128x128xf32, #tpu.memory_space<vmem_shared>>
      %dma_wait3A_51 = arith.constant 0 : i32
      %dma_wait3A_52 = tpu.memref_slice %arg12[%add3A_14, %dma_wait3A_51] : memref<10240x128xf32, #tpu.memory_space<vmem_shared>> -> memref<128x128xf32, #tpu.memory_space<vmem_shared>>
      tpu.wait_dma2 semaphore(%run_scoped3A : memref<!tpu.dma_semaphore, #tpu.memory_space<semaphore_mem>>) src(%arg10 : memref<128x128xf32, #tpu.memory_space<vmem>>) dst(%dma_wait3A_52 : memref<128x128xf32, #tpu.memory_space<vmem_shared>>)
      tpu.yield
    }) : () -> ()
    %barrier3A = arith.constant 0 : index
    tpu.barrier barrier_id(%barrier3A)
    %mul3A_15 = arith.constant 10 : i32
    %mul3A_16 = arith.muli %add3A, %mul3A_15 : i32
    "tpu.region"() ({
      %run_scoped3A = tpu.sem_alloc : memref<!tpu.dma_semaphore, #tpu.memory_space<semaphore_mem>>
      %dma_start3A_46 = arith.constant 0 : i32
      %dma_start3A_47 = arith.constant 0 : i32
      %dma_start3A_48 = tpu.memref_slice %arg4[%mul3A_16, %dma_start3A_46, %dma_start3A_47] : memref<320x8x128xi32, #tpu.memory_space<hbm>> -> memref<1x8x128xi32, #tpu.memory_space<hbm>>
      %dma_start3A_49 = tpu.memref_squeeze %dma_start3A_48 : memref<1x8x128xi32, #tpu.memory_space<hbm>> -> memref<8x128xi32, #tpu.memory_space<hbm>>
      %dma_start3A_50 = arith.constant 0 : i32
      %dma_start3A_51 = arith.constant 0 : i32
      %dma_start3A_52 = tpu.memref_slice %arg4[%mul3A_16, %dma_start3A_50, %dma_start3A_51] : memref<320x8x128xi32, #tpu.memory_space<hbm>> -> memref<1x8x128xi32, #tpu.memory_space<hbm>>
      %dma_start3A_53 = tpu.memref_squeeze %dma_start3A_52 : memref<1x8x128xi32, #tpu.memory_space<hbm>> -> memref<8x128xi32, #tpu.memory_space<hbm>>
      tpu.enqueue_dma source(%dma_start3A_53 : memref<8x128xi32, #tpu.memory_space<hbm>>) target(%arg8 : memref<8x128xi32, #tpu.memory_space<vmem>>) target_semaphore(%run_scoped3A : memref<!tpu.dma_semaphore, #tpu.memory_space<semaphore_mem>>)
      %dma_wait3A = arith.constant 0 : i32
      %dma_wait3A_54 = arith.constant 0 : i32
      %dma_wait3A_55 = tpu.memref_slice %arg4[%mul3A_16, %dma_wait3A, %dma_wait3A_54] : memref<320x8x128xi32, #tpu.memory_space<hbm>> -> memref<1x8x128xi32, #tpu.memory_space<hbm>>
      %dma_wait3A_56 = tpu.memref_squeeze %dma_wait3A_55 : memref<1x8x128xi32, #tpu.memory_space<hbm>> -> memref<8x128xi32, #tpu.memory_space<hbm>>
      %dma_wait3A_57 = arith.constant 0 : i32
      %dma_wait3A_58 = arith.constant 0 : i32
      %dma_wait3A_59 = tpu.memref_slice %arg4[%mul3A_16, %dma_wait3A_57, %dma_wait3A_58] : memref<320x8x128xi32, #tpu.memory_space<hbm>> -> memref<1x8x128xi32, #tpu.memory_space<hbm>>
      %dma_wait3A_60 = tpu.memref_squeeze %dma_wait3A_59 : memref<1x8x128xi32, #tpu.memory_space<hbm>> -> memref<8x128xi32, #tpu.memory_space<hbm>>
      tpu.wait_dma2 semaphore(%run_scoped3A : memref<!tpu.dma_semaphore, #tpu.memory_space<semaphore_mem>>) src(%dma_wait3A_60 : memref<8x128xi32, #tpu.memory_space<hbm>>) dst(%arg8 : memref<8x128xi32, #tpu.memory_space<vmem>>)
      tpu.yield
    }) : () -> ()
    %add3A_17 = arith.constant 1 : i32
    %add3A_18 = arith.addi %mul3A_16, %add3A_17 : i32
    %dma_start3A = arith.constant 0 : i32
    %dma_start3A_19 = arith.constant 0 : i32
    %dma_start3A_20 = tpu.memref_slice %arg4[%add3A_18, %dma_start3A, %dma_start3A_19] : memref<320x8x128xi32, #tpu.memory_space<hbm>> -> memref<1x8x128xi32, #tpu.memory_space<hbm>>
    %dma_start3A_21 = tpu.memref_squeeze %dma_start3A_20 : memref<1x8x128xi32, #tpu.memory_space<hbm>> -> memref<8x128xi32, #tpu.memory_space<hbm>>
    %dma_start3A_22 = arith.constant 0 : i32
    %dma_start3A_23 = arith.constant 0 : i32
    %dma_start3A_24 = tpu.memref_slice %arg4[%add3A_18, %dma_start3A_22, %dma_start3A_23] : memref<320x8x128xi32, #tpu.memory_space<hbm>> -> memref<1x8x128xi32, #tpu.memory_space<hbm>>
    %dma_start3A_25 = tpu.memref_squeeze %dma_start3A_24 : memref<1x8x128xi32, #tpu.memory_space<hbm>> -> memref<8x128xi32, #tpu.memory_space<hbm>>
    tpu.enqueue_dma source(%dma_start3A_25 : memref<8x128xi32, #tpu.memory_space<hbm>>) target(%arg9 : memref<8x128xi32, #tpu.memory_space<vmem>>) target_semaphore(%arg16 : memref<!tpu.dma_semaphore, #tpu.memory_space<semaphore_mem>>)
    %dma_start3A_26 = arith.constant 0 : i32
    %dma_start3A_27 = arith.constant 0 : i32
    %dma_start3A_28 = tpu.memref_slice %arg7[%dma_start3A_26, %dma_start3A_27] : memref<80x128xi32, #tpu.memory_space<vmem>> -> memref<1x128xi32, #tpu.memory_space<vmem>>
    %dma_start3A_29 = tpu.memref_squeeze %dma_start3A_28 : memref<1x128xi32, #tpu.memory_space<vmem>> -> memref<128xi32, #tpu.memory_space<vmem>>
    %dma_start3A_30 = arith.constant 0 : i32
    %dma_start3A_31 = arith.constant 0 : i32
    %dma_start3A_32 = tpu.memref_slice %arg2[%dma_start3A_30, %dma_start3A_31] : memref<10000x128xf32, #tpu.memory_space<hbm>> -> memref<10000x128xf32, #tpu.memory_space<hbm>>
    tpu.enqueue_indirect_dma source(%dma_start3A_32 : memref<10000x128xf32, #tpu.memory_space<hbm>>) target(%arg10 : memref<128x128xf32, #tpu.memory_space<vmem>>) offsets(%dma_start3A_29 : memref<128xi32, #tpu.memory_space<vmem>>) semaphore(%arg13 : memref<!tpu.dma_semaphore, #tpu.memory_space<semaphore_mem>>)
    %dma_start3A_33 = arith.constant 1 : i32
    %dma_start3A_34 = arith.constant 0 : i32
    %dma_start3A_35 = tpu.memref_slice %arg7[%dma_start3A_33, %dma_start3A_34] : memref<80x128xi32, #tpu.memory_space<vmem>> -> memref<1x128xi32, #tpu.memory_space<vmem>>
    %dma_start3A_36 = tpu.memref_squeeze %dma_start3A_35 : memref<1x128xi32, #tpu.memory_space<vmem>> -> memref<128xi32, #tpu.memory_space<vmem>>
    %dma_start3A_37 = arith.constant 0 : i32
    %dma_start3A_38 = arith.constant 0 : i32
    %dma_start3A_39 = tpu.memref_slice %arg2[%dma_start3A_37, %dma_start3A_38] : memref<10000x128xf32, #tpu.memory_space<hbm>> -> memref<10000x128xf32, #tpu.memory_space<hbm>>
    tpu.enqueue_indirect_dma source(%dma_start3A_39 : memref<10000x128xf32, #tpu.memory_space<hbm>>) target(%arg11 : memref<128x128xf32, #tpu.memory_space<vmem>>) offsets(%dma_start3A_36 : memref<128xi32, #tpu.memory_space<vmem>>) semaphore(%arg14 : memref<!tpu.dma_semaphore, #tpu.memory_space<semaphore_mem>>)
    %scan3A = arith.constant 0 : i32
    %scan3A_40 = arith.constant 0 : i32
    %scan3A_41 = arith.constant 5 : i32
    %scan3A_42 = arith.addi %scan3A_40, %scan3A_41 : i32
    %scan3A_43 = arith.constant 1 : i32
    scf.for %scan3A_46 = %scan3A_40 to %scan3A_42 step %scan3A_43  : i32 {
      %mul3A_47 = arith.constant 2 : i32
      %mul3A_48 = arith.muli %scan3A_46, %mul3A_47 : i32
      %add3A_49 = arith.constant 0 : i32
      %add3A_50 = arith.addi %mul3A_48, %add3A_49 : i32
      %gt3A = arith.constant 0 : i32
      %gt3A_51 = arith.cmpi sgt, %add3A_50, %gt3A : i32
      %convert_element_type3A = arith.extui %gt3A_51 : i1 to i32
      %cond3A = arith.constant 0 : i32
      %cond3A_52 = arith.cmpi ne, %convert_element_type3A, %cond3A : i32
      scf.if %cond3A_52 {
        %add3A_361 = arith.addi %mul3A_16, %add3A_50 : i32
        %dma_wait3A_362 = arith.constant 0 : i32
        %dma_wait3A_363 = arith.constant 0 : i32
        %dma_wait3A_364 = tpu.memref_slice %arg4[%add3A_361, %dma_wait3A_362, %dma_wait3A_363] : memref<320x8x128xi32, #tpu.memory_space<hbm>> -> memref<1x8x128xi32, #tpu.memory_space<hbm>>
        %dma_wait3A_365 = tpu.memref_squeeze %dma_wait3A_364 : memref<1x8x128xi32, #tpu.memory_space<hbm>> -> memref<8x128xi32, #tpu.memory_space<hbm>>
        %dma_wait3A_366 = arith.constant 0 : i32
        %dma_wait3A_367 = arith.constant 0 : i32
        %dma_wait3A_368 = tpu.memref_slice %arg4[%add3A_361, %dma_wait3A_366, %dma_wait3A_367] : memref<320x8x128xi32, #tpu.memory_space<hbm>> -> memref<1x8x128xi32, #tpu.memory_space<hbm>>
        %dma_wait3A_369 = tpu.memref_squeeze %dma_wait3A_368 : memref<1x8x128xi32, #tpu.memory_space<hbm>> -> memref<8x128xi32, #tpu.memory_space<hbm>>
        tpu.wait_dma2 semaphore(%arg15 : memref<!tpu.dma_semaphore, #tpu.memory_space<semaphore_mem>>) src(%dma_wait3A_369 : memref<8x128xi32, #tpu.memory_space<hbm>>) dst(%arg8 : memref<8x128xi32, #tpu.memory_space<vmem>>)
      } else {
      }
      %mul3A_53 = arith.constant 8 : i32
      %mul3A_54 = arith.muli %add3A_50, %mul3A_53 : i32
      %add3A_55 = arith.constant 0 : i32
      %add3A_56 = arith.addi %mul3A_54, %add3A_55 : i32
      %dma_wait3A = arith.constant 0 : i32
      %dma_wait3A_57 = tpu.memref_slice %arg7[%add3A_56, %dma_wait3A] : memref<80x128xi32, #tpu.memory_space<vmem>> -> memref<1x128xi32, #tpu.memory_space<vmem>>
      %dma_wait3A_58 = tpu.memref_squeeze %dma_wait3A_57 : memref<1x128xi32, #tpu.memory_space<vmem>> -> memref<128xi32, #tpu.memory_space<vmem>>
      %dma_wait3A_59 = arith.constant 0 : i32
      %dma_wait3A_60 = arith.constant 0 : i32
      %dma_wait3A_61 = tpu.memref_slice %arg2[%dma_wait3A_59, %dma_wait3A_60] : memref<10000x128xf32, #tpu.memory_space<hbm>> -> memref<10000x128xf32, #tpu.memory_space<hbm>>
      tpu.wait_indirect_dma semaphore(%arg13 : memref<!tpu.dma_semaphore, #tpu.memory_space<semaphore_mem>>) src(%dma_wait3A_61 : memref<10000x128xf32, #tpu.memory_space<hbm>>) dst(%arg10 : memref<128x128xf32, #tpu.memory_space<vmem>>)
      %run_scoped3A = arith.constant 0 : i32
      "tpu.region"() ({
        %run_scoped3A_361 = tpu.sem_alloc : memref<!tpu.dma_semaphore, #tpu.memory_space<semaphore_mem>>
        %dma_start3A_362 = arith.constant 0 : i32
        %dma_start3A_363 = tpu.memref_slice %arg8[%run_scoped3A, %dma_start3A_362] : memref<8x128xi32, #tpu.memory_space<vmem>> -> memref<1x128xi32, #tpu.memory_space<vmem>>
        %dma_start3A_364 = tpu.memref_squeeze %dma_start3A_363 : memref<1x128xi32, #tpu.memory_space<vmem>> -> memref<128xi32, #tpu.memory_space<vmem>>
        %dma_start3A_365 = arith.constant 0 : i32
        %dma_start3A_366 = arith.constant 0 : i32
        %dma_start3A_367 = tpu.memref_slice %arg12[%dma_start3A_365, %dma_start3A_366] : memref<10240x128xf32, #tpu.memory_space<vmem_shared>> -> memref<10240x128xf32, #tpu.memory_space<vmem_shared>>
        tpu.enqueue_indirect_dma source(%arg10 : memref<128x128xf32, #tpu.memory_space<vmem>>) target(%dma_start3A_367 : memref<10240x128xf32, #tpu.memory_space<vmem_shared>>) offsets(%dma_start3A_364 : memref<128xi32, #tpu.memory_space<vmem>>) semaphore(%run_scoped3A_361 : memref<!tpu.dma_semaphore, #tpu.memory_space<semaphore_mem>>) {add = true}
        %dma_wait3A_368 = arith.constant 0 : i32
        %dma_wait3A_369 = tpu.memref_slice %arg8[%run_scoped3A, %dma_wait3A_368] : memref<8x128xi32, #tpu.memory_space<vmem>> -> memref<1x128xi32, #tpu.memory_space<vmem>>
        %dma_wait3A_370 = tpu.memref_squeeze %dma_wait3A_369 : memref<1x128xi32, #tpu.memory_space<vmem>> -> memref<128xi32, #tpu.memory_space<vmem>>
        %dma_wait3A_371 = arith.constant 0 : i32
        %dma_wait3A_372 = arith.constant 0 : i32
        %dma_wait3A_373 = tpu.memref_slice %arg12[%dma_wait3A_371, %dma_wait3A_372] : memref<10240x128xf32, #tpu.memory_space<vmem_shared>> -> memref<10240x128xf32, #tpu.memory_space<vmem_shared>>
        tpu.wait_indirect_dma semaphore(%run_scoped3A_361 : memref<!tpu.dma_semaphore, #tpu.memory_space<semaphore_mem>>) src(%arg10 : memref<128x128xf32, #tpu.memory_space<vmem>>) dst(%dma_wait3A_373 : memref<10240x128xf32, #tpu.memory_space<vmem_shared>>)
        tpu.yield
      }) : () -> ()
      %add3A_62 = arith.constant 2 : i32
      %add3A_63 = arith.addi %add3A_56, %add3A_62 : i32
      %lt3A = arith.constant 80 : i32
      %lt3A_64 = arith.cmpi slt, %add3A_63, %lt3A : i32
      %convert_element_type3A_65 = arith.extui %lt3A_64 : i1 to i32
      %cond3A_66 = arith.constant 0 : i32
      %cond3A_67 = arith.cmpi ne, %convert_element_type3A_65, %cond3A_66 : i32
      scf.if %cond3A_67 {
        %add3A_361 = arith.constant 2 : i32
        %add3A_362 = arith.addi %add3A_56, %add3A_361 : i32
        %dma_start3A_363 = arith.constant 0 : i32
        %dma_start3A_364 = tpu.memref_slice %arg7[%add3A_362, %dma_start3A_363] : memref<80x128xi32, #tpu.memory_space<vmem>> -> memref<1x128xi32, #tpu.memory_space<vmem>>
        %dma_start3A_365 = tpu.memref_squeeze %dma_start3A_364 : memref<1x128xi32, #tpu.memory_space<vmem>> -> memref<128xi32, #tpu.memory_space<vmem>>
        %dma_start3A_366 = arith.constant 0 : i32
        %dma_start3A_367 = arith.constant 0 : i32
        %dma_start3A_368 = tpu.memref_slice %arg2[%dma_start3A_366, %dma_start3A_367] : memref<10000x128xf32, #tpu.memory_space<hbm>> -> memref<10000x128xf32, #tpu.memory_space<hbm>>
        tpu.enqueue_indirect_dma source(%dma_start3A_368 : memref<10000x128xf32, #tpu.memory_space<hbm>>) target(%arg10 : memref<128x128xf32, #tpu.memory_space<vmem>>) offsets(%dma_start3A_365 : memref<128xi32, #tpu.memory_space<vmem>>) semaphore(%arg13 : memref<!tpu.dma_semaphore, #tpu.memory_space<semaphore_mem>>)
      } else {
      }
      %mul3A_68 = arith.constant 8 : i32
      %mul3A_69 = arith.muli %add3A_50, %mul3A_68 : i32
      %add3A_70 = arith.constant 1 : i32
      %add3A_71 = arith.addi %mul3A_69, %add3A_70 : i32
      %dma_wait3A_72 = arith.constant 0 : i32
      %dma_wait3A_73 = tpu.memref_slice %arg7[%add3A_71, %dma_wait3A_72] : memref<80x128xi32, #tpu.memory_space<vmem>> -> memref<1x128xi32, #tpu.memory_space<vmem>>
      %dma_wait3A_74 = tpu.memref_squeeze %dma_wait3A_73 : memref<1x128xi32, #tpu.memory_space<vmem>> -> memref<128xi32, #tpu.memory_space<vmem>>
      %dma_wait3A_75 = arith.constant 0 : i32
      %dma_wait3A_76 = arith.constant 0 : i32
      %dma_wait3A_77 = tpu.memref_slice %arg2[%dma_wait3A_75, %dma_wait3A_76] : memref<10000x128xf32, #tpu.memory_space<hbm>> -> memref<10000x128xf32, #tpu.memory_space<hbm>>
      tpu.wait_indirect_dma semaphore(%arg14 : memref<!tpu.dma_semaphore, #tpu.memory_space<semaphore_mem>>) src(%dma_wait3A_77 : memref<10000x128xf32, #tpu.memory_space<hbm>>) dst(%arg11 : memref<128x128xf32, #tpu.memory_space<vmem>>)
      %run_scoped3A_78 = arith.constant 1 : i32
      "tpu.region"() ({
        %run_scoped3A_361 = tpu.sem_alloc : memref<!tpu.dma_semaphore, #tpu.memory_space<semaphore_mem>>
        %dma_start3A_362 = arith.constant 0 : i32
        %dma_start3A_363 = tpu.memref_slice %arg8[%run_scoped3A_78, %dma_start3A_362] : memref<8x128xi32, #tpu.memory_space<vmem>> -> memref<1x128xi32, #tpu.memory_space<vmem>>
        %dma_start3A_364 = tpu.memref_squeeze %dma_start3A_363 : memref<1x128xi32, #tpu.memory_space<vmem>> -> memref<128xi32, #tpu.memory_space<vmem>>
        %dma_start3A_365 = arith.constant 0 : i32
        %dma_start3A_366 = arith.constant 0 : i32
        %dma_start3A_367 = tpu.memref_slice %arg12[%dma_start3A_365, %dma_start3A_366] : memref<10240x128xf32, #tpu.memory_space<vmem_shared>> -> memref<10240x128xf32, #tpu.memory_space<vmem_shared>>
        tpu.enqueue_indirect_dma source(%arg11 : memref<128x128xf32, #tpu.memory_space<vmem>>) target(%dma_start3A_367 : memref<10240x128xf32, #tpu.memory_space<vmem_shared>>) offsets(%dma_start3A_364 : memref<128xi32, #tpu.memory_space<vmem>>) semaphore(%run_scoped3A_361 : memref<!tpu.dma_semaphore, #tpu.memory_space<semaphore_mem>>) {add = true}
        %dma_wait3A_368 = arith.constant 0 : i32
        %dma_wait3A_369 = tpu.memref_slice %arg8[%run_scoped3A_78, %dma_wait3A_368] : memref<8x128xi32, #tpu.memory_space<vmem>> -> memref<1x128xi32, #tpu.memory_space<vmem>>
        %dma_wait3A_370 = tpu.memref_squeeze %dma_wait3A_369 : memref<1x128xi32, #tpu.memory_space<vmem>> -> memref<128xi32, #tpu.memory_space<vmem>>
        %dma_wait3A_371 = arith.constant 0 : i32
        %dma_wait3A_372 = arith.constant 0 : i32
        %dma_wait3A_373 = tpu.memref_slice %arg12[%dma_wait3A_371, %dma_wait3A_372] : memref<10240x128xf32, #tpu.memory_space<vmem_shared>> -> memref<10240x128xf32, #tpu.memory_space<vmem_shared>>
        tpu.wait_indirect_dma semaphore(%run_scoped3A_361 : memref<!tpu.dma_semaphore, #tpu.memory_space<semaphore_mem>>) src(%arg11 : memref<128x128xf32, #tpu.memory_space<vmem>>) dst(%dma_wait3A_373 : memref<10240x128xf32, #tpu.memory_space<vmem_shared>>)
        tpu.yield
      }) : () -> ()
      %add3A_79 = arith.constant 2 : i32
      %add3A_80 = arith.addi %add3A_71, %add3A_79 : i32
      %lt3A_81 = arith.constant 80 : i32
      %lt3A_82 = arith.cmpi slt, %add3A_80, %lt3A_81 : i32
      %convert_element_type3A_83 = arith.extui %lt3A_82 : i1 to i32
      %cond3A_84 = arith.constant 0 : i32
      %cond3A_85 = arith.cmpi ne, %convert_element_type3A_83, %cond3A_84 : i32
      scf.if %cond3A_85 {
        %add3A_361 = arith.constant 2 : i32
        %add3A_362 = arith.addi %add3A_71, %add3A_361 : i32
        %dma_start3A_363 = arith.constant 0 : i32
        %dma_start3A_364 = tpu.memref_slice %arg7[%add3A_362, %dma_start3A_363] : memref<80x128xi32, #tpu.memory_space<vmem>> -> memref<1x128xi32, #tpu.memory_space<vmem>>
        %dma_start3A_365 = tpu.memref_squeeze %dma_start3A_364 : memref<1x128xi32, #tpu.memory_space<vmem>> -> memref<128xi32, #tpu.memory_space<vmem>>
        %dma_start3A_366 = arith.constant 0 : i32
        %dma_start3A_367 = arith.constant 0 : i32
        %dma_start3A_368 = tpu.memref_slice %arg2[%dma_start3A_366, %dma_start3A_367] : memref<10000x128xf32, #tpu.memory_space<hbm>> -> memref<10000x128xf32, #tpu.memory_space<hbm>>
        tpu.enqueue_indirect_dma source(%dma_start3A_368 : memref<10000x128xf32, #tpu.memory_space<hbm>>) target(%arg11 : memref<128x128xf32, #tpu.memory_space<vmem>>) offsets(%dma_start3A_365 : memref<128xi32, #tpu.memory_space<vmem>>) semaphore(%arg14 : memref<!tpu.dma_semaphore, #tpu.memory_space<semaphore_mem>>)
      } else {
      }
      %mul3A_86 = arith.constant 8 : i32
      %mul3A_87 = arith.muli %add3A_50, %mul3A_86 : i32
      %add3A_88 = arith.constant 2 : i32
      %add3A_89 = arith.addi %mul3A_87, %add3A_88 : i32
      %dma_wait3A_90 = arith.constant 0 : i32
      %dma_wait3A_91 = tpu.memref_slice %arg7[%add3A_89, %dma_wait3A_90] : memref<80x128xi32, #tpu.memory_space<vmem>> -> memref<1x128xi32, #tpu.memory_space<vmem>>
      %dma_wait3A_92 = tpu.memref_squeeze %dma_wait3A_91 : memref<1x128xi32, #tpu.memory_space<vmem>> -> memref<128xi32, #tpu.memory_space<vmem>>
      %dma_wait3A_93 = arith.constant 0 : i32
      %dma_wait3A_94 = arith.constant 0 : i32
      %dma_wait3A_95 = tpu.memref_slice %arg2[%dma_wait3A_93, %dma_wait3A_94] : memref<10000x128xf32, #tpu.memory_space<hbm>> -> memref<10000x128xf32, #tpu.memory_space<hbm>>
      tpu.wait_indirect_dma semaphore(%arg13 : memref<!tpu.dma_semaphore, #tpu.memory_space<semaphore_mem>>) src(%dma_wait3A_95 : memref<10000x128xf32, #tpu.memory_space<hbm>>) dst(%arg10 : memref<128x128xf32, #tpu.memory_space<vmem>>)
      %run_scoped3A_96 = arith.constant 2 : i32
      "tpu.region"() ({
        %run_scoped3A_361 = tpu.sem_alloc : memref<!tpu.dma_semaphore, #tpu.memory_space<semaphore_mem>>
        %dma_start3A_362 = arith.constant 0 : i32
        %dma_start3A_363 = tpu.memref_slice %arg8[%run_scoped3A_96, %dma_start3A_362] : memref<8x128xi32, #tpu.memory_space<vmem>> -> memref<1x128xi32, #tpu.memory_space<vmem>>
        %dma_start3A_364 = tpu.memref_squeeze %dma_start3A_363 : memref<1x128xi32, #tpu.memory_space<vmem>> -> memref<128xi32, #tpu.memory_space<vmem>>
        %dma_start3A_365 = arith.constant 0 : i32
        %dma_start3A_366 = arith.constant 0 : i32
        %dma_start3A_367 = tpu.memref_slice %arg12[%dma_start3A_365, %dma_start3A_366] : memref<10240x128xf32, #tpu.memory_space<vmem_shared>> -> memref<10240x128xf32, #tpu.memory_space<vmem_shared>>
        tpu.enqueue_indirect_dma source(%arg10 : memref<128x128xf32, #tpu.memory_space<vmem>>) target(%dma_start3A_367 : memref<10240x128xf32, #tpu.memory_space<vmem_shared>>) offsets(%dma_start3A_364 : memref<128xi32, #tpu.memory_space<vmem>>) semaphore(%run_scoped3A_361 : memref<!tpu.dma_semaphore, #tpu.memory_space<semaphore_mem>>) {add = true}
        %dma_wait3A_368 = arith.constant 0 : i32
        %dma_wait3A_369 = tpu.memref_slice %arg8[%run_scoped3A_96, %dma_wait3A_368] : memref<8x128xi32, #tpu.memory_space<vmem>> -> memref<1x128xi32, #tpu.memory_space<vmem>>
        %dma_wait3A_370 = tpu.memref_squeeze %dma_wait3A_369 : memref<1x128xi32, #tpu.memory_space<vmem>> -> memref<128xi32, #tpu.memory_space<vmem>>
        %dma_wait3A_371 = arith.constant 0 : i32
        %dma_wait3A_372 = arith.constant 0 : i32
        %dma_wait3A_373 = tpu.memref_slice %arg12[%dma_wait3A_371, %dma_wait3A_372] : memref<10240x128xf32, #tpu.memory_space<vmem_shared>> -> memref<10240x128xf32, #tpu.memory_space<vmem_shared>>
        tpu.wait_indirect_dma semaphore(%run_scoped3A_361 : memref<!tpu.dma_semaphore, #tpu.memory_space<semaphore_mem>>) src(%arg10 : memref<128x128xf32, #tpu.memory_space<vmem>>) dst(%dma_wait3A_373 : memref<10240x128xf32, #tpu.memory_space<vmem_shared>>)
        tpu.yield
      }) : () -> ()
      %add3A_97 = arith.constant 2 : i32
      %add3A_98 = arith.addi %add3A_89, %add3A_97 : i32
      %lt3A_99 = arith.constant 80 : i32
      %lt3A_100 = arith.cmpi slt, %add3A_98, %lt3A_99 : i32
      %convert_element_type3A_101 = arith.extui %lt3A_100 : i1 to i32
      %cond3A_102 = arith.constant 0 : i32
      %cond3A_103 = arith.cmpi ne, %convert_element_type3A_101, %cond3A_102 : i32
      scf.if %cond3A_103 {
        %add3A_361 = arith.constant 2 : i32
        %add3A_362 = arith.addi %add3A_89, %add3A_361 : i32
        %dma_start3A_363 = arith.constant 0 : i32
        %dma_start3A_364 = tpu.memref_slice %arg7[%add3A_362, %dma_start3A_363] : memref<80x128xi32, #tpu.memory_space<vmem>> -> memref<1x128xi32, #tpu.memory_space<vmem>>
        %dma_start3A_365 = tpu.memref_squeeze %dma_start3A_364 : memref<1x128xi32, #tpu.memory_space<vmem>> -> memref<128xi32, #tpu.memory_space<vmem>>
        %dma_start3A_366 = arith.constant 0 : i32
        %dma_start3A_367 = arith.constant 0 : i32
        %dma_start3A_368 = tpu.memref_slice %arg2[%dma_start3A_366, %dma_start3A_367] : memref<10000x128xf32, #tpu.memory_space<hbm>> -> memref<10000x128xf32, #tpu.memory_space<hbm>>
        tpu.enqueue_indirect_dma source(%dma_start3A_368 : memref<10000x128xf32, #tpu.memory_space<hbm>>) target(%arg10 : memref<128x128xf32, #tpu.memory_space<vmem>>) offsets(%dma_start3A_365 : memref<128xi32, #tpu.memory_space<vmem>>) semaphore(%arg13 : memref<!tpu.dma_semaphore, #tpu.memory_space<semaphore_mem>>)
      } else {
      }
      %mul3A_104 = arith.constant 8 : i32
      %mul3A_105 = arith.muli %add3A_50, %mul3A_104 : i32
      %add3A_106 = arith.constant 3 : i32
      %add3A_107 = arith.addi %mul3A_105, %add3A_106 : i32
      %dma_wait3A_108 = arith.constant 0 : i32
      %dma_wait3A_109 = tpu.memref_slice %arg7[%add3A_107, %dma_wait3A_108] : memref<80x128xi32, #tpu.memory_space<vmem>> -> memref<1x128xi32, #tpu.memory_space<vmem>>
      %dma_wait3A_110 = tpu.memref_squeeze %dma_wait3A_109 : memref<1x128xi32, #tpu.memory_space<vmem>> -> memref<128xi32, #tpu.memory_space<vmem>>
      %dma_wait3A_111 = arith.constant 0 : i32
      %dma_wait3A_112 = arith.constant 0 : i32
      %dma_wait3A_113 = tpu.memref_slice %arg2[%dma_wait3A_111, %dma_wait3A_112] : memref<10000x128xf32, #tpu.memory_space<hbm>> -> memref<10000x128xf32, #tpu.memory_space<hbm>>
      tpu.wait_indirect_dma semaphore(%arg14 : memref<!tpu.dma_semaphore, #tpu.memory_space<semaphore_mem>>) src(%dma_wait3A_113 : memref<10000x128xf32, #tpu.memory_space<hbm>>) dst(%arg11 : memref<128x128xf32, #tpu.memory_space<vmem>>)
      %run_scoped3A_114 = arith.constant 3 : i32
      "tpu.region"() ({
        %run_scoped3A_361 = tpu.sem_alloc : memref<!tpu.dma_semaphore, #tpu.memory_space<semaphore_mem>>
        %dma_start3A_362 = arith.constant 0 : i32
        %dma_start3A_363 = tpu.memref_slice %arg8[%run_scoped3A_114, %dma_start3A_362] : memref<8x128xi32, #tpu.memory_space<vmem>> -> memref<1x128xi32, #tpu.memory_space<vmem>>
        %dma_start3A_364 = tpu.memref_squeeze %dma_start3A_363 : memref<1x128xi32, #tpu.memory_space<vmem>> -> memref<128xi32, #tpu.memory_space<vmem>>
        %dma_start3A_365 = arith.constant 0 : i32
        %dma_start3A_366 = arith.constant 0 : i32
        %dma_start3A_367 = tpu.memref_slice %arg12[%dma_start3A_365, %dma_start3A_366] : memref<10240x128xf32, #tpu.memory_space<vmem_shared>> -> memref<10240x128xf32, #tpu.memory_space<vmem_shared>>
        tpu.enqueue_indirect_dma source(%arg11 : memref<128x128xf32, #tpu.memory_space<vmem>>) target(%dma_start3A_367 : memref<10240x128xf32, #tpu.memory_space<vmem_shared>>) offsets(%dma_start3A_364 : memref<128xi32, #tpu.memory_space<vmem>>) semaphore(%run_scoped3A_361 : memref<!tpu.dma_semaphore, #tpu.memory_space<semaphore_mem>>) {add = true}
        %dma_wait3A_368 = arith.constant 0 : i32
        %dma_wait3A_369 = tpu.memref_slice %arg8[%run_scoped3A_114, %dma_wait3A_368] : memref<8x128xi32, #tpu.memory_space<vmem>> -> memref<1x128xi32, #tpu.memory_space<vmem>>
        %dma_wait3A_370 = tpu.memref_squeeze %dma_wait3A_369 : memref<1x128xi32, #tpu.memory_space<vmem>> -> memref<128xi32, #tpu.memory_space<vmem>>
        %dma_wait3A_371 = arith.constant 0 : i32
        %dma_wait3A_372 = arith.constant 0 : i32
        %dma_wait3A_373 = tpu.memref_slice %arg12[%dma_wait3A_371, %dma_wait3A_372] : memref<10240x128xf32, #tpu.memory_space<vmem_shared>> -> memref<10240x128xf32, #tpu.memory_space<vmem_shared>>
        tpu.wait_indirect_dma semaphore(%run_scoped3A_361 : memref<!tpu.dma_semaphore, #tpu.memory_space<semaphore_mem>>) src(%arg11 : memref<128x128xf32, #tpu.memory_space<vmem>>) dst(%dma_wait3A_373 : memref<10240x128xf32, #tpu.memory_space<vmem_shared>>)
        tpu.yield
      }) : () -> ()
      %add3A_115 = arith.constant 2 : i32
      %add3A_116 = arith.addi %add3A_107, %add3A_115 : i32
      %lt3A_117 = arith.constant 80 : i32
      %lt3A_118 = arith.cmpi slt, %add3A_116, %lt3A_117 : i32
      %convert_element_type3A_119 = arith.extui %lt3A_118 : i1 to i32
      %cond3A_120 = arith.constant 0 : i32
      %cond3A_121 = arith.cmpi ne, %convert_element_type3A_119, %cond3A_120 : i32
      scf.if %cond3A_121 {
        %add3A_361 = arith.constant 2 : i32
        %add3A_362 = arith.addi %add3A_107, %add3A_361 : i32
        %dma_start3A_363 = arith.constant 0 : i32
        %dma_start3A_364 = tpu.memref_slice %arg7[%add3A_362, %dma_start3A_363] : memref<80x128xi32, #tpu.memory_space<vmem>> -> memref<1x128xi32, #tpu.memory_space<vmem>>
        %dma_start3A_365 = tpu.memref_squeeze %dma_start3A_364 : memref<1x128xi32, #tpu.memory_space<vmem>> -> memref<128xi32, #tpu.memory_space<vmem>>
        %dma_start3A_366 = arith.constant 0 : i32
        %dma_start3A_367 = arith.constant 0 : i32
        %dma_start3A_368 = tpu.memref_slice %arg2[%dma_start3A_366, %dma_start3A_367] : memref<10000x128xf32, #tpu.memory_space<hbm>> -> memref<10000x128xf32, #tpu.memory_space<hbm>>
        tpu.enqueue_indirect_dma source(%dma_start3A_368 : memref<10000x128xf32, #tpu.memory_space<hbm>>) target(%arg11 : memref<128x128xf32, #tpu.memory_space<vmem>>) offsets(%dma_start3A_365 : memref<128xi32, #tpu.memory_space<vmem>>) semaphore(%arg14 : memref<!tpu.dma_semaphore, #tpu.memory_space<semaphore_mem>>)
      } else {
      }
      %mul3A_122 = arith.constant 8 : i32
      %mul3A_123 = arith.muli %add3A_50, %mul3A_122 : i32
      %add3A_124 = arith.constant 4 : i32
      %add3A_125 = arith.addi %mul3A_123, %add3A_124 : i32
      %dma_wait3A_126 = arith.constant 0 : i32
      %dma_wait3A_127 = tpu.memref_slice %arg7[%add3A_125, %dma_wait3A_126] : memref<80x128xi32, #tpu.memory_space<vmem>> -> memref<1x128xi32, #tpu.memory_space<vmem>>
      %dma_wait3A_128 = tpu.memref_squeeze %dma_wait3A_127 : memref<1x128xi32, #tpu.memory_space<vmem>> -> memref<128xi32, #tpu.memory_space<vmem>>
      %dma_wait3A_129 = arith.constant 0 : i32
      %dma_wait3A_130 = arith.constant 0 : i32
      %dma_wait3A_131 = tpu.memref_slice %arg2[%dma_wait3A_129, %dma_wait3A_130] : memref<10000x128xf32, #tpu.memory_space<hbm>> -> memref<10000x128xf32, #tpu.memory_space<hbm>>
      tpu.wait_indirect_dma semaphore(%arg13 : memref<!tpu.dma_semaphore, #tpu.memory_space<semaphore_mem>>) src(%dma_wait3A_131 : memref<10000x128xf32, #tpu.memory_space<hbm>>) dst(%arg10 : memref<128x128xf32, #tpu.memory_space<vmem>>)
      %run_scoped3A_132 = arith.constant 4 : i32
      "tpu.region"() ({
        %run_scoped3A_361 = tpu.sem_alloc : memref<!tpu.dma_semaphore, #tpu.memory_space<semaphore_mem>>
        %dma_start3A_362 = arith.constant 0 : i32
        %dma_start3A_363 = tpu.memref_slice %arg8[%run_scoped3A_132, %dma_start3A_362] : memref<8x128xi32, #tpu.memory_space<vmem>> -> memref<1x128xi32, #tpu.memory_space<vmem>>
        %dma_start3A_364 = tpu.memref_squeeze %dma_start3A_363 : memref<1x128xi32, #tpu.memory_space<vmem>> -> memref<128xi32, #tpu.memory_space<vmem>>
        %dma_start3A_365 = arith.constant 0 : i32
        %dma_start3A_366 = arith.constant 0 : i32
        %dma_start3A_367 = tpu.memref_slice %arg12[%dma_start3A_365, %dma_start3A_366] : memref<10240x128xf32, #tpu.memory_space<vmem_shared>> -> memref<10240x128xf32, #tpu.memory_space<vmem_shared>>
        tpu.enqueue_indirect_dma source(%arg10 : memref<128x128xf32, #tpu.memory_space<vmem>>) target(%dma_start3A_367 : memref<10240x128xf32, #tpu.memory_space<vmem_shared>>) offsets(%dma_start3A_364 : memref<128xi32, #tpu.memory_space<vmem>>) semaphore(%run_scoped3A_361 : memref<!tpu.dma_semaphore, #tpu.memory_space<semaphore_mem>>) {add = true}
        %dma_wait3A_368 = arith.constant 0 : i32
        %dma_wait3A_369 = tpu.memref_slice %arg8[%run_scoped3A_132, %dma_wait3A_368] : memref<8x128xi32, #tpu.memory_space<vmem>> -> memref<1x128xi32, #tpu.memory_space<vmem>>
        %dma_wait3A_370 = tpu.memref_squeeze %dma_wait3A_369 : memref<1x128xi32, #tpu.memory_space<vmem>> -> memref<128xi32, #tpu.memory_space<vmem>>
        %dma_wait3A_371 = arith.constant 0 : i32
        %dma_wait3A_372 = arith.constant 0 : i32
        %dma_wait3A_373 = tpu.memref_slice %arg12[%dma_wait3A_371, %dma_wait3A_372] : memref<10240x128xf32, #tpu.memory_space<vmem_shared>> -> memref<10240x128xf32, #tpu.memory_space<vmem_shared>>
        tpu.wait_indirect_dma semaphore(%run_scoped3A_361 : memref<!tpu.dma_semaphore, #tpu.memory_space<semaphore_mem>>) src(%arg10 : memref<128x128xf32, #tpu.memory_space<vmem>>) dst(%dma_wait3A_373 : memref<10240x128xf32, #tpu.memory_space<vmem_shared>>)
        tpu.yield
      }) : () -> ()
      %add3A_133 = arith.constant 2 : i32
      %add3A_134 = arith.addi %add3A_125, %add3A_133 : i32
      %lt3A_135 = arith.constant 80 : i32
      %lt3A_136 = arith.cmpi slt, %add3A_134, %lt3A_135 : i32
      %convert_element_type3A_137 = arith.extui %lt3A_136 : i1 to i32
      %cond3A_138 = arith.constant 0 : i32
      %cond3A_139 = arith.cmpi ne, %convert_element_type3A_137, %cond3A_138 : i32
      scf.if %cond3A_139 {
        %add3A_361 = arith.constant 2 : i32
        %add3A_362 = arith.addi %add3A_125, %add3A_361 : i32
        %dma_start3A_363 = arith.constant 0 : i32
        %dma_start3A_364 = tpu.memref_slice %arg7[%add3A_362, %dma_start3A_363] : memref<80x128xi32, #tpu.memory_space<vmem>> -> memref<1x128xi32, #tpu.memory_space<vmem>>
        %dma_start3A_365 = tpu.memref_squeeze %dma_start3A_364 : memref<1x128xi32, #tpu.memory_space<vmem>> -> memref<128xi32, #tpu.memory_space<vmem>>
        %dma_start3A_366 = arith.constant 0 : i32
        %dma_start3A_367 = arith.constant 0 : i32
        %dma_start3A_368 = tpu.memref_slice %arg2[%dma_start3A_366, %dma_start3A_367] : memref<10000x128xf32, #tpu.memory_space<hbm>> -> memref<10000x128xf32, #tpu.memory_space<hbm>>
        tpu.enqueue_indirect_dma source(%dma_start3A_368 : memref<10000x128xf32, #tpu.memory_space<hbm>>) target(%arg10 : memref<128x128xf32, #tpu.memory_space<vmem>>) offsets(%dma_start3A_365 : memref<128xi32, #tpu.memory_space<vmem>>) semaphore(%arg13 : memref<!tpu.dma_semaphore, #tpu.memory_space<semaphore_mem>>)
      } else {
      }
      %mul3A_140 = arith.constant 8 : i32
      %mul3A_141 = arith.muli %add3A_50, %mul3A_140 : i32
      %add3A_142 = arith.constant 5 : i32
      %add3A_143 = arith.addi %mul3A_141, %add3A_142 : i32
      %dma_wait3A_144 = arith.constant 0 : i32
      %dma_wait3A_145 = tpu.memref_slice %arg7[%add3A_143, %dma_wait3A_144] : memref<80x128xi32, #tpu.memory_space<vmem>> -> memref<1x128xi32, #tpu.memory_space<vmem>>
      %dma_wait3A_146 = tpu.memref_squeeze %dma_wait3A_145 : memref<1x128xi32, #tpu.memory_space<vmem>> -> memref<128xi32, #tpu.memory_space<vmem>>
      %dma_wait3A_147 = arith.constant 0 : i32
      %dma_wait3A_148 = arith.constant 0 : i32
      %dma_wait3A_149 = tpu.memref_slice %arg2[%dma_wait3A_147, %dma_wait3A_148] : memref<10000x128xf32, #tpu.memory_space<hbm>> -> memref<10000x128xf32, #tpu.memory_space<hbm>>
      tpu.wait_indirect_dma semaphore(%arg14 : memref<!tpu.dma_semaphore, #tpu.memory_space<semaphore_mem>>) src(%dma_wait3A_149 : memref<10000x128xf32, #tpu.memory_space<hbm>>) dst(%arg11 : memref<128x128xf32, #tpu.memory_space<vmem>>)
      %run_scoped3A_150 = arith.constant 5 : i32
      "tpu.region"() ({
        %run_scoped3A_361 = tpu.sem_alloc : memref<!tpu.dma_semaphore, #tpu.memory_space<semaphore_mem>>
        %dma_start3A_362 = arith.constant 0 : i32
        %dma_start3A_363 = tpu.memref_slice %arg8[%run_scoped3A_150, %dma_start3A_362] : memref<8x128xi32, #tpu.memory_space<vmem>> -> memref<1x128xi32, #tpu.memory_space<vmem>>
        %dma_start3A_364 = tpu.memref_squeeze %dma_start3A_363 : memref<1x128xi32, #tpu.memory_space<vmem>> -> memref<128xi32, #tpu.memory_space<vmem>>
        %dma_start3A_365 = arith.constant 0 : i32
        %dma_start3A_366 = arith.constant 0 : i32
        %dma_start3A_367 = tpu.memref_slice %arg12[%dma_start3A_365, %dma_start3A_366] : memref<10240x128xf32, #tpu.memory_space<vmem_shared>> -> memref<10240x128xf32, #tpu.memory_space<vmem_shared>>
        tpu.enqueue_indirect_dma source(%arg11 : memref<128x128xf32, #tpu.memory_space<vmem>>) target(%dma_start3A_367 : memref<10240x128xf32, #tpu.memory_space<vmem_shared>>) offsets(%dma_start3A_364 : memref<128xi32, #tpu.memory_space<vmem>>) semaphore(%run_scoped3A_361 : memref<!tpu.dma_semaphore, #tpu.memory_space<semaphore_mem>>) {add = true}
        %dma_wait3A_368 = arith.constant 0 : i32
        %dma_wait3A_369 = tpu.memref_slice %arg8[%run_scoped3A_150, %dma_wait3A_368] : memref<8x128xi32, #tpu.memory_space<vmem>> -> memref<1x128xi32, #tpu.memory_space<vmem>>
        %dma_wait3A_370 = tpu.memref_squeeze %dma_wait3A_369 : memref<1x128xi32, #tpu.memory_space<vmem>> -> memref<128xi32, #tpu.memory_space<vmem>>
        %dma_wait3A_371 = arith.constant 0 : i32
        %dma_wait3A_372 = arith.constant 0 : i32
        %dma_wait3A_373 = tpu.memref_slice %arg12[%dma_wait3A_371, %dma_wait3A_372] : memref<10240x128xf32, #tpu.memory_space<vmem_shared>> -> memref<10240x128xf32, #tpu.memory_space<vmem_shared>>
        tpu.wait_indirect_dma semaphore(%run_scoped3A_361 : memref<!tpu.dma_semaphore, #tpu.memory_space<semaphore_mem>>) src(%arg11 : memref<128x128xf32, #tpu.memory_space<vmem>>) dst(%dma_wait3A_373 : memref<10240x128xf32, #tpu.memory_space<vmem_shared>>)
        tpu.yield
      }) : () -> ()
      %add3A_151 = arith.constant 2 : i32
      %add3A_152 = arith.addi %add3A_143, %add3A_151 : i32
      %lt3A_153 = arith.constant 80 : i32
      %lt3A_154 = arith.cmpi slt, %add3A_152, %lt3A_153 : i32
      %convert_element_type3A_155 = arith.extui %lt3A_154 : i1 to i32
      %cond3A_156 = arith.constant 0 : i32
      %cond3A_157 = arith.cmpi ne, %convert_element_type3A_155, %cond3A_156 : i32
      scf.if %cond3A_157 {
        %add3A_361 = arith.constant 2 : i32
        %add3A_362 = arith.addi %add3A_143, %add3A_361 : i32
        %dma_start3A_363 = arith.constant 0 : i32
        %dma_start3A_364 = tpu.memref_slice %arg7[%add3A_362, %dma_start3A_363] : memref<80x128xi32, #tpu.memory_space<vmem>> -> memref<1x128xi32, #tpu.memory_space<vmem>>
        %dma_start3A_365 = tpu.memref_squeeze %dma_start3A_364 : memref<1x128xi32, #tpu.memory_space<vmem>> -> memref<128xi32, #tpu.memory_space<vmem>>
        %dma_start3A_366 = arith.constant 0 : i32
        %dma_start3A_367 = arith.constant 0 : i32
        %dma_start3A_368 = tpu.memref_slice %arg2[%dma_start3A_366, %dma_start3A_367] : memref<10000x128xf32, #tpu.memory_space<hbm>> -> memref<10000x128xf32, #tpu.memory_space<hbm>>
        tpu.enqueue_indirect_dma source(%dma_start3A_368 : memref<10000x128xf32, #tpu.memory_space<hbm>>) target(%arg11 : memref<128x128xf32, #tpu.memory_space<vmem>>) offsets(%dma_start3A_365 : memref<128xi32, #tpu.memory_space<vmem>>) semaphore(%arg14 : memref<!tpu.dma_semaphore, #tpu.memory_space<semaphore_mem>>)
      } else {
      }
      %mul3A_158 = arith.constant 8 : i32
      %mul3A_159 = arith.muli %add3A_50, %mul3A_158 : i32
      %add3A_160 = arith.constant 6 : i32
      %add3A_161 = arith.addi %mul3A_159, %add3A_160 : i32
      %dma_wait3A_162 = arith.constant 0 : i32
      %dma_wait3A_163 = tpu.memref_slice %arg7[%add3A_161, %dma_wait3A_162] : memref<80x128xi32, #tpu.memory_space<vmem>> -> memref<1x128xi32, #tpu.memory_space<vmem>>
      %dma_wait3A_164 = tpu.memref_squeeze %dma_wait3A_163 : memref<1x128xi32, #tpu.memory_space<vmem>> -> memref<128xi32, #tpu.memory_space<vmem>>
      %dma_wait3A_165 = arith.constant 0 : i32
      %dma_wait3A_166 = arith.constant 0 : i32
      %dma_wait3A_167 = tpu.memref_slice %arg2[%dma_wait3A_165, %dma_wait3A_166] : memref<10000x128xf32, #tpu.memory_space<hbm>> -> memref<10000x128xf32, #tpu.memory_space<hbm>>
      tpu.wait_indirect_dma semaphore(%arg13 : memref<!tpu.dma_semaphore, #tpu.memory_space<semaphore_mem>>) src(%dma_wait3A_167 : memref<10000x128xf32, #tpu.memory_space<hbm>>) dst(%arg10 : memref<128x128xf32, #tpu.memory_space<vmem>>)
      %run_scoped3A_168 = arith.constant 6 : i32
      "tpu.region"() ({
        %run_scoped3A_361 = tpu.sem_alloc : memref<!tpu.dma_semaphore, #tpu.memory_space<semaphore_mem>>
        %dma_start3A_362 = arith.constant 0 : i32
        %dma_start3A_363 = tpu.memref_slice %arg8[%run_scoped3A_168, %dma_start3A_362] : memref<8x128xi32, #tpu.memory_space<vmem>> -> memref<1x128xi32, #tpu.memory_space<vmem>>
        %dma_start3A_364 = tpu.memref_squeeze %dma_start3A_363 : memref<1x128xi32, #tpu.memory_space<vmem>> -> memref<128xi32, #tpu.memory_space<vmem>>
        %dma_start3A_365 = arith.constant 0 : i32
        %dma_start3A_366 = arith.constant 0 : i32
        %dma_start3A_367 = tpu.memref_slice %arg12[%dma_start3A_365, %dma_start3A_366] : memref<10240x128xf32, #tpu.memory_space<vmem_shared>> -> memref<10240x128xf32, #tpu.memory_space<vmem_shared>>
        tpu.enqueue_indirect_dma source(%arg10 : memref<128x128xf32, #tpu.memory_space<vmem>>) target(%dma_start3A_367 : memref<10240x128xf32, #tpu.memory_space<vmem_shared>>) offsets(%dma_start3A_364 : memref<128xi32, #tpu.memory_space<vmem>>) semaphore(%run_scoped3A_361 : memref<!tpu.dma_semaphore, #tpu.memory_space<semaphore_mem>>) {add = true}
        %dma_wait3A_368 = arith.constant 0 : i32
        %dma_wait3A_369 = tpu.memref_slice %arg8[%run_scoped3A_168, %dma_wait3A_368] : memref<8x128xi32, #tpu.memory_space<vmem>> -> memref<1x128xi32, #tpu.memory_space<vmem>>
        %dma_wait3A_370 = tpu.memref_squeeze %dma_wait3A_369 : memref<1x128xi32, #tpu.memory_space<vmem>> -> memref<128xi32, #tpu.memory_space<vmem>>
        %dma_wait3A_371 = arith.constant 0 : i32
        %dma_wait3A_372 = arith.constant 0 : i32
        %dma_wait3A_373 = tpu.memref_slice %arg12[%dma_wait3A_371, %dma_wait3A_372] : memref<10240x128xf32, #tpu.memory_space<vmem_shared>> -> memref<10240x128xf32, #tpu.memory_space<vmem_shared>>
        tpu.wait_indirect_dma semaphore(%run_scoped3A_361 : memref<!tpu.dma_semaphore, #tpu.memory_space<semaphore_mem>>) src(%arg10 : memref<128x128xf32, #tpu.memory_space<vmem>>) dst(%dma_wait3A_373 : memref<10240x128xf32, #tpu.memory_space<vmem_shared>>)
        tpu.yield
      }) : () -> ()
      %add3A_169 = arith.constant 2 : i32
      %add3A_170 = arith.addi %add3A_161, %add3A_169 : i32
      %lt3A_171 = arith.constant 80 : i32
      %lt3A_172 = arith.cmpi slt, %add3A_170, %lt3A_171 : i32
      %convert_element_type3A_173 = arith.extui %lt3A_172 : i1 to i32
      %cond3A_174 = arith.constant 0 : i32
      %cond3A_175 = arith.cmpi ne, %convert_element_type3A_173, %cond3A_174 : i32
      scf.if %cond3A_175 {
        %add3A_361 = arith.constant 2 : i32
        %add3A_362 = arith.addi %add3A_161, %add3A_361 : i32
        %dma_start3A_363 = arith.constant 0 : i32
        %dma_start3A_364 = tpu.memref_slice %arg7[%add3A_362, %dma_start3A_363] : memref<80x128xi32, #tpu.memory_space<vmem>> -> memref<1x128xi32, #tpu.memory_space<vmem>>
        %dma_start3A_365 = tpu.memref_squeeze %dma_start3A_364 : memref<1x128xi32, #tpu.memory_space<vmem>> -> memref<128xi32, #tpu.memory_space<vmem>>
        %dma_start3A_366 = arith.constant 0 : i32
        %dma_start3A_367 = arith.constant 0 : i32
        %dma_start3A_368 = tpu.memref_slice %arg2[%dma_start3A_366, %dma_start3A_367] : memref<10000x128xf32, #tpu.memory_space<hbm>> -> memref<10000x128xf32, #tpu.memory_space<hbm>>
        tpu.enqueue_indirect_dma source(%dma_start3A_368 : memref<10000x128xf32, #tpu.memory_space<hbm>>) target(%arg10 : memref<128x128xf32, #tpu.memory_space<vmem>>) offsets(%dma_start3A_365 : memref<128xi32, #tpu.memory_space<vmem>>) semaphore(%arg13 : memref<!tpu.dma_semaphore, #tpu.memory_space<semaphore_mem>>)
      } else {
      }
      %mul3A_176 = arith.constant 8 : i32
      %mul3A_177 = arith.muli %add3A_50, %mul3A_176 : i32
      %add3A_178 = arith.constant 7 : i32
      %add3A_179 = arith.addi %mul3A_177, %add3A_178 : i32
      %dma_wait3A_180 = arith.constant 0 : i32
      %dma_wait3A_181 = tpu.memref_slice %arg7[%add3A_179, %dma_wait3A_180] : memref<80x128xi32, #tpu.memory_space<vmem>> -> memref<1x128xi32, #tpu.memory_space<vmem>>
      %dma_wait3A_182 = tpu.memref_squeeze %dma_wait3A_181 : memref<1x128xi32, #tpu.memory_space<vmem>> -> memref<128xi32, #tpu.memory_space<vmem>>
      %dma_wait3A_183 = arith.constant 0 : i32
      %dma_wait3A_184 = arith.constant 0 : i32
      %dma_wait3A_185 = tpu.memref_slice %arg2[%dma_wait3A_183, %dma_wait3A_184] : memref<10000x128xf32, #tpu.memory_space<hbm>> -> memref<10000x128xf32, #tpu.memory_space<hbm>>
      tpu.wait_indirect_dma semaphore(%arg14 : memref<!tpu.dma_semaphore, #tpu.memory_space<semaphore_mem>>) src(%dma_wait3A_185 : memref<10000x128xf32, #tpu.memory_space<hbm>>) dst(%arg11 : memref<128x128xf32, #tpu.memory_space<vmem>>)
      %run_scoped3A_186 = arith.constant 7 : i32
      "tpu.region"() ({
        %run_scoped3A_361 = tpu.sem_alloc : memref<!tpu.dma_semaphore, #tpu.memory_space<semaphore_mem>>
        %dma_start3A_362 = arith.constant 0 : i32
        %dma_start3A_363 = tpu.memref_slice %arg8[%run_scoped3A_186, %dma_start3A_362] : memref<8x128xi32, #tpu.memory_space<vmem>> -> memref<1x128xi32, #tpu.memory_space<vmem>>
        %dma_start3A_364 = tpu.memref_squeeze %dma_start3A_363 : memref<1x128xi32, #tpu.memory_space<vmem>> -> memref<128xi32, #tpu.memory_space<vmem>>
        %dma_start3A_365 = arith.constant 0 : i32
        %dma_start3A_366 = arith.constant 0 : i32
        %dma_start3A_367 = tpu.memref_slice %arg12[%dma_start3A_365, %dma_start3A_366] : memref<10240x128xf32, #tpu.memory_space<vmem_shared>> -> memref<10240x128xf32, #tpu.memory_space<vmem_shared>>
        tpu.enqueue_indirect_dma source(%arg11 : memref<128x128xf32, #tpu.memory_space<vmem>>) target(%dma_start3A_367 : memref<10240x128xf32, #tpu.memory_space<vmem_shared>>) offsets(%dma_start3A_364 : memref<128xi32, #tpu.memory_space<vmem>>) semaphore(%run_scoped3A_361 : memref<!tpu.dma_semaphore, #tpu.memory_space<semaphore_mem>>) {add = true}
        %dma_wait3A_368 = arith.constant 0 : i32
        %dma_wait3A_369 = tpu.memref_slice %arg8[%run_scoped3A_186, %dma_wait3A_368] : memref<8x128xi32, #tpu.memory_space<vmem>> -> memref<1x128xi32, #tpu.memory_space<vmem>>
        %dma_wait3A_370 = tpu.memref_squeeze %dma_wait3A_369 : memref<1x128xi32, #tpu.memory_space<vmem>> -> memref<128xi32, #tpu.memory_space<vmem>>
        %dma_wait3A_371 = arith.constant 0 : i32
        %dma_wait3A_372 = arith.constant 0 : i32
        %dma_wait3A_373 = tpu.memref_slice %arg12[%dma_wait3A_371, %dma_wait3A_372] : memref<10240x128xf32, #tpu.memory_space<vmem_shared>> -> memref<10240x128xf32, #tpu.memory_space<vmem_shared>>
        tpu.wait_indirect_dma semaphore(%run_scoped3A_361 : memref<!tpu.dma_semaphore, #tpu.memory_space<semaphore_mem>>) src(%arg11 : memref<128x128xf32, #tpu.memory_space<vmem>>) dst(%dma_wait3A_373 : memref<10240x128xf32, #tpu.memory_space<vmem_shared>>)
        tpu.yield
      }) : () -> ()
      %add3A_187 = arith.constant 2 : i32
      %add3A_188 = arith.addi %add3A_179, %add3A_187 : i32
      %lt3A_189 = arith.constant 80 : i32
      %lt3A_190 = arith.cmpi slt, %add3A_188, %lt3A_189 : i32
      %convert_element_type3A_191 = arith.extui %lt3A_190 : i1 to i32
      %cond3A_192 = arith.constant 0 : i32
      %cond3A_193 = arith.cmpi ne, %convert_element_type3A_191, %cond3A_192 : i32
      scf.if %cond3A_193 {
        %add3A_361 = arith.constant 2 : i32
        %add3A_362 = arith.addi %add3A_179, %add3A_361 : i32
        %dma_start3A_363 = arith.constant 0 : i32
        %dma_start3A_364 = tpu.memref_slice %arg7[%add3A_362, %dma_start3A_363] : memref<80x128xi32, #tpu.memory_space<vmem>> -> memref<1x128xi32, #tpu.memory_space<vmem>>
        %dma_start3A_365 = tpu.memref_squeeze %dma_start3A_364 : memref<1x128xi32, #tpu.memory_space<vmem>> -> memref<128xi32, #tpu.memory_space<vmem>>
        %dma_start3A_366 = arith.constant 0 : i32
        %dma_start3A_367 = arith.constant 0 : i32
        %dma_start3A_368 = tpu.memref_slice %arg2[%dma_start3A_366, %dma_start3A_367] : memref<10000x128xf32, #tpu.memory_space<hbm>> -> memref<10000x128xf32, #tpu.memory_space<hbm>>
        tpu.enqueue_indirect_dma source(%dma_start3A_368 : memref<10000x128xf32, #tpu.memory_space<hbm>>) target(%arg11 : memref<128x128xf32, #tpu.memory_space<vmem>>) offsets(%dma_start3A_365 : memref<128xi32, #tpu.memory_space<vmem>>) semaphore(%arg14 : memref<!tpu.dma_semaphore, #tpu.memory_space<semaphore_mem>>)
      } else {
      }
      %add3A_194 = arith.constant 2 : i32
      %add3A_195 = arith.addi %add3A_50, %add3A_194 : i32
      %lt3A_196 = arith.constant 10 : i32
      %lt3A_197 = arith.cmpi slt, %add3A_195, %lt3A_196 : i32
      %convert_element_type3A_198 = arith.extui %lt3A_197 : i1 to i32
      %cond3A_199 = arith.constant 0 : i32
      %cond3A_200 = arith.cmpi ne, %convert_element_type3A_198, %cond3A_199 : i32
      scf.if %cond3A_200 {
        %add3A_361 = arith.addi %mul3A_16, %add3A_50 : i32
        %add3A_362 = arith.constant 2 : i32
        %add3A_363 = arith.addi %add3A_361, %add3A_362 : i32
        %dma_start3A_364 = arith.constant 0 : i32
        %dma_start3A_365 = arith.constant 0 : i32
        %dma_start3A_366 = tpu.memref_slice %arg4[%add3A_363, %dma_start3A_364, %dma_start3A_365] : memref<320x8x128xi32, #tpu.memory_space<hbm>> -> memref<1x8x128xi32, #tpu.memory_space<hbm>>
        %dma_start3A_367 = tpu.memref_squeeze %dma_start3A_366 : memref<1x8x128xi32, #tpu.memory_space<hbm>> -> memref<8x128xi32, #tpu.memory_space<hbm>>
        %dma_start3A_368 = arith.constant 0 : i32
        %dma_start3A_369 = arith.constant 0 : i32
        %dma_start3A_370 = tpu.memref_slice %arg4[%add3A_363, %dma_start3A_368, %dma_start3A_369] : memref<320x8x128xi32, #tpu.memory_space<hbm>> -> memref<1x8x128xi32, #tpu.memory_space<hbm>>
        %dma_start3A_371 = tpu.memref_squeeze %dma_start3A_370 : memref<1x8x128xi32, #tpu.memory_space<hbm>> -> memref<8x128xi32, #tpu.memory_space<hbm>>
        tpu.enqueue_dma source(%dma_start3A_371 : memref<8x128xi32, #tpu.memory_space<hbm>>) target(%arg8 : memref<8x128xi32, #tpu.memory_space<vmem>>) target_semaphore(%arg15 : memref<!tpu.dma_semaphore, #tpu.memory_space<semaphore_mem>>)
      } else {
      }
      %mul3A_201 = arith.constant 2 : i32
      %mul3A_202 = arith.muli %scan3A_46, %mul3A_201 : i32
      %add3A_203 = arith.constant 1 : i32
      %add3A_204 = arith.addi %mul3A_202, %add3A_203 : i32
      %gt3A_205 = arith.constant 0 : i32
      %gt3A_206 = arith.cmpi sgt, %add3A_204, %gt3A_205 : i32
      %convert_element_type3A_207 = arith.extui %gt3A_206 : i1 to i32
      %cond3A_208 = arith.constant 0 : i32
      %cond3A_209 = arith.cmpi ne, %convert_element_type3A_207, %cond3A_208 : i32
      scf.if %cond3A_209 {
        %add3A_361 = arith.addi %mul3A_16, %add3A_204 : i32
        %dma_wait3A_362 = arith.constant 0 : i32
        %dma_wait3A_363 = arith.constant 0 : i32
        %dma_wait3A_364 = tpu.memref_slice %arg4[%add3A_361, %dma_wait3A_362, %dma_wait3A_363] : memref<320x8x128xi32, #tpu.memory_space<hbm>> -> memref<1x8x128xi32, #tpu.memory_space<hbm>>
        %dma_wait3A_365 = tpu.memref_squeeze %dma_wait3A_364 : memref<1x8x128xi32, #tpu.memory_space<hbm>> -> memref<8x128xi32, #tpu.memory_space<hbm>>
        %dma_wait3A_366 = arith.constant 0 : i32
        %dma_wait3A_367 = arith.constant 0 : i32
        %dma_wait3A_368 = tpu.memref_slice %arg4[%add3A_361, %dma_wait3A_366, %dma_wait3A_367] : memref<320x8x128xi32, #tpu.memory_space<hbm>> -> memref<1x8x128xi32, #tpu.memory_space<hbm>>
        %dma_wait3A_369 = tpu.memref_squeeze %dma_wait3A_368 : memref<1x8x128xi32, #tpu.memory_space<hbm>> -> memref<8x128xi32, #tpu.memory_space<hbm>>
        tpu.wait_dma2 semaphore(%arg16 : memref<!tpu.dma_semaphore, #tpu.memory_space<semaphore_mem>>) src(%dma_wait3A_369 : memref<8x128xi32, #tpu.memory_space<hbm>>) dst(%arg9 : memref<8x128xi32, #tpu.memory_space<vmem>>)
      } else {
      }
      %mul3A_210 = arith.constant 8 : i32
      %mul3A_211 = arith.muli %add3A_204, %mul3A_210 : i32
      %add3A_212 = arith.constant 0 : i32
      %add3A_213 = arith.addi %mul3A_211, %add3A_212 : i32
      %dma_wait3A_214 = arith.constant 0 : i32
      %dma_wait3A_215 = tpu.memref_slice %arg7[%add3A_213, %dma_wait3A_214] : memref<80x128xi32, #tpu.memory_space<vmem>> -> memref<1x128xi32, #tpu.memory_space<vmem>>
      %dma_wait3A_216 = tpu.memref_squeeze %dma_wait3A_215 : memref<1x128xi32, #tpu.memory_space<vmem>> -> memref<128xi32, #tpu.memory_space<vmem>>
      %dma_wait3A_217 = arith.constant 0 : i32
      %dma_wait3A_218 = arith.constant 0 : i32
      %dma_wait3A_219 = tpu.memref_slice %arg2[%dma_wait3A_217, %dma_wait3A_218] : memref<10000x128xf32, #tpu.memory_space<hbm>> -> memref<10000x128xf32, #tpu.memory_space<hbm>>
      tpu.wait_indirect_dma semaphore(%arg13 : memref<!tpu.dma_semaphore, #tpu.memory_space<semaphore_mem>>) src(%dma_wait3A_219 : memref<10000x128xf32, #tpu.memory_space<hbm>>) dst(%arg10 : memref<128x128xf32, #tpu.memory_space<vmem>>)
      %run_scoped3A_220 = arith.constant 0 : i32
      "tpu.region"() ({
        %run_scoped3A_361 = tpu.sem_alloc : memref<!tpu.dma_semaphore, #tpu.memory_space<semaphore_mem>>
        %dma_start3A_362 = arith.constant 0 : i32
        %dma_start3A_363 = tpu.memref_slice %arg9[%run_scoped3A_220, %dma_start3A_362] : memref<8x128xi32, #tpu.memory_space<vmem>> -> memref<1x128xi32, #tpu.memory_space<vmem>>
        %dma_start3A_364 = tpu.memref_squeeze %dma_start3A_363 : memref<1x128xi32, #tpu.memory_space<vmem>> -> memref<128xi32, #tpu.memory_space<vmem>>
        %dma_start3A_365 = arith.constant 0 : i32
        %dma_start3A_366 = arith.constant 0 : i32
        %dma_start3A_367 = tpu.memref_slice %arg12[%dma_start3A_365, %dma_start3A_366] : memref<10240x128xf32, #tpu.memory_space<vmem_shared>> -> memref<10240x128xf32, #tpu.memory_space<vmem_shared>>
        tpu.enqueue_indirect_dma source(%arg10 : memref<128x128xf32, #tpu.memory_space<vmem>>) target(%dma_start3A_367 : memref<10240x128xf32, #tpu.memory_space<vmem_shared>>) offsets(%dma_start3A_364 : memref<128xi32, #tpu.memory_space<vmem>>) semaphore(%run_scoped3A_361 : memref<!tpu.dma_semaphore, #tpu.memory_space<semaphore_mem>>) {add = true}
        %dma_wait3A_368 = arith.constant 0 : i32
        %dma_wait3A_369 = tpu.memref_slice %arg9[%run_scoped3A_220, %dma_wait3A_368] : memref<8x128xi32, #tpu.memory_space<vmem>> -> memref<1x128xi32, #tpu.memory_space<vmem>>
        %dma_wait3A_370 = tpu.memref_squeeze %dma_wait3A_369 : memref<1x128xi32, #tpu.memory_space<vmem>> -> memref<128xi32, #tpu.memory_space<vmem>>
        %dma_wait3A_371 = arith.constant 0 : i32
        %dma_wait3A_372 = arith.constant 0 : i32
        %dma_wait3A_373 = tpu.memref_slice %arg12[%dma_wait3A_371, %dma_wait3A_372] : memref<10240x128xf32, #tpu.memory_space<vmem_shared>> -> memref<10240x128xf32, #tpu.memory_space<vmem_shared>>
        tpu.wait_indirect_dma semaphore(%run_scoped3A_361 : memref<!tpu.dma_semaphore, #tpu.memory_space<semaphore_mem>>) src(%arg10 : memref<128x128xf32, #tpu.memory_space<vmem>>) dst(%dma_wait3A_373 : memref<10240x128xf32, #tpu.memory_space<vmem_shared>>)
        tpu.yield
      }) : () -> ()
      %add3A_221 = arith.constant 2 : i32
      %add3A_222 = arith.addi %add3A_213, %add3A_221 : i32
      %lt3A_223 = arith.constant 80 : i32
      %lt3A_224 = arith.cmpi slt, %add3A_222, %lt3A_223 : i32
      %convert_element_type3A_225 = arith.extui %lt3A_224 : i1 to i32
      %cond3A_226 = arith.constant 0 : i32
      %cond3A_227 = arith.cmpi ne, %convert_element_type3A_225, %cond3A_226 : i32
      scf.if %cond3A_227 {
        %add3A_361 = arith.constant 2 : i32
        %add3A_362 = arith.addi %add3A_213, %add3A_361 : i32
        %dma_start3A_363 = arith.constant 0 : i32
        %dma_start3A_364 = tpu.memref_slice %arg7[%add3A_362, %dma_start3A_363] : memref<80x128xi32, #tpu.memory_space<vmem>> -> memref<1x128xi32, #tpu.memory_space<vmem>>
        %dma_start3A_365 = tpu.memref_squeeze %dma_start3A_364 : memref<1x128xi32, #tpu.memory_space<vmem>> -> memref<128xi32, #tpu.memory_space<vmem>>
        %dma_start3A_366 = arith.constant 0 : i32
        %dma_start3A_367 = arith.constant 0 : i32
        %dma_start3A_368 = tpu.memref_slice %arg2[%dma_start3A_366, %dma_start3A_367] : memref<10000x128xf32, #tpu.memory_space<hbm>> -> memref<10000x128xf32, #tpu.memory_space<hbm>>
        tpu.enqueue_indirect_dma source(%dma_start3A_368 : memref<10000x128xf32, #tpu.memory_space<hbm>>) target(%arg10 : memref<128x128xf32, #tpu.memory_space<vmem>>) offsets(%dma_start3A_365 : memref<128xi32, #tpu.memory_space<vmem>>) semaphore(%arg13 : memref<!tpu.dma_semaphore, #tpu.memory_space<semaphore_mem>>)
      } else {
      }
      %mul3A_228 = arith.constant 8 : i32
      %mul3A_229 = arith.muli %add3A_204, %mul3A_228 : i32
      %add3A_230 = arith.constant 1 : i32
      %add3A_231 = arith.addi %mul3A_229, %add3A_230 : i32
      %dma_wait3A_232 = arith.constant 0 : i32
      %dma_wait3A_233 = tpu.memref_slice %arg7[%add3A_231, %dma_wait3A_232] : memref<80x128xi32, #tpu.memory_space<vmem>> -> memref<1x128xi32, #tpu.memory_space<vmem>>
      %dma_wait3A_234 = tpu.memref_squeeze %dma_wait3A_233 : memref<1x128xi32, #tpu.memory_space<vmem>> -> memref<128xi32, #tpu.memory_space<vmem>>
      %dma_wait3A_235 = arith.constant 0 : i32
      %dma_wait3A_236 = arith.constant 0 : i32
      %dma_wait3A_237 = tpu.memref_slice %arg2[%dma_wait3A_235, %dma_wait3A_236] : memref<10000x128xf32, #tpu.memory_space<hbm>> -> memref<10000x128xf32, #tpu.memory_space<hbm>>
      tpu.wait_indirect_dma semaphore(%arg14 : memref<!tpu.dma_semaphore, #tpu.memory_space<semaphore_mem>>) src(%dma_wait3A_237 : memref<10000x128xf32, #tpu.memory_space<hbm>>) dst(%arg11 : memref<128x128xf32, #tpu.memory_space<vmem>>)
      %run_scoped3A_238 = arith.constant 1 : i32
      "tpu.region"() ({
        %run_scoped3A_361 = tpu.sem_alloc : memref<!tpu.dma_semaphore, #tpu.memory_space<semaphore_mem>>
        %dma_start3A_362 = arith.constant 0 : i32
        %dma_start3A_363 = tpu.memref_slice %arg9[%run_scoped3A_238, %dma_start3A_362] : memref<8x128xi32, #tpu.memory_space<vmem>> -> memref<1x128xi32, #tpu.memory_space<vmem>>
        %dma_start3A_364 = tpu.memref_squeeze %dma_start3A_363 : memref<1x128xi32, #tpu.memory_space<vmem>> -> memref<128xi32, #tpu.memory_space<vmem>>
        %dma_start3A_365 = arith.constant 0 : i32
        %dma_start3A_366 = arith.constant 0 : i32
        %dma_start3A_367 = tpu.memref_slice %arg12[%dma_start3A_365, %dma_start3A_366] : memref<10240x128xf32, #tpu.memory_space<vmem_shared>> -> memref<10240x128xf32, #tpu.memory_space<vmem_shared>>
        tpu.enqueue_indirect_dma source(%arg11 : memref<128x128xf32, #tpu.memory_space<vmem>>) target(%dma_start3A_367 : memref<10240x128xf32, #tpu.memory_space<vmem_shared>>) offsets(%dma_start3A_364 : memref<128xi32, #tpu.memory_space<vmem>>) semaphore(%run_scoped3A_361 : memref<!tpu.dma_semaphore, #tpu.memory_space<semaphore_mem>>) {add = true}
        %dma_wait3A_368 = arith.constant 0 : i32
        %dma_wait3A_369 = tpu.memref_slice %arg9[%run_scoped3A_238, %dma_wait3A_368] : memref<8x128xi32, #tpu.memory_space<vmem>> -> memref<1x128xi32, #tpu.memory_space<vmem>>
        %dma_wait3A_370 = tpu.memref_squeeze %dma_wait3A_369 : memref<1x128xi32, #tpu.memory_space<vmem>> -> memref<128xi32, #tpu.memory_space<vmem>>
        %dma_wait3A_371 = arith.constant 0 : i32
        %dma_wait3A_372 = arith.constant 0 : i32
        %dma_wait3A_373 = tpu.memref_slice %arg12[%dma_wait3A_371, %dma_wait3A_372] : memref<10240x128xf32, #tpu.memory_space<vmem_shared>> -> memref<10240x128xf32, #tpu.memory_space<vmem_shared>>
        tpu.wait_indirect_dma semaphore(%run_scoped3A_361 : memref<!tpu.dma_semaphore, #tpu.memory_space<semaphore_mem>>) src(%arg11 : memref<128x128xf32, #tpu.memory_space<vmem>>) dst(%dma_wait3A_373 : memref<10240x128xf32, #tpu.memory_space<vmem_shared>>)
        tpu.yield
      }) : () -> ()
      %add3A_239 = arith.constant 2 : i32
      %add3A_240 = arith.addi %add3A_231, %add3A_239 : i32
      %lt3A_241 = arith.constant 80 : i32
      %lt3A_242 = arith.cmpi slt, %add3A_240, %lt3A_241 : i32
      %convert_element_type3A_243 = arith.extui %lt3A_242 : i1 to i32
      %cond3A_244 = arith.constant 0 : i32
      %cond3A_245 = arith.cmpi ne, %convert_element_type3A_243, %cond3A_244 : i32
      scf.if %cond3A_245 {
        %add3A_361 = arith.constant 2 : i32
        %add3A_362 = arith.addi %add3A_231, %add3A_361 : i32
        %dma_start3A_363 = arith.constant 0 : i32
        %dma_start3A_364 = tpu.memref_slice %arg7[%add3A_362, %dma_start3A_363] : memref<80x128xi32, #tpu.memory_space<vmem>> -> memref<1x128xi32, #tpu.memory_space<vmem>>
        %dma_start3A_365 = tpu.memref_squeeze %dma_start3A_364 : memref<1x128xi32, #tpu.memory_space<vmem>> -> memref<128xi32, #tpu.memory_space<vmem>>
        %dma_start3A_366 = arith.constant 0 : i32
        %dma_start3A_367 = arith.constant 0 : i32
        %dma_start3A_368 = tpu.memref_slice %arg2[%dma_start3A_366, %dma_start3A_367] : memref<10000x128xf32, #tpu.memory_space<hbm>> -> memref<10000x128xf32, #tpu.memory_space<hbm>>
        tpu.enqueue_indirect_dma source(%dma_start3A_368 : memref<10000x128xf32, #tpu.memory_space<hbm>>) target(%arg11 : memref<128x128xf32, #tpu.memory_space<vmem>>) offsets(%dma_start3A_365 : memref<128xi32, #tpu.memory_space<vmem>>) semaphore(%arg14 : memref<!tpu.dma_semaphore, #tpu.memory_space<semaphore_mem>>)
      } else {
      }
      %mul3A_246 = arith.constant 8 : i32
      %mul3A_247 = arith.muli %add3A_204, %mul3A_246 : i32
      %add3A_248 = arith.constant 2 : i32
      %add3A_249 = arith.addi %mul3A_247, %add3A_248 : i32
      %dma_wait3A_250 = arith.constant 0 : i32
      %dma_wait3A_251 = tpu.memref_slice %arg7[%add3A_249, %dma_wait3A_250] : memref<80x128xi32, #tpu.memory_space<vmem>> -> memref<1x128xi32, #tpu.memory_space<vmem>>
      %dma_wait3A_252 = tpu.memref_squeeze %dma_wait3A_251 : memref<1x128xi32, #tpu.memory_space<vmem>> -> memref<128xi32, #tpu.memory_space<vmem>>
      %dma_wait3A_253 = arith.constant 0 : i32
      %dma_wait3A_254 = arith.constant 0 : i32
      %dma_wait3A_255 = tpu.memref_slice %arg2[%dma_wait3A_253, %dma_wait3A_254] : memref<10000x128xf32, #tpu.memory_space<hbm>> -> memref<10000x128xf32, #tpu.memory_space<hbm>>
      tpu.wait_indirect_dma semaphore(%arg13 : memref<!tpu.dma_semaphore, #tpu.memory_space<semaphore_mem>>) src(%dma_wait3A_255 : memref<10000x128xf32, #tpu.memory_space<hbm>>) dst(%arg10 : memref<128x128xf32, #tpu.memory_space<vmem>>)
      %run_scoped3A_256 = arith.constant 2 : i32
      "tpu.region"() ({
        %run_scoped3A_361 = tpu.sem_alloc : memref<!tpu.dma_semaphore, #tpu.memory_space<semaphore_mem>>
        %dma_start3A_362 = arith.constant 0 : i32
        %dma_start3A_363 = tpu.memref_slice %arg9[%run_scoped3A_256, %dma_start3A_362] : memref<8x128xi32, #tpu.memory_space<vmem>> -> memref<1x128xi32, #tpu.memory_space<vmem>>
        %dma_start3A_364 = tpu.memref_squeeze %dma_start3A_363 : memref<1x128xi32, #tpu.memory_space<vmem>> -> memref<128xi32, #tpu.memory_space<vmem>>
        %dma_start3A_365 = arith.constant 0 : i32
        %dma_start3A_366 = arith.constant 0 : i32
        %dma_start3A_367 = tpu.memref_slice %arg12[%dma_start3A_365, %dma_start3A_366] : memref<10240x128xf32, #tpu.memory_space<vmem_shared>> -> memref<10240x128xf32, #tpu.memory_space<vmem_shared>>
        tpu.enqueue_indirect_dma source(%arg10 : memref<128x128xf32, #tpu.memory_space<vmem>>) target(%dma_start3A_367 : memref<10240x128xf32, #tpu.memory_space<vmem_shared>>) offsets(%dma_start3A_364 : memref<128xi32, #tpu.memory_space<vmem>>) semaphore(%run_scoped3A_361 : memref<!tpu.dma_semaphore, #tpu.memory_space<semaphore_mem>>) {add = true}
        %dma_wait3A_368 = arith.constant 0 : i32
        %dma_wait3A_369 = tpu.memref_slice %arg9[%run_scoped3A_256, %dma_wait3A_368] : memref<8x128xi32, #tpu.memory_space<vmem>> -> memref<1x128xi32, #tpu.memory_space<vmem>>
        %dma_wait3A_370 = tpu.memref_squeeze %dma_wait3A_369 : memref<1x128xi32, #tpu.memory_space<vmem>> -> memref<128xi32, #tpu.memory_space<vmem>>
        %dma_wait3A_371 = arith.constant 0 : i32
        %dma_wait3A_372 = arith.constant 0 : i32
        %dma_wait3A_373 = tpu.memref_slice %arg12[%dma_wait3A_371, %dma_wait3A_372] : memref<10240x128xf32, #tpu.memory_space<vmem_shared>> -> memref<10240x128xf32, #tpu.memory_space<vmem_shared>>
        tpu.wait_indirect_dma semaphore(%run_scoped3A_361 : memref<!tpu.dma_semaphore, #tpu.memory_space<semaphore_mem>>) src(%arg10 : memref<128x128xf32, #tpu.memory_space<vmem>>) dst(%dma_wait3A_373 : memref<10240x128xf32, #tpu.memory_space<vmem_shared>>)
        tpu.yield
      }) : () -> ()
      %add3A_257 = arith.constant 2 : i32
      %add3A_258 = arith.addi %add3A_249, %add3A_257 : i32
      %lt3A_259 = arith.constant 80 : i32
      %lt3A_260 = arith.cmpi slt, %add3A_258, %lt3A_259 : i32
      %convert_element_type3A_261 = arith.extui %lt3A_260 : i1 to i32
      %cond3A_262 = arith.constant 0 : i32
      %cond3A_263 = arith.cmpi ne, %convert_element_type3A_261, %cond3A_262 : i32
      scf.if %cond3A_263 {
        %add3A_361 = arith.constant 2 : i32
        %add3A_362 = arith.addi %add3A_249, %add3A_361 : i32
        %dma_start3A_363 = arith.constant 0 : i32
        %dma_start3A_364 = tpu.memref_slice %arg7[%add3A_362, %dma_start3A_363] : memref<80x128xi32, #tpu.memory_space<vmem>> -> memref<1x128xi32, #tpu.memory_space<vmem>>
        %dma_start3A_365 = tpu.memref_squeeze %dma_start3A_364 : memref<1x128xi32, #tpu.memory_space<vmem>> -> memref<128xi32, #tpu.memory_space<vmem>>
        %dma_start3A_366 = arith.constant 0 : i32
        %dma_start3A_367 = arith.constant 0 : i32
        %dma_start3A_368 = tpu.memref_slice %arg2[%dma_start3A_366, %dma_start3A_367] : memref<10000x128xf32, #tpu.memory_space<hbm>> -> memref<10000x128xf32, #tpu.memory_space<hbm>>
        tpu.enqueue_indirect_dma source(%dma_start3A_368 : memref<10000x128xf32, #tpu.memory_space<hbm>>) target(%arg10 : memref<128x128xf32, #tpu.memory_space<vmem>>) offsets(%dma_start3A_365 : memref<128xi32, #tpu.memory_space<vmem>>) semaphore(%arg13 : memref<!tpu.dma_semaphore, #tpu.memory_space<semaphore_mem>>)
      } else {
      }
      %mul3A_264 = arith.constant 8 : i32
      %mul3A_265 = arith.muli %add3A_204, %mul3A_264 : i32
      %add3A_266 = arith.constant 3 : i32
      %add3A_267 = arith.addi %mul3A_265, %add3A_266 : i32
      %dma_wait3A_268 = arith.constant 0 : i32
      %dma_wait3A_269 = tpu.memref_slice %arg7[%add3A_267, %dma_wait3A_268] : memref<80x128xi32, #tpu.memory_space<vmem>> -> memref<1x128xi32, #tpu.memory_space<vmem>>
      %dma_wait3A_270 = tpu.memref_squeeze %dma_wait3A_269 : memref<1x128xi32, #tpu.memory_space<vmem>> -> memref<128xi32, #tpu.memory_space<vmem>>
      %dma_wait3A_271 = arith.constant 0 : i32
      %dma_wait3A_272 = arith.constant 0 : i32
      %dma_wait3A_273 = tpu.memref_slice %arg2[%dma_wait3A_271, %dma_wait3A_272] : memref<10000x128xf32, #tpu.memory_space<hbm>> -> memref<10000x128xf32, #tpu.memory_space<hbm>>
      tpu.wait_indirect_dma semaphore(%arg14 : memref<!tpu.dma_semaphore, #tpu.memory_space<semaphore_mem>>) src(%dma_wait3A_273 : memref<10000x128xf32, #tpu.memory_space<hbm>>) dst(%arg11 : memref<128x128xf32, #tpu.memory_space<vmem>>)
      %run_scoped3A_274 = arith.constant 3 : i32
      "tpu.region"() ({
        %run_scoped3A_361 = tpu.sem_alloc : memref<!tpu.dma_semaphore, #tpu.memory_space<semaphore_mem>>
        %dma_start3A_362 = arith.constant 0 : i32
        %dma_start3A_363 = tpu.memref_slice %arg9[%run_scoped3A_274, %dma_start3A_362] : memref<8x128xi32, #tpu.memory_space<vmem>> -> memref<1x128xi32, #tpu.memory_space<vmem>>
        %dma_start3A_364 = tpu.memref_squeeze %dma_start3A_363 : memref<1x128xi32, #tpu.memory_space<vmem>> -> memref<128xi32, #tpu.memory_space<vmem>>
        %dma_start3A_365 = arith.constant 0 : i32
        %dma_start3A_366 = arith.constant 0 : i32
        %dma_start3A_367 = tpu.memref_slice %arg12[%dma_start3A_365, %dma_start3A_366] : memref<10240x128xf32, #tpu.memory_space<vmem_shared>> -> memref<10240x128xf32, #tpu.memory_space<vmem_shared>>
        tpu.enqueue_indirect_dma source(%arg11 : memref<128x128xf32, #tpu.memory_space<vmem>>) target(%dma_start3A_367 : memref<10240x128xf32, #tpu.memory_space<vmem_shared>>) offsets(%dma_start3A_364 : memref<128xi32, #tpu.memory_space<vmem>>) semaphore(%run_scoped3A_361 : memref<!tpu.dma_semaphore, #tpu.memory_space<semaphore_mem>>) {add = true}
        %dma_wait3A_368 = arith.constant 0 : i32
        %dma_wait3A_369 = tpu.memref_slice %arg9[%run_scoped3A_274, %dma_wait3A_368] : memref<8x128xi32, #tpu.memory_space<vmem>> -> memref<1x128xi32, #tpu.memory_space<vmem>>
        %dma_wait3A_370 = tpu.memref_squeeze %dma_wait3A_369 : memref<1x128xi32, #tpu.memory_space<vmem>> -> memref<128xi32, #tpu.memory_space<vmem>>
        %dma_wait3A_371 = arith.constant 0 : i32
        %dma_wait3A_372 = arith.constant 0 : i32
        %dma_wait3A_373 = tpu.memref_slice %arg12[%dma_wait3A_371, %dma_wait3A_372] : memref<10240x128xf32, #tpu.memory_space<vmem_shared>> -> memref<10240x128xf32, #tpu.memory_space<vmem_shared>>
        tpu.wait_indirect_dma semaphore(%run_scoped3A_361 : memref<!tpu.dma_semaphore, #tpu.memory_space<semaphore_mem>>) src(%arg11 : memref<128x128xf32, #tpu.memory_space<vmem>>) dst(%dma_wait3A_373 : memref<10240x128xf32, #tpu.memory_space<vmem_shared>>)
        tpu.yield
      }) : () -> ()
      %add3A_275 = arith.constant 2 : i32
      %add3A_276 = arith.addi %add3A_267, %add3A_275 : i32
      %lt3A_277 = arith.constant 80 : i32
      %lt3A_278 = arith.cmpi slt, %add3A_276, %lt3A_277 : i32
      %convert_element_type3A_279 = arith.extui %lt3A_278 : i1 to i32
      %cond3A_280 = arith.constant 0 : i32
      %cond3A_281 = arith.cmpi ne, %convert_element_type3A_279, %cond3A_280 : i32
      scf.if %cond3A_281 {
        %add3A_361 = arith.constant 2 : i32
        %add3A_362 = arith.addi %add3A_267, %add3A_361 : i32
        %dma_start3A_363 = arith.constant 0 : i32
        %dma_start3A_364 = tpu.memref_slice %arg7[%add3A_362, %dma_start3A_363] : memref<80x128xi32, #tpu.memory_space<vmem>> -> memref<1x128xi32, #tpu.memory_space<vmem>>
        %dma_start3A_365 = tpu.memref_squeeze %dma_start3A_364 : memref<1x128xi32, #tpu.memory_space<vmem>> -> memref<128xi32, #tpu.memory_space<vmem>>
        %dma_start3A_366 = arith.constant 0 : i32
        %dma_start3A_367 = arith.constant 0 : i32
        %dma_start3A_368 = tpu.memref_slice %arg2[%dma_start3A_366, %dma_start3A_367] : memref<10000x128xf32, #tpu.memory_space<hbm>> -> memref<10000x128xf32, #tpu.memory_space<hbm>>
        tpu.enqueue_indirect_dma source(%dma_start3A_368 : memref<10000x128xf32, #tpu.memory_space<hbm>>) target(%arg11 : memref<128x128xf32, #tpu.memory_space<vmem>>) offsets(%dma_start3A_365 : memref<128xi32, #tpu.memory_space<vmem>>) semaphore(%arg14 : memref<!tpu.dma_semaphore, #tpu.memory_space<semaphore_mem>>)
      } else {
      }
      %mul3A_282 = arith.constant 8 : i32
      %mul3A_283 = arith.muli %add3A_204, %mul3A_282 : i32
      %add3A_284 = arith.constant 4 : i32
      %add3A_285 = arith.addi %mul3A_283, %add3A_284 : i32
      %dma_wait3A_286 = arith.constant 0 : i32
      %dma_wait3A_287 = tpu.memref_slice %arg7[%add3A_285, %dma_wait3A_286] : memref<80x128xi32, #tpu.memory_space<vmem>> -> memref<1x128xi32, #tpu.memory_space<vmem>>
      %dma_wait3A_288 = tpu.memref_squeeze %dma_wait3A_287 : memref<1x128xi32, #tpu.memory_space<vmem>> -> memref<128xi32, #tpu.memory_space<vmem>>
      %dma_wait3A_289 = arith.constant 0 : i32
      %dma_wait3A_290 = arith.constant 0 : i32
      %dma_wait3A_291 = tpu.memref_slice %arg2[%dma_wait3A_289, %dma_wait3A_290] : memref<10000x128xf32, #tpu.memory_space<hbm>> -> memref<10000x128xf32, #tpu.memory_space<hbm>>
      tpu.wait_indirect_dma semaphore(%arg13 : memref<!tpu.dma_semaphore, #tpu.memory_space<semaphore_mem>>) src(%dma_wait3A_291 : memref<10000x128xf32, #tpu.memory_space<hbm>>) dst(%arg10 : memref<128x128xf32, #tpu.memory_space<vmem>>)
      %run_scoped3A_292 = arith.constant 4 : i32
      "tpu.region"() ({
        %run_scoped3A_361 = tpu.sem_alloc : memref<!tpu.dma_semaphore, #tpu.memory_space<semaphore_mem>>
        %dma_start3A_362 = arith.constant 0 : i32
        %dma_start3A_363 = tpu.memref_slice %arg9[%run_scoped3A_292, %dma_start3A_362] : memref<8x128xi32, #tpu.memory_space<vmem>> -> memref<1x128xi32, #tpu.memory_space<vmem>>
        %dma_start3A_364 = tpu.memref_squeeze %dma_start3A_363 : memref<1x128xi32, #tpu.memory_space<vmem>> -> memref<128xi32, #tpu.memory_space<vmem>>
        %dma_start3A_365 = arith.constant 0 : i32
        %dma_start3A_366 = arith.constant 0 : i32
        %dma_start3A_367 = tpu.memref_slice %arg12[%dma_start3A_365, %dma_start3A_366] : memref<10240x128xf32, #tpu.memory_space<vmem_shared>> -> memref<10240x128xf32, #tpu.memory_space<vmem_shared>>
        tpu.enqueue_indirect_dma source(%arg10 : memref<128x128xf32, #tpu.memory_space<vmem>>) target(%dma_start3A_367 : memref<10240x128xf32, #tpu.memory_space<vmem_shared>>) offsets(%dma_start3A_364 : memref<128xi32, #tpu.memory_space<vmem>>) semaphore(%run_scoped3A_361 : memref<!tpu.dma_semaphore, #tpu.memory_space<semaphore_mem>>) {add = true}
        %dma_wait3A_368 = arith.constant 0 : i32
        %dma_wait3A_369 = tpu.memref_slice %arg9[%run_scoped3A_292, %dma_wait3A_368] : memref<8x128xi32, #tpu.memory_space<vmem>> -> memref<1x128xi32, #tpu.memory_space<vmem>>
        %dma_wait3A_370 = tpu.memref_squeeze %dma_wait3A_369 : memref<1x128xi32, #tpu.memory_space<vmem>> -> memref<128xi32, #tpu.memory_space<vmem>>
        %dma_wait3A_371 = arith.constant 0 : i32
        %dma_wait3A_372 = arith.constant 0 : i32
        %dma_wait3A_373 = tpu.memref_slice %arg12[%dma_wait3A_371, %dma_wait3A_372] : memref<10240x128xf32, #tpu.memory_space<vmem_shared>> -> memref<10240x128xf32, #tpu.memory_space<vmem_shared>>
        tpu.wait_indirect_dma semaphore(%run_scoped3A_361 : memref<!tpu.dma_semaphore, #tpu.memory_space<semaphore_mem>>) src(%arg10 : memref<128x128xf32, #tpu.memory_space<vmem>>) dst(%dma_wait3A_373 : memref<10240x128xf32, #tpu.memory_space<vmem_shared>>)
        tpu.yield
      }) : () -> ()
      %add3A_293 = arith.constant 2 : i32
      %add3A_294 = arith.addi %add3A_285, %add3A_293 : i32
      %lt3A_295 = arith.constant 80 : i32
      %lt3A_296 = arith.cmpi slt, %add3A_294, %lt3A_295 : i32
      %convert_element_type3A_297 = arith.extui %lt3A_296 : i1 to i32
      %cond3A_298 = arith.constant 0 : i32
      %cond3A_299 = arith.cmpi ne, %convert_element_type3A_297, %cond3A_298 : i32
      scf.if %cond3A_299 {
        %add3A_361 = arith.constant 2 : i32
        %add3A_362 = arith.addi %add3A_285, %add3A_361 : i32
        %dma_start3A_363 = arith.constant 0 : i32
        %dma_start3A_364 = tpu.memref_slice %arg7[%add3A_362, %dma_start3A_363] : memref<80x128xi32, #tpu.memory_space<vmem>> -> memref<1x128xi32, #tpu.memory_space<vmem>>
        %dma_start3A_365 = tpu.memref_squeeze %dma_start3A_364 : memref<1x128xi32, #tpu.memory_space<vmem>> -> memref<128xi32, #tpu.memory_space<vmem>>
        %dma_start3A_366 = arith.constant 0 : i32
        %dma_start3A_367 = arith.constant 0 : i32
        %dma_start3A_368 = tpu.memref_slice %arg2[%dma_start3A_366, %dma_start3A_367] : memref<10000x128xf32, #tpu.memory_space<hbm>> -> memref<10000x128xf32, #tpu.memory_space<hbm>>
        tpu.enqueue_indirect_dma source(%dma_start3A_368 : memref<10000x128xf32, #tpu.memory_space<hbm>>) target(%arg10 : memref<128x128xf32, #tpu.memory_space<vmem>>) offsets(%dma_start3A_365 : memref<128xi32, #tpu.memory_space<vmem>>) semaphore(%arg13 : memref<!tpu.dma_semaphore, #tpu.memory_space<semaphore_mem>>)
      } else {
      }
      %mul3A_300 = arith.constant 8 : i32
      %mul3A_301 = arith.muli %add3A_204, %mul3A_300 : i32
      %add3A_302 = arith.constant 5 : i32
      %add3A_303 = arith.addi %mul3A_301, %add3A_302 : i32
      %dma_wait3A_304 = arith.constant 0 : i32
      %dma_wait3A_305 = tpu.memref_slice %arg7[%add3A_303, %dma_wait3A_304] : memref<80x128xi32, #tpu.memory_space<vmem>> -> memref<1x128xi32, #tpu.memory_space<vmem>>
      %dma_wait3A_306 = tpu.memref_squeeze %dma_wait3A_305 : memref<1x128xi32, #tpu.memory_space<vmem>> -> memref<128xi32, #tpu.memory_space<vmem>>
      %dma_wait3A_307 = arith.constant 0 : i32
      %dma_wait3A_308 = arith.constant 0 : i32
      %dma_wait3A_309 = tpu.memref_slice %arg2[%dma_wait3A_307, %dma_wait3A_308] : memref<10000x128xf32, #tpu.memory_space<hbm>> -> memref<10000x128xf32, #tpu.memory_space<hbm>>
      tpu.wait_indirect_dma semaphore(%arg14 : memref<!tpu.dma_semaphore, #tpu.memory_space<semaphore_mem>>) src(%dma_wait3A_309 : memref<10000x128xf32, #tpu.memory_space<hbm>>) dst(%arg11 : memref<128x128xf32, #tpu.memory_space<vmem>>)
      %run_scoped3A_310 = arith.constant 5 : i32
      "tpu.region"() ({
        %run_scoped3A_361 = tpu.sem_alloc : memref<!tpu.dma_semaphore, #tpu.memory_space<semaphore_mem>>
        %dma_start3A_362 = arith.constant 0 : i32
        %dma_start3A_363 = tpu.memref_slice %arg9[%run_scoped3A_310, %dma_start3A_362] : memref<8x128xi32, #tpu.memory_space<vmem>> -> memref<1x128xi32, #tpu.memory_space<vmem>>
        %dma_start3A_364 = tpu.memref_squeeze %dma_start3A_363 : memref<1x128xi32, #tpu.memory_space<vmem>> -> memref<128xi32, #tpu.memory_space<vmem>>
        %dma_start3A_365 = arith.constant 0 : i32
        %dma_start3A_366 = arith.constant 0 : i32
        %dma_start3A_367 = tpu.memref_slice %arg12[%dma_start3A_365, %dma_start3A_366] : memref<10240x128xf32, #tpu.memory_space<vmem_shared>> -> memref<10240x128xf32, #tpu.memory_space<vmem_shared>>
        tpu.enqueue_indirect_dma source(%arg11 : memref<128x128xf32, #tpu.memory_space<vmem>>) target(%dma_start3A_367 : memref<10240x128xf32, #tpu.memory_space<vmem_shared>>) offsets(%dma_start3A_364 : memref<128xi32, #tpu.memory_space<vmem>>) semaphore(%run_scoped3A_361 : memref<!tpu.dma_semaphore, #tpu.memory_space<semaphore_mem>>) {add = true}
        %dma_wait3A_368 = arith.constant 0 : i32
        %dma_wait3A_369 = tpu.memref_slice %arg9[%run_scoped3A_310, %dma_wait3A_368] : memref<8x128xi32, #tpu.memory_space<vmem>> -> memref<1x128xi32, #tpu.memory_space<vmem>>
        %dma_wait3A_370 = tpu.memref_squeeze %dma_wait3A_369 : memref<1x128xi32, #tpu.memory_space<vmem>> -> memref<128xi32, #tpu.memory_space<vmem>>
        %dma_wait3A_371 = arith.constant 0 : i32
        %dma_wait3A_372 = arith.constant 0 : i32
        %dma_wait3A_373 = tpu.memref_slice %arg12[%dma_wait3A_371, %dma_wait3A_372] : memref<10240x128xf32, #tpu.memory_space<vmem_shared>> -> memref<10240x128xf32, #tpu.memory_space<vmem_shared>>
        tpu.wait_indirect_dma semaphore(%run_scoped3A_361 : memref<!tpu.dma_semaphore, #tpu.memory_space<semaphore_mem>>) src(%arg11 : memref<128x128xf32, #tpu.memory_space<vmem>>) dst(%dma_wait3A_373 : memref<10240x128xf32, #tpu.memory_space<vmem_shared>>)
        tpu.yield
      }) : () -> ()
      %add3A_311 = arith.constant 2 : i32
      %add3A_312 = arith.addi %add3A_303, %add3A_311 : i32
      %lt3A_313 = arith.constant 80 : i32
      %lt3A_314 = arith.cmpi slt, %add3A_312, %lt3A_313 : i32
      %convert_element_type3A_315 = arith.extui %lt3A_314 : i1 to i32
      %cond3A_316 = arith.constant 0 : i32
      %cond3A_317 = arith.cmpi ne, %convert_element_type3A_315, %cond3A_316 : i32
      scf.if %cond3A_317 {
        %add3A_361 = arith.constant 2 : i32
        %add3A_362 = arith.addi %add3A_303, %add3A_361 : i32
        %dma_start3A_363 = arith.constant 0 : i32
        %dma_start3A_364 = tpu.memref_slice %arg7[%add3A_362, %dma_start3A_363] : memref<80x128xi32, #tpu.memory_space<vmem>> -> memref<1x128xi32, #tpu.memory_space<vmem>>
        %dma_start3A_365 = tpu.memref_squeeze %dma_start3A_364 : memref<1x128xi32, #tpu.memory_space<vmem>> -> memref<128xi32, #tpu.memory_space<vmem>>
        %dma_start3A_366 = arith.constant 0 : i32
        %dma_start3A_367 = arith.constant 0 : i32
        %dma_start3A_368 = tpu.memref_slice %arg2[%dma_start3A_366, %dma_start3A_367] : memref<10000x128xf32, #tpu.memory_space<hbm>> -> memref<10000x128xf32, #tpu.memory_space<hbm>>
        tpu.enqueue_indirect_dma source(%dma_start3A_368 : memref<10000x128xf32, #tpu.memory_space<hbm>>) target(%arg11 : memref<128x128xf32, #tpu.memory_space<vmem>>) offsets(%dma_start3A_365 : memref<128xi32, #tpu.memory_space<vmem>>) semaphore(%arg14 : memref<!tpu.dma_semaphore, #tpu.memory_space<semaphore_mem>>)
      } else {
      }
      %mul3A_318 = arith.constant 8 : i32
      %mul3A_319 = arith.muli %add3A_204, %mul3A_318 : i32
      %add3A_320 = arith.constant 6 : i32
      %add3A_321 = arith.addi %mul3A_319, %add3A_320 : i32
      %dma_wait3A_322 = arith.constant 0 : i32
      %dma_wait3A_323 = tpu.memref_slice %arg7[%add3A_321, %dma_wait3A_322] : memref<80x128xi32, #tpu.memory_space<vmem>> -> memref<1x128xi32, #tpu.memory_space<vmem>>
      %dma_wait3A_324 = tpu.memref_squeeze %dma_wait3A_323 : memref<1x128xi32, #tpu.memory_space<vmem>> -> memref<128xi32, #tpu.memory_space<vmem>>
      %dma_wait3A_325 = arith.constant 0 : i32
      %dma_wait3A_326 = arith.constant 0 : i32
      %dma_wait3A_327 = tpu.memref_slice %arg2[%dma_wait3A_325, %dma_wait3A_326] : memref<10000x128xf32, #tpu.memory_space<hbm>> -> memref<10000x128xf32, #tpu.memory_space<hbm>>
      tpu.wait_indirect_dma semaphore(%arg13 : memref<!tpu.dma_semaphore, #tpu.memory_space<semaphore_mem>>) src(%dma_wait3A_327 : memref<10000x128xf32, #tpu.memory_space<hbm>>) dst(%arg10 : memref<128x128xf32, #tpu.memory_space<vmem>>)
      %run_scoped3A_328 = arith.constant 6 : i32
      "tpu.region"() ({
        %run_scoped3A_361 = tpu.sem_alloc : memref<!tpu.dma_semaphore, #tpu.memory_space<semaphore_mem>>
        %dma_start3A_362 = arith.constant 0 : i32
        %dma_start3A_363 = tpu.memref_slice %arg9[%run_scoped3A_328, %dma_start3A_362] : memref<8x128xi32, #tpu.memory_space<vmem>> -> memref<1x128xi32, #tpu.memory_space<vmem>>
        %dma_start3A_364 = tpu.memref_squeeze %dma_start3A_363 : memref<1x128xi32, #tpu.memory_space<vmem>> -> memref<128xi32, #tpu.memory_space<vmem>>
        %dma_start3A_365 = arith.constant 0 : i32
        %dma_start3A_366 = arith.constant 0 : i32
        %dma_start3A_367 = tpu.memref_slice %arg12[%dma_start3A_365, %dma_start3A_366] : memref<10240x128xf32, #tpu.memory_space<vmem_shared>> -> memref<10240x128xf32, #tpu.memory_space<vmem_shared>>
        tpu.enqueue_indirect_dma source(%arg10 : memref<128x128xf32, #tpu.memory_space<vmem>>) target(%dma_start3A_367 : memref<10240x128xf32, #tpu.memory_space<vmem_shared>>) offsets(%dma_start3A_364 : memref<128xi32, #tpu.memory_space<vmem>>) semaphore(%run_scoped3A_361 : memref<!tpu.dma_semaphore, #tpu.memory_space<semaphore_mem>>) {add = true}
        %dma_wait3A_368 = arith.constant 0 : i32
        %dma_wait3A_369 = tpu.memref_slice %arg9[%run_scoped3A_328, %dma_wait3A_368] : memref<8x128xi32, #tpu.memory_space<vmem>> -> memref<1x128xi32, #tpu.memory_space<vmem>>
        %dma_wait3A_370 = tpu.memref_squeeze %dma_wait3A_369 : memref<1x128xi32, #tpu.memory_space<vmem>> -> memref<128xi32, #tpu.memory_space<vmem>>
        %dma_wait3A_371 = arith.constant 0 : i32
        %dma_wait3A_372 = arith.constant 0 : i32
        %dma_wait3A_373 = tpu.memref_slice %arg12[%dma_wait3A_371, %dma_wait3A_372] : memref<10240x128xf32, #tpu.memory_space<vmem_shared>> -> memref<10240x128xf32, #tpu.memory_space<vmem_shared>>
        tpu.wait_indirect_dma semaphore(%run_scoped3A_361 : memref<!tpu.dma_semaphore, #tpu.memory_space<semaphore_mem>>) src(%arg10 : memref<128x128xf32, #tpu.memory_space<vmem>>) dst(%dma_wait3A_373 : memref<10240x128xf32, #tpu.memory_space<vmem_shared>>)
        tpu.yield
      }) : () -> ()
      %add3A_329 = arith.constant 2 : i32
      %add3A_330 = arith.addi %add3A_321, %add3A_329 : i32
      %lt3A_331 = arith.constant 80 : i32
      %lt3A_332 = arith.cmpi slt, %add3A_330, %lt3A_331 : i32
      %convert_element_type3A_333 = arith.extui %lt3A_332 : i1 to i32
      %cond3A_334 = arith.constant 0 : i32
      %cond3A_335 = arith.cmpi ne, %convert_element_type3A_333, %cond3A_334 : i32
      scf.if %cond3A_335 {
        %add3A_361 = arith.constant 2 : i32
        %add3A_362 = arith.addi %add3A_321, %add3A_361 : i32
        %dma_start3A_363 = arith.constant 0 : i32
        %dma_start3A_364 = tpu.memref_slice %arg7[%add3A_362, %dma_start3A_363] : memref<80x128xi32, #tpu.memory_space<vmem>> -> memref<1x128xi32, #tpu.memory_space<vmem>>
        %dma_start3A_365 = tpu.memref_squeeze %dma_start3A_364 : memref<1x128xi32, #tpu.memory_space<vmem>> -> memref<128xi32, #tpu.memory_space<vmem>>
        %dma_start3A_366 = arith.constant 0 : i32
        %dma_start3A_367 = arith.constant 0 : i32
        %dma_start3A_368 = tpu.memref_slice %arg2[%dma_start3A_366, %dma_start3A_367] : memref<10000x128xf32, #tpu.memory_space<hbm>> -> memref<10000x128xf32, #tpu.memory_space<hbm>>
        tpu.enqueue_indirect_dma source(%dma_start3A_368 : memref<10000x128xf32, #tpu.memory_space<hbm>>) target(%arg10 : memref<128x128xf32, #tpu.memory_space<vmem>>) offsets(%dma_start3A_365 : memref<128xi32, #tpu.memory_space<vmem>>) semaphore(%arg13 : memref<!tpu.dma_semaphore, #tpu.memory_space<semaphore_mem>>)
      } else {
      }
      %mul3A_336 = arith.constant 8 : i32
      %mul3A_337 = arith.muli %add3A_204, %mul3A_336 : i32
      %add3A_338 = arith.constant 7 : i32
      %add3A_339 = arith.addi %mul3A_337, %add3A_338 : i32
      %dma_wait3A_340 = arith.constant 0 : i32
      %dma_wait3A_341 = tpu.memref_slice %arg7[%add3A_339, %dma_wait3A_340] : memref<80x128xi32, #tpu.memory_space<vmem>> -> memref<1x128xi32, #tpu.memory_space<vmem>>
      %dma_wait3A_342 = tpu.memref_squeeze %dma_wait3A_341 : memref<1x128xi32, #tpu.memory_space<vmem>> -> memref<128xi32, #tpu.memory_space<vmem>>
      %dma_wait3A_343 = arith.constant 0 : i32
      %dma_wait3A_344 = arith.constant 0 : i32
      %dma_wait3A_345 = tpu.memref_slice %arg2[%dma_wait3A_343, %dma_wait3A_344] : memref<10000x128xf32, #tpu.memory_space<hbm>> -> memref<10000x128xf32, #tpu.memory_space<hbm>>
      tpu.wait_indirect_dma semaphore(%arg14 : memref<!tpu.dma_semaphore, #tpu.memory_space<semaphore_mem>>) src(%dma_wait3A_345 : memref<10000x128xf32, #tpu.memory_space<hbm>>) dst(%arg11 : memref<128x128xf32, #tpu.memory_space<vmem>>)
      %run_scoped3A_346 = arith.constant 7 : i32
      "tpu.region"() ({
        %run_scoped3A_361 = tpu.sem_alloc : memref<!tpu.dma_semaphore, #tpu.memory_space<semaphore_mem>>
        %dma_start3A_362 = arith.constant 0 : i32
        %dma_start3A_363 = tpu.memref_slice %arg9[%run_scoped3A_346, %dma_start3A_362] : memref<8x128xi32, #tpu.memory_space<vmem>> -> memref<1x128xi32, #tpu.memory_space<vmem>>
        %dma_start3A_364 = tpu.memref_squeeze %dma_start3A_363 : memref<1x128xi32, #tpu.memory_space<vmem>> -> memref<128xi32, #tpu.memory_space<vmem>>
        %dma_start3A_365 = arith.constant 0 : i32
        %dma_start3A_366 = arith.constant 0 : i32
        %dma_start3A_367 = tpu.memref_slice %arg12[%dma_start3A_365, %dma_start3A_366] : memref<10240x128xf32, #tpu.memory_space<vmem_shared>> -> memref<10240x128xf32, #tpu.memory_space<vmem_shared>>
        tpu.enqueue_indirect_dma source(%arg11 : memref<128x128xf32, #tpu.memory_space<vmem>>) target(%dma_start3A_367 : memref<10240x128xf32, #tpu.memory_space<vmem_shared>>) offsets(%dma_start3A_364 : memref<128xi32, #tpu.memory_space<vmem>>) semaphore(%run_scoped3A_361 : memref<!tpu.dma_semaphore, #tpu.memory_space<semaphore_mem>>) {add = true}
        %dma_wait3A_368 = arith.constant 0 : i32
        %dma_wait3A_369 = tpu.memref_slice %arg9[%run_scoped3A_346, %dma_wait3A_368] : memref<8x128xi32, #tpu.memory_space<vmem>> -> memref<1x128xi32, #tpu.memory_space<vmem>>
        %dma_wait3A_370 = tpu.memref_squeeze %dma_wait3A_369 : memref<1x128xi32, #tpu.memory_space<vmem>> -> memref<128xi32, #tpu.memory_space<vmem>>
        %dma_wait3A_371 = arith.constant 0 : i32
        %dma_wait3A_372 = arith.constant 0 : i32
        %dma_wait3A_373 = tpu.memref_slice %arg12[%dma_wait3A_371, %dma_wait3A_372] : memref<10240x128xf32, #tpu.memory_space<vmem_shared>> -> memref<10240x128xf32, #tpu.memory_space<vmem_shared>>
        tpu.wait_indirect_dma semaphore(%run_scoped3A_361 : memref<!tpu.dma_semaphore, #tpu.memory_space<semaphore_mem>>) src(%arg11 : memref<128x128xf32, #tpu.memory_space<vmem>>) dst(%dma_wait3A_373 : memref<10240x128xf32, #tpu.memory_space<vmem_shared>>)
        tpu.yield
      }) : () -> ()
      %add3A_347 = arith.constant 2 : i32
      %add3A_348 = arith.addi %add3A_339, %add3A_347 : i32
      %lt3A_349 = arith.constant 80 : i32
      %lt3A_350 = arith.cmpi slt, %add3A_348, %lt3A_349 : i32
      %convert_element_type3A_351 = arith.extui %lt3A_350 : i1 to i32
      %cond3A_352 = arith.constant 0 : i32
      %cond3A_353 = arith.cmpi ne, %convert_element_type3A_351, %cond3A_352 : i32
      scf.if %cond3A_353 {
        %add3A_361 = arith.constant 2 : i32
        %add3A_362 = arith.addi %add3A_339, %add3A_361 : i32
        %dma_start3A_363 = arith.constant 0 : i32
        %dma_start3A_364 = tpu.memref_slice %arg7[%add3A_362, %dma_start3A_363] : memref<80x128xi32, #tpu.memory_space<vmem>> -> memref<1x128xi32, #tpu.memory_space<vmem>>
        %dma_start3A_365 = tpu.memref_squeeze %dma_start3A_364 : memref<1x128xi32, #tpu.memory_space<vmem>> -> memref<128xi32, #tpu.memory_space<vmem>>
        %dma_start3A_366 = arith.constant 0 : i32
        %dma_start3A_367 = arith.constant 0 : i32
        %dma_start3A_368 = tpu.memref_slice %arg2[%dma_start3A_366, %dma_start3A_367] : memref<10000x128xf32, #tpu.memory_space<hbm>> -> memref<10000x128xf32, #tpu.memory_space<hbm>>
        tpu.enqueue_indirect_dma source(%dma_start3A_368 : memref<10000x128xf32, #tpu.memory_space<hbm>>) target(%arg11 : memref<128x128xf32, #tpu.memory_space<vmem>>) offsets(%dma_start3A_365 : memref<128xi32, #tpu.memory_space<vmem>>) semaphore(%arg14 : memref<!tpu.dma_semaphore, #tpu.memory_space<semaphore_mem>>)
      } else {
      }
      %add3A_354 = arith.constant 2 : i32
      %add3A_355 = arith.addi %add3A_204, %add3A_354 : i32
      %lt3A_356 = arith.constant 10 : i32
      %lt3A_357 = arith.cmpi slt, %add3A_355, %lt3A_356 : i32
      %convert_element_type3A_358 = arith.extui %lt3A_357 : i1 to i32
      %cond3A_359 = arith.constant 0 : i32
      %cond3A_360 = arith.cmpi ne, %convert_element_type3A_358, %cond3A_359 : i32
      scf.if %cond3A_360 {
        %add3A_361 = arith.addi %mul3A_16, %add3A_204 : i32
        %add3A_362 = arith.constant 2 : i32
        %add3A_363 = arith.addi %add3A_361, %add3A_362 : i32
        %dma_start3A_364 = arith.constant 0 : i32
        %dma_start3A_365 = arith.constant 0 : i32
        %dma_start3A_366 = tpu.memref_slice %arg4[%add3A_363, %dma_start3A_364, %dma_start3A_365] : memref<320x8x128xi32, #tpu.memory_space<hbm>> -> memref<1x8x128xi32, #tpu.memory_space<hbm>>
        %dma_start3A_367 = tpu.memref_squeeze %dma_start3A_366 : memref<1x8x128xi32, #tpu.memory_space<hbm>> -> memref<8x128xi32, #tpu.memory_space<hbm>>
        %dma_start3A_368 = arith.constant 0 : i32
        %dma_start3A_369 = arith.constant 0 : i32
        %dma_start3A_370 = tpu.memref_slice %arg4[%add3A_363, %dma_start3A_368, %dma_start3A_369] : memref<320x8x128xi32, #tpu.memory_space<hbm>> -> memref<1x8x128xi32, #tpu.memory_space<hbm>>
        %dma_start3A_371 = tpu.memref_squeeze %dma_start3A_370 : memref<1x8x128xi32, #tpu.memory_space<hbm>> -> memref<8x128xi32, #tpu.memory_space<hbm>>
        tpu.enqueue_dma source(%dma_start3A_371 : memref<8x128xi32, #tpu.memory_space<hbm>>) target(%arg9 : memref<8x128xi32, #tpu.memory_space<vmem>>) target_semaphore(%arg16 : memref<!tpu.dma_semaphore, #tpu.memory_space<semaphore_mem>>)
      } else {
      }
    }
    %scan3A_44 = arith.constant 5 : i32
    %barrier3A_45 = arith.constant 0 : index
    tpu.barrier barrier_id(%barrier3A_45)
    "tpu.region"() ({
      %run_scoped3A = tpu.sem_alloc : memref<!tpu.dma_semaphore, #tpu.memory_space<semaphore_mem>>
      %dma_start3A_46 = arith.constant 0 : i32
      %dma_start3A_47 = tpu.memref_slice %arg6[%arg0, %mul3A_4, %dma_start3A_46] : memref<2x10240x128xf32, #tpu.memory_space<hbm>> -> memref<1x640x128xf32, #tpu.memory_space<hbm>>
      %dma_start3A_48 = tpu.memref_squeeze %dma_start3A_47 : memref<1x640x128xf32, #tpu.memory_space<hbm>> -> memref<640x128xf32, #tpu.memory_space<hbm>>
      %dma_start3A_49 = arith.constant 0 : i32
      %dma_start3A_50 = tpu.memref_slice %arg12[%mul3A_4, %dma_start3A_49] : memref<10240x128xf32, #tpu.memory_space<vmem_shared>> -> memref<640x128xf32, #tpu.memory_space<vmem_shared>>
      tpu.enqueue_dma source(%dma_start3A_50 : memref<640x128xf32, #tpu.memory_space<vmem_shared>>) target(%dma_start3A_48 : memref<640x128xf32, #tpu.memory_space<hbm>>) target_semaphore(%run_scoped3A : memref<!tpu.dma_semaphore, #tpu.memory_space<semaphore_mem>>)
      %dma_wait3A = arith.constant 0 : i32
      %dma_wait3A_51 = tpu.memref_slice %arg6[%arg0, %mul3A_4, %dma_wait3A] : memref<2x10240x128xf32, #tpu.memory_space<hbm>> -> memref<1x640x128xf32, #tpu.memory_space<hbm>>
      %dma_wait3A_52 = tpu.memref_squeeze %dma_wait3A_51 : memref<1x640x128xf32, #tpu.memory_space<hbm>> -> memref<640x128xf32, #tpu.memory_space<hbm>>
      %dma_wait3A_53 = arith.constant 0 : i32
      %dma_wait3A_54 = tpu.memref_slice %arg12[%mul3A_4, %dma_wait3A_53] : memref<10240x128xf32, #tpu.memory_space<vmem_shared>> -> memref<640x128xf32, #tpu.memory_space<vmem_shared>>
      tpu.wait_dma2 semaphore(%run_scoped3A : memref<!tpu.dma_semaphore, #tpu.memory_space<semaphore_mem>>) src(%dma_wait3A_54 : memref<640x128xf32, #tpu.memory_space<vmem_shared>>) dst(%dma_wait3A_52 : memref<640x128xf32, #tpu.memory_space<hbm>>)
      tpu.yield
    }) : () -> ()
    return
  }
}

#map = affine_map<(d0, d1) -> (0, 0)>
#map1 = affine_map<(d0, d1) -> (0, 0, 0)>
module attributes {stable_mosaic.version = 14 : i64} {
  func.func @body(%arg0: i32, %arg1: i32, %arg2: memref<10000x128xf32, #tpu.memory_space<hbm>>, %arg3: memref<2560x128xi32, #tpu.memory_space<hbm>>, %arg4: memref<320x8x128xi32, #tpu.memory_space<hbm>>, %arg5: memref<128x128xf32, #tpu.memory_space<hbm>>, %arg6: memref<2x10240x128xf32, #tpu.memory_space<hbm>>, %arg7: memref<80x128xi32, #tpu.memory_space<vmem>>, %arg8: memref<8x128xi32, #tpu.memory_space<vmem>>, %arg9: memref<8x128xi32, #tpu.memory_space<vmem>>, %arg10: memref<128x128xf32, #tpu.memory_space<vmem>>, %arg11: memref<128x128xf32, #tpu.memory_space<vmem>>, %arg12: memref<10240x128xf32, #tpu.memory_space<vmem_shared>>, %arg13: memref<!tpu.dma_semaphore, #tpu.memory_space<semaphore_mem>>, %arg14: memref<!tpu.dma_semaphore, #tpu.memory_space<semaphore_mem>>, %arg15: memref<!tpu.dma_semaphore, #tpu.memory_space<semaphore_mem>>, %arg16: memref<!tpu.dma_semaphore, #tpu.memory_space<semaphore_mem>>) attributes {dimension_semantics = [#tpu.dimension_semantics<core_parallel>, #tpu.dimension_semantics<subcore_parallel>], iteration_bounds = array<i64: 2, 16>, scalar_prefetch = 0 : i64, scratch_operands = 10 : i64, tpu.core_type = #tpu.core_type<sc_vector_subcore>, window_params = [{transform_indices = #map}, {transform_indices = #map}, {transform_indices = #map1}, {transform_indices = #map}, {transform_indices = #map1}]} {
    %mul3A = arith.constant 16 : i32
    %mul3A_0 = arith.muli %arg0, %mul3A : i32
    %add3A = arith.addi %mul3A_0, %arg1 : i32
    %mul3A_1 = arith.constant 80 : i32
    %mul3A_2 = arith.muli %add3A, %mul3A_1 : i32
    "tpu.region"() ({
      %run_scoped3A = tpu.sem_alloc : memref<!tpu.dma_semaphore, #tpu.memory_space<semaphore_mem>>
      %dma_start3A_46 = arith.constant 0 : i32
      %dma_start3A_47 = tpu.memref_slice %arg3[%mul3A_2, %dma_start3A_46] : memref<2560x128xi32, #tpu.memory_space<hbm>> -> memref<80x128xi32, #tpu.memory_space<hbm>>
      %dma_start3A_48 = arith.constant 0 : i32
      %dma_start3A_49 = tpu.memref_slice %arg3[%mul3A_2, %dma_start3A_48] : memref<2560x128xi32, #tpu.memory_space<hbm>> -> memref<80x128xi32, #tpu.memory_space<hbm>>
      tpu.enqueue_dma source(%dma_start3A_49 : memref<80x128xi32, #tpu.memory_space<hbm>>) target(%arg7 : memref<80x128xi32, #tpu.memory_space<vmem>>) target_semaphore(%run_scoped3A : memref<!tpu.dma_semaphore, #tpu.memory_space<semaphore_mem>>)
      %dma_wait3A = arith.constant 0 : i32
      %dma_wait3A_50 = tpu.memref_slice %arg3[%mul3A_2, %dma_wait3A] : memref<2560x128xi32, #tpu.memory_space<hbm>> -> memref<80x128xi32, #tpu.memory_space<hbm>>
      %dma_wait3A_51 = arith.constant 0 : i32
      %dma_wait3A_52 = tpu.memref_slice %arg3[%mul3A_2, %dma_wait3A_51] : memref<2560x128xi32, #tpu.memory_space<hbm>> -> memref<80x128xi32, #tpu.memory_space<hbm>>
      tpu.wait_dma2 semaphore(%run_scoped3A : memref<!tpu.dma_semaphore, #tpu.memory_space<semaphore_mem>>) src(%dma_wait3A_52 : memref<80x128xi32, #tpu.memory_space<hbm>>) dst(%arg7 : memref<80x128xi32, #tpu.memory_space<vmem>>)
      tpu.yield
    }) : () -> ()
    %mul3A_3 = arith.constant 640 : i32
    %mul3A_4 = arith.muli %arg1, %mul3A_3 : i32
    "tpu.region"() ({
      %run_scoped3A = tpu.sem_alloc : memref<!tpu.dma_semaphore, #tpu.memory_space<semaphore_mem>>
      tpu.enqueue_dma source(%arg5 : memref<128x128xf32, #tpu.memory_space<hbm>>) target(%arg10 : memref<128x128xf32, #tpu.memory_space<vmem>>) target_semaphore(%run_scoped3A : memref<!tpu.dma_semaphore, #tpu.memory_space<semaphore_mem>>)
      tpu.wait_dma2 semaphore(%run_scoped3A : memref<!tpu.dma_semaphore, #tpu.memory_space<semaphore_mem>>) src(%arg5 : memref<128x128xf32, #tpu.memory_space<hbm>>) dst(%arg10 : memref<128x128xf32, #tpu.memory_space<vmem>>)
      tpu.yield
    }) : () -> ()
    %add3A_5 = arith.constant 0 : i32
    %add3A_6 = arith.addi %mul3A_4, %add3A_5 : i32
    "tpu.region"() ({
      %run_scoped3A = tpu.sem_alloc : memref<!tpu.dma_semaphore, #tpu.memory_space<semaphore_mem>>
      %dma_start3A_46 = arith.constant 0 : i32
      %dma_start3A_47 = tpu.memref_slice %arg12[%add3A_6, %dma_start3A_46] : memref<10240x128xf32, #tpu.memory_space<vmem_shared>> -> memref<128x128xf32, #tpu.memory_space<vmem_shared>>
      %dma_start3A_48 = arith.constant 0 : i32
      %dma_start3A_49 = tpu.memref_slice %arg12[%add3A_6, %dma_start3A_48] : memref<10240x128xf32, #tpu.memory_space<vmem_shared>> -> memref<128x128xf32, #tpu.memory_space<vmem_shared>>
      tpu.enqueue_dma source(%arg10 : memref<128x128xf32, #tpu.memory_space<vmem>>) target(%dma_start3A_49 : memref<128x128xf32, #tpu.memory_space<vmem_shared>>) target_semaphore(%run_scoped3A : memref<!tpu.dma_semaphore, #tpu.memory_space<semaphore_mem>>)
      %dma_wait3A = arith.constant 0 : i32
      %dma_wait3A_50 = tpu.memref_slice %arg12[%add3A_6, %dma_wait3A] : memref<10240x128xf32, #tpu.memory_space<vmem_shared>> -> memref<128x128xf32, #tpu.memory_space<vmem_shared>>
      %dma_wait3A_51 = arith.constant 0 : i32
      %dma_wait3A_52 = tpu.memref_slice %arg12[%add3A_6, %dma_wait3A_51] : memref<10240x128xf32, #tpu.memory_space<vmem_shared>> -> memref<128x128xf32, #tpu.memory_space<vmem_shared>>
      tpu.wait_dma2 semaphore(%run_scoped3A : memref<!tpu.dma_semaphore, #tpu.memory_space<semaphore_mem>>) src(%arg10 : memref<128x128xf32, #tpu.memory_space<vmem>>) dst(%dma_wait3A_52 : memref<128x128xf32, #tpu.memory_space<vmem_shared>>)
      tpu.yield
    }) : () -> ()
    %add3A_7 = arith.constant 128 : i32
    %add3A_8 = arith.addi %mul3A_4, %add3A_7 : i32
    "tpu.region"() ({
      %run_scoped3A = tpu.sem_alloc : memref<!tpu.dma_semaphore, #tpu.memory_space<semaphore_mem>>
      %dma_start3A_46 = arith.constant 0 : i32
      %dma_start3A_47 = tpu.memref_slice %arg12[%add3A_8, %dma_start3A_46] : memref<10240x128xf32, #tpu.memory_space<vmem_shared>> -> memref<128x128xf32, #tpu.memory_space<vmem_shared>>
      %dma_start3A_48 = arith.constant 0 : i32
      %dma_start3A_49 = tpu.memref_slice %arg12[%add3A_8, %dma_start3A_48] : memref<10240x128xf32, #tpu.memory_space<vmem_shared>> -> memref<128x128xf32, #tpu.memory_space<vmem_shared>>
      tpu.enqueue_dma source(%arg10 : memref<128x128xf32, #tpu.memory_space<vmem>>) target(%dma_start3A_49 : memref<128x128xf32, #tpu.memory_space<vmem_shared>>) target_semaphore(%run_scoped3A : memref<!tpu.dma_semaphore, #tpu.memory_space<semaphore_mem>>)
      %dma_wait3A = arith.constant 0 : i32
      %dma_wait3A_50 = tpu.memref_slice %arg12[%add3A_8, %dma_wait3A] : memref<10240x128xf32, #tpu.memory_space<vmem_shared>> -> memref<128x128xf32, #tpu.memory_space<vmem_shared>>
      %dma_wait3A_51 = arith.constant 0 : i32
      %dma_wait3A_52 = tpu.memref_slice %arg12[%add3A_8, %dma_wait3A_51] : memref<10240x128xf32, #tpu.memory_space<vmem_shared>> -> memref<128x128xf32, #tpu.memory_space<vmem_shared>>
      tpu.wait_dma2 semaphore(%run_scoped3A : memref<!tpu.dma_semaphore, #tpu.memory_space<semaphore_mem>>) src(%arg10 : memref<128x128xf32, #tpu.memory_space<vmem>>) dst(%dma_wait3A_52 : memref<128x128xf32, #tpu.memory_space<vmem_shared>>)
      tpu.yield
    }) : () -> ()
    %add3A_9 = arith.constant 256 : i32
    %add3A_10 = arith.addi %mul3A_4, %add3A_9 : i32
    "tpu.region"() ({
      %run_scoped3A = tpu.sem_alloc : memref<!tpu.dma_semaphore, #tpu.memory_space<semaphore_mem>>
      %dma_start3A_46 = arith.constant 0 : i32
      %dma_start3A_47 = tpu.memref_slice %arg12[%add3A_10, %dma_start3A_46] : memref<10240x128xf32, #tpu.memory_space<vmem_shared>> -> memref<128x128xf32, #tpu.memory_space<vmem_shared>>
      %dma_start3A_48 = arith.constant 0 : i32
      %dma_start3A_49 = tpu.memref_slice %arg12[%add3A_10, %dma_start3A_48] : memref<10240x128xf32, #tpu.memory_space<vmem_shared>> -> memref<128x128xf32, #tpu.memory_space<vmem_shared>>
      tpu.enqueue_dma source(%arg10 : memref<128x128xf32, #tpu.memory_space<vmem>>) target(%dma_start3A_49 : memref<128x128xf32, #tpu.memory_space<vmem_shared>>) target_semaphore(%run_scoped3A : memref<!tpu.dma_semaphore, #tpu.memory_space<semaphore_mem>>)
      %dma_wait3A = arith.constant 0 : i32
      %dma_wait3A_50 = tpu.memref_slice %arg12[%add3A_10, %dma_wait3A] : memref<10240x128xf32, #tpu.memory_space<vmem_shared>> -> memref<128x128xf32, #tpu.memory_space<vmem_shared>>
      %dma_wait3A_51 = arith.constant 0 : i32
      %dma_wait3A_52 = tpu.memref_slice %arg12[%add3A_10, %dma_wait3A_51] : memref<10240x128xf32, #tpu.memory_space<vmem_shared>> -> memref<128x128xf32, #tpu.memory_space<vmem_shared>>
      tpu.wait_dma2 semaphore(%run_scoped3A : memref<!tpu.dma_semaphore, #tpu.memory_space<semaphore_mem>>) src(%arg10 : memref<128x128xf32, #tpu.memory_space<vmem>>) dst(%dma_wait3A_52 : memref<128x128xf32, #tpu.memory_space<vmem_shared>>)
      tpu.yield
    }) : () -> ()
    %add3A_11 = arith.constant 384 : i32
    %add3A_12 = arith.addi %mul3A_4, %add3A_11 : i32
    "tpu.region"() ({
      %run_scoped3A = tpu.sem_alloc : memref<!tpu.dma_semaphore, #tpu.memory_space<semaphore_mem>>
      %dma_start3A_46 = arith.constant 0 : i32
      %dma_start3A_47 = tpu.memref_slice %arg12[%add3A_12, %dma_start3A_46] : memref<10240x128xf32, #tpu.memory_space<vmem_shared>> -> memref<128x128xf32, #tpu.memory_space<vmem_shared>>
      %dma_start3A_48 = arith.constant 0 : i32
      %dma_start3A_49 = tpu.memref_slice %arg12[%add3A_12, %dma_start3A_48] : memref<10240x128xf32, #tpu.memory_space<vmem_shared>> -> memref<128x128xf32, #tpu.memory_space<vmem_shared>>
      tpu.enqueue_dma source(%arg10 : memref<128x128xf32, #tpu.memory_space<vmem>>) target(%dma_start3A_49 : memref<128x128xf32, #tpu.memory_space<vmem_shared>>) target_semaphore(%run_scoped3A : memref<!tpu.dma_semaphore, #tpu.memory_space<semaphore_mem>>)
      %dma_wait3A = arith.constant 0 : i32
      %dma_wait3A_50 = tpu.memref_slice %arg12[%add3A_12, %dma_wait3A] : memref<10240x128xf32, #tpu.memory_space<vmem_shared>> -> memref<128x128xf32, #tpu.memory_space<vmem_shared>>
      %dma_wait3A_51 = arith.constant 0 : i32
      %dma_wait3A_52 = tpu.memref_slice %arg12[%add3A_12, %dma_wait3A_51] : memref<10240x128xf32, #tpu.memory_space<vmem_shared>> -> memref<128x128xf32, #tpu.memory_space<vmem_shared>>
      tpu.wait_dma2 semaphore(%run_scoped3A : memref<!tpu.dma_semaphore, #tpu.memory_space<semaphore_mem>>) src(%arg10 : memref<128x128xf32, #tpu.memory_space<vmem>>) dst(%dma_wait3A_52 : memref<128x128xf32, #tpu.memory_space<vmem_shared>>)
      tpu.yield
    }) : () -> ()
    %add3A_13 = arith.constant 512 : i32
    %add3A_14 = arith.addi %mul3A_4, %add3A_13 : i32
    "tpu.region"() ({
      %run_scoped3A = tpu.sem_alloc : memref<!tpu.dma_semaphore, #tpu.memory_space<semaphore_mem>>
      %dma_start3A_46 = arith.constant 0 : i32
      %dma_start3A_47 = tpu.memref_slice %arg12[%add3A_14, %dma_start3A_46] : memref<10240x128xf32, #tpu.memory_space<vmem_shared>> -> memref<128x128xf32, #tpu.memory_space<vmem_shared>>
      %dma_start3A_48 = arith.constant 0 : i32
      %dma_start3A_49 = tpu.memref_slice %arg12[%add3A_14, %dma_start3A_48] : memref<10240x128xf32, #tpu.memory_space<vmem_shared>> -> memref<128x128xf32, #tpu.memory_space<vmem_shared>>
      tpu.enqueue_dma source(%arg10 : memref<128x128xf32, #tpu.memory_space<vmem>>) target(%dma_start3A_49 : memref<128x128xf32, #tpu.memory_space<vmem_shared>>) target_semaphore(%run_scoped3A : memref<!tpu.dma_semaphore, #tpu.memory_space<semaphore_mem>>)
      %dma_wait3A = arith.constant 0 : i32
      %dma_wait3A_50 = tpu.memref_slice %arg12[%add3A_14, %dma_wait3A] : memref<10240x128xf32, #tpu.memory_space<vmem_shared>> -> memref<128x128xf32, #tpu.memory_space<vmem_shared>>
      %dma_wait3A_51 = arith.constant 0 : i32
      %dma_wait3A_52 = tpu.memref_slice %arg12[%add3A_14, %dma_wait3A_51] : memref<10240x128xf32, #tpu.memory_space<vmem_shared>> -> memref<128x128xf32, #tpu.memory_space<vmem_shared>>
      tpu.wait_dma2 semaphore(%run_scoped3A : memref<!tpu.dma_semaphore, #tpu.memory_space<semaphore_mem>>) src(%arg10 : memref<128x128xf32, #tpu.memory_space<vmem>>) dst(%dma_wait3A_52 : memref<128x128xf32, #tpu.memory_space<vmem_shared>>)
      tpu.yield
    }) : () -> ()
    %barrier3A = arith.constant 0 : index
    tpu.barrier barrier_id(%barrier3A)
    %mul3A_15 = arith.constant 10 : i32
    %mul3A_16 = arith.muli %add3A, %mul3A_15 : i32
    "tpu.region"() ({
      %run_scoped3A = tpu.sem_alloc : memref<!tpu.dma_semaphore, #tpu.memory_space<semaphore_mem>>
      %dma_start3A_46 = arith.constant 0 : i32
      %dma_start3A_47 = arith.constant 0 : i32
      %dma_start3A_48 = tpu.memref_slice %arg4[%mul3A_16, %dma_start3A_46, %dma_start3A_47] : memref<320x8x128xi32, #tpu.memory_space<hbm>> -> memref<1x8x128xi32, #tpu.memory_space<hbm>>
      %dma_start3A_49 = tpu.memref_squeeze %dma_start3A_48 : memref<1x8x128xi32, #tpu.memory_space<hbm>> -> memref<8x128xi32, #tpu.memory_space<hbm>>
      %dma_start3A_50 = arith.constant 0 : i32
      %dma_start3A_51 = arith.constant 0 : i32
      %dma_start3A_52 = tpu.memref_slice %arg4[%mul3A_16, %dma_start3A_50, %dma_start3A_51] : memref<320x8x128xi32, #tpu.memory_space<hbm>> -> memref<1x8x128xi32, #tpu.memory_space<hbm>>
      %dma_start3A_53 = tpu.memref_squeeze %dma_start3A_52 : memref<1x8x128xi32, #tpu.memory_space<hbm>> -> memref<8x128xi32, #tpu.memory_space<hbm>>
      tpu.enqueue_dma source(%dma_start3A_53 : memref<8x128xi32, #tpu.memory_space<hbm>>) target(%arg8 : memref<8x128xi32, #tpu.memory_space<vmem>>) target_semaphore(%run_scoped3A : memref<!tpu.dma_semaphore, #tpu.memory_space<semaphore_mem>>)
      %dma_wait3A = arith.constant 0 : i32
      %dma_wait3A_54 = arith.constant 0 : i32
      %dma_wait3A_55 = tpu.memref_slice %arg4[%mul3A_16, %dma_wait3A, %dma_wait3A_54] : memref<320x8x128xi32, #tpu.memory_space<hbm>> -> memref<1x8x128xi32, #tpu.memory_space<hbm>>
      %dma_wait3A_56 = tpu.memref_squeeze %dma_wait3A_55 : memref<1x8x128xi32, #tpu.memory_space<hbm>> -> memref<8x128xi32, #tpu.memory_space<hbm>>
      %dma_wait3A_57 = arith.constant 0 : i32
      %dma_wait3A_58 = arith.constant 0 : i32
      %dma_wait3A_59 = tpu.memref_slice %arg4[%mul3A_16, %dma_wait3A_57, %dma_wait3A_58] : memref<320x8x128xi32, #tpu.memory_space<hbm>> -> memref<1x8x128xi32, #tpu.memory_space<hbm>>
      %dma_wait3A_60 = tpu.memref_squeeze %dma_wait3A_59 : memref<1x8x128xi32, #tpu.memory_space<hbm>> -> memref<8x128xi32, #tpu.memory_space<hbm>>
      tpu.wait_dma2 semaphore(%run_scoped3A : memref<!tpu.dma_semaphore, #tpu.memory_space<semaphore_mem>>) src(%dma_wait3A_60 : memref<8x128xi32, #tpu.memory_space<hbm>>) dst(%arg8 : memref<8x128xi32, #tpu.memory_space<vmem>>)
      tpu.yield
    }) : () -> ()
    %add3A_17 = arith.constant 1 : i32
    %add3A_18 = arith.addi %mul3A_16, %add3A_17 : i32
    %dma_start3A = arith.constant 0 : i32
    %dma_start3A_19 = arith.constant 0 : i32
    %dma_start3A_20 = tpu.memref_slice %arg4[%add3A_18, %dma_start3A, %dma_start3A_19] : memref<320x8x128xi32, #tpu.memory_space<hbm>> -> memref<1x8x128xi32, #tpu.memory_space<hbm>>
    %dma_start3A_21 = tpu.memref_squeeze %dma_start3A_20 : memref<1x8x128xi32, #tpu.memory_space<hbm>> -> memref<8x128xi32, #tpu.memory_space<hbm>>
    %dma_start3A_22 = arith.constant 0 : i32
    %dma_start3A_23 = arith.constant 0 : i32
    %dma_start3A_24 = tpu.memref_slice %arg4[%add3A_18, %dma_start3A_22, %dma_start3A_23] : memref<320x8x128xi32, #tpu.memory_space<hbm>> -> memref<1x8x128xi32, #tpu.memory_space<hbm>>
    %dma_start3A_25 = tpu.memref_squeeze %dma_start3A_24 : memref<1x8x128xi32, #tpu.memory_space<hbm>> -> memref<8x128xi32, #tpu.memory_space<hbm>>
    tpu.enqueue_dma source(%dma_start3A_25 : memref<8x128xi32, #tpu.memory_space<hbm>>) target(%arg9 : memref<8x128xi32, #tpu.memory_space<vmem>>) target_semaphore(%arg16 : memref<!tpu.dma_semaphore, #tpu.memory_space<semaphore_mem>>)
    %dma_start3A_26 = arith.constant 0 : i32
    %dma_start3A_27 = arith.constant 0 : i32
    %dma_start3A_28 = tpu.memref_slice %arg7[%dma_start3A_26, %dma_start3A_27] : memref<80x128xi32, #tpu.memory_space<vmem>> -> memref<1x128xi32, #tpu.memory_space<vmem>>
    %dma_start3A_29 = tpu.memref_squeeze %dma_start3A_28 : memref<1x128xi32, #tpu.memory_space<vmem>> -> memref<128xi32, #tpu.memory_space<vmem>>
    %dma_start3A_30 = arith.constant 0 : i32
    %dma_start3A_31 = arith.constant 0 : i32
    %dma_start3A_32 = tpu.memref_slice %arg2[%dma_start3A_30, %dma_start3A_31] : memref<10000x128xf32, #tpu.memory_space<hbm>> -> memref<10000x128xf32, #tpu.memory_space<hbm>>
    tpu.enqueue_indirect_dma source(%dma_start3A_32 : memref<10000x128xf32, #tpu.memory_space<hbm>>) target(%arg10 : memref<128x128xf32, #tpu.memory_space<vmem>>) offsets(%dma_start3A_29 : memref<128xi32, #tpu.memory_space<vmem>>) semaphore(%arg13 : memref<!tpu.dma_semaphore, #tpu.memory_space<semaphore_mem>>)
    %dma_start3A_33 = arith.constant 1 : i32
    %dma_start3A_34 = arith.constant 0 : i32
    %dma_start3A_35 = tpu.memref_slice %arg7[%dma_start3A_33, %dma_start3A_34] : memref<80x128xi32, #tpu.memory_space<vmem>> -> memref<1x128xi32, #tpu.memory_space<vmem>>
    %dma_start3A_36 = tpu.memref_squeeze %dma_start3A_35 : memref<1x128xi32, #tpu.memory_space<vmem>> -> memref<128xi32, #tpu.memory_space<vmem>>
    %dma_start3A_37 = arith.constant 0 : i32
    %dma_start3A_38 = arith.constant 0 : i32
    %dma_start3A_39 = tpu.memref_slice %arg2[%dma_start3A_37, %dma_start3A_38] : memref<10000x128xf32, #tpu.memory_space<hbm>> -> memref<10000x128xf32, #tpu.memory_space<hbm>>
    tpu.enqueue_indirect_dma source(%dma_start3A_39 : memref<10000x128xf32, #tpu.memory_space<hbm>>) target(%arg11 : memref<128x128xf32, #tpu.memory_space<vmem>>) offsets(%dma_start3A_36 : memref<128xi32, #tpu.memory_space<vmem>>) semaphore(%arg14 : memref<!tpu.dma_semaphore, #tpu.memory_space<semaphore_mem>>)
    %scan3A = arith.constant 0 : i32
    %scan3A_40 = arith.constant 0 : i32
    %scan3A_41 = arith.constant 5 : i32
    %scan3A_42 = arith.addi %scan3A_40, %scan3A_41 : i32
    %scan3A_43 = arith.constant 1 : i32
    scf.for %scan3A_46 = %scan3A_40 to %scan3A_42 step %scan3A_43  : i32 {
      %mul3A_47 = arith.constant 2 : i32
      %mul3A_48 = arith.muli %scan3A_46, %mul3A_47 : i32
      %add3A_49 = arith.constant 0 : i32
      %add3A_50 = arith.addi %mul3A_48, %add3A_49 : i32
      %gt3A = arith.constant 0 : i32
      %gt3A_51 = arith.cmpi sgt, %add3A_50, %gt3A : i32
      %convert_element_type3A = arith.extui %gt3A_51 : i1 to i32
      %cond3A = arith.constant 0 : i32
      %cond3A_52 = arith.cmpi ne, %convert_element_type3A, %cond3A : i32
      scf.if %cond3A_52 {
        %add3A_361 = arith.addi %mul3A_16, %add3A_50 : i32
        %dma_wait3A_362 = arith.constant 0 : i32
        %dma_wait3A_363 = arith.constant 0 : i32
        %dma_wait3A_364 = tpu.memref_slice %arg4[%add3A_361, %dma_wait3A_362, %dma_wait3A_363] : memref<320x8x128xi32, #tpu.memory_space<hbm>> -> memref<1x8x128xi32, #tpu.memory_space<hbm>>
        %dma_wait3A_365 = tpu.memref_squeeze %dma_wait3A_364 : memref<1x8x128xi32, #tpu.memory_space<hbm>> -> memref<8x128xi32, #tpu.memory_space<hbm>>
        %dma_wait3A_366 = arith.constant 0 : i32
        %dma_wait3A_367 = arith.constant 0 : i32
        %dma_wait3A_368 = tpu.memref_slice %arg4[%add3A_361, %dma_wait3A_366, %dma_wait3A_367] : memref<320x8x128xi32, #tpu.memory_space<hbm>> -> memref<1x8x128xi32, #tpu.memory_space<hbm>>
        %dma_wait3A_369 = tpu.memref_squeeze %dma_wait3A_368 : memref<1x8x128xi32, #tpu.memory_space<hbm>> -> memref<8x128xi32, #tpu.memory_space<hbm>>
        tpu.wait_dma2 semaphore(%arg15 : memref<!tpu.dma_semaphore, #tpu.memory_space<semaphore_mem>>) src(%dma_wait3A_369 : memref<8x128xi32, #tpu.memory_space<hbm>>) dst(%arg8 : memref<8x128xi32, #tpu.memory_space<vmem>>)
      } else {
      }
      %mul3A_53 = arith.constant 8 : i32
      %mul3A_54 = arith.muli %add3A_50, %mul3A_53 : i32
      %add3A_55 = arith.constant 0 : i32
      %add3A_56 = arith.addi %mul3A_54, %add3A_55 : i32
      %dma_wait3A = arith.constant 0 : i32
      %dma_wait3A_57 = tpu.memref_slice %arg7[%add3A_56, %dma_wait3A] : memref<80x128xi32, #tpu.memory_space<vmem>> -> memref<1x128xi32, #tpu.memory_space<vmem>>
      %dma_wait3A_58 = tpu.memref_squeeze %dma_wait3A_57 : memref<1x128xi32, #tpu.memory_space<vmem>> -> memref<128xi32, #tpu.memory_space<vmem>>
      %dma_wait3A_59 = arith.constant 0 : i32
      %dma_wait3A_60 = arith.constant 0 : i32
      %dma_wait3A_61 = tpu.memref_slice %arg2[%dma_wait3A_59, %dma_wait3A_60] : memref<10000x128xf32, #tpu.memory_space<hbm>> -> memref<10000x128xf32, #tpu.memory_space<hbm>>
      tpu.wait_indirect_dma semaphore(%arg13 : memref<!tpu.dma_semaphore, #tpu.memory_space<semaphore_mem>>) src(%dma_wait3A_61 : memref<10000x128xf32, #tpu.memory_space<hbm>>) dst(%arg10 : memref<128x128xf32, #tpu.memory_space<vmem>>)
      %run_scoped3A = arith.constant 0 : i32
      "tpu.region"() ({
        %run_scoped3A_361 = tpu.sem_alloc : memref<!tpu.dma_semaphore, #tpu.memory_space<semaphore_mem>>
        %dma_start3A_362 = arith.constant 0 : i32
        %dma_start3A_363 = tpu.memref_slice %arg8[%run_scoped3A, %dma_start3A_362] : memref<8x128xi32, #tpu.memory_space<vmem>> -> memref<1x128xi32, #tpu.memory_space<vmem>>
        %dma_start3A_364 = tpu.memref_squeeze %dma_start3A_363 : memref<1x128xi32, #tpu.memory_space<vmem>> -> memref<128xi32, #tpu.memory_space<vmem>>
        %dma_start3A_365 = arith.constant 0 : i32
        %dma_start3A_366 = arith.constant 0 : i32
        %dma_start3A_367 = tpu.memref_slice %arg12[%dma_start3A_365, %dma_start3A_366] : memref<10240x128xf32, #tpu.memory_space<vmem_shared>> -> memref<10240x128xf32, #tpu.memory_space<vmem_shared>>
        tpu.enqueue_indirect_dma source(%arg10 : memref<128x128xf32, #tpu.memory_space<vmem>>) target(%dma_start3A_367 : memref<10240x128xf32, #tpu.memory_space<vmem_shared>>) offsets(%dma_start3A_364 : memref<128xi32, #tpu.memory_space<vmem>>) semaphore(%run_scoped3A_361 : memref<!tpu.dma_semaphore, #tpu.memory_space<semaphore_mem>>) {add = true}
        %dma_wait3A_368 = arith.constant 0 : i32
        %dma_wait3A_369 = tpu.memref_slice %arg8[%run_scoped3A, %dma_wait3A_368] : memref<8x128xi32, #tpu.memory_space<vmem>> -> memref<1x128xi32, #tpu.memory_space<vmem>>
        %dma_wait3A_370 = tpu.memref_squeeze %dma_wait3A_369 : memref<1x128xi32, #tpu.memory_space<vmem>> -> memref<128xi32, #tpu.memory_space<vmem>>
        %dma_wait3A_371 = arith.constant 0 : i32
        %dma_wait3A_372 = arith.constant 0 : i32
        %dma_wait3A_373 = tpu.memref_slice %arg12[%dma_wait3A_371, %dma_wait3A_372] : memref<10240x128xf32, #tpu.memory_space<vmem_shared>> -> memref<10240x128xf32, #tpu.memory_space<vmem_shared>>
        tpu.wait_indirect_dma semaphore(%run_scoped3A_361 : memref<!tpu.dma_semaphore, #tpu.memory_space<semaphore_mem>>) src(%arg10 : memref<128x128xf32, #tpu.memory_space<vmem>>) dst(%dma_wait3A_373 : memref<10240x128xf32, #tpu.memory_space<vmem_shared>>)
        tpu.yield
      }) : () -> ()
      %add3A_62 = arith.constant 2 : i32
      %add3A_63 = arith.addi %add3A_56, %add3A_62 : i32
      %lt3A = arith.constant 80 : i32
      %lt3A_64 = arith.cmpi slt, %add3A_63, %lt3A : i32
      %convert_element_type3A_65 = arith.extui %lt3A_64 : i1 to i32
      %cond3A_66 = arith.constant 0 : i32
      %cond3A_67 = arith.cmpi ne, %convert_element_type3A_65, %cond3A_66 : i32
      scf.if %cond3A_67 {
        %add3A_361 = arith.constant 2 : i32
        %add3A_362 = arith.addi %add3A_56, %add3A_361 : i32
        %dma_start3A_363 = arith.constant 0 : i32
        %dma_start3A_364 = tpu.memref_slice %arg7[%add3A_362, %dma_start3A_363] : memref<80x128xi32, #tpu.memory_space<vmem>> -> memref<1x128xi32, #tpu.memory_space<vmem>>
        %dma_start3A_365 = tpu.memref_squeeze %dma_start3A_364 : memref<1x128xi32, #tpu.memory_space<vmem>> -> memref<128xi32, #tpu.memory_space<vmem>>
        %dma_start3A_366 = arith.constant 0 : i32
        %dma_start3A_367 = arith.constant 0 : i32
        %dma_start3A_368 = tpu.memref_slice %arg2[%dma_start3A_366, %dma_start3A_367] : memref<10000x128xf32, #tpu.memory_space<hbm>> -> memref<10000x128xf32, #tpu.memory_space<hbm>>
        tpu.enqueue_indirect_dma source(%dma_start3A_368 : memref<10000x128xf32, #tpu.memory_space<hbm>>) target(%arg10 : memref<128x128xf32, #tpu.memory_space<vmem>>) offsets(%dma_start3A_365 : memref<128xi32, #tpu.memory_space<vmem>>) semaphore(%arg13 : memref<!tpu.dma_semaphore, #tpu.memory_space<semaphore_mem>>)
      } else {
      }
      %mul3A_68 = arith.constant 8 : i32
      %mul3A_69 = arith.muli %add3A_50, %mul3A_68 : i32
      %add3A_70 = arith.constant 1 : i32
      %add3A_71 = arith.addi %mul3A_69, %add3A_70 : i32
      %dma_wait3A_72 = arith.constant 0 : i32
      %dma_wait3A_73 = tpu.memref_slice %arg7[%add3A_71, %dma_wait3A_72] : memref<80x128xi32, #tpu.memory_space<vmem>> -> memref<1x128xi32, #tpu.memory_space<vmem>>
      %dma_wait3A_74 = tpu.memref_squeeze %dma_wait3A_73 : memref<1x128xi32, #tpu.memory_space<vmem>> -> memref<128xi32, #tpu.memory_space<vmem>>
      %dma_wait3A_75 = arith.constant 0 : i32
      %dma_wait3A_76 = arith.constant 0 : i32
      %dma_wait3A_77 = tpu.memref_slice %arg2[%dma_wait3A_75, %dma_wait3A_76] : memref<10000x128xf32, #tpu.memory_space<hbm>> -> memref<10000x128xf32, #tpu.memory_space<hbm>>
      tpu.wait_indirect_dma semaphore(%arg14 : memref<!tpu.dma_semaphore, #tpu.memory_space<semaphore_mem>>) src(%dma_wait3A_77 : memref<10000x128xf32, #tpu.memory_space<hbm>>) dst(%arg11 : memref<128x128xf32, #tpu.memory_space<vmem>>)
      %run_scoped3A_78 = arith.constant 1 : i32
      "tpu.region"() ({
        %run_scoped3A_361 = tpu.sem_alloc : memref<!tpu.dma_semaphore, #tpu.memory_space<semaphore_mem>>
        %dma_start3A_362 = arith.constant 0 : i32
        %dma_start3A_363 = tpu.memref_slice %arg8[%run_scoped3A_78, %dma_start3A_362] : memref<8x128xi32, #tpu.memory_space<vmem>> -> memref<1x128xi32, #tpu.memory_space<vmem>>
        %dma_start3A_364 = tpu.memref_squeeze %dma_start3A_363 : memref<1x128xi32, #tpu.memory_space<vmem>> -> memref<128xi32, #tpu.memory_space<vmem>>
        %dma_start3A_365 = arith.constant 0 : i32
        %dma_start3A_366 = arith.constant 0 : i32
        %dma_start3A_367 = tpu.memref_slice %arg12[%dma_start3A_365, %dma_start3A_366] : memref<10240x128xf32, #tpu.memory_space<vmem_shared>> -> memref<10240x128xf32, #tpu.memory_space<vmem_shared>>
        tpu.enqueue_indirect_dma source(%arg11 : memref<128x128xf32, #tpu.memory_space<vmem>>) target(%dma_start3A_367 : memref<10240x128xf32, #tpu.memory_space<vmem_shared>>) offsets(%dma_start3A_364 : memref<128xi32, #tpu.memory_space<vmem>>) semaphore(%run_scoped3A_361 : memref<!tpu.dma_semaphore, #tpu.memory_space<semaphore_mem>>) {add = true}
        %dma_wait3A_368 = arith.constant 0 : i32
        %dma_wait3A_369 = tpu.memref_slice %arg8[%run_scoped3A_78, %dma_wait3A_368] : memref<8x128xi32, #tpu.memory_space<vmem>> -> memref<1x128xi32, #tpu.memory_space<vmem>>
        %dma_wait3A_370 = tpu.memref_squeeze %dma_wait3A_369 : memref<1x128xi32, #tpu.memory_space<vmem>> -> memref<128xi32, #tpu.memory_space<vmem>>
        %dma_wait3A_371 = arith.constant 0 : i32
        %dma_wait3A_372 = arith.constant 0 : i32
        %dma_wait3A_373 = tpu.memref_slice %arg12[%dma_wait3A_371, %dma_wait3A_372] : memref<10240x128xf32, #tpu.memory_space<vmem_shared>> -> memref<10240x128xf32, #tpu.memory_space<vmem_shared>>
        tpu.wait_indirect_dma semaphore(%run_scoped3A_361 : memref<!tpu.dma_semaphore, #tpu.memory_space<semaphore_mem>>) src(%arg11 : memref<128x128xf32, #tpu.memory_space<vmem>>) dst(%dma_wait3A_373 : memref<10240x128xf32, #tpu.memory_space<vmem_shared>>)
        tpu.yield
      }) : () -> ()
      %add3A_79 = arith.constant 2 : i32
      %add3A_80 = arith.addi %add3A_71, %add3A_79 : i32
      %lt3A_81 = arith.constant 80 : i32
      %lt3A_82 = arith.cmpi slt, %add3A_80, %lt3A_81 : i32
      %convert_element_type3A_83 = arith.extui %lt3A_82 : i1 to i32
      %cond3A_84 = arith.constant 0 : i32
      %cond3A_85 = arith.cmpi ne, %convert_element_type3A_83, %cond3A_84 : i32
      scf.if %cond3A_85 {
        %add3A_361 = arith.constant 2 : i32
        %add3A_362 = arith.addi %add3A_71, %add3A_361 : i32
        %dma_start3A_363 = arith.constant 0 : i32
        %dma_start3A_364 = tpu.memref_slice %arg7[%add3A_362, %dma_start3A_363] : memref<80x128xi32, #tpu.memory_space<vmem>> -> memref<1x128xi32, #tpu.memory_space<vmem>>
        %dma_start3A_365 = tpu.memref_squeeze %dma_start3A_364 : memref<1x128xi32, #tpu.memory_space<vmem>> -> memref<128xi32, #tpu.memory_space<vmem>>
        %dma_start3A_366 = arith.constant 0 : i32
        %dma_start3A_367 = arith.constant 0 : i32
        %dma_start3A_368 = tpu.memref_slice %arg2[%dma_start3A_366, %dma_start3A_367] : memref<10000x128xf32, #tpu.memory_space<hbm>> -> memref<10000x128xf32, #tpu.memory_space<hbm>>
        tpu.enqueue_indirect_dma source(%dma_start3A_368 : memref<10000x128xf32, #tpu.memory_space<hbm>>) target(%arg11 : memref<128x128xf32, #tpu.memory_space<vmem>>) offsets(%dma_start3A_365 : memref<128xi32, #tpu.memory_space<vmem>>) semaphore(%arg14 : memref<!tpu.dma_semaphore, #tpu.memory_space<semaphore_mem>>)
      } else {
      }
      %mul3A_86 = arith.constant 8 : i32
      %mul3A_87 = arith.muli %add3A_50, %mul3A_86 : i32
      %add3A_88 = arith.constant 2 : i32
      %add3A_89 = arith.addi %mul3A_87, %add3A_88 : i32
      %dma_wait3A_90 = arith.constant 0 : i32
      %dma_wait3A_91 = tpu.memref_slice %arg7[%add3A_89, %dma_wait3A_90] : memref<80x128xi32, #tpu.memory_space<vmem>> -> memref<1x128xi32, #tpu.memory_space<vmem>>
      %dma_wait3A_92 = tpu.memref_squeeze %dma_wait3A_91 : memref<1x128xi32, #tpu.memory_space<vmem>> -> memref<128xi32, #tpu.memory_space<vmem>>
      %dma_wait3A_93 = arith.constant 0 : i32
      %dma_wait3A_94 = arith.constant 0 : i32
      %dma_wait3A_95 = tpu.memref_slice %arg2[%dma_wait3A_93, %dma_wait3A_94] : memref<10000x128xf32, #tpu.memory_space<hbm>> -> memref<10000x128xf32, #tpu.memory_space<hbm>>
      tpu.wait_indirect_dma semaphore(%arg13 : memref<!tpu.dma_semaphore, #tpu.memory_space<semaphore_mem>>) src(%dma_wait3A_95 : memref<10000x128xf32, #tpu.memory_space<hbm>>) dst(%arg10 : memref<128x128xf32, #tpu.memory_space<vmem>>)
      %run_scoped3A_96 = arith.constant 2 : i32
      "tpu.region"() ({
        %run_scoped3A_361 = tpu.sem_alloc : memref<!tpu.dma_semaphore, #tpu.memory_space<semaphore_mem>>
        %dma_start3A_362 = arith.constant 0 : i32
        %dma_start3A_363 = tpu.memref_slice %arg8[%run_scoped3A_96, %dma_start3A_362] : memref<8x128xi32, #tpu.memory_space<vmem>> -> memref<1x128xi32, #tpu.memory_space<vmem>>
        %dma_start3A_364 = tpu.memref_squeeze %dma_start3A_363 : memref<1x128xi32, #tpu.memory_space<vmem>> -> memref<128xi32, #tpu.memory_space<vmem>>
        %dma_start3A_365 = arith.constant 0 : i32
        %dma_start3A_366 = arith.constant 0 : i32
        %dma_start3A_367 = tpu.memref_slice %arg12[%dma_start3A_365, %dma_start3A_366] : memref<10240x128xf32, #tpu.memory_space<vmem_shared>> -> memref<10240x128xf32, #tpu.memory_space<vmem_shared>>
        tpu.enqueue_indirect_dma source(%arg10 : memref<128x128xf32, #tpu.memory_space<vmem>>) target(%dma_start3A_367 : memref<10240x128xf32, #tpu.memory_space<vmem_shared>>) offsets(%dma_start3A_364 : memref<128xi32, #tpu.memory_space<vmem>>) semaphore(%run_scoped3A_361 : memref<!tpu.dma_semaphore, #tpu.memory_space<semaphore_mem>>) {add = true}
        %dma_wait3A_368 = arith.constant 0 : i32
        %dma_wait3A_369 = tpu.memref_slice %arg8[%run_scoped3A_96, %dma_wait3A_368] : memref<8x128xi32, #tpu.memory_space<vmem>> -> memref<1x128xi32, #tpu.memory_space<vmem>>
        %dma_wait3A_370 = tpu.memref_squeeze %dma_wait3A_369 : memref<1x128xi32, #tpu.memory_space<vmem>> -> memref<128xi32, #tpu.memory_space<vmem>>
        %dma_wait3A_371 = arith.constant 0 : i32
        %dma_wait3A_372 = arith.constant 0 : i32
        %dma_wait3A_373 = tpu.memref_slice %arg12[%dma_wait3A_371, %dma_wait3A_372] : memref<10240x128xf32, #tpu.memory_space<vmem_shared>> -> memref<10240x128xf32, #tpu.memory_space<vmem_shared>>
        tpu.wait_indirect_dma semaphore(%run_scoped3A_361 : memref<!tpu.dma_semaphore, #tpu.memory_space<semaphore_mem>>) src(%arg10 : memref<128x128xf32, #tpu.memory_space<vmem>>) dst(%dma_wait3A_373 : memref<10240x128xf32, #tpu.memory_space<vmem_shared>>)
        tpu.yield
      }) : () -> ()
      %add3A_97 = arith.constant 2 : i32
      %add3A_98 = arith.addi %add3A_89, %add3A_97 : i32
      %lt3A_99 = arith.constant 80 : i32
      %lt3A_100 = arith.cmpi slt, %add3A_98, %lt3A_99 : i32
      %convert_element_type3A_101 = arith.extui %lt3A_100 : i1 to i32
      %cond3A_102 = arith.constant 0 : i32
      %cond3A_103 = arith.cmpi ne, %convert_element_type3A_101, %cond3A_102 : i32
      scf.if %cond3A_103 {
        %add3A_361 = arith.constant 2 : i32
        %add3A_362 = arith.addi %add3A_89, %add3A_361 : i32
        %dma_start3A_363 = arith.constant 0 : i32
        %dma_start3A_364 = tpu.memref_slice %arg7[%add3A_362, %dma_start3A_363] : memref<80x128xi32, #tpu.memory_space<vmem>> -> memref<1x128xi32, #tpu.memory_space<vmem>>
        %dma_start3A_365 = tpu.memref_squeeze %dma_start3A_364 : memref<1x128xi32, #tpu.memory_space<vmem>> -> memref<128xi32, #tpu.memory_space<vmem>>
        %dma_start3A_366 = arith.constant 0 : i32
        %dma_start3A_367 = arith.constant 0 : i32
        %dma_start3A_368 = tpu.memref_slice %arg2[%dma_start3A_366, %dma_start3A_367] : memref<10000x128xf32, #tpu.memory_space<hbm>> -> memref<10000x128xf32, #tpu.memory_space<hbm>>
        tpu.enqueue_indirect_dma source(%dma_start3A_368 : memref<10000x128xf32, #tpu.memory_space<hbm>>) target(%arg10 : memref<128x128xf32, #tpu.memory_space<vmem>>) offsets(%dma_start3A_365 : memref<128xi32, #tpu.memory_space<vmem>>) semaphore(%arg13 : memref<!tpu.dma_semaphore, #tpu.memory_space<semaphore_mem>>)
      } else {
      }
      %mul3A_104 = arith.constant 8 : i32
      %mul3A_105 = arith.muli %add3A_50, %mul3A_104 : i32
      %add3A_106 = arith.constant 3 : i32
      %add3A_107 = arith.addi %mul3A_105, %add3A_106 : i32
      %dma_wait3A_108 = arith.constant 0 : i32
      %dma_wait3A_109 = tpu.memref_slice %arg7[%add3A_107, %dma_wait3A_108] : memref<80x128xi32, #tpu.memory_space<vmem>> -> memref<1x128xi32, #tpu.memory_space<vmem>>
      %dma_wait3A_110 = tpu.memref_squeeze %dma_wait3A_109 : memref<1x128xi32, #tpu.memory_space<vmem>> -> memref<128xi32, #tpu.memory_space<vmem>>
      %dma_wait3A_111 = arith.constant 0 : i32
      %dma_wait3A_112 = arith.constant 0 : i32
      %dma_wait3A_113 = tpu.memref_slice %arg2[%dma_wait3A_111, %dma_wait3A_112] : memref<10000x128xf32, #tpu.memory_space<hbm>> -> memref<10000x128xf32, #tpu.memory_space<hbm>>
      tpu.wait_indirect_dma semaphore(%arg14 : memref<!tpu.dma_semaphore, #tpu.memory_space<semaphore_mem>>) src(%dma_wait3A_113 : memref<10000x128xf32, #tpu.memory_space<hbm>>) dst(%arg11 : memref<128x128xf32, #tpu.memory_space<vmem>>)
      %run_scoped3A_114 = arith.constant 3 : i32
      "tpu.region"() ({
        %run_scoped3A_361 = tpu.sem_alloc : memref<!tpu.dma_semaphore, #tpu.memory_space<semaphore_mem>>
        %dma_start3A_362 = arith.constant 0 : i32
        %dma_start3A_363 = tpu.memref_slice %arg8[%run_scoped3A_114, %dma_start3A_362] : memref<8x128xi32, #tpu.memory_space<vmem>> -> memref<1x128xi32, #tpu.memory_space<vmem>>
        %dma_start3A_364 = tpu.memref_squeeze %dma_start3A_363 : memref<1x128xi32, #tpu.memory_space<vmem>> -> memref<128xi32, #tpu.memory_space<vmem>>
        %dma_start3A_365 = arith.constant 0 : i32
        %dma_start3A_366 = arith.constant 0 : i32
        %dma_start3A_367 = tpu.memref_slice %arg12[%dma_start3A_365, %dma_start3A_366] : memref<10240x128xf32, #tpu.memory_space<vmem_shared>> -> memref<10240x128xf32, #tpu.memory_space<vmem_shared>>
        tpu.enqueue_indirect_dma source(%arg11 : memref<128x128xf32, #tpu.memory_space<vmem>>) target(%dma_start3A_367 : memref<10240x128xf32, #tpu.memory_space<vmem_shared>>) offsets(%dma_start3A_364 : memref<128xi32, #tpu.memory_space<vmem>>) semaphore(%run_scoped3A_361 : memref<!tpu.dma_semaphore, #tpu.memory_space<semaphore_mem>>) {add = true}
        %dma_wait3A_368 = arith.constant 0 : i32
        %dma_wait3A_369 = tpu.memref_slice %arg8[%run_scoped3A_114, %dma_wait3A_368] : memref<8x128xi32, #tpu.memory_space<vmem>> -> memref<1x128xi32, #tpu.memory_space<vmem>>
        %dma_wait3A_370 = tpu.memref_squeeze %dma_wait3A_369 : memref<1x128xi32, #tpu.memory_space<vmem>> -> memref<128xi32, #tpu.memory_space<vmem>>
        %dma_wait3A_371 = arith.constant 0 : i32
        %dma_wait3A_372 = arith.constant 0 : i32
        %dma_wait3A_373 = tpu.memref_slice %arg12[%dma_wait3A_371, %dma_wait3A_372] : memref<10240x128xf32, #tpu.memory_space<vmem_shared>> -> memref<10240x128xf32, #tpu.memory_space<vmem_shared>>
        tpu.wait_indirect_dma semaphore(%run_scoped3A_361 : memref<!tpu.dma_semaphore, #tpu.memory_space<semaphore_mem>>) src(%arg11 : memref<128x128xf32, #tpu.memory_space<vmem>>) dst(%dma_wait3A_373 : memref<10240x128xf32, #tpu.memory_space<vmem_shared>>)
        tpu.yield
      }) : () -> ()
      %add3A_115 = arith.constant 2 : i32
      %add3A_116 = arith.addi %add3A_107, %add3A_115 : i32
      %lt3A_117 = arith.constant 80 : i32
      %lt3A_118 = arith.cmpi slt, %add3A_116, %lt3A_117 : i32
      %convert_element_type3A_119 = arith.extui %lt3A_118 : i1 to i32
      %cond3A_120 = arith.constant 0 : i32
      %cond3A_121 = arith.cmpi ne, %convert_element_type3A_119, %cond3A_120 : i32
      scf.if %cond3A_121 {
        %add3A_361 = arith.constant 2 : i32
        %add3A_362 = arith.addi %add3A_107, %add3A_361 : i32
        %dma_start3A_363 = arith.constant 0 : i32
        %dma_start3A_364 = tpu.memref_slice %arg7[%add3A_362, %dma_start3A_363] : memref<80x128xi32, #tpu.memory_space<vmem>> -> memref<1x128xi32, #tpu.memory_space<vmem>>
        %dma_start3A_365 = tpu.memref_squeeze %dma_start3A_364 : memref<1x128xi32, #tpu.memory_space<vmem>> -> memref<128xi32, #tpu.memory_space<vmem>>
        %dma_start3A_366 = arith.constant 0 : i32
        %dma_start3A_367 = arith.constant 0 : i32
        %dma_start3A_368 = tpu.memref_slice %arg2[%dma_start3A_366, %dma_start3A_367] : memref<10000x128xf32, #tpu.memory_space<hbm>> -> memref<10000x128xf32, #tpu.memory_space<hbm>>
        tpu.enqueue_indirect_dma source(%dma_start3A_368 : memref<10000x128xf32, #tpu.memory_space<hbm>>) target(%arg11 : memref<128x128xf32, #tpu.memory_space<vmem>>) offsets(%dma_start3A_365 : memref<128xi32, #tpu.memory_space<vmem>>) semaphore(%arg14 : memref<!tpu.dma_semaphore, #tpu.memory_space<semaphore_mem>>)
      } else {
      }
      %mul3A_122 = arith.constant 8 : i32
      %mul3A_123 = arith.muli %add3A_50, %mul3A_122 : i32
      %add3A_124 = arith.constant 4 : i32
      %add3A_125 = arith.addi %mul3A_123, %add3A_124 : i32
      %dma_wait3A_126 = arith.constant 0 : i32
      %dma_wait3A_127 = tpu.memref_slice %arg7[%add3A_125, %dma_wait3A_126] : memref<80x128xi32, #tpu.memory_space<vmem>> -> memref<1x128xi32, #tpu.memory_space<vmem>>
      %dma_wait3A_128 = tpu.memref_squeeze %dma_wait3A_127 : memref<1x128xi32, #tpu.memory_space<vmem>> -> memref<128xi32, #tpu.memory_space<vmem>>
      %dma_wait3A_129 = arith.constant 0 : i32
      %dma_wait3A_130 = arith.constant 0 : i32
      %dma_wait3A_131 = tpu.memref_slice %arg2[%dma_wait3A_129, %dma_wait3A_130] : memref<10000x128xf32, #tpu.memory_space<hbm>> -> memref<10000x128xf32, #tpu.memory_space<hbm>>
      tpu.wait_indirect_dma semaphore(%arg13 : memref<!tpu.dma_semaphore, #tpu.memory_space<semaphore_mem>>) src(%dma_wait3A_131 : memref<10000x128xf32, #tpu.memory_space<hbm>>) dst(%arg10 : memref<128x128xf32, #tpu.memory_space<vmem>>)
      %run_scoped3A_132 = arith.constant 4 : i32
      "tpu.region"() ({
        %run_scoped3A_361 = tpu.sem_alloc : memref<!tpu.dma_semaphore, #tpu.memory_space<semaphore_mem>>
        %dma_start3A_362 = arith.constant 0 : i32
        %dma_start3A_363 = tpu.memref_slice %arg8[%run_scoped3A_132, %dma_start3A_362] : memref<8x128xi32, #tpu.memory_space<vmem>> -> memref<1x128xi32, #tpu.memory_space<vmem>>
        %dma_start3A_364 = tpu.memref_squeeze %dma_start3A_363 : memref<1x128xi32, #tpu.memory_space<vmem>> -> memref<128xi32, #tpu.memory_space<vmem>>
        %dma_start3A_365 = arith.constant 0 : i32
        %dma_start3A_366 = arith.constant 0 : i32
        %dma_start3A_367 = tpu.memref_slice %arg12[%dma_start3A_365, %dma_start3A_366] : memref<10240x128xf32, #tpu.memory_space<vmem_shared>> -> memref<10240x128xf32, #tpu.memory_space<vmem_shared>>
        tpu.enqueue_indirect_dma source(%arg10 : memref<128x128xf32, #tpu.memory_space<vmem>>) target(%dma_start3A_367 : memref<10240x128xf32, #tpu.memory_space<vmem_shared>>) offsets(%dma_start3A_364 : memref<128xi32, #tpu.memory_space<vmem>>) semaphore(%run_scoped3A_361 : memref<!tpu.dma_semaphore, #tpu.memory_space<semaphore_mem>>) {add = true}
        %dma_wait3A_368 = arith.constant 0 : i32
        %dma_wait3A_369 = tpu.memref_slice %arg8[%run_scoped3A_132, %dma_wait3A_368] : memref<8x128xi32, #tpu.memory_space<vmem>> -> memref<1x128xi32, #tpu.memory_space<vmem>>
        %dma_wait3A_370 = tpu.memref_squeeze %dma_wait3A_369 : memref<1x128xi32, #tpu.memory_space<vmem>> -> memref<128xi32, #tpu.memory_space<vmem>>
        %dma_wait3A_371 = arith.constant 0 : i32
        %dma_wait3A_372 = arith.constant 0 : i32
        %dma_wait3A_373 = tpu.memref_slice %arg12[%dma_wait3A_371, %dma_wait3A_372] : memref<10240x128xf32, #tpu.memory_space<vmem_shared>> -> memref<10240x128xf32, #tpu.memory_space<vmem_shared>>
        tpu.wait_indirect_dma semaphore(%run_scoped3A_361 : memref<!tpu.dma_semaphore, #tpu.memory_space<semaphore_mem>>) src(%arg10 : memref<128x128xf32, #tpu.memory_space<vmem>>) dst(%dma_wait3A_373 : memref<10240x128xf32, #tpu.memory_space<vmem_shared>>)
        tpu.yield
      }) : () -> ()
      %add3A_133 = arith.constant 2 : i32
      %add3A_134 = arith.addi %add3A_125, %add3A_133 : i32
      %lt3A_135 = arith.constant 80 : i32
      %lt3A_136 = arith.cmpi slt, %add3A_134, %lt3A_135 : i32
      %convert_element_type3A_137 = arith.extui %lt3A_136 : i1 to i32
      %cond3A_138 = arith.constant 0 : i32
      %cond3A_139 = arith.cmpi ne, %convert_element_type3A_137, %cond3A_138 : i32
      scf.if %cond3A_139 {
        %add3A_361 = arith.constant 2 : i32
        %add3A_362 = arith.addi %add3A_125, %add3A_361 : i32
        %dma_start3A_363 = arith.constant 0 : i32
        %dma_start3A_364 = tpu.memref_slice %arg7[%add3A_362, %dma_start3A_363] : memref<80x128xi32, #tpu.memory_space<vmem>> -> memref<1x128xi32, #tpu.memory_space<vmem>>
        %dma_start3A_365 = tpu.memref_squeeze %dma_start3A_364 : memref<1x128xi32, #tpu.memory_space<vmem>> -> memref<128xi32, #tpu.memory_space<vmem>>
        %dma_start3A_366 = arith.constant 0 : i32
        %dma_start3A_367 = arith.constant 0 : i32
        %dma_start3A_368 = tpu.memref_slice %arg2[%dma_start3A_366, %dma_start3A_367] : memref<10000x128xf32, #tpu.memory_space<hbm>> -> memref<10000x128xf32, #tpu.memory_space<hbm>>
        tpu.enqueue_indirect_dma source(%dma_start3A_368 : memref<10000x128xf32, #tpu.memory_space<hbm>>) target(%arg10 : memref<128x128xf32, #tpu.memory_space<vmem>>) offsets(%dma_start3A_365 : memref<128xi32, #tpu.memory_space<vmem>>) semaphore(%arg13 : memref<!tpu.dma_semaphore, #tpu.memory_space<semaphore_mem>>)
      } else {
      }
      %mul3A_140 = arith.constant 8 : i32
      %mul3A_141 = arith.muli %add3A_50, %mul3A_140 : i32
      %add3A_142 = arith.constant 5 : i32
      %add3A_143 = arith.addi %mul3A_141, %add3A_142 : i32
      %dma_wait3A_144 = arith.constant 0 : i32
      %dma_wait3A_145 = tpu.memref_slice %arg7[%add3A_143, %dma_wait3A_144] : memref<80x128xi32, #tpu.memory_space<vmem>> -> memref<1x128xi32, #tpu.memory_space<vmem>>
      %dma_wait3A_146 = tpu.memref_squeeze %dma_wait3A_145 : memref<1x128xi32, #tpu.memory_space<vmem>> -> memref<128xi32, #tpu.memory_space<vmem>>
      %dma_wait3A_147 = arith.constant 0 : i32
      %dma_wait3A_148 = arith.constant 0 : i32
      %dma_wait3A_149 = tpu.memref_slice %arg2[%dma_wait3A_147, %dma_wait3A_148] : memref<10000x128xf32, #tpu.memory_space<hbm>> -> memref<10000x128xf32, #tpu.memory_space<hbm>>
      tpu.wait_indirect_dma semaphore(%arg14 : memref<!tpu.dma_semaphore, #tpu.memory_space<semaphore_mem>>) src(%dma_wait3A_149 : memref<10000x128xf32, #tpu.memory_space<hbm>>) dst(%arg11 : memref<128x128xf32, #tpu.memory_space<vmem>>)
      %run_scoped3A_150 = arith.constant 5 : i32
      "tpu.region"() ({
        %run_scoped3A_361 = tpu.sem_alloc : memref<!tpu.dma_semaphore, #tpu.memory_space<semaphore_mem>>
        %dma_start3A_362 = arith.constant 0 : i32
        %dma_start3A_363 = tpu.memref_slice %arg8[%run_scoped3A_150, %dma_start3A_362] : memref<8x128xi32, #tpu.memory_space<vmem>> -> memref<1x128xi32, #tpu.memory_space<vmem>>
        %dma_start3A_364 = tpu.memref_squeeze %dma_start3A_363 : memref<1x128xi32, #tpu.memory_space<vmem>> -> memref<128xi32, #tpu.memory_space<vmem>>
        %dma_start3A_365 = arith.constant 0 : i32
        %dma_start3A_366 = arith.constant 0 : i32
        %dma_start3A_367 = tpu.memref_slice %arg12[%dma_start3A_365, %dma_start3A_366] : memref<10240x128xf32, #tpu.memory_space<vmem_shared>> -> memref<10240x128xf32, #tpu.memory_space<vmem_shared>>
        tpu.enqueue_indirect_dma source(%arg11 : memref<128x128xf32, #tpu.memory_space<vmem>>) target(%dma_start3A_367 : memref<10240x128xf32, #tpu.memory_space<vmem_shared>>) offsets(%dma_start3A_364 : memref<128xi32, #tpu.memory_space<vmem>>) semaphore(%run_scoped3A_361 : memref<!tpu.dma_semaphore, #tpu.memory_space<semaphore_mem>>) {add = true}
        %dma_wait3A_368 = arith.constant 0 : i32
        %dma_wait3A_369 = tpu.memref_slice %arg8[%run_scoped3A_150, %dma_wait3A_368] : memref<8x128xi32, #tpu.memory_space<vmem>> -> memref<1x128xi32, #tpu.memory_space<vmem>>
        %dma_wait3A_370 = tpu.memref_squeeze %dma_wait3A_369 : memref<1x128xi32, #tpu.memory_space<vmem>> -> memref<128xi32, #tpu.memory_space<vmem>>
        %dma_wait3A_371 = arith.constant 0 : i32
        %dma_wait3A_372 = arith.constant 0 : i32
        %dma_wait3A_373 = tpu.memref_slice %arg12[%dma_wait3A_371, %dma_wait3A_372] : memref<10240x128xf32, #tpu.memory_space<vmem_shared>> -> memref<10240x128xf32, #tpu.memory_space<vmem_shared>>
        tpu.wait_indirect_dma semaphore(%run_scoped3A_361 : memref<!tpu.dma_semaphore, #tpu.memory_space<semaphore_mem>>) src(%arg11 : memref<128x128xf32, #tpu.memory_space<vmem>>) dst(%dma_wait3A_373 : memref<10240x128xf32, #tpu.memory_space<vmem_shared>>)
        tpu.yield
      }) : () -> ()
      %add3A_151 = arith.constant 2 : i32
      %add3A_152 = arith.addi %add3A_143, %add3A_151 : i32
      %lt3A_153 = arith.constant 80 : i32
      %lt3A_154 = arith.cmpi slt, %add3A_152, %lt3A_153 : i32
      %convert_element_type3A_155 = arith.extui %lt3A_154 : i1 to i32
      %cond3A_156 = arith.constant 0 : i32
      %cond3A_157 = arith.cmpi ne, %convert_element_type3A_155, %cond3A_156 : i32
      scf.if %cond3A_157 {
        %add3A_361 = arith.constant 2 : i32
        %add3A_362 = arith.addi %add3A_143, %add3A_361 : i32
        %dma_start3A_363 = arith.constant 0 : i32
        %dma_start3A_364 = tpu.memref_slice %arg7[%add3A_362, %dma_start3A_363] : memref<80x128xi32, #tpu.memory_space<vmem>> -> memref<1x128xi32, #tpu.memory_space<vmem>>
        %dma_start3A_365 = tpu.memref_squeeze %dma_start3A_364 : memref<1x128xi32, #tpu.memory_space<vmem>> -> memref<128xi32, #tpu.memory_space<vmem>>
        %dma_start3A_366 = arith.constant 0 : i32
        %dma_start3A_367 = arith.constant 0 : i32
        %dma_start3A_368 = tpu.memref_slice %arg2[%dma_start3A_366, %dma_start3A_367] : memref<10000x128xf32, #tpu.memory_space<hbm>> -> memref<10000x128xf32, #tpu.memory_space<hbm>>
        tpu.enqueue_indirect_dma source(%dma_start3A_368 : memref<10000x128xf32, #tpu.memory_space<hbm>>) target(%arg11 : memref<128x128xf32, #tpu.memory_space<vmem>>) offsets(%dma_start3A_365 : memref<128xi32, #tpu.memory_space<vmem>>) semaphore(%arg14 : memref<!tpu.dma_semaphore, #tpu.memory_space<semaphore_mem>>)
      } else {
      }
      %mul3A_158 = arith.constant 8 : i32
      %mul3A_159 = arith.muli %add3A_50, %mul3A_158 : i32
      %add3A_160 = arith.constant 6 : i32
      %add3A_161 = arith.addi %mul3A_159, %add3A_160 : i32
      %dma_wait3A_162 = arith.constant 0 : i32
      %dma_wait3A_163 = tpu.memref_slice %arg7[%add3A_161, %dma_wait3A_162] : memref<80x128xi32, #tpu.memory_space<vmem>> -> memref<1x128xi32, #tpu.memory_space<vmem>>
      %dma_wait3A_164 = tpu.memref_squeeze %dma_wait3A_163 : memref<1x128xi32, #tpu.memory_space<vmem>> -> memref<128xi32, #tpu.memory_space<vmem>>
      %dma_wait3A_165 = arith.constant 0 : i32
      %dma_wait3A_166 = arith.constant 0 : i32
      %dma_wait3A_167 = tpu.memref_slice %arg2[%dma_wait3A_165, %dma_wait3A_166] : memref<10000x128xf32, #tpu.memory_space<hbm>> -> memref<10000x128xf32, #tpu.memory_space<hbm>>
      tpu.wait_indirect_dma semaphore(%arg13 : memref<!tpu.dma_semaphore, #tpu.memory_space<semaphore_mem>>) src(%dma_wait3A_167 : memref<10000x128xf32, #tpu.memory_space<hbm>>) dst(%arg10 : memref<128x128xf32, #tpu.memory_space<vmem>>)
      %run_scoped3A_168 = arith.constant 6 : i32
      "tpu.region"() ({
        %run_scoped3A_361 = tpu.sem_alloc : memref<!tpu.dma_semaphore, #tpu.memory_space<semaphore_mem>>
        %dma_start3A_362 = arith.constant 0 : i32
        %dma_start3A_363 = tpu.memref_slice %arg8[%run_scoped3A_168, %dma_start3A_362] : memref<8x128xi32, #tpu.memory_space<vmem>> -> memref<1x128xi32, #tpu.memory_space<vmem>>
        %dma_start3A_364 = tpu.memref_squeeze %dma_start3A_363 : memref<1x128xi32, #tpu.memory_space<vmem>> -> memref<128xi32, #tpu.memory_space<vmem>>
        %dma_start3A_365 = arith.constant 0 : i32
        %dma_start3A_366 = arith.constant 0 : i32
        %dma_start3A_367 = tpu.memref_slice %arg12[%dma_start3A_365, %dma_start3A_366] : memref<10240x128xf32, #tpu.memory_space<vmem_shared>> -> memref<10240x128xf32, #tpu.memory_space<vmem_shared>>
        tpu.enqueue_indirect_dma source(%arg10 : memref<128x128xf32, #tpu.memory_space<vmem>>) target(%dma_start3A_367 : memref<10240x128xf32, #tpu.memory_space<vmem_shared>>) offsets(%dma_start3A_364 : memref<128xi32, #tpu.memory_space<vmem>>) semaphore(%run_scoped3A_361 : memref<!tpu.dma_semaphore, #tpu.memory_space<semaphore_mem>>) {add = true}
        %dma_wait3A_368 = arith.constant 0 : i32
        %dma_wait3A_369 = tpu.memref_slice %arg8[%run_scoped3A_168, %dma_wait3A_368] : memref<8x128xi32, #tpu.memory_space<vmem>> -> memref<1x128xi32, #tpu.memory_space<vmem>>
        %dma_wait3A_370 = tpu.memref_squeeze %dma_wait3A_369 : memref<1x128xi32, #tpu.memory_space<vmem>> -> memref<128xi32, #tpu.memory_space<vmem>>
        %dma_wait3A_371 = arith.constant 0 : i32
        %dma_wait3A_372 = arith.constant 0 : i32
        %dma_wait3A_373 = tpu.memref_slice %arg12[%dma_wait3A_371, %dma_wait3A_372] : memref<10240x128xf32, #tpu.memory_space<vmem_shared>> -> memref<10240x128xf32, #tpu.memory_space<vmem_shared>>
        tpu.wait_indirect_dma semaphore(%run_scoped3A_361 : memref<!tpu.dma_semaphore, #tpu.memory_space<semaphore_mem>>) src(%arg10 : memref<128x128xf32, #tpu.memory_space<vmem>>) dst(%dma_wait3A_373 : memref<10240x128xf32, #tpu.memory_space<vmem_shared>>)
        tpu.yield
      }) : () -> ()
      %add3A_169 = arith.constant 2 : i32
      %add3A_170 = arith.addi %add3A_161, %add3A_169 : i32
      %lt3A_171 = arith.constant 80 : i32
      %lt3A_172 = arith.cmpi slt, %add3A_170, %lt3A_171 : i32
      %convert_element_type3A_173 = arith.extui %lt3A_172 : i1 to i32
      %cond3A_174 = arith.constant 0 : i32
      %cond3A_175 = arith.cmpi ne, %convert_element_type3A_173, %cond3A_174 : i32
      scf.if %cond3A_175 {
        %add3A_361 = arith.constant 2 : i32
        %add3A_362 = arith.addi %add3A_161, %add3A_361 : i32
        %dma_start3A_363 = arith.constant 0 : i32
        %dma_start3A_364 = tpu.memref_slice %arg7[%add3A_362, %dma_start3A_363] : memref<80x128xi32, #tpu.memory_space<vmem>> -> memref<1x128xi32, #tpu.memory_space<vmem>>
        %dma_start3A_365 = tpu.memref_squeeze %dma_start3A_364 : memref<1x128xi32, #tpu.memory_space<vmem>> -> memref<128xi32, #tpu.memory_space<vmem>>
        %dma_start3A_366 = arith.constant 0 : i32
        %dma_start3A_367 = arith.constant 0 : i32
        %dma_start3A_368 = tpu.memref_slice %arg2[%dma_start3A_366, %dma_start3A_367] : memref<10000x128xf32, #tpu.memory_space<hbm>> -> memref<10000x128xf32, #tpu.memory_space<hbm>>
        tpu.enqueue_indirect_dma source(%dma_start3A_368 : memref<10000x128xf32, #tpu.memory_space<hbm>>) target(%arg10 : memref<128x128xf32, #tpu.memory_space<vmem>>) offsets(%dma_start3A_365 : memref<128xi32, #tpu.memory_space<vmem>>) semaphore(%arg13 : memref<!tpu.dma_semaphore, #tpu.memory_space<semaphore_mem>>)
      } else {
      }
      %mul3A_176 = arith.constant 8 : i32
      %mul3A_177 = arith.muli %add3A_50, %mul3A_176 : i32
      %add3A_178 = arith.constant 7 : i32
      %add3A_179 = arith.addi %mul3A_177, %add3A_178 : i32
      %dma_wait3A_180 = arith.constant 0 : i32
      %dma_wait3A_181 = tpu.memref_slice %arg7[%add3A_179, %dma_wait3A_180] : memref<80x128xi32, #tpu.memory_space<vmem>> -> memref<1x128xi32, #tpu.memory_space<vmem>>
      %dma_wait3A_182 = tpu.memref_squeeze %dma_wait3A_181 : memref<1x128xi32, #tpu.memory_space<vmem>> -> memref<128xi32, #tpu.memory_space<vmem>>
      %dma_wait3A_183 = arith.constant 0 : i32
      %dma_wait3A_184 = arith.constant 0 : i32
      %dma_wait3A_185 = tpu.memref_slice %arg2[%dma_wait3A_183, %dma_wait3A_184] : memref<10000x128xf32, #tpu.memory_space<hbm>> -> memref<10000x128xf32, #tpu.memory_space<hbm>>
      tpu.wait_indirect_dma semaphore(%arg14 : memref<!tpu.dma_semaphore, #tpu.memory_space<semaphore_mem>>) src(%dma_wait3A_185 : memref<10000x128xf32, #tpu.memory_space<hbm>>) dst(%arg11 : memref<128x128xf32, #tpu.memory_space<vmem>>)
      %run_scoped3A_186 = arith.constant 7 : i32
      "tpu.region"() ({
        %run_scoped3A_361 = tpu.sem_alloc : memref<!tpu.dma_semaphore, #tpu.memory_space<semaphore_mem>>
        %dma_start3A_362 = arith.constant 0 : i32
        %dma_start3A_363 = tpu.memref_slice %arg8[%run_scoped3A_186, %dma_start3A_362] : memref<8x128xi32, #tpu.memory_space<vmem>> -> memref<1x128xi32, #tpu.memory_space<vmem>>
        %dma_start3A_364 = tpu.memref_squeeze %dma_start3A_363 : memref<1x128xi32, #tpu.memory_space<vmem>> -> memref<128xi32, #tpu.memory_space<vmem>>
        %dma_start3A_365 = arith.constant 0 : i32
        %dma_start3A_366 = arith.constant 0 : i32
        %dma_start3A_367 = tpu.memref_slice %arg12[%dma_start3A_365, %dma_start3A_366] : memref<10240x128xf32, #tpu.memory_space<vmem_shared>> -> memref<10240x128xf32, #tpu.memory_space<vmem_shared>>
        tpu.enqueue_indirect_dma source(%arg11 : memref<128x128xf32, #tpu.memory_space<vmem>>) target(%dma_start3A_367 : memref<10240x128xf32, #tpu.memory_space<vmem_shared>>) offsets(%dma_start3A_364 : memref<128xi32, #tpu.memory_space<vmem>>) semaphore(%run_scoped3A_361 : memref<!tpu.dma_semaphore, #tpu.memory_space<semaphore_mem>>) {add = true}
        %dma_wait3A_368 = arith.constant 0 : i32
        %dma_wait3A_369 = tpu.memref_slice %arg8[%run_scoped3A_186, %dma_wait3A_368] : memref<8x128xi32, #tpu.memory_space<vmem>> -> memref<1x128xi32, #tpu.memory_space<vmem>>
        %dma_wait3A_370 = tpu.memref_squeeze %dma_wait3A_369 : memref<1x128xi32, #tpu.memory_space<vmem>> -> memref<128xi32, #tpu.memory_space<vmem>>
        %dma_wait3A_371 = arith.constant 0 : i32
        %dma_wait3A_372 = arith.constant 0 : i32
        %dma_wait3A_373 = tpu.memref_slice %arg12[%dma_wait3A_371, %dma_wait3A_372] : memref<10240x128xf32, #tpu.memory_space<vmem_shared>> -> memref<10240x128xf32, #tpu.memory_space<vmem_shared>>
        tpu.wait_indirect_dma semaphore(%run_scoped3A_361 : memref<!tpu.dma_semaphore, #tpu.memory_space<semaphore_mem>>) src(%arg11 : memref<128x128xf32, #tpu.memory_space<vmem>>) dst(%dma_wait3A_373 : memref<10240x128xf32, #tpu.memory_space<vmem_shared>>)
        tpu.yield
      }) : () -> ()
      %add3A_187 = arith.constant 2 : i32
      %add3A_188 = arith.addi %add3A_179, %add3A_187 : i32
      %lt3A_189 = arith.constant 80 : i32
      %lt3A_190 = arith.cmpi slt, %add3A_188, %lt3A_189 : i32
      %convert_element_type3A_191 = arith.extui %lt3A_190 : i1 to i32
      %cond3A_192 = arith.constant 0 : i32
      %cond3A_193 = arith.cmpi ne, %convert_element_type3A_191, %cond3A_192 : i32
      scf.if %cond3A_193 {
        %add3A_361 = arith.constant 2 : i32
        %add3A_362 = arith.addi %add3A_179, %add3A_361 : i32
        %dma_start3A_363 = arith.constant 0 : i32
        %dma_start3A_364 = tpu.memref_slice %arg7[%add3A_362, %dma_start3A_363] : memref<80x128xi32, #tpu.memory_space<vmem>> -> memref<1x128xi32, #tpu.memory_space<vmem>>
        %dma_start3A_365 = tpu.memref_squeeze %dma_start3A_364 : memref<1x128xi32, #tpu.memory_space<vmem>> -> memref<128xi32, #tpu.memory_space<vmem>>
        %dma_start3A_366 = arith.constant 0 : i32
        %dma_start3A_367 = arith.constant 0 : i32
        %dma_start3A_368 = tpu.memref_slice %arg2[%dma_start3A_366, %dma_start3A_367] : memref<10000x128xf32, #tpu.memory_space<hbm>> -> memref<10000x128xf32, #tpu.memory_space<hbm>>
        tpu.enqueue_indirect_dma source(%dma_start3A_368 : memref<10000x128xf32, #tpu.memory_space<hbm>>) target(%arg11 : memref<128x128xf32, #tpu.memory_space<vmem>>) offsets(%dma_start3A_365 : memref<128xi32, #tpu.memory_space<vmem>>) semaphore(%arg14 : memref<!tpu.dma_semaphore, #tpu.memory_space<semaphore_mem>>)
      } else {
      }
      %add3A_194 = arith.constant 2 : i32
      %add3A_195 = arith.addi %add3A_50, %add3A_194 : i32
      %lt3A_196 = arith.constant 10 : i32
      %lt3A_197 = arith.cmpi slt, %add3A_195, %lt3A_196 : i32
      %convert_element_type3A_198 = arith.extui %lt3A_197 : i1 to i32
      %cond3A_199 = arith.constant 0 : i32
      %cond3A_200 = arith.cmpi ne, %convert_element_type3A_198, %cond3A_199 : i32
      scf.if %cond3A_200 {
        %add3A_361 = arith.addi %mul3A_16, %add3A_50 : i32
        %add3A_362 = arith.constant 2 : i32
        %add3A_363 = arith.addi %add3A_361, %add3A_362 : i32
        %dma_start3A_364 = arith.constant 0 : i32
        %dma_start3A_365 = arith.constant 0 : i32
        %dma_start3A_366 = tpu.memref_slice %arg4[%add3A_363, %dma_start3A_364, %dma_start3A_365] : memref<320x8x128xi32, #tpu.memory_space<hbm>> -> memref<1x8x128xi32, #tpu.memory_space<hbm>>
        %dma_start3A_367 = tpu.memref_squeeze %dma_start3A_366 : memref<1x8x128xi32, #tpu.memory_space<hbm>> -> memref<8x128xi32, #tpu.memory_space<hbm>>
        %dma_start3A_368 = arith.constant 0 : i32
        %dma_start3A_369 = arith.constant 0 : i32
        %dma_start3A_370 = tpu.memref_slice %arg4[%add3A_363, %dma_start3A_368, %dma_start3A_369] : memref<320x8x128xi32, #tpu.memory_space<hbm>> -> memref<1x8x128xi32, #tpu.memory_space<hbm>>
        %dma_start3A_371 = tpu.memref_squeeze %dma_start3A_370 : memref<1x8x128xi32, #tpu.memory_space<hbm>> -> memref<8x128xi32, #tpu.memory_space<hbm>>
        tpu.enqueue_dma source(%dma_start3A_371 : memref<8x128xi32, #tpu.memory_space<hbm>>) target(%arg8 : memref<8x128xi32, #tpu.memory_space<vmem>>) target_semaphore(%arg15 : memref<!tpu.dma_semaphore, #tpu.memory_space<semaphore_mem>>)
      } else {
      }
      %mul3A_201 = arith.constant 2 : i32
      %mul3A_202 = arith.muli %scan3A_46, %mul3A_201 : i32
      %add3A_203 = arith.constant 1 : i32
      %add3A_204 = arith.addi %mul3A_202, %add3A_203 : i32
      %gt3A_205 = arith.constant 0 : i32
      %gt3A_206 = arith.cmpi sgt, %add3A_204, %gt3A_205 : i32
      %convert_element_type3A_207 = arith.extui %gt3A_206 : i1 to i32
      %cond3A_208 = arith.constant 0 : i32
      %cond3A_209 = arith.cmpi ne, %convert_element_type3A_207, %cond3A_208 : i32
      scf.if %cond3A_209 {
        %add3A_361 = arith.addi %mul3A_16, %add3A_204 : i32
        %dma_wait3A_362 = arith.constant 0 : i32
        %dma_wait3A_363 = arith.constant 0 : i32
        %dma_wait3A_364 = tpu.memref_slice %arg4[%add3A_361, %dma_wait3A_362, %dma_wait3A_363] : memref<320x8x128xi32, #tpu.memory_space<hbm>> -> memref<1x8x128xi32, #tpu.memory_space<hbm>>
        %dma_wait3A_365 = tpu.memref_squeeze %dma_wait3A_364 : memref<1x8x128xi32, #tpu.memory_space<hbm>> -> memref<8x128xi32, #tpu.memory_space<hbm>>
        %dma_wait3A_366 = arith.constant 0 : i32
        %dma_wait3A_367 = arith.constant 0 : i32
        %dma_wait3A_368 = tpu.memref_slice %arg4[%add3A_361, %dma_wait3A_366, %dma_wait3A_367] : memref<320x8x128xi32, #tpu.memory_space<hbm>> -> memref<1x8x128xi32, #tpu.memory_space<hbm>>
        %dma_wait3A_369 = tpu.memref_squeeze %dma_wait3A_368 : memref<1x8x128xi32, #tpu.memory_space<hbm>> -> memref<8x128xi32, #tpu.memory_space<hbm>>
        tpu.wait_dma2 semaphore(%arg16 : memref<!tpu.dma_semaphore, #tpu.memory_space<semaphore_mem>>) src(%dma_wait3A_369 : memref<8x128xi32, #tpu.memory_space<hbm>>) dst(%arg9 : memref<8x128xi32, #tpu.memory_space<vmem>>)
      } else {
      }
      %mul3A_210 = arith.constant 8 : i32
      %mul3A_211 = arith.muli %add3A_204, %mul3A_210 : i32
      %add3A_212 = arith.constant 0 : i32
      %add3A_213 = arith.addi %mul3A_211, %add3A_212 : i32
      %dma_wait3A_214 = arith.constant 0 : i32
      %dma_wait3A_215 = tpu.memref_slice %arg7[%add3A_213, %dma_wait3A_214] : memref<80x128xi32, #tpu.memory_space<vmem>> -> memref<1x128xi32, #tpu.memory_space<vmem>>
      %dma_wait3A_216 = tpu.memref_squeeze %dma_wait3A_215 : memref<1x128xi32, #tpu.memory_space<vmem>> -> memref<128xi32, #tpu.memory_space<vmem>>
      %dma_wait3A_217 = arith.constant 0 : i32
      %dma_wait3A_218 = arith.constant 0 : i32
      %dma_wait3A_219 = tpu.memref_slice %arg2[%dma_wait3A_217, %dma_wait3A_218] : memref<10000x128xf32, #tpu.memory_space<hbm>> -> memref<10000x128xf32, #tpu.memory_space<hbm>>
      tpu.wait_indirect_dma semaphore(%arg13 : memref<!tpu.dma_semaphore, #tpu.memory_space<semaphore_mem>>) src(%dma_wait3A_219 : memref<10000x128xf32, #tpu.memory_space<hbm>>) dst(%arg10 : memref<128x128xf32, #tpu.memory_space<vmem>>)
      %run_scoped3A_220 = arith.constant 0 : i32
      "tpu.region"() ({
        %run_scoped3A_361 = tpu.sem_alloc : memref<!tpu.dma_semaphore, #tpu.memory_space<semaphore_mem>>
        %dma_start3A_362 = arith.constant 0 : i32
        %dma_start3A_363 = tpu.memref_slice %arg9[%run_scoped3A_220, %dma_start3A_362] : memref<8x128xi32, #tpu.memory_space<vmem>> -> memref<1x128xi32, #tpu.memory_space<vmem>>
        %dma_start3A_364 = tpu.memref_squeeze %dma_start3A_363 : memref<1x128xi32, #tpu.memory_space<vmem>> -> memref<128xi32, #tpu.memory_space<vmem>>
        %dma_start3A_365 = arith.constant 0 : i32
        %dma_start3A_366 = arith.constant 0 : i32
        %dma_start3A_367 = tpu.memref_slice %arg12[%dma_start3A_365, %dma_start3A_366] : memref<10240x128xf32, #tpu.memory_space<vmem_shared>> -> memref<10240x128xf32, #tpu.memory_space<vmem_shared>>
        tpu.enqueue_indirect_dma source(%arg10 : memref<128x128xf32, #tpu.memory_space<vmem>>) target(%dma_start3A_367 : memref<10240x128xf32, #tpu.memory_space<vmem_shared>>) offsets(%dma_start3A_364 : memref<128xi32, #tpu.memory_space<vmem>>) semaphore(%run_scoped3A_361 : memref<!tpu.dma_semaphore, #tpu.memory_space<semaphore_mem>>) {add = true}
        %dma_wait3A_368 = arith.constant 0 : i32
        %dma_wait3A_369 = tpu.memref_slice %arg9[%run_scoped3A_220, %dma_wait3A_368] : memref<8x128xi32, #tpu.memory_space<vmem>> -> memref<1x128xi32, #tpu.memory_space<vmem>>
        %dma_wait3A_370 = tpu.memref_squeeze %dma_wait3A_369 : memref<1x128xi32, #tpu.memory_space<vmem>> -> memref<128xi32, #tpu.memory_space<vmem>>
        %dma_wait3A_371 = arith.constant 0 : i32
        %dma_wait3A_372 = arith.constant 0 : i32
        %dma_wait3A_373 = tpu.memref_slice %arg12[%dma_wait3A_371, %dma_wait3A_372] : memref<10240x128xf32, #tpu.memory_space<vmem_shared>> -> memref<10240x128xf32, #tpu.memory_space<vmem_shared>>
        tpu.wait_indirect_dma semaphore(%run_scoped3A_361 : memref<!tpu.dma_semaphore, #tpu.memory_space<semaphore_mem>>) src(%arg10 : memref<128x128xf32, #tpu.memory_space<vmem>>) dst(%dma_wait3A_373 : memref<10240x128xf32, #tpu.memory_space<vmem_shared>>)
        tpu.yield
      }) : () -> ()
      %add3A_221 = arith.constant 2 : i32
      %add3A_222 = arith.addi %add3A_213, %add3A_221 : i32
      %lt3A_223 = arith.constant 80 : i32
      %lt3A_224 = arith.cmpi slt, %add3A_222, %lt3A_223 : i32
      %convert_element_type3A_225 = arith.extui %lt3A_224 : i1 to i32
      %cond3A_226 = arith.constant 0 : i32
      %cond3A_227 = arith.cmpi ne, %convert_element_type3A_225, %cond3A_226 : i32
      scf.if %cond3A_227 {
        %add3A_361 = arith.constant 2 : i32
        %add3A_362 = arith.addi %add3A_213, %add3A_361 : i32
        %dma_start3A_363 = arith.constant 0 : i32
        %dma_start3A_364 = tpu.memref_slice %arg7[%add3A_362, %dma_start3A_363] : memref<80x128xi32, #tpu.memory_space<vmem>> -> memref<1x128xi32, #tpu.memory_space<vmem>>
        %dma_start3A_365 = tpu.memref_squeeze %dma_start3A_364 : memref<1x128xi32, #tpu.memory_space<vmem>> -> memref<128xi32, #tpu.memory_space<vmem>>
        %dma_start3A_366 = arith.constant 0 : i32
        %dma_start3A_367 = arith.constant 0 : i32
        %dma_start3A_368 = tpu.memref_slice %arg2[%dma_start3A_366, %dma_start3A_367] : memref<10000x128xf32, #tpu.memory_space<hbm>> -> memref<10000x128xf32, #tpu.memory_space<hbm>>
        tpu.enqueue_indirect_dma source(%dma_start3A_368 : memref<10000x128xf32, #tpu.memory_space<hbm>>) target(%arg10 : memref<128x128xf32, #tpu.memory_space<vmem>>) offsets(%dma_start3A_365 : memref<128xi32, #tpu.memory_space<vmem>>) semaphore(%arg13 : memref<!tpu.dma_semaphore, #tpu.memory_space<semaphore_mem>>)
      } else {
      }
      %mul3A_228 = arith.constant 8 : i32
      %mul3A_229 = arith.muli %add3A_204, %mul3A_228 : i32
      %add3A_230 = arith.constant 1 : i32
      %add3A_231 = arith.addi %mul3A_229, %add3A_230 : i32
      %dma_wait3A_232 = arith.constant 0 : i32
      %dma_wait3A_233 = tpu.memref_slice %arg7[%add3A_231, %dma_wait3A_232] : memref<80x128xi32, #tpu.memory_space<vmem>> -> memref<1x128xi32, #tpu.memory_space<vmem>>
      %dma_wait3A_234 = tpu.memref_squeeze %dma_wait3A_233 : memref<1x128xi32, #tpu.memory_space<vmem>> -> memref<128xi32, #tpu.memory_space<vmem>>
      %dma_wait3A_235 = arith.constant 0 : i32
      %dma_wait3A_236 = arith.constant 0 : i32
      %dma_wait3A_237 = tpu.memref_slice %arg2[%dma_wait3A_235, %dma_wait3A_236] : memref<10000x128xf32, #tpu.memory_space<hbm>> -> memref<10000x128xf32, #tpu.memory_space<hbm>>
      tpu.wait_indirect_dma semaphore(%arg14 : memref<!tpu.dma_semaphore, #tpu.memory_space<semaphore_mem>>) src(%dma_wait3A_237 : memref<10000x128xf32, #tpu.memory_space<hbm>>) dst(%arg11 : memref<128x128xf32, #tpu.memory_space<vmem>>)
      %run_scoped3A_238 = arith.constant 1 : i32
      "tpu.region"() ({
        %run_scoped3A_361 = tpu.sem_alloc : memref<!tpu.dma_semaphore, #tpu.memory_space<semaphore_mem>>
        %dma_start3A_362 = arith.constant 0 : i32
        %dma_start3A_363 = tpu.memref_slice %arg9[%run_scoped3A_238, %dma_start3A_362] : memref<8x128xi32, #tpu.memory_space<vmem>> -> memref<1x128xi32, #tpu.memory_space<vmem>>
        %dma_start3A_364 = tpu.memref_squeeze %dma_start3A_363 : memref<1x128xi32, #tpu.memory_space<vmem>> -> memref<128xi32, #tpu.memory_space<vmem>>
        %dma_start3A_365 = arith.constant 0 : i32
        %dma_start3A_366 = arith.constant 0 : i32
        %dma_start3A_367 = tpu.memref_slice %arg12[%dma_start3A_365, %dma_start3A_366] : memref<10240x128xf32, #tpu.memory_space<vmem_shared>> -> memref<10240x128xf32, #tpu.memory_space<vmem_shared>>
        tpu.enqueue_indirect_dma source(%arg11 : memref<128x128xf32, #tpu.memory_space<vmem>>) target(%dma_start3A_367 : memref<10240x128xf32, #tpu.memory_space<vmem_shared>>) offsets(%dma_start3A_364 : memref<128xi32, #tpu.memory_space<vmem>>) semaphore(%run_scoped3A_361 : memref<!tpu.dma_semaphore, #tpu.memory_space<semaphore_mem>>) {add = true}
        %dma_wait3A_368 = arith.constant 0 : i32
        %dma_wait3A_369 = tpu.memref_slice %arg9[%run_scoped3A_238, %dma_wait3A_368] : memref<8x128xi32, #tpu.memory_space<vmem>> -> memref<1x128xi32, #tpu.memory_space<vmem>>
        %dma_wait3A_370 = tpu.memref_squeeze %dma_wait3A_369 : memref<1x128xi32, #tpu.memory_space<vmem>> -> memref<128xi32, #tpu.memory_space<vmem>>
        %dma_wait3A_371 = arith.constant 0 : i32
        %dma_wait3A_372 = arith.constant 0 : i32
        %dma_wait3A_373 = tpu.memref_slice %arg12[%dma_wait3A_371, %dma_wait3A_372] : memref<10240x128xf32, #tpu.memory_space<vmem_shared>> -> memref<10240x128xf32, #tpu.memory_space<vmem_shared>>
        tpu.wait_indirect_dma semaphore(%run_scoped3A_361 : memref<!tpu.dma_semaphore, #tpu.memory_space<semaphore_mem>>) src(%arg11 : memref<128x128xf32, #tpu.memory_space<vmem>>) dst(%dma_wait3A_373 : memref<10240x128xf32, #tpu.memory_space<vmem_shared>>)
        tpu.yield
      }) : () -> ()
      %add3A_239 = arith.constant 2 : i32
      %add3A_240 = arith.addi %add3A_231, %add3A_239 : i32
      %lt3A_241 = arith.constant 80 : i32
      %lt3A_242 = arith.cmpi slt, %add3A_240, %lt3A_241 : i32
      %convert_element_type3A_243 = arith.extui %lt3A_242 : i1 to i32
      %cond3A_244 = arith.constant 0 : i32
      %cond3A_245 = arith.cmpi ne, %convert_element_type3A_243, %cond3A_244 : i32
      scf.if %cond3A_245 {
        %add3A_361 = arith.constant 2 : i32
        %add3A_362 = arith.addi %add3A_231, %add3A_361 : i32
        %dma_start3A_363 = arith.constant 0 : i32
        %dma_start3A_364 = tpu.memref_slice %arg7[%add3A_362, %dma_start3A_363] : memref<80x128xi32, #tpu.memory_space<vmem>> -> memref<1x128xi32, #tpu.memory_space<vmem>>
        %dma_start3A_365 = tpu.memref_squeeze %dma_start3A_364 : memref<1x128xi32, #tpu.memory_space<vmem>> -> memref<128xi32, #tpu.memory_space<vmem>>
        %dma_start3A_366 = arith.constant 0 : i32
        %dma_start3A_367 = arith.constant 0 : i32
        %dma_start3A_368 = tpu.memref_slice %arg2[%dma_start3A_366, %dma_start3A_367] : memref<10000x128xf32, #tpu.memory_space<hbm>> -> memref<10000x128xf32, #tpu.memory_space<hbm>>
        tpu.enqueue_indirect_dma source(%dma_start3A_368 : memref<10000x128xf32, #tpu.memory_space<hbm>>) target(%arg11 : memref<128x128xf32, #tpu.memory_space<vmem>>) offsets(%dma_start3A_365 : memref<128xi32, #tpu.memory_space<vmem>>) semaphore(%arg14 : memref<!tpu.dma_semaphore, #tpu.memory_space<semaphore_mem>>)
      } else {
      }
      %mul3A_246 = arith.constant 8 : i32
      %mul3A_247 = arith.muli %add3A_204, %mul3A_246 : i32
      %add3A_248 = arith.constant 2 : i32
      %add3A_249 = arith.addi %mul3A_247, %add3A_248 : i32
      %dma_wait3A_250 = arith.constant 0 : i32
      %dma_wait3A_251 = tpu.memref_slice %arg7[%add3A_249, %dma_wait3A_250] : memref<80x128xi32, #tpu.memory_space<vmem>> -> memref<1x128xi32, #tpu.memory_space<vmem>>
      %dma_wait3A_252 = tpu.memref_squeeze %dma_wait3A_251 : memref<1x128xi32, #tpu.memory_space<vmem>> -> memref<128xi32, #tpu.memory_space<vmem>>
      %dma_wait3A_253 = arith.constant 0 : i32
      %dma_wait3A_254 = arith.constant 0 : i32
      %dma_wait3A_255 = tpu.memref_slice %arg2[%dma_wait3A_253, %dma_wait3A_254] : memref<10000x128xf32, #tpu.memory_space<hbm>> -> memref<10000x128xf32, #tpu.memory_space<hbm>>
      tpu.wait_indirect_dma semaphore(%arg13 : memref<!tpu.dma_semaphore, #tpu.memory_space<semaphore_mem>>) src(%dma_wait3A_255 : memref<10000x128xf32, #tpu.memory_space<hbm>>) dst(%arg10 : memref<128x128xf32, #tpu.memory_space<vmem>>)
      %run_scoped3A_256 = arith.constant 2 : i32
      "tpu.region"() ({
        %run_scoped3A_361 = tpu.sem_alloc : memref<!tpu.dma_semaphore, #tpu.memory_space<semaphore_mem>>
        %dma_start3A_362 = arith.constant 0 : i32
        %dma_start3A_363 = tpu.memref_slice %arg9[%run_scoped3A_256, %dma_start3A_362] : memref<8x128xi32, #tpu.memory_space<vmem>> -> memref<1x128xi32, #tpu.memory_space<vmem>>
        %dma_start3A_364 = tpu.memref_squeeze %dma_start3A_363 : memref<1x128xi32, #tpu.memory_space<vmem>> -> memref<128xi32, #tpu.memory_space<vmem>>
        %dma_start3A_365 = arith.constant 0 : i32
        %dma_start3A_366 = arith.constant 0 : i32
        %dma_start3A_367 = tpu.memref_slice %arg12[%dma_start3A_365, %dma_start3A_366] : memref<10240x128xf32, #tpu.memory_space<vmem_shared>> -> memref<10240x128xf32, #tpu.memory_space<vmem_shared>>
        tpu.enqueue_indirect_dma source(%arg10 : memref<128x128xf32, #tpu.memory_space<vmem>>) target(%dma_start3A_367 : memref<10240x128xf32, #tpu.memory_space<vmem_shared>>) offsets(%dma_start3A_364 : memref<128xi32, #tpu.memory_space<vmem>>) semaphore(%run_scoped3A_361 : memref<!tpu.dma_semaphore, #tpu.memory_space<semaphore_mem>>) {add = true}
        %dma_wait3A_368 = arith.constant 0 : i32
        %dma_wait3A_369 = tpu.memref_slice %arg9[%run_scoped3A_256, %dma_wait3A_368] : memref<8x128xi32, #tpu.memory_space<vmem>> -> memref<1x128xi32, #tpu.memory_space<vmem>>
        %dma_wait3A_370 = tpu.memref_squeeze %dma_wait3A_369 : memref<1x128xi32, #tpu.memory_space<vmem>> -> memref<128xi32, #tpu.memory_space<vmem>>
        %dma_wait3A_371 = arith.constant 0 : i32
        %dma_wait3A_372 = arith.constant 0 : i32
        %dma_wait3A_373 = tpu.memref_slice %arg12[%dma_wait3A_371, %dma_wait3A_372] : memref<10240x128xf32, #tpu.memory_space<vmem_shared>> -> memref<10240x128xf32, #tpu.memory_space<vmem_shared>>
        tpu.wait_indirect_dma semaphore(%run_scoped3A_361 : memref<!tpu.dma_semaphore, #tpu.memory_space<semaphore_mem>>) src(%arg10 : memref<128x128xf32, #tpu.memory_space<vmem>>) dst(%dma_wait3A_373 : memref<10240x128xf32, #tpu.memory_space<vmem_shared>>)
        tpu.yield
      }) : () -> ()
      %add3A_257 = arith.constant 2 : i32
      %add3A_258 = arith.addi %add3A_249, %add3A_257 : i32
      %lt3A_259 = arith.constant 80 : i32
      %lt3A_260 = arith.cmpi slt, %add3A_258, %lt3A_259 : i32
      %convert_element_type3A_261 = arith.extui %lt3A_260 : i1 to i32
      %cond3A_262 = arith.constant 0 : i32
      %cond3A_263 = arith.cmpi ne, %convert_element_type3A_261, %cond3A_262 : i32
      scf.if %cond3A_263 {
        %add3A_361 = arith.constant 2 : i32
        %add3A_362 = arith.addi %add3A_249, %add3A_361 : i32
        %dma_start3A_363 = arith.constant 0 : i32
        %dma_start3A_364 = tpu.memref_slice %arg7[%add3A_362, %dma_start3A_363] : memref<80x128xi32, #tpu.memory_space<vmem>> -> memref<1x128xi32, #tpu.memory_space<vmem>>
        %dma_start3A_365 = tpu.memref_squeeze %dma_start3A_364 : memref<1x128xi32, #tpu.memory_space<vmem>> -> memref<128xi32, #tpu.memory_space<vmem>>
        %dma_start3A_366 = arith.constant 0 : i32
        %dma_start3A_367 = arith.constant 0 : i32
        %dma_start3A_368 = tpu.memref_slice %arg2[%dma_start3A_366, %dma_start3A_367] : memref<10000x128xf32, #tpu.memory_space<hbm>> -> memref<10000x128xf32, #tpu.memory_space<hbm>>
        tpu.enqueue_indirect_dma source(%dma_start3A_368 : memref<10000x128xf32, #tpu.memory_space<hbm>>) target(%arg10 : memref<128x128xf32, #tpu.memory_space<vmem>>) offsets(%dma_start3A_365 : memref<128xi32, #tpu.memory_space<vmem>>) semaphore(%arg13 : memref<!tpu.dma_semaphore, #tpu.memory_space<semaphore_mem>>)
      } else {
      }
      %mul3A_264 = arith.constant 8 : i32
      %mul3A_265 = arith.muli %add3A_204, %mul3A_264 : i32
      %add3A_266 = arith.constant 3 : i32
      %add3A_267 = arith.addi %mul3A_265, %add3A_266 : i32
      %dma_wait3A_268 = arith.constant 0 : i32
      %dma_wait3A_269 = tpu.memref_slice %arg7[%add3A_267, %dma_wait3A_268] : memref<80x128xi32, #tpu.memory_space<vmem>> -> memref<1x128xi32, #tpu.memory_space<vmem>>
      %dma_wait3A_270 = tpu.memref_squeeze %dma_wait3A_269 : memref<1x128xi32, #tpu.memory_space<vmem>> -> memref<128xi32, #tpu.memory_space<vmem>>
      %dma_wait3A_271 = arith.constant 0 : i32
      %dma_wait3A_272 = arith.constant 0 : i32
      %dma_wait3A_273 = tpu.memref_slice %arg2[%dma_wait3A_271, %dma_wait3A_272] : memref<10000x128xf32, #tpu.memory_space<hbm>> -> memref<10000x128xf32, #tpu.memory_space<hbm>>
      tpu.wait_indirect_dma semaphore(%arg14 : memref<!tpu.dma_semaphore, #tpu.memory_space<semaphore_mem>>) src(%dma_wait3A_273 : memref<10000x128xf32, #tpu.memory_space<hbm>>) dst(%arg11 : memref<128x128xf32, #tpu.memory_space<vmem>>)
      %run_scoped3A_274 = arith.constant 3 : i32
      "tpu.region"() ({
        %run_scoped3A_361 = tpu.sem_alloc : memref<!tpu.dma_semaphore, #tpu.memory_space<semaphore_mem>>
        %dma_start3A_362 = arith.constant 0 : i32
        %dma_start3A_363 = tpu.memref_slice %arg9[%run_scoped3A_274, %dma_start3A_362] : memref<8x128xi32, #tpu.memory_space<vmem>> -> memref<1x128xi32, #tpu.memory_space<vmem>>
        %dma_start3A_364 = tpu.memref_squeeze %dma_start3A_363 : memref<1x128xi32, #tpu.memory_space<vmem>> -> memref<128xi32, #tpu.memory_space<vmem>>
        %dma_start3A_365 = arith.constant 0 : i32
        %dma_start3A_366 = arith.constant 0 : i32
        %dma_start3A_367 = tpu.memref_slice %arg12[%dma_start3A_365, %dma_start3A_366] : memref<10240x128xf32, #tpu.memory_space<vmem_shared>> -> memref<10240x128xf32, #tpu.memory_space<vmem_shared>>
        tpu.enqueue_indirect_dma source(%arg11 : memref<128x128xf32, #tpu.memory_space<vmem>>) target(%dma_start3A_367 : memref<10240x128xf32, #tpu.memory_space<vmem_shared>>) offsets(%dma_start3A_364 : memref<128xi32, #tpu.memory_space<vmem>>) semaphore(%run_scoped3A_361 : memref<!tpu.dma_semaphore, #tpu.memory_space<semaphore_mem>>) {add = true}
        %dma_wait3A_368 = arith.constant 0 : i32
        %dma_wait3A_369 = tpu.memref_slice %arg9[%run_scoped3A_274, %dma_wait3A_368] : memref<8x128xi32, #tpu.memory_space<vmem>> -> memref<1x128xi32, #tpu.memory_space<vmem>>
        %dma_wait3A_370 = tpu.memref_squeeze %dma_wait3A_369 : memref<1x128xi32, #tpu.memory_space<vmem>> -> memref<128xi32, #tpu.memory_space<vmem>>
        %dma_wait3A_371 = arith.constant 0 : i32
        %dma_wait3A_372 = arith.constant 0 : i32
        %dma_wait3A_373 = tpu.memref_slice %arg12[%dma_wait3A_371, %dma_wait3A_372] : memref<10240x128xf32, #tpu.memory_space<vmem_shared>> -> memref<10240x128xf32, #tpu.memory_space<vmem_shared>>
        tpu.wait_indirect_dma semaphore(%run_scoped3A_361 : memref<!tpu.dma_semaphore, #tpu.memory_space<semaphore_mem>>) src(%arg11 : memref<128x128xf32, #tpu.memory_space<vmem>>) dst(%dma_wait3A_373 : memref<10240x128xf32, #tpu.memory_space<vmem_shared>>)
        tpu.yield
      }) : () -> ()
      %add3A_275 = arith.constant 2 : i32
      %add3A_276 = arith.addi %add3A_267, %add3A_275 : i32
      %lt3A_277 = arith.constant 80 : i32
      %lt3A_278 = arith.cmpi slt, %add3A_276, %lt3A_277 : i32
      %convert_element_type3A_279 = arith.extui %lt3A_278 : i1 to i32
      %cond3A_280 = arith.constant 0 : i32
      %cond3A_281 = arith.cmpi ne, %convert_element_type3A_279, %cond3A_280 : i32
      scf.if %cond3A_281 {
        %add3A_361 = arith.constant 2 : i32
        %add3A_362 = arith.addi %add3A_267, %add3A_361 : i32
        %dma_start3A_363 = arith.constant 0 : i32
        %dma_start3A_364 = tpu.memref_slice %arg7[%add3A_362, %dma_start3A_363] : memref<80x128xi32, #tpu.memory_space<vmem>> -> memref<1x128xi32, #tpu.memory_space<vmem>>
        %dma_start3A_365 = tpu.memref_squeeze %dma_start3A_364 : memref<1x128xi32, #tpu.memory_space<vmem>> -> memref<128xi32, #tpu.memory_space<vmem>>
        %dma_start3A_366 = arith.constant 0 : i32
        %dma_start3A_367 = arith.constant 0 : i32
        %dma_start3A_368 = tpu.memref_slice %arg2[%dma_start3A_366, %dma_start3A_367] : memref<10000x128xf32, #tpu.memory_space<hbm>> -> memref<10000x128xf32, #tpu.memory_space<hbm>>
        tpu.enqueue_indirect_dma source(%dma_start3A_368 : memref<10000x128xf32, #tpu.memory_space<hbm>>) target(%arg11 : memref<128x128xf32, #tpu.memory_space<vmem>>) offsets(%dma_start3A_365 : memref<128xi32, #tpu.memory_space<vmem>>) semaphore(%arg14 : memref<!tpu.dma_semaphore, #tpu.memory_space<semaphore_mem>>)
      } else {
      }
      %mul3A_282 = arith.constant 8 : i32
      %mul3A_283 = arith.muli %add3A_204, %mul3A_282 : i32
      %add3A_284 = arith.constant 4 : i32
      %add3A_285 = arith.addi %mul3A_283, %add3A_284 : i32
      %dma_wait3A_286 = arith.constant 0 : i32
      %dma_wait3A_287 = tpu.memref_slice %arg7[%add3A_285, %dma_wait3A_286] : memref<80x128xi32, #tpu.memory_space<vmem>> -> memref<1x128xi32, #tpu.memory_space<vmem>>
      %dma_wait3A_288 = tpu.memref_squeeze %dma_wait3A_287 : memref<1x128xi32, #tpu.memory_space<vmem>> -> memref<128xi32, #tpu.memory_space<vmem>>
      %dma_wait3A_289 = arith.constant 0 : i32
      %dma_wait3A_290 = arith.constant 0 : i32
      %dma_wait3A_291 = tpu.memref_slice %arg2[%dma_wait3A_289, %dma_wait3A_290] : memref<10000x128xf32, #tpu.memory_space<hbm>> -> memref<10000x128xf32, #tpu.memory_space<hbm>>
      tpu.wait_indirect_dma semaphore(%arg13 : memref<!tpu.dma_semaphore, #tpu.memory_space<semaphore_mem>>) src(%dma_wait3A_291 : memref<10000x128xf32, #tpu.memory_space<hbm>>) dst(%arg10 : memref<128x128xf32, #tpu.memory_space<vmem>>)
      %run_scoped3A_292 = arith.constant 4 : i32
      "tpu.region"() ({
        %run_scoped3A_361 = tpu.sem_alloc : memref<!tpu.dma_semaphore, #tpu.memory_space<semaphore_mem>>
        %dma_start3A_362 = arith.constant 0 : i32
        %dma_start3A_363 = tpu.memref_slice %arg9[%run_scoped3A_292, %dma_start3A_362] : memref<8x128xi32, #tpu.memory_space<vmem>> -> memref<1x128xi32, #tpu.memory_space<vmem>>
        %dma_start3A_364 = tpu.memref_squeeze %dma_start3A_363 : memref<1x128xi32, #tpu.memory_space<vmem>> -> memref<128xi32, #tpu.memory_space<vmem>>
        %dma_start3A_365 = arith.constant 0 : i32
        %dma_start3A_366 = arith.constant 0 : i32
        %dma_start3A_367 = tpu.memref_slice %arg12[%dma_start3A_365, %dma_start3A_366] : memref<10240x128xf32, #tpu.memory_space<vmem_shared>> -> memref<10240x128xf32, #tpu.memory_space<vmem_shared>>
        tpu.enqueue_indirect_dma source(%arg10 : memref<128x128xf32, #tpu.memory_space<vmem>>) target(%dma_start3A_367 : memref<10240x128xf32, #tpu.memory_space<vmem_shared>>) offsets(%dma_start3A_364 : memref<128xi32, #tpu.memory_space<vmem>>) semaphore(%run_scoped3A_361 : memref<!tpu.dma_semaphore, #tpu.memory_space<semaphore_mem>>) {add = true}
        %dma_wait3A_368 = arith.constant 0 : i32
        %dma_wait3A_369 = tpu.memref_slice %arg9[%run_scoped3A_292, %dma_wait3A_368] : memref<8x128xi32, #tpu.memory_space<vmem>> -> memref<1x128xi32, #tpu.memory_space<vmem>>
        %dma_wait3A_370 = tpu.memref_squeeze %dma_wait3A_369 : memref<1x128xi32, #tpu.memory_space<vmem>> -> memref<128xi32, #tpu.memory_space<vmem>>
        %dma_wait3A_371 = arith.constant 0 : i32
        %dma_wait3A_372 = arith.constant 0 : i32
        %dma_wait3A_373 = tpu.memref_slice %arg12[%dma_wait3A_371, %dma_wait3A_372] : memref<10240x128xf32, #tpu.memory_space<vmem_shared>> -> memref<10240x128xf32, #tpu.memory_space<vmem_shared>>
        tpu.wait_indirect_dma semaphore(%run_scoped3A_361 : memref<!tpu.dma_semaphore, #tpu.memory_space<semaphore_mem>>) src(%arg10 : memref<128x128xf32, #tpu.memory_space<vmem>>) dst(%dma_wait3A_373 : memref<10240x128xf32, #tpu.memory_space<vmem_shared>>)
        tpu.yield
      }) : () -> ()
      %add3A_293 = arith.constant 2 : i32
      %add3A_294 = arith.addi %add3A_285, %add3A_293 : i32
      %lt3A_295 = arith.constant 80 : i32
      %lt3A_296 = arith.cmpi slt, %add3A_294, %lt3A_295 : i32
      %convert_element_type3A_297 = arith.extui %lt3A_296 : i1 to i32
      %cond3A_298 = arith.constant 0 : i32
      %cond3A_299 = arith.cmpi ne, %convert_element_type3A_297, %cond3A_298 : i32
      scf.if %cond3A_299 {
        %add3A_361 = arith.constant 2 : i32
        %add3A_362 = arith.addi %add3A_285, %add3A_361 : i32
        %dma_start3A_363 = arith.constant 0 : i32
        %dma_start3A_364 = tpu.memref_slice %arg7[%add3A_362, %dma_start3A_363] : memref<80x128xi32, #tpu.memory_space<vmem>> -> memref<1x128xi32, #tpu.memory_space<vmem>>
        %dma_start3A_365 = tpu.memref_squeeze %dma_start3A_364 : memref<1x128xi32, #tpu.memory_space<vmem>> -> memref<128xi32, #tpu.memory_space<vmem>>
        %dma_start3A_366 = arith.constant 0 : i32
        %dma_start3A_367 = arith.constant 0 : i32
        %dma_start3A_368 = tpu.memref_slice %arg2[%dma_start3A_366, %dma_start3A_367] : memref<10000x128xf32, #tpu.memory_space<hbm>> -> memref<10000x128xf32, #tpu.memory_space<hbm>>
        tpu.enqueue_indirect_dma source(%dma_start3A_368 : memref<10000x128xf32, #tpu.memory_space<hbm>>) target(%arg10 : memref<128x128xf32, #tpu.memory_space<vmem>>) offsets(%dma_start3A_365 : memref<128xi32, #tpu.memory_space<vmem>>) semaphore(%arg13 : memref<!tpu.dma_semaphore, #tpu.memory_space<semaphore_mem>>)
      } else {
      }
      %mul3A_300 = arith.constant 8 : i32
      %mul3A_301 = arith.muli %add3A_204, %mul3A_300 : i32
      %add3A_302 = arith.constant 5 : i32
      %add3A_303 = arith.addi %mul3A_301, %add3A_302 : i32
      %dma_wait3A_304 = arith.constant 0 : i32
      %dma_wait3A_305 = tpu.memref_slice %arg7[%add3A_303, %dma_wait3A_304] : memref<80x128xi32, #tpu.memory_space<vmem>> -> memref<1x128xi32, #tpu.memory_space<vmem>>
      %dma_wait3A_306 = tpu.memref_squeeze %dma_wait3A_305 : memref<1x128xi32, #tpu.memory_space<vmem>> -> memref<128xi32, #tpu.memory_space<vmem>>
      %dma_wait3A_307 = arith.constant 0 : i32
      %dma_wait3A_308 = arith.constant 0 : i32
      %dma_wait3A_309 = tpu.memref_slice %arg2[%dma_wait3A_307, %dma_wait3A_308] : memref<10000x128xf32, #tpu.memory_space<hbm>> -> memref<10000x128xf32, #tpu.memory_space<hbm>>
      tpu.wait_indirect_dma semaphore(%arg14 : memref<!tpu.dma_semaphore, #tpu.memory_space<semaphore_mem>>) src(%dma_wait3A_309 : memref<10000x128xf32, #tpu.memory_space<hbm>>) dst(%arg11 : memref<128x128xf32, #tpu.memory_space<vmem>>)
      %run_scoped3A_310 = arith.constant 5 : i32
      "tpu.region"() ({
        %run_scoped3A_361 = tpu.sem_alloc : memref<!tpu.dma_semaphore, #tpu.memory_space<semaphore_mem>>
        %dma_start3A_362 = arith.constant 0 : i32
        %dma_start3A_363 = tpu.memref_slice %arg9[%run_scoped3A_310, %dma_start3A_362] : memref<8x128xi32, #tpu.memory_space<vmem>> -> memref<1x128xi32, #tpu.memory_space<vmem>>
        %dma_start3A_364 = tpu.memref_squeeze %dma_start3A_363 : memref<1x128xi32, #tpu.memory_space<vmem>> -> memref<128xi32, #tpu.memory_space<vmem>>
        %dma_start3A_365 = arith.constant 0 : i32
        %dma_start3A_366 = arith.constant 0 : i32
        %dma_start3A_367 = tpu.memref_slice %arg12[%dma_start3A_365, %dma_start3A_366] : memref<10240x128xf32, #tpu.memory_space<vmem_shared>> -> memref<10240x128xf32, #tpu.memory_space<vmem_shared>>
        tpu.enqueue_indirect_dma source(%arg11 : memref<128x128xf32, #tpu.memory_space<vmem>>) target(%dma_start3A_367 : memref<10240x128xf32, #tpu.memory_space<vmem_shared>>) offsets(%dma_start3A_364 : memref<128xi32, #tpu.memory_space<vmem>>) semaphore(%run_scoped3A_361 : memref<!tpu.dma_semaphore, #tpu.memory_space<semaphore_mem>>) {add = true}
        %dma_wait3A_368 = arith.constant 0 : i32
        %dma_wait3A_369 = tpu.memref_slice %arg9[%run_scoped3A_310, %dma_wait3A_368] : memref<8x128xi32, #tpu.memory_space<vmem>> -> memref<1x128xi32, #tpu.memory_space<vmem>>
        %dma_wait3A_370 = tpu.memref_squeeze %dma_wait3A_369 : memref<1x128xi32, #tpu.memory_space<vmem>> -> memref<128xi32, #tpu.memory_space<vmem>>
        %dma_wait3A_371 = arith.constant 0 : i32
        %dma_wait3A_372 = arith.constant 0 : i32
        %dma_wait3A_373 = tpu.memref_slice %arg12[%dma_wait3A_371, %dma_wait3A_372] : memref<10240x128xf32, #tpu.memory_space<vmem_shared>> -> memref<10240x128xf32, #tpu.memory_space<vmem_shared>>
        tpu.wait_indirect_dma semaphore(%run_scoped3A_361 : memref<!tpu.dma_semaphore, #tpu.memory_space<semaphore_mem>>) src(%arg11 : memref<128x128xf32, #tpu.memory_space<vmem>>) dst(%dma_wait3A_373 : memref<10240x128xf32, #tpu.memory_space<vmem_shared>>)
        tpu.yield
      }) : () -> ()
      %add3A_311 = arith.constant 2 : i32
      %add3A_312 = arith.addi %add3A_303, %add3A_311 : i32
      %lt3A_313 = arith.constant 80 : i32
      %lt3A_314 = arith.cmpi slt, %add3A_312, %lt3A_313 : i32
      %convert_element_type3A_315 = arith.extui %lt3A_314 : i1 to i32
      %cond3A_316 = arith.constant 0 : i32
      %cond3A_317 = arith.cmpi ne, %convert_element_type3A_315, %cond3A_316 : i32
      scf.if %cond3A_317 {
        %add3A_361 = arith.constant 2 : i32
        %add3A_362 = arith.addi %add3A_303, %add3A_361 : i32
        %dma_start3A_363 = arith.constant 0 : i32
        %dma_start3A_364 = tpu.memref_slice %arg7[%add3A_362, %dma_start3A_363] : memref<80x128xi32, #tpu.memory_space<vmem>> -> memref<1x128xi32, #tpu.memory_space<vmem>>
        %dma_start3A_365 = tpu.memref_squeeze %dma_start3A_364 : memref<1x128xi32, #tpu.memory_space<vmem>> -> memref<128xi32, #tpu.memory_space<vmem>>
        %dma_start3A_366 = arith.constant 0 : i32
        %dma_start3A_367 = arith.constant 0 : i32
        %dma_start3A_368 = tpu.memref_slice %arg2[%dma_start3A_366, %dma_start3A_367] : memref<10000x128xf32, #tpu.memory_space<hbm>> -> memref<10000x128xf32, #tpu.memory_space<hbm>>
        tpu.enqueue_indirect_dma source(%dma_start3A_368 : memref<10000x128xf32, #tpu.memory_space<hbm>>) target(%arg11 : memref<128x128xf32, #tpu.memory_space<vmem>>) offsets(%dma_start3A_365 : memref<128xi32, #tpu.memory_space<vmem>>) semaphore(%arg14 : memref<!tpu.dma_semaphore, #tpu.memory_space<semaphore_mem>>)
      } else {
      }
      %mul3A_318 = arith.constant 8 : i32
      %mul3A_319 = arith.muli %add3A_204, %mul3A_318 : i32
      %add3A_320 = arith.constant 6 : i32
      %add3A_321 = arith.addi %mul3A_319, %add3A_320 : i32
      %dma_wait3A_322 = arith.constant 0 : i32
      %dma_wait3A_323 = tpu.memref_slice %arg7[%add3A_321, %dma_wait3A_322] : memref<80x128xi32, #tpu.memory_space<vmem>> -> memref<1x128xi32, #tpu.memory_space<vmem>>
      %dma_wait3A_324 = tpu.memref_squeeze %dma_wait3A_323 : memref<1x128xi32, #tpu.memory_space<vmem>> -> memref<128xi32, #tpu.memory_space<vmem>>
      %dma_wait3A_325 = arith.constant 0 : i32
      %dma_wait3A_326 = arith.constant 0 : i32
      %dma_wait3A_327 = tpu.memref_slice %arg2[%dma_wait3A_325, %dma_wait3A_326] : memref<10000x128xf32, #tpu.memory_space<hbm>> -> memref<10000x128xf32, #tpu.memory_space<hbm>>
      tpu.wait_indirect_dma semaphore(%arg13 : memref<!tpu.dma_semaphore, #tpu.memory_space<semaphore_mem>>) src(%dma_wait3A_327 : memref<10000x128xf32, #tpu.memory_space<hbm>>) dst(%arg10 : memref<128x128xf32, #tpu.memory_space<vmem>>)
      %run_scoped3A_328 = arith.constant 6 : i32
      "tpu.region"() ({
        %run_scoped3A_361 = tpu.sem_alloc : memref<!tpu.dma_semaphore, #tpu.memory_space<semaphore_mem>>
        %dma_start3A_362 = arith.constant 0 : i32
        %dma_start3A_363 = tpu.memref_slice %arg9[%run_scoped3A_328, %dma_start3A_362] : memref<8x128xi32, #tpu.memory_space<vmem>> -> memref<1x128xi32, #tpu.memory_space<vmem>>
        %dma_start3A_364 = tpu.memref_squeeze %dma_start3A_363 : memref<1x128xi32, #tpu.memory_space<vmem>> -> memref<128xi32, #tpu.memory_space<vmem>>
        %dma_start3A_365 = arith.constant 0 : i32
        %dma_start3A_366 = arith.constant 0 : i32
        %dma_start3A_367 = tpu.memref_slice %arg12[%dma_start3A_365, %dma_start3A_366] : memref<10240x128xf32, #tpu.memory_space<vmem_shared>> -> memref<10240x128xf32, #tpu.memory_space<vmem_shared>>
        tpu.enqueue_indirect_dma source(%arg10 : memref<128x128xf32, #tpu.memory_space<vmem>>) target(%dma_start3A_367 : memref<10240x128xf32, #tpu.memory_space<vmem_shared>>) offsets(%dma_start3A_364 : memref<128xi32, #tpu.memory_space<vmem>>) semaphore(%run_scoped3A_361 : memref<!tpu.dma_semaphore, #tpu.memory_space<semaphore_mem>>) {add = true}
        %dma_wait3A_368 = arith.constant 0 : i32
        %dma_wait3A_369 = tpu.memref_slice %arg9[%run_scoped3A_328, %dma_wait3A_368] : memref<8x128xi32, #tpu.memory_space<vmem>> -> memref<1x128xi32, #tpu.memory_space<vmem>>
        %dma_wait3A_370 = tpu.memref_squeeze %dma_wait3A_369 : memref<1x128xi32, #tpu.memory_space<vmem>> -> memref<128xi32, #tpu.memory_space<vmem>>
        %dma_wait3A_371 = arith.constant 0 : i32
        %dma_wait3A_372 = arith.constant 0 : i32
        %dma_wait3A_373 = tpu.memref_slice %arg12[%dma_wait3A_371, %dma_wait3A_372] : memref<10240x128xf32, #tpu.memory_space<vmem_shared>> -> memref<10240x128xf32, #tpu.memory_space<vmem_shared>>
        tpu.wait_indirect_dma semaphore(%run_scoped3A_361 : memref<!tpu.dma_semaphore, #tpu.memory_space<semaphore_mem>>) src(%arg10 : memref<128x128xf32, #tpu.memory_space<vmem>>) dst(%dma_wait3A_373 : memref<10240x128xf32, #tpu.memory_space<vmem_shared>>)
        tpu.yield
      }) : () -> ()
      %add3A_329 = arith.constant 2 : i32
      %add3A_330 = arith.addi %add3A_321, %add3A_329 : i32
      %lt3A_331 = arith.constant 80 : i32
      %lt3A_332 = arith.cmpi slt, %add3A_330, %lt3A_331 : i32
      %convert_element_type3A_333 = arith.extui %lt3A_332 : i1 to i32
      %cond3A_334 = arith.constant 0 : i32
      %cond3A_335 = arith.cmpi ne, %convert_element_type3A_333, %cond3A_334 : i32
      scf.if %cond3A_335 {
        %add3A_361 = arith.constant 2 : i32
        %add3A_362 = arith.addi %add3A_321, %add3A_361 : i32
        %dma_start3A_363 = arith.constant 0 : i32
        %dma_start3A_364 = tpu.memref_slice %arg7[%add3A_362, %dma_start3A_363] : memref<80x128xi32, #tpu.memory_space<vmem>> -> memref<1x128xi32, #tpu.memory_space<vmem>>
        %dma_start3A_365 = tpu.memref_squeeze %dma_start3A_364 : memref<1x128xi32, #tpu.memory_space<vmem>> -> memref<128xi32, #tpu.memory_space<vmem>>
        %dma_start3A_366 = arith.constant 0 : i32
        %dma_start3A_367 = arith.constant 0 : i32
        %dma_start3A_368 = tpu.memref_slice %arg2[%dma_start3A_366, %dma_start3A_367] : memref<10000x128xf32, #tpu.memory_space<hbm>> -> memref<10000x128xf32, #tpu.memory_space<hbm>>
        tpu.enqueue_indirect_dma source(%dma_start3A_368 : memref<10000x128xf32, #tpu.memory_space<hbm>>) target(%arg10 : memref<128x128xf32, #tpu.memory_space<vmem>>) offsets(%dma_start3A_365 : memref<128xi32, #tpu.memory_space<vmem>>) semaphore(%arg13 : memref<!tpu.dma_semaphore, #tpu.memory_space<semaphore_mem>>)
      } else {
      }
      %mul3A_336 = arith.constant 8 : i32
      %mul3A_337 = arith.muli %add3A_204, %mul3A_336 : i32
      %add3A_338 = arith.constant 7 : i32
      %add3A_339 = arith.addi %mul3A_337, %add3A_338 : i32
      %dma_wait3A_340 = arith.constant 0 : i32
      %dma_wait3A_341 = tpu.memref_slice %arg7[%add3A_339, %dma_wait3A_340] : memref<80x128xi32, #tpu.memory_space<vmem>> -> memref<1x128xi32, #tpu.memory_space<vmem>>
      %dma_wait3A_342 = tpu.memref_squeeze %dma_wait3A_341 : memref<1x128xi32, #tpu.memory_space<vmem>> -> memref<128xi32, #tpu.memory_space<vmem>>
      %dma_wait3A_343 = arith.constant 0 : i32
      %dma_wait3A_344 = arith.constant 0 : i32
      %dma_wait3A_345 = tpu.memref_slice %arg2[%dma_wait3A_343, %dma_wait3A_344] : memref<10000x128xf32, #tpu.memory_space<hbm>> -> memref<10000x128xf32, #tpu.memory_space<hbm>>
      tpu.wait_indirect_dma semaphore(%arg14 : memref<!tpu.dma_semaphore, #tpu.memory_space<semaphore_mem>>) src(%dma_wait3A_345 : memref<10000x128xf32, #tpu.memory_space<hbm>>) dst(%arg11 : memref<128x128xf32, #tpu.memory_space<vmem>>)
      %run_scoped3A_346 = arith.constant 7 : i32
      "tpu.region"() ({
        %run_scoped3A_361 = tpu.sem_alloc : memref<!tpu.dma_semaphore, #tpu.memory_space<semaphore_mem>>
        %dma_start3A_362 = arith.constant 0 : i32
        %dma_start3A_363 = tpu.memref_slice %arg9[%run_scoped3A_346, %dma_start3A_362] : memref<8x128xi32, #tpu.memory_space<vmem>> -> memref<1x128xi32, #tpu.memory_space<vmem>>
        %dma_start3A_364 = tpu.memref_squeeze %dma_start3A_363 : memref<1x128xi32, #tpu.memory_space<vmem>> -> memref<128xi32, #tpu.memory_space<vmem>>
        %dma_start3A_365 = arith.constant 0 : i32
        %dma_start3A_366 = arith.constant 0 : i32
        %dma_start3A_367 = tpu.memref_slice %arg12[%dma_start3A_365, %dma_start3A_366] : memref<10240x128xf32, #tpu.memory_space<vmem_shared>> -> memref<10240x128xf32, #tpu.memory_space<vmem_shared>>
        tpu.enqueue_indirect_dma source(%arg11 : memref<128x128xf32, #tpu.memory_space<vmem>>) target(%dma_start3A_367 : memref<10240x128xf32, #tpu.memory_space<vmem_shared>>) offsets(%dma_start3A_364 : memref<128xi32, #tpu.memory_space<vmem>>) semaphore(%run_scoped3A_361 : memref<!tpu.dma_semaphore, #tpu.memory_space<semaphore_mem>>) {add = true}
        %dma_wait3A_368 = arith.constant 0 : i32
        %dma_wait3A_369 = tpu.memref_slice %arg9[%run_scoped3A_346, %dma_wait3A_368] : memref<8x128xi32, #tpu.memory_space<vmem>> -> memref<1x128xi32, #tpu.memory_space<vmem>>
        %dma_wait3A_370 = tpu.memref_squeeze %dma_wait3A_369 : memref<1x128xi32, #tpu.memory_space<vmem>> -> memref<128xi32, #tpu.memory_space<vmem>>
        %dma_wait3A_371 = arith.constant 0 : i32
        %dma_wait3A_372 = arith.constant 0 : i32
        %dma_wait3A_373 = tpu.memref_slice %arg12[%dma_wait3A_371, %dma_wait3A_372] : memref<10240x128xf32, #tpu.memory_space<vmem_shared>> -> memref<10240x128xf32, #tpu.memory_space<vmem_shared>>
        tpu.wait_indirect_dma semaphore(%run_scoped3A_361 : memref<!tpu.dma_semaphore, #tpu.memory_space<semaphore_mem>>) src(%arg11 : memref<128x128xf32, #tpu.memory_space<vmem>>) dst(%dma_wait3A_373 : memref<10240x128xf32, #tpu.memory_space<vmem_shared>>)
        tpu.yield
      }) : () -> ()
      %add3A_347 = arith.constant 2 : i32
      %add3A_348 = arith.addi %add3A_339, %add3A_347 : i32
      %lt3A_349 = arith.constant 80 : i32
      %lt3A_350 = arith.cmpi slt, %add3A_348, %lt3A_349 : i32
      %convert_element_type3A_351 = arith.extui %lt3A_350 : i1 to i32
      %cond3A_352 = arith.constant 0 : i32
      %cond3A_353 = arith.cmpi ne, %convert_element_type3A_351, %cond3A_352 : i32
      scf.if %cond3A_353 {
        %add3A_361 = arith.constant 2 : i32
        %add3A_362 = arith.addi %add3A_339, %add3A_361 : i32
        %dma_start3A_363 = arith.constant 0 : i32
        %dma_start3A_364 = tpu.memref_slice %arg7[%add3A_362, %dma_start3A_363] : memref<80x128xi32, #tpu.memory_space<vmem>> -> memref<1x128xi32, #tpu.memory_space<vmem>>
        %dma_start3A_365 = tpu.memref_squeeze %dma_start3A_364 : memref<1x128xi32, #tpu.memory_space<vmem>> -> memref<128xi32, #tpu.memory_space<vmem>>
        %dma_start3A_366 = arith.constant 0 : i32
        %dma_start3A_367 = arith.constant 0 : i32
        %dma_start3A_368 = tpu.memref_slice %arg2[%dma_start3A_366, %dma_start3A_367] : memref<10000x128xf32, #tpu.memory_space<hbm>> -> memref<10000x128xf32, #tpu.memory_space<hbm>>
        tpu.enqueue_indirect_dma source(%dma_start3A_368 : memref<10000x128xf32, #tpu.memory_space<hbm>>) target(%arg11 : memref<128x128xf32, #tpu.memory_space<vmem>>) offsets(%dma_start3A_365 : memref<128xi32, #tpu.memory_space<vmem>>) semaphore(%arg14 : memref<!tpu.dma_semaphore, #tpu.memory_space<semaphore_mem>>)
      } else {
      }
      %add3A_354 = arith.constant 2 : i32
      %add3A_355 = arith.addi %add3A_204, %add3A_354 : i32
      %lt3A_356 = arith.constant 10 : i32
      %lt3A_357 = arith.cmpi slt, %add3A_355, %lt3A_356 : i32
      %convert_element_type3A_358 = arith.extui %lt3A_357 : i1 to i32
      %cond3A_359 = arith.constant 0 : i32
      %cond3A_360 = arith.cmpi ne, %convert_element_type3A_358, %cond3A_359 : i32
      scf.if %cond3A_360 {
        %add3A_361 = arith.addi %mul3A_16, %add3A_204 : i32
        %add3A_362 = arith.constant 2 : i32
        %add3A_363 = arith.addi %add3A_361, %add3A_362 : i32
        %dma_start3A_364 = arith.constant 0 : i32
        %dma_start3A_365 = arith.constant 0 : i32
        %dma_start3A_366 = tpu.memref_slice %arg4[%add3A_363, %dma_start3A_364, %dma_start3A_365] : memref<320x8x128xi32, #tpu.memory_space<hbm>> -> memref<1x8x128xi32, #tpu.memory_space<hbm>>
        %dma_start3A_367 = tpu.memref_squeeze %dma_start3A_366 : memref<1x8x128xi32, #tpu.memory_space<hbm>> -> memref<8x128xi32, #tpu.memory_space<hbm>>
        %dma_start3A_368 = arith.constant 0 : i32
        %dma_start3A_369 = arith.constant 0 : i32
        %dma_start3A_370 = tpu.memref_slice %arg4[%add3A_363, %dma_start3A_368, %dma_start3A_369] : memref<320x8x128xi32, #tpu.memory_space<hbm>> -> memref<1x8x128xi32, #tpu.memory_space<hbm>>
        %dma_start3A_371 = tpu.memref_squeeze %dma_start3A_370 : memref<1x8x128xi32, #tpu.memory_space<hbm>> -> memref<8x128xi32, #tpu.memory_space<hbm>>
        tpu.enqueue_dma source(%dma_start3A_371 : memref<8x128xi32, #tpu.memory_space<hbm>>) target(%arg9 : memref<8x128xi32, #tpu.memory_space<vmem>>) target_semaphore(%arg16 : memref<!tpu.dma_semaphore, #tpu.memory_space<semaphore_mem>>)
      } else {
      }
    }
    %scan3A_44 = arith.constant 5 : i32
    %barrier3A_45 = arith.constant 0 : index
    tpu.barrier barrier_id(%barrier3A_45)
    "tpu.region"() ({
      %run_scoped3A = tpu.sem_alloc : memref<!tpu.dma_semaphore, #tpu.memory_space<semaphore_mem>>
      %dma_start3A_46 = arith.constant 0 : i32
      %dma_start3A_47 = tpu.memref_slice %arg6[%arg0, %mul3A_4, %dma_start3A_46] : memref<2x10240x128xf32, #tpu.memory_space<hbm>> -> memref<1x640x128xf32, #tpu.memory_space<hbm>>
      %dma_start3A_48 = tpu.memref_squeeze %dma_start3A_47 : memref<1x640x128xf32, #tpu.memory_space<hbm>> -> memref<640x128xf32, #tpu.memory_space<hbm>>
      %dma_start3A_49 = arith.constant 0 : i32
      %dma_start3A_50 = tpu.memref_slice %arg12[%mul3A_4, %dma_start3A_49] : memref<10240x128xf32, #tpu.memory_space<vmem_shared>> -> memref<640x128xf32, #tpu.memory_space<vmem_shared>>
      tpu.enqueue_dma source(%dma_start3A_50 : memref<640x128xf32, #tpu.memory_space<vmem_shared>>) target(%dma_start3A_48 : memref<640x128xf32, #tpu.memory_space<hbm>>) target_semaphore(%run_scoped3A : memref<!tpu.dma_semaphore, #tpu.memory_space<semaphore_mem>>)
      %dma_wait3A = arith.constant 0 : i32
      %dma_wait3A_51 = tpu.memref_slice %arg6[%arg0, %mul3A_4, %dma_wait3A] : memref<2x10240x128xf32, #tpu.memory_space<hbm>> -> memref<1x640x128xf32, #tpu.memory_space<hbm>>
      %dma_wait3A_52 = tpu.memref_squeeze %dma_wait3A_51 : memref<1x640x128xf32, #tpu.memory_space<hbm>> -> memref<640x128xf32, #tpu.memory_space<hbm>>
      %dma_wait3A_53 = arith.constant 0 : i32
      %dma_wait3A_54 = tpu.memref_slice %arg12[%mul3A_4, %dma_wait3A_53] : memref<10240x128xf32, #tpu.memory_space<vmem_shared>> -> memref<640x128xf32, #tpu.memory_space<vmem_shared>>
      tpu.wait_dma2 semaphore(%run_scoped3A : memref<!tpu.dma_semaphore, #tpu.memory_space<semaphore_mem>>) src(%dma_wait3A_54 : memref<640x128xf32, #tpu.memory_space<vmem_shared>>) dst(%dma_wait3A_52 : memref<640x128xf32, #tpu.memory_space<hbm>>)
      tpu.yield
    }) : () -> ()
    return
  }
}

module attributes {stable_mosaic.version = 14 : i64} {
  func.func @_prep_body(%arg0: i32, %arg1: memref<2000x1xf32, #tpu.memory_space<vmem>>, %arg2: memref<2000x1xf32, #tpu.memory_space<vmem>>, %arg3: memref<2000x128xf32, #tpu.memory_space<vmem>>, %arg4: memref<2000x1xf32, #tpu.memory_space<vmem>>, %arg5: memref<2000x128xf32, #tpu.memory_space<vmem>>) attributes {dimension_semantics = [#tpu.dimension_semantics<arbitrary>], iteration_bounds = array<i64: 5>, scalar_prefetch = 0 : i64, scratch_operands = 0 : i64, tpu.core_type = #tpu.core_type<tc>, window_params = [{transform_indices = @transform_0, window_bounds = array<i64: 2000, 1>}, {transform_indices = @transform_1, window_bounds = array<i64: 2000, 1>}, {transform_indices = @transform_2, window_bounds = array<i64: 2000, 128>}, {transform_indices = @transform_3, window_bounds = array<i64: 2000, 1>}, {transform_indices = @transform_4, window_bounds = array<i64: 2000, 128>}]} {
    %get3A = arith.constant 0 : index
    %get3A_0 = arith.constant 0 : index
    %get3A_1 = vector.load %arg1[%get3A, %get3A_0] : memref<2000x1xf32, #tpu.memory_space<vmem>>, vector<2000x1xf32>
    %get3A_2 = arith.constant 0 : index
    %get3A_3 = arith.constant 0 : index
    %get3A_4 = vector.load %arg2[%get3A_2, %get3A_3] : memref<2000x1xf32, #tpu.memory_space<vmem>>, vector<2000x1xf32>
    %add3A = arith.addf %get3A_1, %get3A_4 : vector<2000x1xf32>
    %add3A_5 = arith.constant 1.000000e+00 : f32
    %add3A_6 = vector.broadcast %add3A_5 : f32 to vector<2000x1xf32>
    %add3A_7 = arith.addf %add3A, %add3A_6 : vector<2000x1xf32>
    %rsqrt3A = math.rsqrt %add3A_7 : vector<2000x1xf32>
    %swap3A = arith.constant 0 : index
    %swap3A_8 = arith.constant 0 : index
    %swap3A_9 = vector.load %arg4[%swap3A, %swap3A_8] : memref<2000x1xf32, #tpu.memory_space<vmem>>, vector<2000x1xf32>
    tpu.vector_store %arg4[%swap3A, %swap3A_8], %rsqrt3A {strides = array<i32>} : memref<2000x1xf32, #tpu.memory_space<vmem>>, vector<2000x1xf32>,
    %get3A_10 = arith.constant 0 : index
    %get3A_11 = arith.constant 0 : index
    %get3A_12 = vector.load %arg3[%get3A_10, %get3A_11] : memref<2000x128xf32, #tpu.memory_space<vmem>>, vector<2000x128xf32>
    %mul3A = vector.broadcast %rsqrt3A : vector<2000x1xf32> to vector<2000x128xf32>
    %mul3A_13 = arith.mulf %get3A_12, %mul3A : vector<2000x128xf32>
    %swap3A_14 = arith.constant 0 : index
    %swap3A_15 = arith.constant 0 : index
    %swap3A_16 = vector.load %arg5[%swap3A_14, %swap3A_15] : memref<2000x128xf32, #tpu.memory_space<vmem>>, vector<2000x128xf32>
    tpu.vector_store %arg5[%swap3A_14, %swap3A_15], %mul3A_13 {strides = array<i32>} : memref<2000x128xf32, #tpu.memory_space<vmem>>, vector<2000x128xf32>,
    return
  }
  func.func @transform_0(%arg0: i32) -> (i32, i32) {
    %c0_i32 = arith.constant 0 : i32
    %c0_i32_0 = arith.constant 0 : i32
    return %arg0, %c0_i32 : i32, i32
  }
  func.func @transform_1(%arg0: i32) -> (i32, i32) {
    %c0_i32 = arith.constant 0 : i32
    %c0_i32_0 = arith.constant 0 : i32
    return %arg0, %c0_i32 : i32, i32
  }
  func.func @transform_2(%arg0: i32) -> (i32, i32) {
    %c0_i32 = arith.constant 0 : i32
    %c0_i32_0 = arith.constant 0 : i32
    return %arg0, %c0_i32 : i32, i32
  }
  func.func @transform_3(%arg0: i32) -> (i32, i32) {
    %c0_i32 = arith.constant 0 : i32
    %c0_i32_0 = arith.constant 0 : i32
    return %arg0, %c0_i32 : i32, i32
  }
  func.func @transform_4(%arg0: i32) -> (i32, i32) {
    %c0_i32 = arith.constant 0 : i32
    %c0_i32_0 = arith.constant 0 : i32
    return %arg0, %c0_i32 : i32, i32
  }
}

module attributes {stable_mosaic.version = 14 : i64} {
  func.func @_mid_body(%arg0: i32, %arg1: memref<1x2000x128xf32, #tpu.memory_space<vmem>>, %arg2: memref<1x2000x128xf32, #tpu.memory_space<vmem>>, %arg3: memref<2000x128xf32, #tpu.memory_space<vmem>>, %arg4: memref<2000x1xf32, #tpu.memory_space<vmem>>, %arg5: memref<128x128xf32, #tpu.memory_space<vmem>>, %arg6: memref<1x128xf32, #tpu.memory_space<vmem>>, %arg7: memref<2000x128xf32, #tpu.memory_space<vmem>>) attributes {dimension_semantics = [#tpu.dimension_semantics<arbitrary>], iteration_bounds = array<i64: 5>, scalar_prefetch = 0 : i64, scratch_operands = 0 : i64, tpu.core_type = #tpu.core_type<tc>, window_params = [{transform_indices = @transform_0, window_bounds = array<i64: 1, 2000, 128>}, {transform_indices = @transform_1, window_bounds = array<i64: 1, 2000, 128>}, {transform_indices = @transform_2, window_bounds = array<i64: 2000, 128>}, {transform_indices = @transform_3, window_bounds = array<i64: 2000, 1>}, {pipeline_mode = #tpu.pipeline_mode<synchronous>, transform_indices = @transform_4, window_bounds = array<i64: 128, 128>}, {pipeline_mode = #tpu.pipeline_mode<synchronous>, transform_indices = @transform_5, window_bounds = array<i64: 1, 128>}, {transform_indices = @transform_6, window_bounds = array<i64: 2000, 128>}]} {
    %get3A = arith.constant 0 : index
    %get3A_0 = arith.constant 0 : index
    %get3A_1 = vector.load %arg4[%get3A, %get3A_0] : memref<2000x1xf32, #tpu.memory_space<vmem>>, vector<2000x1xf32>
    %get3A_2 = arith.constant 0 : index
    %get3A_3 = arith.constant 0 : index
    %get3A_4 = arith.constant 0 : index
    %get3A_5 = vector.load %arg1[%get3A_2, %get3A_3, %get3A_4] : memref<1x2000x128xf32, #tpu.memory_space<vmem>>, vector<1x2000x128xf32>
    %get3A_6 = vector.shape_cast %get3A_5 : vector<1x2000x128xf32> to vector<2000x128xf32>
    %get3A_7 = arith.constant 0 : index
    %get3A_8 = arith.constant 0 : index
    %get3A_9 = arith.constant 0 : index
    %get3A_10 = vector.load %arg2[%get3A_7, %get3A_8, %get3A_9] : memref<1x2000x128xf32, #tpu.memory_space<vmem>>, vector<1x2000x128xf32>
    %get3A_11 = vector.shape_cast %get3A_10 : vector<1x2000x128xf32> to vector<2000x128xf32>
    %add3A = arith.addf %get3A_6, %get3A_11 : vector<2000x128xf32>
    %get3A_12 = arith.constant 0 : index
    %get3A_13 = arith.constant 0 : index
    %get3A_14 = vector.load %arg3[%get3A_12, %get3A_13] : memref<2000x128xf32, #tpu.memory_space<vmem>>, vector<2000x128xf32>
    %add3A_15 = arith.addf %add3A, %get3A_14 : vector<2000x128xf32>
    %mul3A = vector.broadcast %get3A_1 : vector<2000x1xf32> to vector<2000x128xf32>
    %mul3A_16 = arith.mulf %mul3A, %add3A_15 : vector<2000x128xf32>
    %get3A_17 = arith.constant 0 : index
    %get3A_18 = arith.constant 0 : index
    %get3A_19 = vector.load %arg5[%get3A_17, %get3A_18] : memref<128x128xf32, #tpu.memory_space<vmem>>, vector<128x128xf32>
    %dot_general3A = arith.constant dense<0.000000e+00> : vector<2000x128xf32>
    %dot_general3A_20 = tpu.matmul %mul3A_16, %get3A_19, %dot_general3A {dimension_numbers = #tpu.dot_dimension_numbers<[1], [0], [0], [1], [0, 0, 1, 1], [], []>, transpose_lhs_hint = false} : vector<2000x128xf32>, vector<128x128xf32>, vector<2000x128xf32> -> vector<2000x128xf32>
    %get3A_21 = arith.constant 0 : index
    %get3A_22 = arith.constant 0 : index
    %get3A_23 = vector.load %arg6[%get3A_21, %get3A_22] : memref<1x128xf32, #tpu.memory_space<vmem>>, vector<1x128xf32>
    %add3A_24 = vector.broadcast %get3A_23 : vector<1x128xf32> to vector<2000x128xf32>
    %add3A_25 = arith.addf %dot_general3A_20, %add3A_24 : vector<2000x128xf32>
    %max3A = arith.constant 0.000000e+00 : f32
    %max3A_26 = vector.broadcast %max3A : f32 to vector<2000x128xf32>
    %max3A_27 = arith.maximumf %add3A_25, %max3A_26 : vector<2000x128xf32>
    %mul3A_28 = vector.broadcast %get3A_1 : vector<2000x1xf32> to vector<2000x128xf32>
    %mul3A_29 = arith.mulf %mul3A_28, %max3A_27 : vector<2000x128xf32>
    %swap3A = arith.constant 0 : index
    %swap3A_30 = arith.constant 0 : index
    %swap3A_31 = vector.load %arg7[%swap3A, %swap3A_30] : memref<2000x128xf32, #tpu.memory_space<vmem>>, vector<2000x128xf32>
    tpu.vector_store %arg7[%swap3A, %swap3A_30], %mul3A_29 {strides = array<i32>} : memref<2000x128xf32, #tpu.memory_space<vmem>>, vector<2000x128xf32>,
    return
  }
  func.func @transform_0(%arg0: i32) -> (i32, i32, i32) {
    %c0_i32 = arith.constant 0 : i32
    %c0_i32_0 = arith.constant 0 : i32
    %c0_i32_1 = arith.constant 0 : i32
    return %c0_i32, %arg0, %c0_i32_0 : i32, i32, i32
  }
  func.func @transform_1(%arg0: i32) -> (i32, i32, i32) {
    %c1_i32 = arith.constant 1 : i32
    %c0_i32 = arith.constant 0 : i32
    %c0_i32_0 = arith.constant 0 : i32
    return %c1_i32, %arg0, %c0_i32 : i32, i32, i32
  }
  func.func @transform_2(%arg0: i32) -> (i32, i32) {
    %c0_i32 = arith.constant 0 : i32
    %c0_i32_0 = arith.constant 0 : i32
    return %arg0, %c0_i32 : i32, i32
  }
  func.func @transform_3(%arg0: i32) -> (i32, i32) {
    %c0_i32 = arith.constant 0 : i32
    %c0_i32_0 = arith.constant 0 : i32
    return %arg0, %c0_i32 : i32, i32
  }
  func.func @transform_4(%arg0: i32) -> (i32, i32) {
    %c0_i32 = arith.constant 0 : i32
    %c0_i32_0 = arith.constant 0 : i32
    %c0_i32_1 = arith.constant 0 : i32
    return %c0_i32, %c0_i32_0 : i32, i32
  }
  func.func @transform_5(%arg0: i32) -> (i32, i32) {
    %c0_i32 = arith.constant 0 : i32
    %c0_i32_0 = arith.constant 0 : i32
    %c0_i32_1 = arith.constant 0 : i32
    return %c0_i32, %c0_i32_0 : i32, i32
  }
  func.func @transform_6(%arg0: i32) -> (i32, i32) {
    %c0_i32 = arith.constant 0 : i32
    %c0_i32_0 = arith.constant 0 : i32
    return %arg0, %c0_i32 : i32, i32
  }
}

module attributes {stable_mosaic.version = 14 : i64} {
  func.func @_final_body(%arg0: i32, %arg1: memref<1x2000x128xf32, #tpu.memory_space<vmem>>, %arg2: memref<1x2000x128xf32, #tpu.memory_space<vmem>>, %arg3: memref<2000x128xf32, #tpu.memory_space<vmem>>, %arg4: memref<2000x1xf32, #tpu.memory_space<vmem>>, %arg5: memref<128x64xf32, #tpu.memory_space<vmem>>, %arg6: memref<1x64xf32, #tpu.memory_space<vmem>>, %arg7: memref<2000x64xf32, #tpu.memory_space<vmem>>) attributes {dimension_semantics = [#tpu.dimension_semantics<arbitrary>], iteration_bounds = array<i64: 5>, scalar_prefetch = 0 : i64, scratch_operands = 0 : i64, tpu.core_type = #tpu.core_type<tc>, window_params = [{transform_indices = @transform_0, window_bounds = array<i64: 1, 2000, 128>}, {transform_indices = @transform_1, window_bounds = array<i64: 1, 2000, 128>}, {transform_indices = @transform_2, window_bounds = array<i64: 2000, 128>}, {transform_indices = @transform_3, window_bounds = array<i64: 2000, 1>}, {pipeline_mode = #tpu.pipeline_mode<synchronous>, transform_indices = @transform_4, window_bounds = array<i64: 128, 64>}, {pipeline_mode = #tpu.pipeline_mode<synchronous>, transform_indices = @transform_5, window_bounds = array<i64: 1, 64>}, {transform_indices = @transform_6, window_bounds = array<i64: 2000, 64>}]} {
    %get3A = arith.constant 0 : index
    %get3A_0 = arith.constant 0 : index
    %get3A_1 = vector.load %arg4[%get3A, %get3A_0] : memref<2000x1xf32, #tpu.memory_space<vmem>>, vector<2000x1xf32>
    %get3A_2 = arith.constant 0 : index
    %get3A_3 = arith.constant 0 : index
    %get3A_4 = arith.constant 0 : index
    %get3A_5 = vector.load %arg1[%get3A_2, %get3A_3, %get3A_4] : memref<1x2000x128xf32, #tpu.memory_space<vmem>>, vector<1x2000x128xf32>
    %get3A_6 = vector.shape_cast %get3A_5 : vector<1x2000x128xf32> to vector<2000x128xf32>
    %get3A_7 = arith.constant 0 : index
    %get3A_8 = arith.constant 0 : index
    %get3A_9 = arith.constant 0 : index
    %get3A_10 = vector.load %arg2[%get3A_7, %get3A_8, %get3A_9] : memref<1x2000x128xf32, #tpu.memory_space<vmem>>, vector<1x2000x128xf32>
    %get3A_11 = vector.shape_cast %get3A_10 : vector<1x2000x128xf32> to vector<2000x128xf32>
    %add3A = arith.addf %get3A_6, %get3A_11 : vector<2000x128xf32>
    %get3A_12 = arith.constant 0 : index
    %get3A_13 = arith.constant 0 : index
    %get3A_14 = vector.load %arg3[%get3A_12, %get3A_13] : memref<2000x128xf32, #tpu.memory_space<vmem>>, vector<2000x128xf32>
    %add3A_15 = arith.addf %add3A, %get3A_14 : vector<2000x128xf32>
    %mul3A = vector.broadcast %get3A_1 : vector<2000x1xf32> to vector<2000x128xf32>
    %mul3A_16 = arith.mulf %mul3A, %add3A_15 : vector<2000x128xf32>
    %get3A_17 = arith.constant 0 : index
    %get3A_18 = arith.constant 0 : index
    %get3A_19 = vector.load %arg5[%get3A_17, %get3A_18] : memref<128x64xf32, #tpu.memory_space<vmem>>, vector<128x64xf32>
    %dot_general3A = arith.constant dense<0.000000e+00> : vector<2000x64xf32>
    %dot_general3A_20 = tpu.matmul %mul3A_16, %get3A_19, %dot_general3A {dimension_numbers = #tpu.dot_dimension_numbers<[1], [0], [0], [1], [0, 0, 1, 1], [], []>, transpose_lhs_hint = false} : vector<2000x128xf32>, vector<128x64xf32>, vector<2000x64xf32> -> vector<2000x64xf32>
    %get3A_21 = arith.constant 0 : index
    %get3A_22 = arith.constant 0 : index
    %get3A_23 = vector.load %arg6[%get3A_21, %get3A_22] : memref<1x64xf32, #tpu.memory_space<vmem>>, vector<1x64xf32>
    %add3A_24 = vector.broadcast %get3A_23 : vector<1x64xf32> to vector<2000x64xf32>
    %add3A_25 = arith.addf %dot_general3A_20, %add3A_24 : vector<2000x64xf32>
    %swap3A = arith.constant 0 : index
    %swap3A_26 = arith.constant 0 : index
    %swap3A_27 = vector.load %arg7[%swap3A, %swap3A_26] : memref<2000x64xf32, #tpu.memory_space<vmem>>, vector<2000x64xf32>
    tpu.vector_store %arg7[%swap3A, %swap3A_26], %add3A_25 {strides = array<i32>} : memref<2000x64xf32, #tpu.memory_space<vmem>>, vector<2000x64xf32>,
    return
  }
  func.func @transform_0(%arg0: i32) -> (i32, i32, i32) {
    %c0_i32 = arith.constant 0 : i32
    %c0_i32_0 = arith.constant 0 : i32
    %c0_i32_1 = arith.constant 0 : i32
    return %c0_i32, %arg0, %c0_i32_0 : i32, i32, i32
  }
  func.func @transform_1(%arg0: i32) -> (i32, i32, i32) {
    %c1_i32 = arith.constant 1 : i32
    %c0_i32 = arith.constant 0 : i32
    %c0_i32_0 = arith.constant 0 : i32
    return %c1_i32, %arg0, %c0_i32 : i32, i32, i32
  }
  func.func @transform_2(%arg0: i32) -> (i32, i32) {
    %c0_i32 = arith.constant 0 : i32
    %c0_i32_0 = arith.constant 0 : i32
    return %arg0, %c0_i32 : i32, i32
  }
  func.func @transform_3(%arg0: i32) -> (i32, i32) {
    %c0_i32 = arith.constant 0 : i32
    %c0_i32_0 = arith.constant 0 : i32
    return %arg0, %c0_i32 : i32, i32
  }
  func.func @transform_4(%arg0: i32) -> (i32, i32) {
    %c0_i32 = arith.constant 0 : i32
    %c0_i32_0 = arith.constant 0 : i32
    %c0_i32_1 = arith.constant 0 : i32
    return %c0_i32, %c0_i32_0 : i32, i32
  }
  func.func @transform_5(%arg0: i32) -> (i32, i32) {
    %c0_i32 = arith.constant 0 : i32
    %c0_i32_0 = arith.constant 0 : i32
    %c0_i32_1 = arith.constant 0 : i32
    return %c0_i32, %c0_i32_0 : i32, i32
  }
  func.func @transform_6(%arg0: i32) -> (i32, i32) {
    %c0_i32 = arith.constant 0 : i32
    %c0_i32_0 = arith.constant 0 : i32
    return %arg0, %c0_i32 : i32, i32
  }
}

</mosaic_0001>

<sc_bundles>
// kernel: kernel.11.cloned.1.call-start
scs
__scs_entry_jumppad:
0x0: {  	(pc) =	sbr.rel $0x88, $3  }
0x1: {  	(tag) =	ssettag $0x0;
	lr =	simm.s32 $0x1  }
0x2: {  	[smem:$0x3F9B] =	sst lr;
	_ =	strace $0xD0000000  }
0x3: {  	_ = 	snop  }
0x4: {  	_ = 	snop  }
0x5: {  	_ = 	snop  }
0x6: {  	_ = 	snop  }
0x7: {  	_ = 	snop  }
__scs_overlays_trampoline_lowered:
0x8: {  	[smem:$0x3FAA] =	sst s0  }
0x9: {  	[smem:$0x3FAB] =	sst s1  }
0xa: {  	[smem:$0x3FAC] =	sst s2  }
0xb: {  	[smem:$0x3FAD] =	sst s3  }
0xc: {  	[smem:$0x3FAE] =	sst s4  }
0xd: {  	[smem:$0x3FAF] =	sst s5  }
0xe: {  	[smem:$0x3FB0] =	sst s6  }
0xf: {  	[smem:$0x3FB1] =	sst s7  }
0x10: {  	[smem:$0x3FB2] =	sst s8  }
0x11: {  	[smem:$0x3FB3] =	sst s9;
	s0 =	simm.s32 @!p0 $0x0  }
0x12: {  	s1 =	sld [smem:$0x3F99];
	s0 =	simm.s32 @p0 $0x1  }
0x13: {  	[smem:$0x3FB4] =	sst s0;
	s0 =	simm.s32 @!p1 $0x0  }
0x14: {  	s2 =	sld [smem:$0x3F98];
	s0 =	simm.s32 @p1 $0x1  }
0x15: {  	[smem:$0x3FB5] =	sst s0;
	s0 =	simm.s32 @!p2 $0x0  }
0x16: {  	s3 =	sld [smem:$0x3FDB];
	s0 =	simm.s32 @p2 $0x1  }
0x17: {  	s4 =	simm.s32 $0x1BF5;
	[smem:$0x3FB7] =	sst s0  }
0x18: {  	s0 =	sld [smem:$0x3F9A];
	_ =	swait.ge [sflag:s4], $0x0  }
0x19: {  	s7 =	sld [smem:$0x3F9B]  }
0x1a: {  	s8 =	sadd.s32 $0xFFFFE003, lr  }
0x1b: {  	s9 =	sadd.s32 $0xFFFFFEF7, lr;
	s5 =	simm.s32 $0xFFFFFFFF;
	p2 =	slt.u32 s8, $0xFFFFF086  }
0x1c: {  	p1 =	slt.u32 s9, $0xF7A;
	s5 =	simm.s32 @!p2 $0x0  }
0x1d: {  	s5 =	simm.s32 @p1 $0x1;
	p0 =	seq.s32 s7, s2  }
0x1e: {  	s7 =	smul.u32 @!p0 $0xF7A, s2;
	p2 =	seq.s32 @!p0 s5, $0x0  }
0x1f: {  	s9 =	smul.u32 $0xF7A, s1;
	s8 =	simm.s32 @!p0 $0x1BF5;
	p2 =	por !p2, p0  }
0x20: {  	[sflag:s8] =	ssyncset.s32 @!p0 $0xFFFFF086;
	s6 =	sadd.s32 @!p0 s3, s7;
	s7 =	simm.s32 @!p0 $0x108  }
0x21: {  	s3 =	sadd.s32 s3, s9;
	s6 =	sadd.s32 @!p0 $0x88, s6;
	s7 =	simm.s32 @p2 $0x1082  }
0x22: {  	[simem:s7], [sflag:s8] =	dma.local @!p0 [hbm:s6], $0xF7A  }
0x23: {  	s9 =	sor.u32 $0xD0000000, s2;
	s6 =	simm.s32 $0x108;
	_ =	swait.ge @!p0 [sflag:s8], $0x0  }
0x24: {  	s3 =	sadd.s32 $0x88, s3;
	s6 =	simm.s32 @!p1 $0x1082;
	[sflag:s4] =	ssyncset.s32 $0xFFFFF086  }
0x25: {  	[simem:s6], [sflag:s4] =	dma.local [hbm:s3], $0xF7A  }
0x26: {  	[smem:$0x3F9B] =	sst s1;
	(tag) =	ssettag s2;
	_ =	strace s9  }
0x27: {  	s1 =	sld [smem:$0x3FAB]  }
0x28: {  	s2 =	sld [smem:$0x3FAC]  }
0x29: {  	s4 =	sld [smem:$0x3FAE]  }
0x2a: {  	p0 =	seq.s32 s5, $0x0;
	s5 =	sld [smem:$0x3FAF]  }
0x2b: {  	s6 =	sld [smem:$0x3FB0]  }
0x2c: {  	s7 =	sld [smem:$0x3FB1]  }
0x2d: {  	s3 =	simm.s32 $0x108;
	s8 =	sld [smem:$0x3FB2]  }
0x2e: {  	s3 =	simm.s32 @!p0 $0x1082;
	s9 =	sld [smem:$0x3FB3]  }
0x2f: {  	lr =	sadd.s32 s0, s3;
	s0 =	sld [smem:$0x3FAA]  }
0x30: {  	s3 =	sld [smem:$0x3FAD]  }
0x31: {  	[smem:$0x3FB6] =	sst s10  }
0x32: {  	s10 =	sld [smem:$0x3FB4];
	_ =	sdelay $0x3  }
0x33: {  	p0 =	seq.s32 s10, $0x1;
	s10 =	sld [smem:$0x3FB6];
	_ =	sdelay $0x3  }
0x34: {  	[smem:$0x3FB6] =	sst s10  }
0x35: {  	s10 =	sld [smem:$0x3FB5];
	_ =	sdelay $0x3  }
0x36: {  	p1 =	seq.s32 s10, $0x1;
	s10 =	sld [smem:$0x3FB6];
	_ =	sdelay $0x3  }
0x37: {  	[smem:$0x3FB6] =	sst s10  }
0x38: {  	s10 =	sld [smem:$0x3FB7]  }
0x39: {  	_ = 	snop;
	(pc) =	sbr.ind lr, $3  }
0x3a: {  	_ = 	snop  }
0x3b: {  	_ = 	snop  }
0x3c: {  	p2 =	seq.s32 s10, $0x1;
	s10 =	sld [smem:$0x3FB6]  }
0x3d: {  	_ =	shalt  }
0x3e: {  	_ =	shalt  }
0x3f: {  	_ =	shalt  }
0x40: {  	_ =	shalt  }
0x41: {  	_ =	shalt  }
0x42: {  	_ =	shalt  }
0x43: {  	_ =	shalt  }
0x44: {  	_ =	shalt  }
0x45: {  	_ =	shalt  }
0x46: {  	_ =	shalt  }
0x47: {  	_ =	shalt  }
0x48: {  	_ =	shalt  }
0x49: {  	_ =	shalt  }
0x4a: {  	_ =	shalt  }
0x4b: {  	_ =	shalt  }
0x4c: {  	_ =	shalt  }
0x4d: {  	_ =	shalt  }
0x4e: {  	_ =	shalt  }
0x4f: {  	_ =	shalt  }
0x50: {  	_ =	shalt  }
0x51: {  	_ =	shalt  }
0x52: {  	_ =	shalt  }
0x53: {  	_ =	shalt  }
0x54: {  	_ =	shalt  }
0x55: {  	_ =	shalt  }
0x56: {  	_ =	shalt  }
0x57: {  	_ =	shalt  }
0x58: {  	_ =	shalt  }
0x59: {  	_ =	shalt  }
0x5a: {  	_ =	shalt  }
0x5b: {  	_ =	shalt  }
0x5c: {  	_ =	shalt  }
0x5d: {  	_ =	shalt  }
0x5e: {  	_ =	shalt  }
0x5f: {  	_ =	shalt  }
0x60: {  	_ =	shalt  }
0x61: {  	_ =	shalt  }
0x62: {  	_ =	shalt  }
0x63: {  	_ =	shalt  }
0x64: {  	_ =	shalt  }
0x65: {  	_ =	shalt  }
0x66: {  	_ =	shalt  }
0x67: {  	_ =	shalt  }
0x68: {  	_ =	shalt  }
0x69: {  	_ =	shalt  }
0x6a: {  	_ =	shalt  }
0x6b: {  	_ =	shalt  }
0x6c: {  	_ =	shalt  }
0x6d: {  	_ =	shalt  }
0x6e: {  	_ =	shalt  }
0x6f: {  	_ =	shalt  }
0x70: {  	_ =	shalt  }
0x71: {  	_ =	shalt  }
0x72: {  	_ =	shalt  }
0x73: {  	_ =	shalt  }
0x74: {  	_ =	shalt  }
0x75: {  	_ =	shalt  }
0x76: {  	_ =	shalt  }
0x77: {  	_ =	shalt  }
0x78: {  	_ =	shalt  }
0x79: {  	_ =	shalt  }
0x7a: {  	_ =	shalt  }
0x7b: {  	_ =	shalt  }
0x7c: {  	_ =	shalt  }
0x7d: {  	_ =	shalt  }
0x7e: {  	_ =	shalt  }
0x7f: {  	_ =	shalt  }
0x80: {  	_ =	shalt  }
0x81: {  	_ =	shalt  }
0x82: {  	_ =	shalt  }
0x83: {  	_ =	shalt  }
0x84: {  	_ =	shalt  }
0x85: {  	_ =	shalt  }
0x86: {  	_ =	shalt  }
0x87: {  	_ =	shalt  }
.Lfunc_end0:
.L_simem_size_0:
called_computation.1_lowered:
.L_overlay_start_0:
0x88: {  	s2 =	sld [smem:$0x3FD9]  }
0x89: {  	s3 =	sld [smem:$0x3FFE];
	_ =	sdelay $0x1  }
0x8a: {  	s1 =	srdreg.scid  }
0x8b: {  	s0 =	sand.u32 $0x1, s1  }
0x8c: {  	s17 =	sshll.u32 s0, $0xA;
	s2 =	sadd.s32 s3, s2  }
0x8d: {  	s2 =	sadd.s32 s2, s17  }
0x8e: {  	[smem:$0x3FC2] =	sst s2  }
0x8f: {  	_ = 	snop  }
0x90: {  	s2 =	sld [smem:$0x3FD0];
	(tm) =	ssettm $0x1  }
0x91: {  	s18 =	sld [smem:$0x3FFB];
	_ =	sdelay $0x3  }
0x92: {  	_ =	strace s18  }
0x93: {  	s3 =	sld [smem:$0x3FFC];
	_ =	sdelay $0x3  }
0x94: {  	_ =	strace s3  }
0x95: {  	s3 =	sld [smem:$0x3FFD];
	_ =	sdelay $0x3  }
0x96: {  	_ =	strace s3  }
0x97: {  	_ =	strace $0x8FFFFFFF  }
0x98: {  	s19 =	sld [smem:$0x3FDB];
	_ =	sdelay $0x1  }
0x99: {  	s4 =	simm.s32 $_scs_section_size  }
0x9a: {  	s5 =	simm.s32 $_size__tile_overlayer_lowered;
	s6 =	simm.s32 $_tile_overlayer_lowered  }
0x9b: {  	s22 =	simm.s32 $0x1BFF;
	s21 =	sshll.u32 s6, $0x1;
	s3 =	sadd.s32 s4, s19  }
0x9c: {  	s7 =	simm.s32 $0x0;
	s20 =	sshll.u32 s5, $0x1;
	s5 =	sadd.s32 s21, s3  }
0x9d: {  	[timem:s7], [sflag:s22] =	dma.local [hbm:s5], s20  }
0x9e: {  	_ =	swait.ge [sflag:s22], s20  }
0x9f: {  	s4 =	ssub.s32 $0x0, s20;
	[sflag:s22] =	ssyncset.done $0x0  }
0xa0: {  	[sflag:s22] =	ssyncadd.s32 s4;
	_ =	sdelay $0x1  }
0xa1: {  	s23 =	simm.s32 $0x1B8B  }
0xa2: {  	_ =	swait.ge [sflag:s23], $0x1  }
0xa3: {  	[sflag:s23] =	ssyncset.done $0x0  }
0xa4: {  	s25 =	simm.s32 $0x1B8E;
	s24 =	sld [smem:$0x3FFE];
	[sflag:s23] =	ssyncadd.s32 $0xFFFFFFFF  }
0xa5: {  	s26 =	simm.s32 $execute0_lowered;
	[smem:$0x3FD2] =	sst s25  }
0xa6: {  	s5 =	sshll.u32 s26, $0x1;
	_ =	strace $0x80000049;
	[dreg:$0x1] =	wrdreg $0xFFFFFFFF  }
0xa7: {  	s28 =	simm.s32 $_size_execute0_lowered;
	s3 =	sadd.s32 s3, s5;
	[dreg:$0x0] =	wrdreg $0x0  }
0xa8: {  	s5 =	sshll.u32 s28, $0x1;
	[dreg:$0x2] =	wrdreg s3  }
0xa9: {  	[dreg:$0x3] =	wrdreg s5  }
0xaa: {  	[dreg:$0x4] =	wrdreg $0xC0  }
0xab: {  	_ =	task [dreg:s7], $0x5FFFF  }
0xac: {  	[dreg:$0x1] =	wrdreg $0xFFFFFFFF  }
0xad: {  	[dreg:$0x0] =	wrdreg $0x60  }
0xae: {  	[dreg:$0x2] =	wrdreg s24  }
0xaf: {  	[dreg:$0x3] =	wrdreg s2  }
0xb0: {  	[dreg:$0x4] =	wrdreg $0xB0000  }
0xb1: {  	[dreg:$0x5] =	wrdreg $0x9  }
0xb2: {  	_ =	task.clear_ibuf [dreg:s7], $0x6FFFF;
	_ =	strace $0x90000049  }
0xb3: {  	s29 =	simm.s32 $0x9;
	_ =	strace $0x8000004B  }
0xb4: {  	_ =	swait.ge [sflag:s29], $0x1  }
0xb5: {  	[sflag:s29] =	ssyncadd.s32 $0xFFFFFFFF  }
0xb6: {  	_ =	strace $0x9000004B  }
0xb7: {  	_ =	sfence  }
0xb8: {  	s30 =	sld [smem:$0x0];
	_ =	sdelay $0x2  }
0xb9: {  	s31 =	sshll.u32 s1, $0xD;
	s1 =	sshrl.u32 s1, $0x2  }
0xba: {  	s3 =	sand.u32 $0x4000, s31;
	s1 =	sadd.s32 s1, s30  }
0xbb: {  	s0 =	sor.u32 s3, s0;
	s1 =	sshll.u32 s1, $0x11  }
0xbc: {  	s0 =	sor.u32 s1, s0  }
0xbd: {  	s0 =	sadd.s32 $0x8F2B, s0  }
0xbe: {  	[sflag:s0] =	ssyncadd.remote.s32 $0x1  }
0xbf: {  	_ =	sfence.sel $0xFFFF  }
0xc0: {  	[dreg:$0x0] =	wrdreg $0xFFFFFFFF;
	(pc) =	sbr.abs _section_cstart, $3  }
0xc1: {  	[dreg:$0x1] =	wrdreg $0xFFFFFFFF  }
0xc2: {  	_ =	task.clear_ibuf [dreg:s7], $0x2FFFF;
	_ =	strace $0x9FFFFFFF  }
0xc3: {  	(tm) =	ssettm $0x7FFFFFFF  }
tec
execute0_lowered:
.L_overlay_start_1:
0x0: {  	(tag) =	ssettag $0x1  }
0x1: {  	s0 =	srdreg.scid;
	s1 =	rddreg [dreg:$0x0]  }
0x2: {  	s11 =	stileid.u32;
	s5 =	rddreg [dreg:$0x1]  }
0x3: {  	s15 =	simm.s32 $0x0;
	s28 =	simm.s32 $0x2980;
	s29 =	simm.s32 $0x2A00  }
0x4: {  	s30 =	simm.s32 $0x2A80;
	s31 =	simm.s32 $0x2B00;
	s8 =	smul.u32 $0x14000, s11  }
0x5: {  	s12 =	simm.s32 $0x2F00;
	s0 =	sand.u32 $0x1, s0;
	s16 =	smul.u32 $0x50000, s11  }
0x6: {  	[smem:$0x7FF] =	sst s15;
	s4 =	sadd.s32 $0x16A00, s1;
	s24 =	smul.u32 $0x500, s11  }
0x7: {  	s17 =	sadd.s32 $0x2000, s1;
	s2 =	sshll.u32 s0, $0x4;
	s7 =	smul.u32 $0x140000, s0  }
0x8: {  	s10 =	ssub.s32 $0x2, s0;
	s3 =	sor.u32 s11, s2;
	s2 =	rddreg [dreg:$0x2]  }
0x9: {  	s0 =	smul.u32 $0x5000, s0;
	_ =	strace $0x8000004A;
	[dreg:$0x4] =	wrdreg s17  }
0xa: {  	s18 =	sshrl.u32 s10, $0x1;
	s17 =	simm.s32 $0x5;
	s6 =	smul.u32 $0x500, s3  }
0xb: {  	s7 =	sadd.s32 s8, s7;
	s8 =	sshrl.u32 s16, $0x2;
	s10 =	ssub.s32 s10, s18  }
0xc: {  	s0 =	sadd.s32 s0, s5;
	s18 =	simm.s32 $0x3000;
	s7 =	sshrl.u32 s7, $0x3  }
0xd: {  	s13 =	sadd.s32 s8, s2;
	s26 =	smax.u32 s10, $0x1;
	s0 =	sadd.s32 s24, s0  }
0xe: {  	s24 =	simm.s32 $0x2;
	s8 =	simm.s32 $0x2D80;
	s10 =	simm.s32 $0x2E80  }
0xf: {  	s9 =	sadd.s32 s6, s1;
	s1 =	sadd.s32 s7, s1;
	[dreg:$0xe] =	wrdreg s26  }
0x10: {  	s20 =	sadd.s32 $0x4000, s13;
	s21 =	sadd.s32 $0x8000, s13;
	[dreg:$0x6] =	wrdreg s13  }
0x11: {  	s22 =	sadd.s32 $0xC000, s13;
	s23 =	sadd.s32 s5, s6;
	[dreg:$0x7] =	wrdreg s20  }
0x12: {  	s25 =	sadd.s32 $0x10000, s13;
	s0 =	sadd.s32 $0x180, s0;
	[dreg:$0x8] =	wrdreg s21  }
0x13: {  	s26 =	simm.s32 $0x2900;
	s5 =	simm.s32 $0x2C80;
	[dreg:$0x9] =	wrdreg s22  }
0x14: {  	s6 =	simm.s32 $0x2D00;
	s7 =	simm.s32 $0x0;
	[dreg:$0xb] =	wrdreg s25  }
0x15: {  	s19 =	sadd.s32 $0xCA00, s9;
	[dreg:$0xa] =	wrdreg s23;
	s3 =	sadd.s32 $0x80, s23  }
.Ltmp0:
0x16: {  	s1 =	sadd.s32 $0x3DC00, s1;
	[dreg:$0xf] =	wrdreg s0;
	(pc) =	sbr.rel .LBB2_1-.Ltmp0, $4  }
0x17: {  	s20 =	simm.s32 $0x2C00;
	s21 =	simm.s32 $0x80;
	s22 =	simm.s32 $0x7000  }
0x18: {  	s23 =	simm.s32 $0x1;
	s0 =	simm.s32 $0x4;
	[dreg:$0x5] =	wrdreg s19  }
0x19: {  	s9 =	simm.s32 $0x2E00;
	s25 =	simm.s32 $0x0;
	[dreg:$0xc] =	wrdreg s3  }
0x1a: {  	[dreg:$0xd] =	wrdreg s1;
	s19 =	simm.s32 $0x2800;
	s1 =	simm.s32 $0x2B80  }
.LBB2_4:
0x1b: {  	s3 =	stileid.u32;
	[bflag:$0x0] =	sbarrier.arrive $0xFFFF  }
0x1c: {  	s3 =	sshll.u32 s3, $0x6;
	s13 =	rddreg [dreg:$0x6]  }
0x1d: {  	s11 =	rddreg [dreg:$0xd];
	s3 =	sor.u32 $0x1C05, s3;
	s7 =	sshrl.u32 s13, $0x3  }
0x1e: {  	[hbm:s11], [sflag:s3] =	dma.local [spmem:s7], $0x2800  }
0x1f: {  	_ =	swait.ge [sflag:s17], $0x2800  }
0x20: {  	s15 =	rddreg [dreg:$0x10]  }
0x21: {  	s16 =	rddreg [dreg:$0xe];
	s7 =	sadd.s32 $0x1, s15  }
0x22: {  	p0 =	sne.s32 s7, s16  }
.Ltmp1:
0x23: {  	_ = 	snop;
	(pc) =	sbr.rel @!p0 .LBB2_5-.Ltmp1, $3  }
0x24: {  	_ =	sdelay $0x1  }
0x25: {  	[sflag:s17] =	ssyncset.done $0x0  }
0x26: {  	[sflag:s17] =	ssyncadd.s32 $0xFFFFD800  }
.LBB2_1:
0x27: {  	[dreg:$0x10] =	wrdreg s7  }
0x28: {  	s3 =	simm.s32 $0x0;
	s14 =	rddreg [dreg:$0x5]  }
0x29: {  	[tilespmem:s3], [sflag:$0x5] =	stream.linear.gather [hbm4b:s14+s3], $0x2800, $0x38;
	[tilespmem:$0x1F000] =	vst v63  }
0x2a: {  	_ =	swait.ge [sflag:s17], $0x2800  }
0x2b: {  	[sflag:s17] =	ssyncset.done $0x0  }
0x2c: {  	s15 =	rddreg [dreg:$0x4];
	[sflag:s17] =	ssyncadd.s32 $0xFFFFD800  }
0x2d: {  	[tilespmem:s18], [sflag:$0x5] =	stream.linear.gather [hbm4b:s15+s3], $0x4000, $0x38;
	[tilespmem:$0x1F000] =	vst v63  }
0x2e: {  	_ =	swait.ge [sflag:s17], $0x4000  }
0x2f: {  	[sflag:s17] =	ssyncset.done $0x0  }
0x30: {  	[sflag:s17] =	ssyncadd.s32 $0xFFFFC000  }
0x31: {  	[spmem:s13] =	stream.linear.scatter [tilespmem:s18], [sflag:$0x5], $0x4000, $0x38;
	[tilespmem:$0x1F000] =	vst v63  }
0x32: {  	_ =	swait.ge [sflag:s17], $0x4000  }
0x33: {  	[sflag:s17] =	ssyncset.done $0x0  }
0x34: {  	s16 =	rddreg [dreg:$0x7];
	[sflag:s17] =	ssyncadd.s32 $0xFFFFC000  }
0x35: {  	[spmem:s16] =	stream.linear.scatter [tilespmem:s18], [sflag:$0x5], $0x4000, $0x38;
	[tilespmem:$0x1F000] =	vst v63  }
0x36: {  	_ =	swait.ge [sflag:s17], $0x4000  }
0x37: {  	[sflag:s17] =	ssyncset.done $0x0  }
0x38: {  	s11 =	rddreg [dreg:$0x8];
	[sflag:s17] =	ssyncadd.s32 $0xFFFFC000  }
0x39: {  	[spmem:s11] =	stream.linear.scatter [tilespmem:s18], [sflag:$0x5], $0x4000, $0x38;
	[tilespmem:$0x1F000] =	vst v63  }
0x3a: {  	_ =	swait.ge [sflag:s17], $0x4000  }
0x3b: {  	[sflag:s17] =	ssyncset.done $0x0  }
0x3c: {  	s13 =	rddreg [dreg:$0x9];
	[sflag:s17] =	ssyncadd.s32 $0xFFFFC000  }
0x3d: {  	[spmem:s13] =	stream.linear.scatter [tilespmem:s18], [sflag:$0x5], $0x4000, $0x38;
	[tilespmem:$0x1F000] =	vst v63  }
0x3e: {  	_ =	swait.ge [sflag:s17], $0x4000  }
0x3f: {  	[sflag:s17] =	ssyncset.done $0x0  }
0x40: {  	s14 =	rddreg [dreg:$0xb];
	[sflag:s17] =	ssyncadd.s32 $0xFFFFC000  }
0x41: {  	[spmem:s14] =	stream.linear.scatter [tilespmem:s18], [sflag:$0x5], $0x4000, $0x38;
	[tilespmem:$0x1F000] =	vst v63  }
0x42: {  	_ =	swait.ge [sflag:s17], $0x4000  }
0x43: {  	[sflag:s17] =	ssyncset.done $0x0  }
0x44: {  	[sflag:s17] =	ssyncadd.s32 $0xFFFFC000  }
0x45: {  	[bflag:$0x0] =	sbarrier.arrive $0xFFFF  }
0x46: {  	s15 =	rddreg [dreg:$0xa]  }
0x47: {  	[tilespmem:s19], [sflag:$0x5] =	stream.linear.gather [hbm4b:s15+s3], $0x400, $0x38;
	[tilespmem:$0x1F000] =	vst v63  }
0x48: {  	_ =	swait.ge [sflag:s17], $0x400  }
0x49: {  	[sflag:s17] =	ssyncset.done $0x0  }
0x4a: {  	s16 =	rddreg [dreg:$0xc];
	[sflag:s17] =	ssyncadd.s32 $0xFFFFFC00  }
0x4b: {  	[tilespmem:s20], [sflag:$0x4] =	stream.linear.gather [hbm4b:s16+s3], $0x400, $0x38;
	[tilespmem:$0x1F000] =	vst v63  }
0x4c: {  	_ = 	snop  }
0x4d: {  	[tilespmem:s18], [sflag:$0x1] =	stream.indirect.gather [hbm4b:s4+s21], $0x80, s3, s21, $0xb8;
	[tilespmem:$0x1F000] =	vst v63  }
0x4e: {  	s11 =	simm.s32 $0x0;
	s15 =	simm.s32 $0x1;
	s16 =	rddreg [dreg:$0xf]  }
0x4f: {  	[tilespmem:s22], [sflag:$0x2] =	stream.indirect.gather [hbm4b:s4+s21], $0x80, s21, s21, $0xb8;
	[tilespmem:$0x1F000] =	vst v63  }
.LBB2_2:
0x50: {  	p0 =	seq.s32 s11, $0x0  }
0x51: {  	s14 =	simm.s32 @!p0 $0x3  }
0x52: {  	_ =	swait.ge @!p0 [sflag:s14], $0x400  }
0x53: {  	[sflag:s14] =	ssyncset.done @!p0 $0x0  }
0x54: {  	[sflag:s14] =	ssyncadd.s32 @!p0 $0xFFFFFC00  }
0x55: {  	_ =	swait.ge [sflag:s23], $0x4000  }
0x56: {  	[sflag:s23] =	ssyncset.done $0x0  }
0x57: {  	[sflag:s23] =	ssyncadd.s32 $0xFFFFC000  }
0x58: {  	[spmem:s2] =	stream.indirect.scatter.add.f32 [tilespmem:s18], [sflag:$0x5], $0x80, s19, s21, $0xb8;
	[tilespmem:$0x1F000] =	vst v63  }
0x59: {  	_ =	swait.ge [sflag:s17], $0x4000  }
0x5a: {  	s14 =	sshra.s32 s11, $0x2;
	[sflag:s17] =	ssyncset.done $0x0  }
0x5b: {  	s7 =	sadd.s32 $0x100, s14;
	[sflag:s17] =	ssyncadd.s32 $0xFFFFC000  }
0x5c: {  	[tilespmem:s18], [sflag:$0x1] =	stream.indirect.gather [hbm4b:s4+s21], $0x80, s7, s21, $0xb8;
	[tilespmem:$0x1F000] =	vst v63  }
0x5d: {  	_ =	swait.ge [sflag:s24], $0x4000  }
0x5e: {  	[sflag:s24] =	ssyncset.done $0x0  }
0x5f: {  	s3 =	simm.s32 $0x2880;
	[sflag:s24] =	ssyncadd.s32 $0xFFFFC000  }
0x60: {  	[spmem:s2] =	stream.indirect.scatter.add.f32 [tilespmem:s22], [sflag:$0x5], $0x80, s3, s21, $0xb8;
	[tilespmem:$0x1F000] =	vst v63  }
0x61: {  	_ =	swait.ge [sflag:s17], $0x4000  }
0x62: {  	[sflag:s17] =	ssyncset.done $0x0  }
0x63: {  	s3 =	sadd.s32 $0x180, s14;
	[sflag:s17] =	ssyncadd.s32 $0xFFFFC000  }
0x64: {  	[tilespmem:s22], [sflag:$0x2] =	stream.indirect.gather [hbm4b:s4+s21], $0x80, s3, s21, $0xb8;
	[tilespmem:$0x1F000] =	vst v63  }
0x65: {  	_ =	swait.ge [sflag:s23], $0x4000  }
0x66: {  	[sflag:s23] =	ssyncset.done $0x0  }
0x67: {  	[sflag:s23] =	ssyncadd.s32 $0xFFFFC000  }
0x68: {  	[spmem:s2] =	stream.indirect.scatter.add.f32 [tilespmem:s18], [sflag:$0x5], $0x80, s26, s21, $0xb8;
	[tilespmem:$0x1F000] =	vst v63  }
0x69: {  	_ =	swait.ge [sflag:s17], $0x4000  }
0x6a: {  	[sflag:s17] =	ssyncset.done $0x0  }
0x6b: {  	s13 =	sadd.s32 $0x200, s14;
	[sflag:s17] =	ssyncadd.s32 $0xFFFFC000  }
0x6c: {  	[tilespmem:s18], [sflag:$0x1] =	stream.indirect.gather [hbm4b:s4+s21], $0x80, s13, s21, $0xb8;
	[tilespmem:$0x1F000] =	vst v63  }
0x6d: {  	_ =	swait.ge [sflag:s24], $0x4000  }
0x6e: {  	[sflag:s24] =	ssyncset.done $0x0  }
0x6f: {  	[sflag:s24] =	ssyncadd.s32 $0xFFFFC000  }
0x70: {  	[spmem:s2] =	stream.indirect.scatter.add.f32 [tilespmem:s22], [sflag:$0x5], $0x80, s28, s21, $0xb8;
	[tilespmem:$0x1F000] =	vst v63  }
0x71: {  	_ =	swait.ge [sflag:s17], $0x4000  }
0x72: {  	[sflag:s17] =	ssyncset.done $0x0  }
0x73: {  	s3 =	sadd.s32 $0x280, s14;
	[sflag:s17] =	ssyncadd.s32 $0xFFFFC000  }
0x74: {  	[tilespmem:s22], [sflag:$0x2] =	stream.indirect.gather [hbm4b:s4+s21], $0x80, s3, s21, $0xb8;
	[tilespmem:$0x1F000] =	vst v63  }
0x75: {  	_ =	swait.ge [sflag:s23], $0x4000  }
0x76: {  	[sflag:s23] =	ssyncset.done $0x0  }
0x77: {  	[sflag:s23] =	ssyncadd.s32 $0xFFFFC000  }
0x78: {  	[spmem:s2] =	stream.indirect.scatter.add.f32 [tilespmem:s18], [sflag:$0x5], $0x80, s29, s21, $0xb8;
	[tilespmem:$0x1F000] =	vst v63  }
0x79: {  	_ =	swait.ge [sflag:s17], $0x4000  }
0x7a: {  	[sflag:s17] =	ssyncset.done $0x0  }
0x7b: {  	s13 =	sadd.s32 $0x300, s14;
	[sflag:s17] =	ssyncadd.s32 $0xFFFFC000  }
0x7c: {  	[tilespmem:s18], [sflag:$0x1] =	stream.indirect.gather [hbm4b:s4+s21], $0x80, s13, s21, $0xb8;
	[tilespmem:$0x1F000] =	vst v63  }
0x7d: {  	_ =	swait.ge [sflag:s24], $0x4000  }
0x7e: {  	[sflag:s24] =	ssyncset.done $0x0  }
0x7f: {  	[sflag:s24] =	ssyncadd.s32 $0xFFFFC000  }
0x80: {  	[spmem:s2] =	stream.indirect.scatter.add.f32 [tilespmem:s22], [sflag:$0x5], $0x80, s30, s21, $0xb8;
	[tilespmem:$0x1F000] =	vst v63  }
0x81: {  	_ =	swait.ge [sflag:s17], $0x4000  }
0x82: {  	[sflag:s17] =	ssyncset.done $0x0  }
0x83: {  	s3 =	sadd.s32 $0x380, s14;
	[sflag:s17] =	ssyncadd.s32 $0xFFFFC000  }
0x84: {  	[tilespmem:s22], [sflag:$0x2] =	stream.indirect.gather [hbm4b:s4+s21], $0x80, s3, s21, $0xb8;
	[tilespmem:$0x1F000] =	vst v63  }
0x85: {  	_ =	swait.ge [sflag:s23], $0x4000  }
0x86: {  	[sflag:s23] =	ssyncset.done $0x0  }
0x87: {  	[sflag:s23] =	ssyncadd.s32 $0xFFFFC000  }
0x88: {  	[spmem:s2] =	stream.indirect.scatter.add.f32 [tilespmem:s18], [sflag:$0x5], $0x80, s31, s21, $0xb8;
	[tilespmem:$0x1F000] =	vst v63  }
0x89: {  	_ =	swait.ge [sflag:s17], $0x4000  }
0x8a: {  	[sflag:s17] =	ssyncset.done $0x0  }
0x8b: {  	s13 =	sadd.s32 $0x400, s14;
	[sflag:s17] =	ssyncadd.s32 $0xFFFFC000  }
0x8c: {  	[tilespmem:s18], [sflag:$0x1] =	stream.indirect.gather [hbm4b:s4+s21], $0x80, s13, s21, $0xb8;
	[tilespmem:$0x1F000] =	vst v63  }
0x8d: {  	_ =	swait.ge [sflag:s24], $0x4000  }
0x8e: {  	[sflag:s24] =	ssyncset.done $0x0  }
0x8f: {  	[sflag:s24] =	ssyncadd.s32 $0xFFFFC000  }
0x90: {  	[spmem:s2] =	stream.indirect.scatter.add.f32 [tilespmem:s22], [sflag:$0x5], $0x80, s1, s21, $0xb8;
	[tilespmem:$0x1F000] =	vst v63  }
0x91: {  	_ =	swait.ge [sflag:s17], $0x4000  }
0x92: {  	[sflag:s17] =	ssyncset.done $0x0  }
0x93: {  	p0 =	seq.s32 s11, $0x8000;
	s3 =	sadd.s32 $0x480, s14;
	[sflag:s17] =	ssyncadd.s32 $0xFFFFC000  }
0x94: {  	[tilespmem:s22], [sflag:$0x2] =	stream.indirect.gather [hbm4b:s4+s21], $0x80, s3, s21, $0xb8;
	[tilespmem:$0x1F000] =	vst v63  }
0x95: {  	s7 =	sadd.s32 @!p0 $0xFFFFFF80, s16;
	s13 =	simm.s32 @!p0 $0x0;
	s3 =	simm.s32 @!p0 $0x2800  }
0x96: {  	[tilespmem:s3], [sflag:$0x3] =	stream.linear.gather @!p0 [hbm4b:s7+s13], $0x400, $0x38;
	[tilespmem:$0x1F000] =	vst v63  }
0x97: {  	_ =	swait.ge [sflag:s0], $0x400  }
0x98: {  	[sflag:s0] =	ssyncset.done $0x0  }
0x99: {  	[sflag:s0] =	ssyncadd.s32 $0xFFFFFC00  }
0x9a: {  	_ =	swait.ge [sflag:s23], $0x4000  }
0x9b: {  	[sflag:s23] =	ssyncset.done $0x0  }
0x9c: {  	[sflag:s23] =	ssyncadd.s32 $0xFFFFC000  }
0x9d: {  	[spmem:s2] =	stream.indirect.scatter.add.f32 [tilespmem:s18], [sflag:$0x5], $0x80, s20, s21, $0xb8;
	[tilespmem:$0x1F000] =	vst v63  }
0x9e: {  	_ =	swait.ge [sflag:s17], $0x4000  }
0x9f: {  	[sflag:s17] =	ssyncset.done $0x0  }
0xa0: {  	s13 =	sadd.s32 $0x500, s14;
	[sflag:s17] =	ssyncadd.s32 $0xFFFFC000  }
0xa1: {  	[tilespmem:s18], [sflag:$0x1] =	stream.indirect.gather [hbm4b:s4+s21], $0x80, s13, s21, $0xb8;
	[tilespmem:$0x1F000] =	vst v63  }
0xa2: {  	_ =	swait.ge [sflag:s24], $0x4000  }
0xa3: {  	[sflag:s24] =	ssyncset.done $0x0  }
0xa4: {  	[sflag:s24] =	ssyncadd.s32 $0xFFFFC000  }
0xa5: {  	[spmem:s2] =	stream.indirect.scatter.add.f32 [tilespmem:s22], [sflag:$0x5], $0x80, s5, s21, $0xb8;
	[tilespmem:$0x1F000] =	vst v63  }
0xa6: {  	_ =	swait.ge [sflag:s17], $0x4000  }
0xa7: {  	[sflag:s17] =	ssyncset.done $0x0  }
0xa8: {  	s7 =	sadd.s32 $0x580, s14;
	[sflag:s17] =	ssyncadd.s32 $0xFFFFC000  }
0xa9: {  	[tilespmem:s22], [sflag:$0x2] =	stream.indirect.gather [hbm4b:s4+s21], $0x80, s7, s21, $0xb8;
	[tilespmem:$0x1F000] =	vst v63  }
0xaa: {  	_ =	swait.ge [sflag:s23], $0x4000  }
0xab: {  	[sflag:s23] =	ssyncset.done $0x0  }
0xac: {  	[sflag:s23] =	ssyncadd.s32 $0xFFFFC000  }
0xad: {  	[spmem:s2] =	stream.indirect.scatter.add.f32 [tilespmem:s18], [sflag:$0x5], $0x80, s6, s21, $0xb8;
	[tilespmem:$0x1F000] =	vst v63  }
0xae: {  	_ =	swait.ge [sflag:s17], $0x4000  }
0xaf: {  	[sflag:s17] =	ssyncset.done $0x0  }
0xb0: {  	s13 =	sadd.s32 $0x600, s14;
	[sflag:s17] =	ssyncadd.s32 $0xFFFFC000  }
0xb1: {  	[tilespmem:s18], [sflag:$0x1] =	stream.indirect.gather [hbm4b:s4+s21], $0x80, s13, s21, $0xb8;
	[tilespmem:$0x1F000] =	vst v63  }
0xb2: {  	_ =	swait.ge [sflag:s24], $0x4000  }
0xb3: {  	[sflag:s24] =	ssyncset.done $0x0  }
0xb4: {  	[sflag:s24] =	ssyncadd.s32 $0xFFFFC000  }
0xb5: {  	[spmem:s2] =	stream.indirect.scatter.add.f32 [tilespmem:s22], [sflag:$0x5], $0x80, s8, s21, $0xb8;
	[tilespmem:$0x1F000] =	vst v63  }
0xb6: {  	_ =	swait.ge [sflag:s17], $0x4000  }
0xb7: {  	[sflag:s17] =	ssyncset.done $0x0  }
0xb8: {  	s7 =	sadd.s32 $0x680, s14;
	[sflag:s17] =	ssyncadd.s32 $0xFFFFC000  }
0xb9: {  	[tilespmem:s22], [sflag:$0x2] =	stream.indirect.gather [hbm4b:s4+s21], $0x80, s7, s21, $0xb8;
	[tilespmem:$0x1F000] =	vst v63  }
0xba: {  	_ =	swait.ge [sflag:s23], $0x4000  }
0xbb: {  	[sflag:s23] =	ssyncset.done $0x0  }
0xbc: {  	[sflag:s23] =	ssyncadd.s32 $0xFFFFC000  }
0xbd: {  	[spmem:s2] =	stream.indirect.scatter.add.f32 [tilespmem:s18], [sflag:$0x5], $0x80, s9, s21, $0xb8;
	[tilespmem:$0x1F000] =	vst v63  }
0xbe: {  	_ =	swait.ge [sflag:s17], $0x4000  }
0xbf: {  	[sflag:s17] =	ssyncset.done $0x0  }
0xc0: {  	s13 =	sadd.s32 $0x700, s14;
	[sflag:s17] =	ssyncadd.s32 $0xFFFFC000  }
0xc1: {  	[tilespmem:s18], [sflag:$0x1] =	stream.indirect.gather [hbm4b:s4+s21], $0x80, s13, s21, $0xb8;
	[tilespmem:$0x1F000] =	vst v63  }
0xc2: {  	_ =	swait.ge [sflag:s24], $0x4000  }
0xc3: {  	[sflag:s24] =	ssyncset.done $0x0  }
0xc4: {  	[sflag:s24] =	ssyncadd.s32 $0xFFFFC000  }
0xc5: {  	[spmem:s2] =	stream.indirect.scatter.add.f32 [tilespmem:s22], [sflag:$0x5], $0x80, s10, s21, $0xb8;
	[tilespmem:$0x1F000] =	vst v63  }
0xc6: {  	_ =	swait.ge [sflag:s17], $0x4000  }
0xc7: {  	[sflag:s17] =	ssyncset.done $0x0  }
0xc8: {  	s14 =	sadd.s32 $0x780, s14;
	[sflag:s17] =	ssyncadd.s32 $0xFFFFC000  }
0xc9: {  	[tilespmem:s22], [sflag:$0x2] =	stream.indirect.gather [hbm4b:s4+s21], $0x80, s14, s21, $0xb8;
	[tilespmem:$0x1F000] =	vst v63  }
0xca: {  	_ =	swait.ge [sflag:s23], $0x4000  }
0xcb: {  	[sflag:s23] =	ssyncset.done $0x0  }
0xcc: {  	[sflag:s23] =	ssyncadd.s32 $0xFFFFC000  }
0xcd: {  	[spmem:s2] =	stream.indirect.scatter.add.f32 [tilespmem:s18], [sflag:$0x5], $0x80, s12, s21, $0xb8;
	[tilespmem:$0x1F000] =	vst v63  }
0xce: {  	_ =	swait.ge [sflag:s17], $0x4000  }
0xcf: {  	p1 =	sgt.u32 s15, $0x8;
	[sflag:s17] =	ssyncset.done $0x0  }
0xd0: {  	s3 =	simm.s32 @p1 $0x2;
	[sflag:s17] =	ssyncadd.s32 $0xFFFFC000  }
0xd1: {  	_ =	swait.ge @p1 [sflag:s3], $0x4000  }
0xd2: {  	s7 =	simm.s32 @p1 $0x2F80;
	[sflag:s3] =	ssyncset.done @p1 $0x0  }
0xd3: {  	s13 =	simm.s32 @p1 $0x7000;
	[sflag:s3] =	ssyncadd.s32 @p1 $0xFFFFC000;
	s3 =	simm.s32 @p1 $0x80  }
0xd4: {  	[spmem:s2] =	stream.indirect.scatter.add.f32 @p1 [tilespmem:s13], [sflag:$0x5], $0x80, s7, s3, $0xb8;
	[tilespmem:$0x1F000] =	vst v63  }
0xd5: {  	s3 =	simm.s32 @p1 $0x5  }
0xd6: {  	_ =	swait.ge @p1 [sflag:s3], $0x4000  }
0xd7: {  	[sflag:s3] =	ssyncset.done @p1 $0x0  }
0xd8: {  	[sflag:s3] =	ssyncadd.s32 @p1 $0xFFFFC000;
	s3 =	sshra.s32 @!p1 s11, $0x2  }
0xd9: {  	s14 =	simm.s32 @!p1 $0x3000;
	s13 =	simm.s32 @!p1 $0x80;
	s7 =	sadd.s32 @!p1 $0x800, s3  }
0xda: {  	[tilespmem:s14], [sflag:$0x1] =	stream.indirect.gather @!p1 [hbm4b:s4+s13], $0x80, s7, s13, $0xb8;
	[tilespmem:$0x1F000] =	vst v63  }
0xdb: {  	s7 =	simm.s32 @!p1 $0x2  }
0xdc: {  	_ =	swait.ge @!p1 [sflag:s7], $0x4000  }
0xdd: {  	[sflag:s7] =	ssyncset.done @!p1 $0x0  }
0xde: {  	s14 =	simm.s32 @!p1 $0x7000;
	[sflag:s7] =	ssyncadd.s32 @!p1 $0xFFFFC000;
	s7 =	simm.s32 @!p1 $0x2F80  }
0xdf: {  	[spmem:s2] =	stream.indirect.scatter.add.f32 @!p1 [tilespmem:s14], [sflag:$0x5], $0x80, s7, s13, $0xb8;
	[tilespmem:$0x1F000] =	vst v63  }
.Ltmp2:
0xe0: {  	s7 =	simm.s32 @!p1 $0x5;
	(pc) =	sbr.rel @p0 .LBB2_4-.Ltmp2, $4  }
0xe1: {  	_ =	swait.ge @!p1 [sflag:s7], $0x4000  }
0xe2: {  	[sflag:s7] =	ssyncset.done @!p1 $0x0  }
0xe3: {  	s3 =	sadd.s32 @!p1 $0x880, s3;
	[sflag:s7] =	ssyncadd.s32 @!p1 $0xFFFFC000  }
0xe4: {  	[tilespmem:s14], [sflag:$0x2] =	stream.indirect.gather @!p1 [hbm4b:s4+s13], $0x80, s3, s13, $0xb8;
	[tilespmem:$0x1F000] =	vst v63  }
.Ltmp3:
0xe5: {  	(pc) =	sbr.rel .LBB2_2-.Ltmp3, $3  }
0xe6: {  	_ =	sdelay $0x1  }
0xe7: {  	[tilespmem:s20], [sflag:$0x4] =	stream.linear.gather [hbm4b:s16+s25], $0x400, $0x38;
	[tilespmem:$0x1F000] =	vst v63  }
0xe8: {  	s11 =	sadd.s32 $0x2000, s11;
	s15 =	sadd.s32 $0x2, s15;
	s16 =	sadd.s32 $0x100, s16  }
.LBB2_5:
0xe9: {  	_ =	sfence.sel $0x180000  }
0xea: {  	[bflag:$0x0] =	sbarrier.arrive $0xFFFF  }
0xeb: {  	_ =	strace $0x9000004A  }
0xec: {  	s0 =	stileid.u32;
	[bflag:$0x2] =	sbarrier.arrive $0xFFFF  }
0xed: {  	p0 =	sne.s32 s0, $0x0;
	s0 =	rddreg [dreg:$0x3]  }
0xee: {  	s0 =	sadd.s32 @!p0 $0x100000, s0  }
0xef: {  	[sflag:s0] =	ssyncadd.tile.s32 @!p0 $0x1;
	_ =	shalt  }
.Lfunc_end2:
_tile_overlayer_lowered:
.L_overlay_start_2:
0xf0: {  	(tag) =	ssettag $0x2  }
0xf1: {  	s0 =	rddreg [dreg:$0x0];
	s2 =	stileid.u32  }
0xf2: {  	s1 =	rddreg [dreg:$0x1];
	p0 =	sne.s32 s2, $0x0  }
0xf3: {  	s3 =	rddreg [dreg:$0x2];
	[bflag:$0x3] =	sbarrier.arrive $0xFFFF;
	s2 =	simm.s32 @!p0 $0x1C05  }
0xf4: {  	[timem:s3], [sflag:s2] =	dma.local @!p0 [hbm:s0], s1  }
0xf5: {  	s0 =	simm.s32 @!p0 $0x5  }
0xf6: {  	_ =	swait.ge @!p0 [sflag:s0], s1  }
0xf7: {  	s1 =	ssub.s32 @!p0 $0x0, s1;
	[sflag:s0] =	ssyncset.done @!p0 $0x0  }
0xf8: {  	[sflag:s0] =	ssyncadd.s32 @!p0 s1  }
0xf9: {  	[bflag:$0x3] =	sbarrier.arrive $0xFFFF  }
0xfa: {  	_ =	shalt  }

// kernel: kernel.14.cloned.1.call-start
scs
__scs_entry_jumppad:
0x0: {  	(pc) =	sbr.rel $0x88, $3  }
0x1: {  	(tag) =	ssettag $0x0;
	lr =	simm.s32 $0x1  }
0x2: {  	[smem:$0x3F9B] =	sst lr;
	_ =	strace $0xD0000000  }
0x3: {  	_ = 	snop  }
0x4: {  	_ = 	snop  }
0x5: {  	_ = 	snop  }
0x6: {  	_ = 	snop  }
0x7: {  	_ = 	snop  }
__scs_overlays_trampoline_lowered:
0x8: {  	[smem:$0x3FAA] =	sst s0  }
0x9: {  	[smem:$0x3FAB] =	sst s1  }
0xa: {  	[smem:$0x3FAC] =	sst s2  }
0xb: {  	[smem:$0x3FAD] =	sst s3  }
0xc: {  	[smem:$0x3FAE] =	sst s4  }
0xd: {  	[smem:$0x3FAF] =	sst s5  }
0xe: {  	[smem:$0x3FB0] =	sst s6  }
0xf: {  	[smem:$0x3FB1] =	sst s7  }
0x10: {  	[smem:$0x3FB2] =	sst s8  }
0x11: {  	[smem:$0x3FB3] =	sst s9;
	s0 =	simm.s32 @!p0 $0x0  }
0x12: {  	s1 =	sld [smem:$0x3F99];
	s0 =	simm.s32 @p0 $0x1  }
0x13: {  	[smem:$0x3FB4] =	sst s0;
	s0 =	simm.s32 @!p1 $0x0  }
0x14: {  	s2 =	sld [smem:$0x3F98];
	s0 =	simm.s32 @p1 $0x1  }
0x15: {  	[smem:$0x3FB5] =	sst s0;
	s0 =	simm.s32 @!p2 $0x0  }
0x16: {  	s3 =	sld [smem:$0x3FDB];
	s0 =	simm.s32 @p2 $0x1  }
0x17: {  	s4 =	simm.s32 $0x1BF5;
	[smem:$0x3FB7] =	sst s0  }
0x18: {  	s0 =	sld [smem:$0x3F9A];
	_ =	swait.ge [sflag:s4], $0x0  }
0x19: {  	s7 =	sld [smem:$0x3F9B]  }
0x1a: {  	s8 =	sadd.s32 $0xFFFFE003, lr  }
0x1b: {  	s9 =	sadd.s32 $0xFFFFFEF7, lr;
	s5 =	simm.s32 $0xFFFFFFFF;
	p2 =	slt.u32 s8, $0xFFFFF086  }
0x1c: {  	p1 =	slt.u32 s9, $0xF7A;
	s5 =	simm.s32 @!p2 $0x0  }
0x1d: {  	s5 =	simm.s32 @p1 $0x1;
	p0 =	seq.s32 s7, s2  }
0x1e: {  	s7 =	smul.u32 @!p0 $0xF7A, s2;
	p2 =	seq.s32 @!p0 s5, $0x0  }
0x1f: {  	s9 =	smul.u32 $0xF7A, s1;
	s8 =	simm.s32 @!p0 $0x1BF5;
	p2 =	por !p2, p0  }
0x20: {  	[sflag:s8] =	ssyncset.s32 @!p0 $0xFFFFF086;
	s6 =	sadd.s32 @!p0 s3, s7;
	s7 =	simm.s32 @!p0 $0x108  }
0x21: {  	s3 =	sadd.s32 s3, s9;
	s6 =	sadd.s32 @!p0 $0x88, s6;
	s7 =	simm.s32 @p2 $0x1082  }
0x22: {  	[simem:s7], [sflag:s8] =	dma.local @!p0 [hbm:s6], $0xF7A  }
0x23: {  	s9 =	sor.u32 $0xD0000000, s2;
	s6 =	simm.s32 $0x108;
	_ =	swait.ge @!p0 [sflag:s8], $0x0  }
0x24: {  	s3 =	sadd.s32 $0x88, s3;
	s6 =	simm.s32 @!p1 $0x1082;
	[sflag:s4] =	ssyncset.s32 $0xFFFFF086  }
0x25: {  	[simem:s6], [sflag:s4] =	dma.local [hbm:s3], $0xF7A  }
0x26: {  	[smem:$0x3F9B] =	sst s1;
	(tag) =	ssettag s2;
	_ =	strace s9  }
0x27: {  	s1 =	sld [smem:$0x3FAB]  }
0x28: {  	s2 =	sld [smem:$0x3FAC]  }
0x29: {  	s4 =	sld [smem:$0x3FAE]  }
0x2a: {  	p0 =	seq.s32 s5, $0x0;
	s5 =	sld [smem:$0x3FAF]  }
0x2b: {  	s6 =	sld [smem:$0x3FB0]  }
0x2c: {  	s7 =	sld [smem:$0x3FB1]  }
0x2d: {  	s3 =	simm.s32 $0x108;
	s8 =	sld [smem:$0x3FB2]  }
0x2e: {  	s3 =	simm.s32 @!p0 $0x1082;
	s9 =	sld [smem:$0x3FB3]  }
0x2f: {  	lr =	sadd.s32 s0, s3;
	s0 =	sld [smem:$0x3FAA]  }
0x30: {  	s3 =	sld [smem:$0x3FAD]  }
0x31: {  	[smem:$0x3FB6] =	sst s10  }
0x32: {  	s10 =	sld [smem:$0x3FB4];
	_ =	sdelay $0x3  }
0x33: {  	p0 =	seq.s32 s10, $0x1;
	s10 =	sld [smem:$0x3FB6];
	_ =	sdelay $0x3  }
0x34: {  	[smem:$0x3FB6] =	sst s10  }
0x35: {  	s10 =	sld [smem:$0x3FB5];
	_ =	sdelay $0x3  }
0x36: {  	p1 =	seq.s32 s10, $0x1;
	s10 =	sld [smem:$0x3FB6];
	_ =	sdelay $0x3  }
0x37: {  	[smem:$0x3FB6] =	sst s10  }
0x38: {  	s10 =	sld [smem:$0x3FB7]  }
0x39: {  	_ = 	snop;
	(pc) =	sbr.ind lr, $3  }
0x3a: {  	_ = 	snop  }
0x3b: {  	_ = 	snop  }
0x3c: {  	p2 =	seq.s32 s10, $0x1;
	s10 =	sld [smem:$0x3FB6]  }
0x3d: {  	_ =	shalt  }
0x3e: {  	_ =	shalt  }
0x3f: {  	_ =	shalt  }
0x40: {  	_ =	shalt  }
0x41: {  	_ =	shalt  }
0x42: {  	_ =	shalt  }
0x43: {  	_ =	shalt  }
0x44: {  	_ =	shalt  }
0x45: {  	_ =	shalt  }
0x46: {  	_ =	shalt  }
0x47: {  	_ =	shalt  }
0x48: {  	_ =	shalt  }
0x49: {  	_ =	shalt  }
0x4a: {  	_ =	shalt  }
0x4b: {  	_ =	shalt  }
0x4c: {  	_ =	shalt  }
0x4d: {  	_ =	shalt  }
0x4e: {  	_ =	shalt  }
0x4f: {  	_ =	shalt  }
0x50: {  	_ =	shalt  }
0x51: {  	_ =	shalt  }
0x52: {  	_ =	shalt  }
0x53: {  	_ =	shalt  }
0x54: {  	_ =	shalt  }
0x55: {  	_ =	shalt  }
0x56: {  	_ =	shalt  }
0x57: {  	_ =	shalt  }
0x58: {  	_ =	shalt  }
0x59: {  	_ =	shalt  }
0x5a: {  	_ =	shalt  }
0x5b: {  	_ =	shalt  }
0x5c: {  	_ =	shalt  }
0x5d: {  	_ =	shalt  }
0x5e: {  	_ =	shalt  }
0x5f: {  	_ =	shalt  }
0x60: {  	_ =	shalt  }
0x61: {  	_ =	shalt  }
0x62: {  	_ =	shalt  }
0x63: {  	_ =	shalt  }
0x64: {  	_ =	shalt  }
0x65: {  	_ =	shalt  }
0x66: {  	_ =	shalt  }
0x67: {  	_ =	shalt  }
0x68: {  	_ =	shalt  }
0x69: {  	_ =	shalt  }
0x6a: {  	_ =	shalt  }
0x6b: {  	_ =	shalt  }
0x6c: {  	_ =	shalt  }
0x6d: {  	_ =	shalt  }
0x6e: {  	_ =	shalt  }
0x6f: {  	_ =	shalt  }
0x70: {  	_ =	shalt  }
0x71: {  	_ =	shalt  }
0x72: {  	_ =	shalt  }
0x73: {  	_ =	shalt  }
0x74: {  	_ =	shalt  }
0x75: {  	_ =	shalt  }
0x76: {  	_ =	shalt  }
0x77: {  	_ =	shalt  }
0x78: {  	_ =	shalt  }
0x79: {  	_ =	shalt  }
0x7a: {  	_ =	shalt  }
0x7b: {  	_ =	shalt  }
0x7c: {  	_ =	shalt  }
0x7d: {  	_ =	shalt  }
0x7e: {  	_ =	shalt  }
0x7f: {  	_ =	shalt  }
0x80: {  	_ =	shalt  }
0x81: {  	_ =	shalt  }
0x82: {  	_ =	shalt  }
0x83: {  	_ =	shalt  }
0x84: {  	_ =	shalt  }
0x85: {  	_ =	shalt  }
0x86: {  	_ =	shalt  }
0x87: {  	_ =	shalt  }
.Lfunc_end0:
.L_simem_size_0:
called_computation.2_lowered:
.L_overlay_start_0:
0x88: {  	s2 =	sld [smem:$0x3FD9]  }
0x89: {  	s3 =	sld [smem:$0x3FFE];
	_ =	sdelay $0x1  }
0x8a: {  	s1 =	srdreg.scid  }
0x8b: {  	s0 =	sand.u32 $0x1, s1  }
0x8c: {  	s17 =	sshll.u32 s0, $0xA;
	s2 =	sadd.s32 s3, s2  }
0x8d: {  	s2 =	sadd.s32 s2, s17  }
0x8e: {  	[smem:$0x3FC2] =	sst s2  }
0x8f: {  	_ = 	snop  }
0x90: {  	s2 =	sld [smem:$0x3FD0];
	(tm) =	ssettm $0x1  }
0x91: {  	s18 =	sld [smem:$0x3FFB];
	_ =	sdelay $0x3  }
0x92: {  	_ =	strace s18  }
0x93: {  	s3 =	sld [smem:$0x3FFC];
	_ =	sdelay $0x3  }
0x94: {  	_ =	strace s3  }
0x95: {  	s3 =	sld [smem:$0x3FFD];
	_ =	sdelay $0x3  }
0x96: {  	_ =	strace s3  }
0x97: {  	_ =	strace $0x8FFFFFFF  }
0x98: {  	s19 =	sld [smem:$0x3FDB];
	_ =	sdelay $0x1  }
0x99: {  	s4 =	simm.s32 $_scs_section_size  }
0x9a: {  	s5 =	simm.s32 $_size__tile_overlayer_lowered;
	s6 =	simm.s32 $_tile_overlayer_lowered  }
0x9b: {  	s22 =	simm.s32 $0x1BFF;
	s21 =	sshll.u32 s6, $0x1;
	s3 =	sadd.s32 s4, s19  }
0x9c: {  	s7 =	simm.s32 $0x0;
	s20 =	sshll.u32 s5, $0x1;
	s5 =	sadd.s32 s21, s3  }
0x9d: {  	[timem:s7], [sflag:s22] =	dma.local [hbm:s5], s20  }
0x9e: {  	_ =	swait.ge [sflag:s22], s20  }
0x9f: {  	s4 =	ssub.s32 $0x0, s20;
	[sflag:s22] =	ssyncset.done $0x0  }
0xa0: {  	[sflag:s22] =	ssyncadd.s32 s4;
	_ =	sdelay $0x1  }
0xa1: {  	s23 =	simm.s32 $0x1B8B  }
0xa2: {  	_ =	swait.ge [sflag:s23], $0x1  }
0xa3: {  	[sflag:s23] =	ssyncset.done $0x0  }
0xa4: {  	s25 =	simm.s32 $0x1B8E;
	s24 =	sld [smem:$0x3FFE];
	[sflag:s23] =	ssyncadd.s32 $0xFFFFFFFF  }
0xa5: {  	s26 =	simm.s32 $execute0_lowered;
	[smem:$0x3FD2] =	sst s25  }
0xa6: {  	s5 =	sshll.u32 s26, $0x1;
	_ =	strace $0x8000004C;
	[dreg:$0x1] =	wrdreg $0xFFFFFFFF  }
0xa7: {  	s28 =	simm.s32 $_size_execute0_lowered;
	s3 =	sadd.s32 s3, s5;
	[dreg:$0x0] =	wrdreg $0x0  }
0xa8: {  	s5 =	sshll.u32 s28, $0x1;
	[dreg:$0x2] =	wrdreg s3  }
0xa9: {  	[dreg:$0x3] =	wrdreg s5  }
0xaa: {  	[dreg:$0x4] =	wrdreg $0xC0  }
0xab: {  	_ =	task [dreg:s7], $0x5FFFF  }
0xac: {  	[dreg:$0x1] =	wrdreg $0xFFFFFFFF  }
0xad: {  	[dreg:$0x0] =	wrdreg $0x60  }
0xae: {  	[dreg:$0x2] =	wrdreg s24  }
0xaf: {  	[dreg:$0x3] =	wrdreg s2  }
0xb0: {  	[dreg:$0x4] =	wrdreg $0xB0000  }
0xb1: {  	[dreg:$0x5] =	wrdreg $0x9  }
0xb2: {  	_ =	task.clear_ibuf [dreg:s7], $0x6FFFF;
	_ =	strace $0x9000004C  }
0xb3: {  	s29 =	simm.s32 $0x9;
	_ =	strace $0x8000004E  }
0xb4: {  	_ =	swait.ge [sflag:s29], $0x1  }
0xb5: {  	[sflag:s29] =	ssyncadd.s32 $0xFFFFFFFF  }
0xb6: {  	_ =	strace $0x9000004E  }
0xb7: {  	_ =	sfence  }
0xb8: {  	s30 =	sld [smem:$0x0];
	_ =	sdelay $0x2  }
0xb9: {  	s31 =	sshll.u32 s1, $0xD;
	s1 =	sshrl.u32 s1, $0x2  }
0xba: {  	s3 =	sand.u32 $0x4000, s31;
	s1 =	sadd.s32 s1, s30  }
0xbb: {  	s0 =	sor.u32 s3, s0;
	s1 =	sshll.u32 s1, $0x11  }
0xbc: {  	s0 =	sor.u32 s1, s0  }
0xbd: {  	s0 =	sadd.s32 $0x8F2B, s0  }
0xbe: {  	[sflag:s0] =	ssyncadd.remote.s32 $0x1  }
0xbf: {  	_ =	sfence.sel $0xFFFF  }
0xc0: {  	[dreg:$0x0] =	wrdreg $0xFFFFFFFF;
	(pc) =	sbr.abs _section_cstart, $3  }
0xc1: {  	[dreg:$0x1] =	wrdreg $0xFFFFFFFF  }
0xc2: {  	_ =	task.clear_ibuf [dreg:s7], $0x2FFFF;
	_ =	strace $0x9FFFFFFF  }
0xc3: {  	(tm) =	ssettm $0x7FFFFFFF  }
tec
execute0_lowered:
.L_overlay_start_1:
0x0: {  	(tag) =	ssettag $0x1  }
0x1: {  	s0 =	srdreg.scid;
	s1 =	rddreg [dreg:$0x0]  }
0x2: {  	s11 =	stileid.u32;
	s5 =	rddreg [dreg:$0x1]  }
0x3: {  	s15 =	simm.s32 $0x0;
	s28 =	simm.s32 $0x2980;
	s29 =	simm.s32 $0x2A00  }
0x4: {  	s30 =	simm.s32 $0x2A80;
	s31 =	simm.s32 $0x2B00;
	s8 =	smul.u32 $0x14000, s11  }
0x5: {  	s12 =	simm.s32 $0x2F00;
	s0 =	sand.u32 $0x1, s0;
	s16 =	smul.u32 $0x50000, s11  }
0x6: {  	[smem:$0x7FF] =	sst s15;
	s4 =	sadd.s32 $0x16A00, s1;
	s24 =	smul.u32 $0x500, s11  }
0x7: {  	s17 =	sadd.s32 $0x2000, s1;
	s2 =	sshll.u32 s0, $0x4;
	s7 =	smul.u32 $0x140000, s0  }
0x8: {  	s10 =	ssub.s32 $0x2, s0;
	s3 =	sor.u32 s11, s2;
	s2 =	rddreg [dreg:$0x2]  }
0x9: {  	s0 =	smul.u32 $0x5000, s0;
	_ =	strace $0x8000004D;
	[dreg:$0x4] =	wrdreg s17  }
0xa: {  	s18 =	sshrl.u32 s10, $0x1;
	s17 =	simm.s32 $0x5;
	s6 =	smul.u32 $0x500, s3  }
0xb: {  	s7 =	sadd.s32 s8, s7;
	s8 =	sshrl.u32 s16, $0x2;
	s10 =	ssub.s32 s10, s18  }
0xc: {  	s0 =	sadd.s32 s0, s5;
	s18 =	simm.s32 $0x3000;
	s7 =	sshrl.u32 s7, $0x3  }
0xd: {  	s13 =	sadd.s32 s8, s2;
	s26 =	smax.u32 s10, $0x1;
	s0 =	sadd.s32 s24, s0  }
0xe: {  	s24 =	simm.s32 $0x2;
	s8 =	simm.s32 $0x2D80;
	s10 =	simm.s32 $0x2E80  }
0xf: {  	s9 =	sadd.s32 s6, s1;
	s1 =	sadd.s32 s7, s1;
	[dreg:$0xe] =	wrdreg s26  }
0x10: {  	s20 =	sadd.s32 $0x4000, s13;
	s21 =	sadd.s32 $0x8000, s13;
	[dreg:$0x6] =	wrdreg s13  }
0x11: {  	s22 =	sadd.s32 $0xC000, s13;
	s23 =	sadd.s32 s5, s6;
	[dreg:$0x7] =	wrdreg s20  }
0x12: {  	s25 =	sadd.s32 $0x10000, s13;
	s0 =	sadd.s32 $0x180, s0;
	[dreg:$0x8] =	wrdreg s21  }
0x13: {  	s26 =	simm.s32 $0x2900;
	s5 =	simm.s32 $0x2C80;
	[dreg:$0x9] =	wrdreg s22  }
0x14: {  	s6 =	simm.s32 $0x2D00;
	s7 =	simm.s32 $0x0;
	[dreg:$0xb] =	wrdreg s25  }
0x15: {  	s19 =	sadd.s32 $0xCA00, s9;
	[dreg:$0xa] =	wrdreg s23;
	s3 =	sadd.s32 $0x80, s23  }
.Ltmp0:
0x16: {  	s1 =	sadd.s32 $0x3DC00, s1;
	[dreg:$0xf] =	wrdreg s0;
	(pc) =	sbr.rel .LBB2_1-.Ltmp0, $4  }
0x17: {  	s20 =	simm.s32 $0x2C00;
	s21 =	simm.s32 $0x80;
	s22 =	simm.s32 $0x7000  }
0x18: {  	s23 =	simm.s32 $0x1;
	s0 =	simm.s32 $0x4;
	[dreg:$0x5] =	wrdreg s19  }
0x19: {  	s9 =	simm.s32 $0x2E00;
	s25 =	simm.s32 $0x0;
	[dreg:$0xc] =	wrdreg s3  }
0x1a: {  	[dreg:$0xd] =	wrdreg s1;
	s19 =	simm.s32 $0x2800;
	s1 =	simm.s32 $0x2B80  }
.LBB2_4:
0x1b: {  	s3 =	stileid.u32;
	[bflag:$0x0] =	sbarrier.arrive $0xFFFF  }
0x1c: {  	s3 =	sshll.u32 s3, $0x6;
	s13 =	rddreg [dreg:$0x6]  }
0x1d: {  	s11 =	rddreg [dreg:$0xd];
	s3 =	sor.u32 $0x1C05, s3;
	s7 =	sshrl.u32 s13, $0x3  }
0x1e: {  	[hbm:s11], [sflag:s3] =	dma.local [spmem:s7], $0x2800  }
0x1f: {  	_ =	swait.ge [sflag:s17], $0x2800  }
0x20: {  	s15 =	rddreg [dreg:$0x10]  }
0x21: {  	s16 =	rddreg [dreg:$0xe];
	s7 =	sadd.s32 $0x1, s15  }
0x22: {  	p0 =	sne.s32 s7, s16  }
.Ltmp1:
0x23: {  	_ = 	snop;
	(pc) =	sbr.rel @!p0 .LBB2_5-.Ltmp1, $3  }
0x24: {  	_ =	sdelay $0x1  }
0x25: {  	[sflag:s17] =	ssyncset.done $0x0  }
0x26: {  	[sflag:s17] =	ssyncadd.s32 $0xFFFFD800  }
.LBB2_1:
0x27: {  	[dreg:$0x10] =	wrdreg s7  }
0x28: {  	s3 =	simm.s32 $0x0;
	s14 =	rddreg [dreg:$0x5]  }
0x29: {  	[tilespmem:s3], [sflag:$0x5] =	stream.linear.gather [hbm4b:s14+s3], $0x2800, $0x38;
	[tilespmem:$0x1F000] =	vst v63  }
0x2a: {  	_ =	swait.ge [sflag:s17], $0x2800  }
0x2b: {  	[sflag:s17] =	ssyncset.done $0x0  }
0x2c: {  	s15 =	rddreg [dreg:$0x4];
	[sflag:s17] =	ssyncadd.s32 $0xFFFFD800  }
0x2d: {  	[tilespmem:s18], [sflag:$0x5] =	stream.linear.gather [hbm4b:s15+s3], $0x4000, $0x38;
	[tilespmem:$0x1F000] =	vst v63  }
0x2e: {  	_ =	swait.ge [sflag:s17], $0x4000  }
0x2f: {  	[sflag:s17] =	ssyncset.done $0x0  }
0x30: {  	[sflag:s17] =	ssyncadd.s32 $0xFFFFC000  }
0x31: {  	[spmem:s13] =	stream.linear.scatter [tilespmem:s18], [sflag:$0x5], $0x4000, $0x38;
	[tilespmem:$0x1F000] =	vst v63  }
0x32: {  	_ =	swait.ge [sflag:s17], $0x4000  }
0x33: {  	[sflag:s17] =	ssyncset.done $0x0  }
0x34: {  	s16 =	rddreg [dreg:$0x7];
	[sflag:s17] =	ssyncadd.s32 $0xFFFFC000  }
0x35: {  	[spmem:s16] =	stream.linear.scatter [tilespmem:s18], [sflag:$0x5], $0x4000, $0x38;
	[tilespmem:$0x1F000] =	vst v63  }
0x36: {  	_ =	swait.ge [sflag:s17], $0x4000  }
0x37: {  	[sflag:s17] =	ssyncset.done $0x0  }
0x38: {  	s11 =	rddreg [dreg:$0x8];
	[sflag:s17] =	ssyncadd.s32 $0xFFFFC000  }
0x39: {  	[spmem:s11] =	stream.linear.scatter [tilespmem:s18], [sflag:$0x5], $0x4000, $0x38;
	[tilespmem:$0x1F000] =	vst v63  }
0x3a: {  	_ =	swait.ge [sflag:s17], $0x4000  }
0x3b: {  	[sflag:s17] =	ssyncset.done $0x0  }
0x3c: {  	s13 =	rddreg [dreg:$0x9];
	[sflag:s17] =	ssyncadd.s32 $0xFFFFC000  }
0x3d: {  	[spmem:s13] =	stream.linear.scatter [tilespmem:s18], [sflag:$0x5], $0x4000, $0x38;
	[tilespmem:$0x1F000] =	vst v63  }
0x3e: {  	_ =	swait.ge [sflag:s17], $0x4000  }
0x3f: {  	[sflag:s17] =	ssyncset.done $0x0  }
0x40: {  	s14 =	rddreg [dreg:$0xb];
	[sflag:s17] =	ssyncadd.s32 $0xFFFFC000  }
0x41: {  	[spmem:s14] =	stream.linear.scatter [tilespmem:s18], [sflag:$0x5], $0x4000, $0x38;
	[tilespmem:$0x1F000] =	vst v63  }
0x42: {  	_ =	swait.ge [sflag:s17], $0x4000  }
0x43: {  	[sflag:s17] =	ssyncset.done $0x0  }
0x44: {  	[sflag:s17] =	ssyncadd.s32 $0xFFFFC000  }
0x45: {  	[bflag:$0x0] =	sbarrier.arrive $0xFFFF  }
0x46: {  	s15 =	rddreg [dreg:$0xa]  }
0x47: {  	[tilespmem:s19], [sflag:$0x5] =	stream.linear.gather [hbm4b:s15+s3], $0x400, $0x38;
	[tilespmem:$0x1F000] =	vst v63  }
0x48: {  	_ =	swait.ge [sflag:s17], $0x400  }
0x49: {  	[sflag:s17] =	ssyncset.done $0x0  }
0x4a: {  	s16 =	rddreg [dreg:$0xc];
	[sflag:s17] =	ssyncadd.s32 $0xFFFFFC00  }
0x4b: {  	[tilespmem:s20], [sflag:$0x4] =	stream.linear.gather [hbm4b:s16+s3], $0x400, $0x38;
	[tilespmem:$0x1F000] =	vst v63  }
0x4c: {  	_ = 	snop  }
0x4d: {  	[tilespmem:s18], [sflag:$0x1] =	stream.indirect.gather [hbm4b:s4+s21], $0x80, s3, s21, $0xb8;
	[tilespmem:$0x1F000] =	vst v63  }
0x4e: {  	s11 =	simm.s32 $0x0;
	s15 =	simm.s32 $0x1;
	s16 =	rddreg [dreg:$0xf]  }
0x4f: {  	[tilespmem:s22], [sflag:$0x2] =	stream.indirect.gather [hbm4b:s4+s21], $0x80, s21, s21, $0xb8;
	[tilespmem:$0x1F000] =	vst v63  }
.LBB2_2:
0x50: {  	p0 =	seq.s32 s11, $0x0  }
0x51: {  	s14 =	simm.s32 @!p0 $0x3  }
0x52: {  	_ =	swait.ge @!p0 [sflag:s14], $0x400  }
0x53: {  	[sflag:s14] =	ssyncset.done @!p0 $0x0  }
0x54: {  	[sflag:s14] =	ssyncadd.s32 @!p0 $0xFFFFFC00  }
0x55: {  	_ =	swait.ge [sflag:s23], $0x4000  }
0x56: {  	[sflag:s23] =	ssyncset.done $0x0  }
0x57: {  	[sflag:s23] =	ssyncadd.s32 $0xFFFFC000  }
0x58: {  	[spmem:s2] =	stream.indirect.scatter.add.f32 [tilespmem:s18], [sflag:$0x5], $0x80, s19, s21, $0xb8;
	[tilespmem:$0x1F000] =	vst v63  }
0x59: {  	_ =	swait.ge [sflag:s17], $0x4000  }
0x5a: {  	s14 =	sshra.s32 s11, $0x2;
	[sflag:s17] =	ssyncset.done $0x0  }
0x5b: {  	s7 =	sadd.s32 $0x100, s14;
	[sflag:s17] =	ssyncadd.s32 $0xFFFFC000  }
0x5c: {  	[tilespmem:s18], [sflag:$0x1] =	stream.indirect.gather [hbm4b:s4+s21], $0x80, s7, s21, $0xb8;
	[tilespmem:$0x1F000] =	vst v63  }
0x5d: {  	_ =	swait.ge [sflag:s24], $0x4000  }
0x5e: {  	[sflag:s24] =	ssyncset.done $0x0  }
0x5f: {  	s3 =	simm.s32 $0x2880;
	[sflag:s24] =	ssyncadd.s32 $0xFFFFC000  }
0x60: {  	[spmem:s2] =	stream.indirect.scatter.add.f32 [tilespmem:s22], [sflag:$0x5], $0x80, s3, s21, $0xb8;
	[tilespmem:$0x1F000] =	vst v63  }
0x61: {  	_ =	swait.ge [sflag:s17], $0x4000  }
0x62: {  	[sflag:s17] =	ssyncset.done $0x0  }
0x63: {  	s3 =	sadd.s32 $0x180, s14;
	[sflag:s17] =	ssyncadd.s32 $0xFFFFC000  }
0x64: {  	[tilespmem:s22], [sflag:$0x2] =	stream.indirect.gather [hbm4b:s4+s21], $0x80, s3, s21, $0xb8;
	[tilespmem:$0x1F000] =	vst v63  }
0x65: {  	_ =	swait.ge [sflag:s23], $0x4000  }
0x66: {  	[sflag:s23] =	ssyncset.done $0x0  }
0x67: {  	[sflag:s23] =	ssyncadd.s32 $0xFFFFC000  }
0x68: {  	[spmem:s2] =	stream.indirect.scatter.add.f32 [tilespmem:s18], [sflag:$0x5], $0x80, s26, s21, $0xb8;
	[tilespmem:$0x1F000] =	vst v63  }
0x69: {  	_ =	swait.ge [sflag:s17], $0x4000  }
0x6a: {  	[sflag:s17] =	ssyncset.done $0x0  }
0x6b: {  	s13 =	sadd.s32 $0x200, s14;
	[sflag:s17] =	ssyncadd.s32 $0xFFFFC000  }
0x6c: {  	[tilespmem:s18], [sflag:$0x1] =	stream.indirect.gather [hbm4b:s4+s21], $0x80, s13, s21, $0xb8;
	[tilespmem:$0x1F000] =	vst v63  }
0x6d: {  	_ =	swait.ge [sflag:s24], $0x4000  }
0x6e: {  	[sflag:s24] =	ssyncset.done $0x0  }
0x6f: {  	[sflag:s24] =	ssyncadd.s32 $0xFFFFC000  }
0x70: {  	[spmem:s2] =	stream.indirect.scatter.add.f32 [tilespmem:s22], [sflag:$0x5], $0x80, s28, s21, $0xb8;
	[tilespmem:$0x1F000] =	vst v63  }
0x71: {  	_ =	swait.ge [sflag:s17], $0x4000  }
0x72: {  	[sflag:s17] =	ssyncset.done $0x0  }
0x73: {  	s3 =	sadd.s32 $0x280, s14;
	[sflag:s17] =	ssyncadd.s32 $0xFFFFC000  }
0x74: {  	[tilespmem:s22], [sflag:$0x2] =	stream.indirect.gather [hbm4b:s4+s21], $0x80, s3, s21, $0xb8;
	[tilespmem:$0x1F000] =	vst v63  }
0x75: {  	_ =	swait.ge [sflag:s23], $0x4000  }
0x76: {  	[sflag:s23] =	ssyncset.done $0x0  }
0x77: {  	[sflag:s23] =	ssyncadd.s32 $0xFFFFC000  }
0x78: {  	[spmem:s2] =	stream.indirect.scatter.add.f32 [tilespmem:s18], [sflag:$0x5], $0x80, s29, s21, $0xb8;
	[tilespmem:$0x1F000] =	vst v63  }
0x79: {  	_ =	swait.ge [sflag:s17], $0x4000  }
0x7a: {  	[sflag:s17] =	ssyncset.done $0x0  }
0x7b: {  	s13 =	sadd.s32 $0x300, s14;
	[sflag:s17] =	ssyncadd.s32 $0xFFFFC000  }
0x7c: {  	[tilespmem:s18], [sflag:$0x1] =	stream.indirect.gather [hbm4b:s4+s21], $0x80, s13, s21, $0xb8;
	[tilespmem:$0x1F000] =	vst v63  }
0x7d: {  	_ =	swait.ge [sflag:s24], $0x4000  }
0x7e: {  	[sflag:s24] =	ssyncset.done $0x0  }
0x7f: {  	[sflag:s24] =	ssyncadd.s32 $0xFFFFC000  }
0x80: {  	[spmem:s2] =	stream.indirect.scatter.add.f32 [tilespmem:s22], [sflag:$0x5], $0x80, s30, s21, $0xb8;
	[tilespmem:$0x1F000] =	vst v63  }
0x81: {  	_ =	swait.ge [sflag:s17], $0x4000  }
0x82: {  	[sflag:s17] =	ssyncset.done $0x0  }
0x83: {  	s3 =	sadd.s32 $0x380, s14;
	[sflag:s17] =	ssyncadd.s32 $0xFFFFC000  }
0x84: {  	[tilespmem:s22], [sflag:$0x2] =	stream.indirect.gather [hbm4b:s4+s21], $0x80, s3, s21, $0xb8;
	[tilespmem:$0x1F000] =	vst v63  }
0x85: {  	_ =	swait.ge [sflag:s23], $0x4000  }
0x86: {  	[sflag:s23] =	ssyncset.done $0x0  }
0x87: {  	[sflag:s23] =	ssyncadd.s32 $0xFFFFC000  }
0x88: {  	[spmem:s2] =	stream.indirect.scatter.add.f32 [tilespmem:s18], [sflag:$0x5], $0x80, s31, s21, $0xb8;
	[tilespmem:$0x1F000] =	vst v63  }
0x89: {  	_ =	swait.ge [sflag:s17], $0x4000  }
0x8a: {  	[sflag:s17] =	ssyncset.done $0x0  }
0x8b: {  	s13 =	sadd.s32 $0x400, s14;
	[sflag:s17] =	ssyncadd.s32 $0xFFFFC000  }
0x8c: {  	[tilespmem:s18], [sflag:$0x1] =	stream.indirect.gather [hbm4b:s4+s21], $0x80, s13, s21, $0xb8;
	[tilespmem:$0x1F000] =	vst v63  }
0x8d: {  	_ =	swait.ge [sflag:s24], $0x4000  }
0x8e: {  	[sflag:s24] =	ssyncset.done $0x0  }
0x8f: {  	[sflag:s24] =	ssyncadd.s32 $0xFFFFC000  }
0x90: {  	[spmem:s2] =	stream.indirect.scatter.add.f32 [tilespmem:s22], [sflag:$0x5], $0x80, s1, s21, $0xb8;
	[tilespmem:$0x1F000] =	vst v63  }
0x91: {  	_ =	swait.ge [sflag:s17], $0x4000  }
0x92: {  	[sflag:s17] =	ssyncset.done $0x0  }
0x93: {  	p0 =	seq.s32 s11, $0x8000;
	s3 =	sadd.s32 $0x480, s14;
	[sflag:s17] =	ssyncadd.s32 $0xFFFFC000  }
0x94: {  	[tilespmem:s22], [sflag:$0x2] =	stream.indirect.gather [hbm4b:s4+s21], $0x80, s3, s21, $0xb8;
	[tilespmem:$0x1F000] =	vst v63  }
0x95: {  	s7 =	sadd.s32 @!p0 $0xFFFFFF80, s16;
	s13 =	simm.s32 @!p0 $0x0;
	s3 =	simm.s32 @!p0 $0x2800  }
0x96: {  	[tilespmem:s3], [sflag:$0x3] =	stream.linear.gather @!p0 [hbm4b:s7+s13], $0x400, $0x38;
	[tilespmem:$0x1F000] =	vst v63  }
0x97: {  	_ =	swait.ge [sflag:s0], $0x400  }
0x98: {  	[sflag:s0] =	ssyncset.done $0x0  }
0x99: {  	[sflag:s0] =	ssyncadd.s32 $0xFFFFFC00  }
0x9a: {  	_ =	swait.ge [sflag:s23], $0x4000  }
0x9b: {  	[sflag:s23] =	ssyncset.done $0x0  }
0x9c: {  	[sflag:s23] =	ssyncadd.s32 $0xFFFFC000  }
0x9d: {  	[spmem:s2] =	stream.indirect.scatter.add.f32 [tilespmem:s18], [sflag:$0x5], $0x80, s20, s21, $0xb8;
	[tilespmem:$0x1F000] =	vst v63  }
0x9e: {  	_ =	swait.ge [sflag:s17], $0x4000  }
0x9f: {  	[sflag:s17] =	ssyncset.done $0x0  }
0xa0: {  	s13 =	sadd.s32 $0x500, s14;
	[sflag:s17] =	ssyncadd.s32 $0xFFFFC000  }
0xa1: {  	[tilespmem:s18], [sflag:$0x1] =	stream.indirect.gather [hbm4b:s4+s21], $0x80, s13, s21, $0xb8;
	[tilespmem:$0x1F000] =	vst v63  }
0xa2: {  	_ =	swait.ge [sflag:s24], $0x4000  }
0xa3: {  	[sflag:s24] =	ssyncset.done $0x0  }
0xa4: {  	[sflag:s24] =	ssyncadd.s32 $0xFFFFC000  }
0xa5: {  	[spmem:s2] =	stream.indirect.scatter.add.f32 [tilespmem:s22], [sflag:$0x5], $0x80, s5, s21, $0xb8;
	[tilespmem:$0x1F000] =	vst v63  }
0xa6: {  	_ =	swait.ge [sflag:s17], $0x4000  }
0xa7: {  	[sflag:s17] =	ssyncset.done $0x0  }
0xa8: {  	s7 =	sadd.s32 $0x580, s14;
	[sflag:s17] =	ssyncadd.s32 $0xFFFFC000  }
0xa9: {  	[tilespmem:s22], [sflag:$0x2] =	stream.indirect.gather [hbm4b:s4+s21], $0x80, s7, s21, $0xb8;
	[tilespmem:$0x1F000] =	vst v63  }
0xaa: {  	_ =	swait.ge [sflag:s23], $0x4000  }
0xab: {  	[sflag:s23] =	ssyncset.done $0x0  }
0xac: {  	[sflag:s23] =	ssyncadd.s32 $0xFFFFC000  }
0xad: {  	[spmem:s2] =	stream.indirect.scatter.add.f32 [tilespmem:s18], [sflag:$0x5], $0x80, s6, s21, $0xb8;
	[tilespmem:$0x1F000] =	vst v63  }
0xae: {  	_ =	swait.ge [sflag:s17], $0x4000  }
0xaf: {  	[sflag:s17] =	ssyncset.done $0x0  }
0xb0: {  	s13 =	sadd.s32 $0x600, s14;
	[sflag:s17] =	ssyncadd.s32 $0xFFFFC000  }
0xb1: {  	[tilespmem:s18], [sflag:$0x1] =	stream.indirect.gather [hbm4b:s4+s21], $0x80, s13, s21, $0xb8;
	[tilespmem:$0x1F000] =	vst v63  }
0xb2: {  	_ =	swait.ge [sflag:s24], $0x4000  }
0xb3: {  	[sflag:s24] =	ssyncset.done $0x0  }
0xb4: {  	[sflag:s24] =	ssyncadd.s32 $0xFFFFC000  }
0xb5: {  	[spmem:s2] =	stream.indirect.scatter.add.f32 [tilespmem:s22], [sflag:$0x5], $0x80, s8, s21, $0xb8;
	[tilespmem:$0x1F000] =	vst v63  }
0xb6: {  	_ =	swait.ge [sflag:s17], $0x4000  }
0xb7: {  	[sflag:s17] =	ssyncset.done $0x0  }
0xb8: {  	s7 =	sadd.s32 $0x680, s14;
	[sflag:s17] =	ssyncadd.s32 $0xFFFFC000  }
0xb9: {  	[tilespmem:s22], [sflag:$0x2] =	stream.indirect.gather [hbm4b:s4+s21], $0x80, s7, s21, $0xb8;
	[tilespmem:$0x1F000] =	vst v63  }
0xba: {  	_ =	swait.ge [sflag:s23], $0x4000  }
0xbb: {  	[sflag:s23] =	ssyncset.done $0x0  }
0xbc: {  	[sflag:s23] =	ssyncadd.s32 $0xFFFFC000  }
0xbd: {  	[spmem:s2] =	stream.indirect.scatter.add.f32 [tilespmem:s18], [sflag:$0x5], $0x80, s9, s21, $0xb8;
	[tilespmem:$0x1F000] =	vst v63  }
0xbe: {  	_ =	swait.ge [sflag:s17], $0x4000  }
0xbf: {  	[sflag:s17] =	ssyncset.done $0x0  }
0xc0: {  	s13 =	sadd.s32 $0x700, s14;
	[sflag:s17] =	ssyncadd.s32 $0xFFFFC000  }
0xc1: {  	[tilespmem:s18], [sflag:$0x1] =	stream.indirect.gather [hbm4b:s4+s21], $0x80, s13, s21, $0xb8;
	[tilespmem:$0x1F000] =	vst v63  }
0xc2: {  	_ =	swait.ge [sflag:s24], $0x4000  }
0xc3: {  	[sflag:s24] =	ssyncset.done $0x0  }
0xc4: {  	[sflag:s24] =	ssyncadd.s32 $0xFFFFC000  }
0xc5: {  	[spmem:s2] =	stream.indirect.scatter.add.f32 [tilespmem:s22], [sflag:$0x5], $0x80, s10, s21, $0xb8;
	[tilespmem:$0x1F000] =	vst v63  }
0xc6: {  	_ =	swait.ge [sflag:s17], $0x4000  }
0xc7: {  	[sflag:s17] =	ssyncset.done $0x0  }
0xc8: {  	s14 =	sadd.s32 $0x780, s14;
	[sflag:s17] =	ssyncadd.s32 $0xFFFFC000  }
0xc9: {  	[tilespmem:s22], [sflag:$0x2] =	stream.indirect.gather [hbm4b:s4+s21], $0x80, s14, s21, $0xb8;
	[tilespmem:$0x1F000] =	vst v63  }
0xca: {  	_ =	swait.ge [sflag:s23], $0x4000  }
0xcb: {  	[sflag:s23] =	ssyncset.done $0x0  }
0xcc: {  	[sflag:s23] =	ssyncadd.s32 $0xFFFFC000  }
0xcd: {  	[spmem:s2] =	stream.indirect.scatter.add.f32 [tilespmem:s18], [sflag:$0x5], $0x80, s12, s21, $0xb8;
	[tilespmem:$0x1F000] =	vst v63  }
0xce: {  	_ =	swait.ge [sflag:s17], $0x4000  }
0xcf: {  	p1 =	sgt.u32 s15, $0x8;
	[sflag:s17] =	ssyncset.done $0x0  }
0xd0: {  	s3 =	simm.s32 @p1 $0x2;
	[sflag:s17] =	ssyncadd.s32 $0xFFFFC000  }
0xd1: {  	_ =	swait.ge @p1 [sflag:s3], $0x4000  }
0xd2: {  	s7 =	simm.s32 @p1 $0x2F80;
	[sflag:s3] =	ssyncset.done @p1 $0x0  }
0xd3: {  	s13 =	simm.s32 @p1 $0x7000;
	[sflag:s3] =	ssyncadd.s32 @p1 $0xFFFFC000;
	s3 =	simm.s32 @p1 $0x80  }
0xd4: {  	[spmem:s2] =	stream.indirect.scatter.add.f32 @p1 [tilespmem:s13], [sflag:$0x5], $0x80, s7, s3, $0xb8;
	[tilespmem:$0x1F000] =	vst v63  }
0xd5: {  	s3 =	simm.s32 @p1 $0x5  }
0xd6: {  	_ =	swait.ge @p1 [sflag:s3], $0x4000  }
0xd7: {  	[sflag:s3] =	ssyncset.done @p1 $0x0  }
0xd8: {  	[sflag:s3] =	ssyncadd.s32 @p1 $0xFFFFC000;
	s3 =	sshra.s32 @!p1 s11, $0x2  }
0xd9: {  	s14 =	simm.s32 @!p1 $0x3000;
	s13 =	simm.s32 @!p1 $0x80;
	s7 =	sadd.s32 @!p1 $0x800, s3  }
0xda: {  	[tilespmem:s14], [sflag:$0x1] =	stream.indirect.gather @!p1 [hbm4b:s4+s13], $0x80, s7, s13, $0xb8;
	[tilespmem:$0x1F000] =	vst v63  }
0xdb: {  	s7 =	simm.s32 @!p1 $0x2  }
0xdc: {  	_ =	swait.ge @!p1 [sflag:s7], $0x4000  }
0xdd: {  	[sflag:s7] =	ssyncset.done @!p1 $0x0  }
0xde: {  	s14 =	simm.s32 @!p1 $0x7000;
	[sflag:s7] =	ssyncadd.s32 @!p1 $0xFFFFC000;
	s7 =	simm.s32 @!p1 $0x2F80  }
0xdf: {  	[spmem:s2] =	stream.indirect.scatter.add.f32 @!p1 [tilespmem:s14], [sflag:$0x5], $0x80, s7, s13, $0xb8;
	[tilespmem:$0x1F000] =	vst v63  }
.Ltmp2:
0xe0: {  	s7 =	simm.s32 @!p1 $0x5;
	(pc) =	sbr.rel @p0 .LBB2_4-.Ltmp2, $4  }
0xe1: {  	_ =	swait.ge @!p1 [sflag:s7], $0x4000  }
0xe2: {  	[sflag:s7] =	ssyncset.done @!p1 $0x0  }
0xe3: {  	s3 =	sadd.s32 @!p1 $0x880, s3;
	[sflag:s7] =	ssyncadd.s32 @!p1 $0xFFFFC000  }
0xe4: {  	[tilespmem:s14], [sflag:$0x2] =	stream.indirect.gather @!p1 [hbm4b:s4+s13], $0x80, s3, s13, $0xb8;
	[tilespmem:$0x1F000] =	vst v63  }
.Ltmp3:
0xe5: {  	(pc) =	sbr.rel .LBB2_2-.Ltmp3, $3  }
0xe6: {  	_ =	sdelay $0x1  }
0xe7: {  	[tilespmem:s20], [sflag:$0x4] =	stream.linear.gather [hbm4b:s16+s25], $0x400, $0x38;
	[tilespmem:$0x1F000] =	vst v63  }
0xe8: {  	s11 =	sadd.s32 $0x2000, s11;
	s15 =	sadd.s32 $0x2, s15;
	s16 =	sadd.s32 $0x100, s16  }
.LBB2_5:
0xe9: {  	_ =	sfence.sel $0x180000  }
0xea: {  	[bflag:$0x0] =	sbarrier.arrive $0xFFFF  }
0xeb: {  	_ =	strace $0x9000004D  }
0xec: {  	s0 =	stileid.u32;
	[bflag:$0x2] =	sbarrier.arrive $0xFFFF  }
0xed: {  	p0 =	sne.s32 s0, $0x0;
	s0 =	rddreg [dreg:$0x3]  }
0xee: {  	s0 =	sadd.s32 @!p0 $0x100000, s0  }
0xef: {  	[sflag:s0] =	ssyncadd.tile.s32 @!p0 $0x1;
	_ =	shalt  }
.Lfunc_end2:
_tile_overlayer_lowered:
.L_overlay_start_2:
0xf0: {  	(tag) =	ssettag $0x2  }
0xf1: {  	s0 =	rddreg [dreg:$0x0];
	s2 =	stileid.u32  }
0xf2: {  	s1 =	rddreg [dreg:$0x1];
	p0 =	sne.s32 s2, $0x0  }
0xf3: {  	s3 =	rddreg [dreg:$0x2];
	[bflag:$0x3] =	sbarrier.arrive $0xFFFF;
	s2 =	simm.s32 @!p0 $0x1C05  }
0xf4: {  	[timem:s3], [sflag:s2] =	dma.local @!p0 [hbm:s0], s1  }
0xf5: {  	s0 =	simm.s32 @!p0 $0x5  }
0xf6: {  	_ =	swait.ge @!p0 [sflag:s0], s1  }
0xf7: {  	s1 =	ssub.s32 @!p0 $0x0, s1;
	[sflag:s0] =	ssyncset.done @!p0 $0x0  }
0xf8: {  	[sflag:s0] =	ssyncadd.s32 @!p0 s1  }
0xf9: {  	[bflag:$0x3] =	sbarrier.arrive $0xFFFF  }
0xfa: {  	_ =	shalt  }

// kernel: kernel.8.cloned.1.call-start
scs
__scs_entry_jumppad:
0x0: {  	(pc) =	sbr.rel $0x88, $3  }
0x1: {  	(tag) =	ssettag $0x0;
	lr =	simm.s32 $0x1  }
0x2: {  	[smem:$0x3F9B] =	sst lr;
	_ =	strace $0xD0000000  }
0x3: {  	_ = 	snop  }
0x4: {  	_ = 	snop  }
0x5: {  	_ = 	snop  }
0x6: {  	_ = 	snop  }
0x7: {  	_ = 	snop  }
__scs_overlays_trampoline_lowered:
0x8: {  	[smem:$0x3FAA] =	sst s0  }
0x9: {  	[smem:$0x3FAB] =	sst s1  }
0xa: {  	[smem:$0x3FAC] =	sst s2  }
0xb: {  	[smem:$0x3FAD] =	sst s3  }
0xc: {  	[smem:$0x3FAE] =	sst s4  }
0xd: {  	[smem:$0x3FAF] =	sst s5  }
0xe: {  	[smem:$0x3FB0] =	sst s6  }
0xf: {  	[smem:$0x3FB1] =	sst s7  }
0x10: {  	[smem:$0x3FB2] =	sst s8  }
0x11: {  	[smem:$0x3FB3] =	sst s9;
	s0 =	simm.s32 @!p0 $0x0  }
0x12: {  	s1 =	sld [smem:$0x3F99];
	s0 =	simm.s32 @p0 $0x1  }
0x13: {  	[smem:$0x3FB4] =	sst s0;
	s0 =	simm.s32 @!p1 $0x0  }
0x14: {  	s2 =	sld [smem:$0x3F98];
	s0 =	simm.s32 @p1 $0x1  }
0x15: {  	[smem:$0x3FB5] =	sst s0;
	s0 =	simm.s32 @!p2 $0x0  }
0x16: {  	s3 =	sld [smem:$0x3FDB];
	s0 =	simm.s32 @p2 $0x1  }
0x17: {  	s4 =	simm.s32 $0x1BF5;
	[smem:$0x3FB7] =	sst s0  }
0x18: {  	s0 =	sld [smem:$0x3F9A];
	_ =	swait.ge [sflag:s4], $0x0  }
0x19: {  	s7 =	sld [smem:$0x3F9B]  }
0x1a: {  	s8 =	sadd.s32 $0xFFFFE003, lr  }
0x1b: {  	s9 =	sadd.s32 $0xFFFFFEF7, lr;
	s5 =	simm.s32 $0xFFFFFFFF;
	p2 =	slt.u32 s8, $0xFFFFF086  }
0x1c: {  	p1 =	slt.u32 s9, $0xF7A;
	s5 =	simm.s32 @!p2 $0x0  }
0x1d: {  	s5 =	simm.s32 @p1 $0x1;
	p0 =	seq.s32 s7, s2  }
0x1e: {  	s7 =	smul.u32 @!p0 $0xF7A, s2;
	p2 =	seq.s32 @!p0 s5, $0x0  }
0x1f: {  	s9 =	smul.u32 $0xF7A, s1;
	s8 =	simm.s32 @!p0 $0x1BF5;
	p2 =	por !p2, p0  }
0x20: {  	[sflag:s8] =	ssyncset.s32 @!p0 $0xFFFFF086;
	s6 =	sadd.s32 @!p0 s3, s7;
	s7 =	simm.s32 @!p0 $0x108  }
0x21: {  	s3 =	sadd.s32 s3, s9;
	s6 =	sadd.s32 @!p0 $0x88, s6;
	s7 =	simm.s32 @p2 $0x1082  }
0x22: {  	[simem:s7], [sflag:s8] =	dma.local @!p0 [hbm:s6], $0xF7A  }
0x23: {  	s9 =	sor.u32 $0xD0000000, s2;
	s6 =	simm.s32 $0x108;
	_ =	swait.ge @!p0 [sflag:s8], $0x0  }
0x24: {  	s3 =	sadd.s32 $0x88, s3;
	s6 =	simm.s32 @!p1 $0x1082;
	[sflag:s4] =	ssyncset.s32 $0xFFFFF086  }
0x25: {  	[simem:s6], [sflag:s4] =	dma.local [hbm:s3], $0xF7A  }
0x26: {  	[smem:$0x3F9B] =	sst s1;
	(tag) =	ssettag s2;
	_ =	strace s9  }
0x27: {  	s1 =	sld [smem:$0x3FAB]  }
0x28: {  	s2 =	sld [smem:$0x3FAC]  }
0x29: {  	s4 =	sld [smem:$0x3FAE]  }
0x2a: {  	p0 =	seq.s32 s5, $0x0;
	s5 =	sld [smem:$0x3FAF]  }
0x2b: {  	s6 =	sld [smem:$0x3FB0]  }
0x2c: {  	s7 =	sld [smem:$0x3FB1]  }
0x2d: {  	s3 =	simm.s32 $0x108;
	s8 =	sld [smem:$0x3FB2]  }
0x2e: {  	s3 =	simm.s32 @!p0 $0x1082;
	s9 =	sld [smem:$0x3FB3]  }
0x2f: {  	lr =	sadd.s32 s0, s3;
	s0 =	sld [smem:$0x3FAA]  }
0x30: {  	s3 =	sld [smem:$0x3FAD]  }
0x31: {  	[smem:$0x3FB6] =	sst s10  }
0x32: {  	s10 =	sld [smem:$0x3FB4];
	_ =	sdelay $0x3  }
0x33: {  	p0 =	seq.s32 s10, $0x1;
	s10 =	sld [smem:$0x3FB6];
	_ =	sdelay $0x3  }
0x34: {  	[smem:$0x3FB6] =	sst s10  }
0x35: {  	s10 =	sld [smem:$0x3FB5];
	_ =	sdelay $0x3  }
0x36: {  	p1 =	seq.s32 s10, $0x1;
	s10 =	sld [smem:$0x3FB6];
	_ =	sdelay $0x3  }
0x37: {  	[smem:$0x3FB6] =	sst s10  }
0x38: {  	s10 =	sld [smem:$0x3FB7]  }
0x39: {  	_ = 	snop;
	(pc) =	sbr.ind lr, $3  }
0x3a: {  	_ = 	snop  }
0x3b: {  	_ = 	snop  }
0x3c: {  	p2 =	seq.s32 s10, $0x1;
	s10 =	sld [smem:$0x3FB6]  }
0x3d: {  	_ =	shalt  }
0x3e: {  	_ =	shalt  }
0x3f: {  	_ =	shalt  }
0x40: {  	_ =	shalt  }
0x41: {  	_ =	shalt  }
0x42: {  	_ =	shalt  }
0x43: {  	_ =	shalt  }
0x44: {  	_ =	shalt  }
0x45: {  	_ =	shalt  }
0x46: {  	_ =	shalt  }
0x47: {  	_ =	shalt  }
0x48: {  	_ =	shalt  }
0x49: {  	_ =	shalt  }
0x4a: {  	_ =	shalt  }
0x4b: {  	_ =	shalt  }
0x4c: {  	_ =	shalt  }
0x4d: {  	_ =	shalt  }
0x4e: {  	_ =	shalt  }
0x4f: {  	_ =	shalt  }
0x50: {  	_ =	shalt  }
0x51: {  	_ =	shalt  }
0x52: {  	_ =	shalt  }
0x53: {  	_ =	shalt  }
0x54: {  	_ =	shalt  }
0x55: {  	_ =	shalt  }
0x56: {  	_ =	shalt  }
0x57: {  	_ =	shalt  }
0x58: {  	_ =	shalt  }
0x59: {  	_ =	shalt  }
0x5a: {  	_ =	shalt  }
0x5b: {  	_ =	shalt  }
0x5c: {  	_ =	shalt  }
0x5d: {  	_ =	shalt  }
0x5e: {  	_ =	shalt  }
0x5f: {  	_ =	shalt  }
0x60: {  	_ =	shalt  }
0x61: {  	_ =	shalt  }
0x62: {  	_ =	shalt  }
0x63: {  	_ =	shalt  }
0x64: {  	_ =	shalt  }
0x65: {  	_ =	shalt  }
0x66: {  	_ =	shalt  }
0x67: {  	_ =	shalt  }
0x68: {  	_ =	shalt  }
0x69: {  	_ =	shalt  }
0x6a: {  	_ =	shalt  }
0x6b: {  	_ =	shalt  }
0x6c: {  	_ =	shalt  }
0x6d: {  	_ =	shalt  }
0x6e: {  	_ =	shalt  }
0x6f: {  	_ =	shalt  }
0x70: {  	_ =	shalt  }
0x71: {  	_ =	shalt  }
0x72: {  	_ =	shalt  }
0x73: {  	_ =	shalt  }
0x74: {  	_ =	shalt  }
0x75: {  	_ =	shalt  }
0x76: {  	_ =	shalt  }
0x77: {  	_ =	shalt  }
0x78: {  	_ =	shalt  }
0x79: {  	_ =	shalt  }
0x7a: {  	_ =	shalt  }
0x7b: {  	_ =	shalt  }
0x7c: {  	_ =	shalt  }
0x7d: {  	_ =	shalt  }
0x7e: {  	_ =	shalt  }
0x7f: {  	_ =	shalt  }
0x80: {  	_ =	shalt  }
0x81: {  	_ =	shalt  }
0x82: {  	_ =	shalt  }
0x83: {  	_ =	shalt  }
0x84: {  	_ =	shalt  }
0x85: {  	_ =	shalt  }
0x86: {  	_ =	shalt  }
0x87: {  	_ =	shalt  }
.Lfunc_end0:
.L_simem_size_0:
called_computation_lowered:
.L_overlay_start_0:
0x88: {  	s2 =	sld [smem:$0x3FD9]  }
0x89: {  	s3 =	sld [smem:$0x3FFE];
	_ =	sdelay $0x1  }
0x8a: {  	s1 =	srdreg.scid  }
0x8b: {  	s0 =	sand.u32 $0x1, s1  }
0x8c: {  	s16 =	sshll.u32 s0, $0xA;
	s2 =	sadd.s32 s3, s2  }
0x8d: {  	s2 =	sadd.s32 s2, s16  }
0x8e: {  	[smem:$0x3FC2] =	sst s2  }
0x8f: {  	_ = 	snop  }
0x90: {  	(tm) =	ssettm $0x1  }
0x91: {  	s17 =	sld [smem:$0x3FFB];
	_ =	sdelay $0x3  }
0x92: {  	_ =	strace s17  }
0x93: {  	s2 =	sld [smem:$0x3FFC];
	_ =	sdelay $0x3  }
0x94: {  	_ =	strace s2  }
0x95: {  	s2 =	sld [smem:$0x3FFD];
	_ =	sdelay $0x3  }
0x96: {  	_ =	strace s2  }
0x97: {  	_ =	strace $0x8FFFFFFF  }
0x98: {  	s18 =	sld [smem:$0x3FDB];
	_ =	sdelay $0x1  }
0x99: {  	s19 =	simm.s32 $_scs_section_size  }
0x9a: {  	s4 =	simm.s32 $_size__tile_overlayer_lowered;
	s5 =	simm.s32 $_tile_overlayer_lowered  }
0x9b: {  	s22 =	simm.s32 $0x1BFF;
	s21 =	sshll.u32 s5, $0x1;
	s2 =	sadd.s32 s19, s18  }
0x9c: {  	s6 =	simm.s32 $0x0;
	s20 =	sshll.u32 s4, $0x1;
	s4 =	sadd.s32 s21, s2  }
0x9d: {  	[timem:s6], [sflag:s22] =	dma.local [hbm:s4], s20  }
0x9e: {  	_ =	swait.ge [sflag:s22], s20  }
0x9f: {  	s3 =	ssub.s32 $0x0, s20;
	[sflag:s22] =	ssyncset.done $0x0  }
0xa0: {  	[sflag:s22] =	ssyncadd.s32 s3;
	_ =	sdelay $0x1  }
0xa1: {  	s23 =	simm.s32 $0x1B8B  }
0xa2: {  	_ =	swait.ge [sflag:s23], $0x1  }
0xa3: {  	[sflag:s23] =	ssyncset.done $0x0  }
0xa4: {  	s25 =	simm.s32 $0x1B8E;
	s24 =	sld [smem:$0x3FFE];
	[sflag:s23] =	ssyncadd.s32 $0xFFFFFFFF  }
0xa5: {  	s26 =	simm.s32 $execute0_lowered;
	[smem:$0x3FD2] =	sst s25  }
0xa6: {  	s4 =	sshll.u32 s26, $0x1;
	_ =	strace $0x80000046;
	[dreg:$0x1] =	wrdreg $0xFFFFFFFF  }
0xa7: {  	s28 =	simm.s32 $_size_execute0_lowered;
	s2 =	sadd.s32 s2, s4;
	[dreg:$0x0] =	wrdreg $0x0  }
0xa8: {  	s4 =	sshll.u32 s28, $0x1;
	[dreg:$0x2] =	wrdreg s2  }
0xa9: {  	[dreg:$0x3] =	wrdreg s4  }
0xaa: {  	[dreg:$0x4] =	wrdreg $0xC0  }
0xab: {  	_ =	task [dreg:s6], $0x5FFFF  }
0xac: {  	[dreg:$0x1] =	wrdreg $0xFFFFFFFF  }
0xad: {  	[dreg:$0x0] =	wrdreg $0x60  }
0xae: {  	[dreg:$0x2] =	wrdreg s24  }
0xaf: {  	[dreg:$0x3] =	wrdreg $0x55000  }
0xb0: {  	[dreg:$0x4] =	wrdreg $0x9  }
0xb1: {  	_ =	task.clear_ibuf [dreg:s6], $0x5FFFF;
	_ =	strace $0x90000046  }
0xb2: {  	s29 =	simm.s32 $0x9;
	_ =	strace $0x80000048  }
0xb3: {  	_ =	swait.ge [sflag:s29], $0x1  }
0xb4: {  	[sflag:s29] =	ssyncadd.s32 $0xFFFFFFFF  }
0xb5: {  	_ =	strace $0x90000048  }
0xb6: {  	_ =	sfence  }
0xb7: {  	s30 =	sld [smem:$0x0];
	_ =	sdelay $0x2  }
0xb8: {  	s31 =	sshll.u32 s1, $0xD;
	s1 =	sshrl.u32 s1, $0x2  }
0xb9: {  	s3 =	sand.u32 $0x4000, s31;
	s1 =	sadd.s32 s1, s30  }
0xba: {  	s0 =	sor.u32 s3, s0;
	s1 =	sshll.u32 s1, $0x11  }
0xbb: {  	s0 =	sor.u32 s1, s0  }
0xbc: {  	s0 =	sadd.s32 $0x8F2B, s0  }
0xbd: {  	[sflag:s0] =	ssyncadd.remote.s32 $0x1  }
0xbe: {  	_ =	sfence.sel $0xFFFF  }
0xbf: {  	[dreg:$0x0] =	wrdreg $0xFFFFFFFF;
	(pc) =	sbr.abs _section_cstart, $3  }
0xc0: {  	[dreg:$0x1] =	wrdreg $0xFFFFFFFF  }
0xc1: {  	_ =	task.clear_ibuf [dreg:s6], $0x2FFFF;
	_ =	strace $0x9FFFFFFF  }
0xc2: {  	(tm) =	ssettm $0x7FFFFFFF  }
0xc3: {  	_ =	shalt  }
tec
execute0_lowered:
.L_overlay_start_1:
0x0: {  	(tag) =	ssettag $0x1  }
0x1: {  	s4 =	rddreg [dreg:$0x0]  }
0x2: {  	s0 =	srdreg.scid;
	s5 =	rddreg [dreg:$0x1]  }
0x3: {  	s2 =	simm.s32 $0x0;
	s11 =	simm.s32 $0x400;
	s12 =	simm.s32 $0x5280  }
0x4: {  	s13 =	simm.s32 $0x5000;
	s14 =	simm.s32 $0x100;
	s15 =	simm.s32 $0x0  }
0x5: {  	s3 =	sand.u32 $0x1, s0;
	s0 =	stileid.u32;
	[smem:$0x7FF] =	sst s2  }
0x6: {  	s1 =	sshll.u32 s3, $0x4;
	s7 =	smul.u32 $0x500, s0;
	s8 =	sshll.u32 s3, $0x7  }
0x7: {  	s3 =	ssub.s32 $0x2, s3;
	s29 =	sshrl.u32 s0, $0x3;
	s30 =	smul.u32 $0x5000, s0  }
0x8: {  	s31 =	sshll.u32 s0, $0x7;
	s6 =	sor.u32 s0, s1;
	s1 =	rddreg [dreg:$0x2]  }
0x9: {  	_ =	strace $0x80000047;
	s9 =	sshrl.u32 s3, $0x1;
	s6 =	smul.u32 $0x500, s6  }
0xa: {  	s7 =	sor.u32 s8, s7;
	s8 =	smul.u32 $0x50000, s29;
	s9 =	ssub.s32 s3, s9  }
0xb: {  	s10 =	sshrl.u32 s30, $0x2;
	s7 =	sshrl.u32 s7, $0x3;
	s6 =	sadd.s32 s6, s4  }
0xc: {  	s7 =	sadd.s32 s7, s4;
	s8 =	sshrl.u32 s8, $0x2;
	s3 =	sadd.s32 $0x2000, s6  }
0xd: {  	s6 =	sand.u32 $0x380, s31;
	s8 =	sadd.s32 s8, s5;
	s5 =	sadd.s32 s10, s5  }
0xe: {  	s10 =	simm.s32 $0x80;
	s4 =	sadd.s32 s6, s8;
	s6 =	sadd.s32 $0xC000, s7  }
0xf: {  	v0 =	vimm.f32 $0.0e+00;
	v1 =	vimm.f32 $1.000000000e+00;
	s7 =	smax.u32 s9, $0x1;
	s8 =	simm.s32 $0x1;
	s9 =	simm.s32 $0x2800  }
.LBB2_1:
0x10: {  	[tilespmem:s2], [sflag:$0x1] =	stream.linear.gather [hbm4b:s3+s2], $0x2800, $0x38;
	[tilespmem:$0x7D00] =	vst v63  }
0x11: {  	_ =	swait.ge [sflag:s8], $0x2800  }
0x12: {  	[sflag:s8] =	ssyncset.done $0x0  }
0x13: {  	s16 =	simm.s32 $0x0;
	[sflag:s8] =	ssyncadd.s32 $0xFFFFD800  }
.LBB2_2:
0x14: {  	p0 =	sne.s32 s16, $0x9FC0  }
.Ltmp0:
0x15: {  	_ = 	snop;
	(pc) =	sbr.rel @p0 .LBB2_2-.Ltmp0, $3  }
0x16: {  	_ =	sdelay $0x1  }
0x17: {  	s17 =	sshra.s32 s16, $0x2  }
0x18: {  	s16 =	sadd.s32 $0x40, s16;
	[tilespmem:s17+$0x2800] =	vst v0  }
0x19: {  	s16 =	simm.s32 $0x0  }
.LBB2_4:
0x1a: {  	s17 =	sshra.s32 s16, $0x2  }
0x1b: {  	v2 =	vld [tilespmem:s17+$0x0];
	_ =	sdelay $0x7  }
0x1c: {  	[tilespmem:v2+s9+$0x0] =	vst.idx.add.f32.msk $0xffff, v1  }
0x1d: {  	v2 =	vld [tilespmem:s17+$0x10];
	_ =	sdelay $0x7  }
0x1e: {  	[tilespmem:v2+s9+$0x0] =	vst.idx.add.f32.msk $0xffff, v1  }
0x1f: {  	v2 =	vld [tilespmem:s17+$0x20];
	_ =	sdelay $0x7  }
0x20: {  	[tilespmem:v2+s9+$0x0] =	vst.idx.add.f32.msk $0xffff, v1  }
0x21: {  	v2 =	vld [tilespmem:s17+$0x30];
	_ =	sdelay $0x7  }
0x22: {  	[tilespmem:v2+s9+$0x0] =	vst.idx.add.f32.msk $0xffff, v1  }
0x23: {  	v2 =	vld [tilespmem:s17+$0x40];
	_ =	sdelay $0x7  }
0x24: {  	[tilespmem:v2+s9+$0x0] =	vst.idx.add.f32.msk $0xffff, v1  }
0x25: {  	v2 =	vld [tilespmem:s17+$0x50];
	_ =	sdelay $0x7  }
0x26: {  	[tilespmem:v2+s9+$0x0] =	vst.idx.add.f32.msk $0xffff, v1  }
0x27: {  	v2 =	vld [tilespmem:s17+$0x60];
	_ =	sdelay $0x7  }
0x28: {  	[tilespmem:v2+s9+$0x0] =	vst.idx.add.f32.msk $0xffff, v1  }
0x29: {  	v2 =	vld [tilespmem:s17+$0x70];
	_ =	sdelay $0x2  }
0x2a: {  	p0 =	sne.s32 s16, $0x9E00  }
.Ltmp1:
0x2b: {  	_ = 	snop;
	(pc) =	sbr.rel @p0 .LBB2_4-.Ltmp1, $2  }
0x2c: {  	_ =	sdelay $0x2  }
0x2d: {  	s16 =	sadd.s32 $0x200, s16;
	[tilespmem:v2+s9+$0x0] =	vst.idx.add.f32.msk $0xffff, v1  }
0x2e: {  	[spmem:s4] =	stream.strided.scatter [tilespmem:s9], [sflag:$0x1], $0x2800, s11, s10, $0x38;
	[tilespmem:$0x7D00] =	vst v63  }
0x2f: {  	s16 =	simm.s32 $0x1  }
0x30: {  	_ =	swait.ge [sflag:s16], $0x2800  }
0x31: {  	[sflag:s16] =	ssyncset.done $0x0  }
0x32: {  	[sflag:s16] =	ssyncadd.s32 $0xFFFFD800  }
0x33: {  	[bflag:$0x0] =	sbarrier.arrive $0xFFFF  }
0x34: {  	[tilespmem:s12], [sflag:$0x1] =	stream.strided.gather [spmem:s5], $0x280, s11, s10, $0x38;
	[tilespmem:$0x7D00] =	vst v63  }
0x35: {  	_ =	swait.ge [sflag:s16], $0x280  }
0x36: {  	[sflag:s16] =	ssyncset.done $0x0  }
0x37: {  	[sflag:s16] =	ssyncadd.s32 $0xFFFFFD80  }
.LBB2_6:
0x38: {  	s17 =	sshrl.u32 s16, $0x3  }
0x39: {  	s17 =	smul.u32 $0x50000, s17;
	_ =	sdelay $0x1  }
0x3a: {  	s18 =	sshll.u32 s16, $0x7;
	s17 =	sshra.s32 s17, $0x2  }
0x3b: {  	s18 =	sand.u32 $0x380, s18;
	s17 =	sadd.s32 s17, s5  }
0x3c: {  	s17 =	sadd.s32 s18, s17  }
0x3d: {  	[tilespmem:s13], [sflag:$0x1] =	stream.strided.gather [spmem:s17], $0x280, s11, s10, $0x38;
	[tilespmem:$0x7D00] =	vst v63  }
0x3e: {  	_ =	swait.ge [sflag:s8], $0x280  }
0x3f: {  	[sflag:s8] =	ssyncset.done $0x0  }
0x40: {  	s17 =	simm.s32 $0x0;
	[sflag:s8] =	ssyncadd.s32 $0xFFFFFD80  }
0x41: {  	s18 =	simm.s32 $0x40;
	v2 =	vld [tilespmem:s17+$0x5000]  }
.LBB2_7:
0x42: {  	p0 =	sne.s32 s18, $0x9C0;
	v3 =	vld [tilespmem:s17+$0x5280];
	_ =	sdelay $0x2  }
.Ltmp2:
0x43: {  	(pc) =	sbr.rel @p0 .LBB2_7-.Ltmp2, $4  }
0x44: {  	_ = 	snop  }
0x45: {  	v3 =	vadd.f32 v2, v3  }
0x46: {  	s19 =	sshra.s32 s18, $0x2  }
0x47: {  	s18 =	sadd.s32 $0x40, s18;
	v2 =	vld [tilespmem:s19+$0x5000];
	[tilespmem:s17+$0x5280] =	vst v3;
	s17 =	smov.u32 s19  }
0x48: {  	v3 =	vld [tilespmem:s17+$0x5280]  }
0x49: {  	s16 =	sadd.s32 $0x1, s16  }
0x4a: {  	p0 =	sne.s32 s16, $0x10  }
.Ltmp3:
0x4b: {  	_ = 	snop;
	(pc) =	sbr.rel @p0 .LBB2_6-.Ltmp3, $3  }
0x4c: {  	_ = 	snop  }
0x4d: {  	v2 =	vadd.f32 v2, v3;
	_ =	sdelay $0x1  }
0x4e: {  	[tilespmem:s17+$0x5280] =	vst v2  }
0x4f: {  	s15 =	sadd.s32 $0x1, s15  }
0x50: {  	p0 =	sne.s32 s15, s7  }
.Ltmp4:
0x51: {  	_ = 	snop;
	(pc) =	sbr.rel @p0 .LBB2_1-.Ltmp4, $4  }
0x52: {  	[hbm4b:s6+s10] =	stream.strided.scatter [tilespmem:s12], [sflag:$0x1], $0x280, s14, s10, $0x38;
	[tilespmem:$0x7D00] =	vst v63  }
0x53: {  	_ =	swait.ge [sflag:s8], $0x280  }
0x54: {  	[sflag:s8] =	ssyncset.done $0x0  }
0x55: {  	[sflag:s8] =	ssyncadd.s32 $0xFFFFFD80  }
0x56: {  	_ =	sfence.sel $0x180000  }
0x57: {  	[bflag:$0x0] =	sbarrier.arrive $0xFFFF  }
0x58: {  	p0 =	sne.s32 s0, $0x0;
	_ =	strace $0x90000047  }
0x59: {  	s0 =	sadd.s32 @!p0 $0x100000, s1;
	[bflag:$0x2] =	sbarrier.arrive $0xFFFF  }
0x5a: {  	[sflag:s0] =	ssyncadd.tile.s32 @!p0 $0x1;
	_ =	shalt  }
.Lfunc_end2:
_tile_overlayer_lowered:
.L_overlay_start_2:
0x5b: {  	(tag) =	ssettag $0x2  }
0x5c: {  	s0 =	rddreg [dreg:$0x0];
	s2 =	stileid.u32  }
0x5d: {  	s1 =	rddreg [dreg:$0x1];
	p0 =	sne.s32 s2, $0x0  }
0x5e: {  	s3 =	rddreg [dreg:$0x2];
	[bflag:$0x3] =	sbarrier.arrive $0xFFFF;
	s2 =	simm.s32 @!p0 $0x1C01  }
0x5f: {  	[timem:s3], [sflag:s2] =	dma.local @!p0 [hbm:s0], s1  }
0x60: {  	s0 =	simm.s32 @!p0 $0x1  }
0x61: {  	_ =	swait.ge @!p0 [sflag:s0], s1  }
0x62: {  	s1 =	ssub.s32 @!p0 $0x0, s1;
	[sflag:s0] =	ssyncset.done @!p0 $0x0  }
0x63: {  	[sflag:s0] =	ssyncadd.s32 @!p0 s1  }
0x64: {  	[bflag:$0x3] =	sbarrier.arrive $0xFFFF  }
0x65: {  	_ =	shalt  }

</sc_bundles>
